<compile_context>
chip_gen: v7x
topology: tpu7x:2x2x1
jax: 0.10.2.dev20260603
libtpu: 0.0.44.dev20260713+nightly
codegen_flags: <defaults>
</compile_context>

<pallas_src>
import functools
import math

import jax
import jax.numpy as jnp
from jax import lax
from jax.experimental import pallas as pl
from jax.experimental.pallas import tpu as pltpu
from jax.experimental.pallas import tpu_sc as plsc

D_MODEL = 1024
SCALE = math.sqrt(float(D_MODEL))
LANES = 16
VECS = D_MODEL // LANES

NC = 2
NS = 16
NW = NC * NS

B_TOT = 4 * 4096
B_PER_W = B_TOT // NW
C = 32
NCHUNK = B_PER_W // C
NBUF = 3

_mesh = plsc.VectorSubcoreMesh(core_axis_name="c", subcore_axis_name="s")


@functools.partial(
    pl.kernel,
    mesh=_mesh,
    out_type=jax.ShapeDtypeStruct((B_TOT, D_MODEL), jnp.float32),
    scratch_types=[
        pltpu.VMEM((NCHUNK, C), jnp.int32),
        pltpu.VMEM((C, D_MODEL), jnp.float32),
        pltpu.VMEM((C, D_MODEL), jnp.float32),
        pltpu.VMEM((C, D_MODEL), jnp.float32),
        pltpu.SemaphoreType.DMA,
        pltpu.SemaphoreType.DMA,
        pltpu.SemaphoreType.DMA,
        pltpu.SemaphoreType.DMA,
        pltpu.SemaphoreType.DMA,
        pltpu.SemaphoreType.DMA,
    ],
)
def _emb_lookup(x_hbm, lut_hbm, out_hbm, idx_v, b0, b1, b2,
                si0, si1, si2, so0, so1, so2):
    wid = lax.axis_index("s") * NC + lax.axis_index("c")
    base = wid * B_PER_W
    pltpu.sync_copy(x_hbm.at[wid], idx_v)
    scale = jnp.full((LANES,), SCALE, jnp.float32)

    bufs = [b0, b1, b2]
    sin = [si0, si1, si2]
    sout = [so0, so1, so2]

    def gather_start(g, b):
        return pltpu.async_copy(lut_hbm.at[idx_v.at[g]], bufs[b], sin[b])

    def gather_wait(b):
        pltpu.make_async_copy(lut_hbm.at[idx_v.at[0]], bufs[b], sin[b]).wait()

    def out_start(g, b):
        return pltpu.async_copy(
            bufs[b], out_hbm.at[pl.ds(base + g * C, C)], sout[b])

    def out_wait(b):
        pltpu.make_async_copy(
            bufs[b], out_hbm.at[pl.ds(base, C)], sout[b]).wait()

    def multiply(b):
        buf = bufs[b]

        def mul_row(r, _):
            for j in range(VECS):
                sl = pl.ds(j * LANES, LANES)
                buf[r, sl] = buf[r, sl] * scale
            return 0

        lax.fori_loop(0, C, mul_row, 0)

    gather_start(0, 0)
    gather_start(1, 1)
    gather_wait(0)
    multiply(0)
    out_start(0, 0)
    gather_start(2, 2)

    def loop_body(i, _):
        for bb in range(NBUF):
            b = (1 + bb) % NBUF
            g = 1 + i * NBUF + bb
            gather_wait(b)
            multiply(b)
            out_start(g, b)

            @pl.when(g + 2 < NCHUNK)
            def _():
                out_wait(bb)
                gather_start(g + 2, bb)

        return 0

    lax.fori_loop(0, (NCHUNK - 1) // NBUF, loop_body, 0)
    out_wait(1)
    out_wait(2)
    out_wait(0)


def kernel(x, lut):
    xf = x.reshape(NW, NCHUNK, C)
    out = _emb_lookup(xf, lut)
    return out.reshape(4, 4096, D_MODEL)

# --- scband reference (transcript-rebuilt; emitter-appended) ---
"""Pipeline reference for scband-embeddings-26757646254388 (READ-ONLY COPY).

The authoritative reference and input builder live on the scoring server;
editing this copy changes nothing except your own understanding.
"""

import jax, jax.numpy as jnp
import numpy as np
import math

N_TOKEN = 100000
D_MODEL = 1024

def setup_inputs(seed: int = 0) -> dict:
    key = jax.random.key(seed)
    k1, k2 = jax.random.split(key)
    x = jax.random.randint(k1, (4, 4096), 0, N_TOKEN, dtype=jnp.int32)
    lut = jax.random.normal(k2, (N_TOKEN, D_MODEL), dtype=jnp.float32) * 0.02
    return {"x": x, "lut": lut}

def reference(x, lut):
    # Embedding lookup followed by sqrt(d_model) scaling, as in the torch module
    emb = jnp.take(lut, x, axis=0)
    return emb * math.sqrt(D_MODEL)

if __name__ == "__main__":
    import jax
    _d = setup_inputs()
    print(jax.jit(kernel)(*tuple(_d.values())))

</pallas_src>

<mosaic_0001>
#map = affine_map<(d0, d1) -> (0, 0, 0)>
#map1 = affine_map<(d0, d1) -> (0, 0)>
module attributes {stable_mosaic.version = 14 : i64} {
  func.func @_emb_lookup(%arg0: i32, %arg1: i32, %arg2: memref<32x16x32xi32, #tpu.memory_space<hbm>>, %arg3: memref<100000x1024xf32, #tpu.memory_space<hbm>>, %arg4: memref<16384x1024xf32, #tpu.memory_space<hbm>>, %arg5: memref<16x32xi32, #tpu.memory_space<vmem>>, %arg6: memref<32x1024xf32, #tpu.memory_space<vmem>>, %arg7: memref<32x1024xf32, #tpu.memory_space<vmem>>, %arg8: memref<32x1024xf32, #tpu.memory_space<vmem>>, %arg9: memref<!tpu.dma_semaphore, #tpu.memory_space<semaphore_mem>>, %arg10: memref<!tpu.dma_semaphore, #tpu.memory_space<semaphore_mem>>, %arg11: memref<!tpu.dma_semaphore, #tpu.memory_space<semaphore_mem>>, %arg12: memref<!tpu.dma_semaphore, #tpu.memory_space<semaphore_mem>>, %arg13: memref<!tpu.dma_semaphore, #tpu.memory_space<semaphore_mem>>, %arg14: memref<!tpu.dma_semaphore, #tpu.memory_space<semaphore_mem>>) attributes {dimension_semantics = [#tpu.dimension_semantics<core_parallel>, #tpu.dimension_semantics<subcore_parallel>], iteration_bounds = array<i64: 2, 16>, scalar_prefetch = 0 : i64, scratch_operands = 10 : i64, tpu.core_type = #tpu.core_type<sc_vector_subcore>, window_params = [{transform_indices = #map}, {transform_indices = #map1}, {transform_indices = #map1}]} {
    %mul3A = arith.constant 2 : i32
    %mul3A_0 = arith.muli %arg1, %mul3A : i32
    %add3A = arith.addi %mul3A_0, %arg0 : i32
    %mul3A_1 = arith.constant 512 : i32
    %mul3A_2 = arith.muli %add3A, %mul3A_1 : i32
    "tpu.region"() ({
      %run_scoped3A = tpu.sem_alloc : memref<!tpu.dma_semaphore, #tpu.memory_space<semaphore_mem>>
      %dma_start3A_61 = arith.constant 0 : i32
      %dma_start3A_62 = arith.constant 0 : i32
      %dma_start3A_63 = tpu.memref_slice %arg2[%add3A, %dma_start3A_61, %dma_start3A_62] : memref<32x16x32xi32, #tpu.memory_space<hbm>> -> memref<1x16x32xi32, #tpu.memory_space<hbm>>
      %dma_start3A_64 = tpu.memref_squeeze %dma_start3A_63 : memref<1x16x32xi32, #tpu.memory_space<hbm>> -> memref<16x32xi32, #tpu.memory_space<hbm>>
      %dma_start3A_65 = arith.constant 0 : i32
      %dma_start3A_66 = arith.constant 0 : i32
      %dma_start3A_67 = tpu.memref_slice %arg2[%add3A, %dma_start3A_65, %dma_start3A_66] : memref<32x16x32xi32, #tpu.memory_space<hbm>> -> memref<1x16x32xi32, #tpu.memory_space<hbm>>
      %dma_start3A_68 = tpu.memref_squeeze %dma_start3A_67 : memref<1x16x32xi32, #tpu.memory_space<hbm>> -> memref<16x32xi32, #tpu.memory_space<hbm>>
      tpu.enqueue_dma source(%dma_start3A_68 : memref<16x32xi32, #tpu.memory_space<hbm>>) target(%arg5 : memref<16x32xi32, #tpu.memory_space<vmem>>) target_semaphore(%run_scoped3A : memref<!tpu.dma_semaphore, #tpu.memory_space<semaphore_mem>>)
      %dma_wait3A_69 = arith.constant 0 : i32
      %dma_wait3A_70 = arith.constant 0 : i32
      %dma_wait3A_71 = tpu.memref_slice %arg2[%add3A, %dma_wait3A_69, %dma_wait3A_70] : memref<32x16x32xi32, #tpu.memory_space<hbm>> -> memref<1x16x32xi32, #tpu.memory_space<hbm>>
      %dma_wait3A_72 = tpu.memref_squeeze %dma_wait3A_71 : memref<1x16x32xi32, #tpu.memory_space<hbm>> -> memref<16x32xi32, #tpu.memory_space<hbm>>
      %dma_wait3A_73 = arith.constant 0 : i32
      %dma_wait3A_74 = arith.constant 0 : i32
      %dma_wait3A_75 = tpu.memref_slice %arg2[%add3A, %dma_wait3A_73, %dma_wait3A_74] : memref<32x16x32xi32, #tpu.memory_space<hbm>> -> memref<1x16x32xi32, #tpu.memory_space<hbm>>
      %dma_wait3A_76 = tpu.memref_squeeze %dma_wait3A_75 : memref<1x16x32xi32, #tpu.memory_space<hbm>> -> memref<16x32xi32, #tpu.memory_space<hbm>>
      tpu.wait_dma2 semaphore(%run_scoped3A : memref<!tpu.dma_semaphore, #tpu.memory_space<semaphore_mem>>) src(%dma_wait3A_76 : memref<16x32xi32, #tpu.memory_space<hbm>>) dst(%arg5 : memref<16x32xi32, #tpu.memory_space<vmem>>)
      tpu.yield
    }) : () -> ()
    %broadcast_in_dim3A = arith.constant 3.200000e+01 : f32
    %broadcast_in_dim3A_3 = vector.broadcast %broadcast_in_dim3A : f32 to vector<16xf32>
    %dma_start3A = arith.constant 0 : i32
    %dma_start3A_4 = arith.constant 0 : i32
    %dma_start3A_5 = tpu.memref_slice %arg5[%dma_start3A, %dma_start3A_4] : memref<16x32xi32, #tpu.memory_space<vmem>> -> memref<1x32xi32, #tpu.memory_space<vmem>>
    %dma_start3A_6 = tpu.memref_squeeze %dma_start3A_5 : memref<1x32xi32, #tpu.memory_space<vmem>> -> memref<32xi32, #tpu.memory_space<vmem>>
    %dma_start3A_7 = arith.constant 0 : i32
    %dma_start3A_8 = arith.constant 0 : i32
    %dma_start3A_9 = tpu.memref_slice %arg3[%dma_start3A_7, %dma_start3A_8] : memref<100000x1024xf32, #tpu.memory_space<hbm>> -> memref<100000x1024xf32, #tpu.memory_space<hbm>>
    tpu.enqueue_indirect_dma source(%dma_start3A_9 : memref<100000x1024xf32, #tpu.memory_space<hbm>>) target(%arg6 : memref<32x1024xf32, #tpu.memory_space<vmem>>) offsets(%dma_start3A_6 : memref<32xi32, #tpu.memory_space<vmem>>) semaphore(%arg9 : memref<!tpu.dma_semaphore, #tpu.memory_space<semaphore_mem>>)
    %dma_start3A_10 = arith.constant 1 : i32
    %dma_start3A_11 = arith.constant 0 : i32
    %dma_start3A_12 = tpu.memref_slice %arg5[%dma_start3A_10, %dma_start3A_11] : memref<16x32xi32, #tpu.memory_space<vmem>> -> memref<1x32xi32, #tpu.memory_space<vmem>>
    %dma_start3A_13 = tpu.memref_squeeze %dma_start3A_12 : memref<1x32xi32, #tpu.memory_space<vmem>> -> memref<32xi32, #tpu.memory_space<vmem>>
    %dma_start3A_14 = arith.constant 0 : i32
    %dma_start3A_15 = arith.constant 0 : i32
    %dma_start3A_16 = tpu.memref_slice %arg3[%dma_start3A_14, %dma_start3A_15] : memref<100000x1024xf32, #tpu.memory_space<hbm>> -> memref<100000x1024xf32, #tpu.memory_space<hbm>>
    tpu.enqueue_indirect_dma source(%dma_start3A_16 : memref<100000x1024xf32, #tpu.memory_space<hbm>>) target(%arg7 : memref<32x1024xf32, #tpu.memory_space<vmem>>) offsets(%dma_start3A_13 : memref<32xi32, #tpu.memory_space<vmem>>) semaphore(%arg10 : memref<!tpu.dma_semaphore, #tpu.memory_space<semaphore_mem>>)
    %dma_wait3A = arith.constant 0 : i32
    %dma_wait3A_17 = arith.constant 0 : i32
    %dma_wait3A_18 = tpu.memref_slice %arg5[%dma_wait3A, %dma_wait3A_17] : memref<16x32xi32, #tpu.memory_space<vmem>> -> memref<1x32xi32, #tpu.memory_space<vmem>>
    %dma_wait3A_19 = tpu.memref_squeeze %dma_wait3A_18 : memref<1x32xi32, #tpu.memory_space<vmem>> -> memref<32xi32, #tpu.memory_space<vmem>>
    %dma_wait3A_20 = arith.constant 0 : i32
    %dma_wait3A_21 = arith.constant 0 : i32
    %dma_wait3A_22 = tpu.memref_slice %arg3[%dma_wait3A_20, %dma_wait3A_21] : memref<100000x1024xf32, #tpu.memory_space<hbm>> -> memref<100000x1024xf32, #tpu.memory_space<hbm>>
    tpu.wait_indirect_dma semaphore(%arg9 : memref<!tpu.dma_semaphore, #tpu.memory_space<semaphore_mem>>) src(%dma_wait3A_22 : memref<100000x1024xf32, #tpu.memory_space<hbm>>) dst(%arg6 : memref<32x1024xf32, #tpu.memory_space<vmem>>)
    %scan3A = arith.constant 0 : i32
    %scan3A_23 = arith.constant 0 : i32
    %scan3A_24 = arith.constant 32 : i32
    %scan3A_25 = arith.addi %scan3A_23, %scan3A_24 : i32
    %scan3A_26 = arith.constant 1 : i32
    %scan3A_27 = scf.for %scan3A_61 = %scan3A_23 to %scan3A_25 step %scan3A_26 iter_args(%scan3A_62 = %scan3A) -> (i32)  : i32 {
      %get3A = arith.index_cast %scan3A_61 : i32 to index
      %get3A_63 = arith.constant 0 : index
      %get3A_64 = tpu.vector_load %arg6[%get3A, %get3A_63] {strides = array<i32>} : memref<32x1024xf32, #tpu.memory_space<vmem>>, vector<1x16xf32>,
      %get3A_65 = vector.shape_cast %get3A_64 : vector<1x16xf32> to vector<16xf32>
      %mul3A_66 = arith.mulf %get3A_65, %broadcast_in_dim3A_3 : vector<16xf32>
      %swap3A = arith.index_cast %scan3A_61 : i32 to index
      %swap3A_67 = arith.constant 0 : index
      %swap3A_68 = tpu.vector_load %arg6[%swap3A, %swap3A_67] {strides = array<i32>} : memref<32x1024xf32, #tpu.memory_space<vmem>>, vector<1x16xf32>,
      %swap3A_69 = vector.shape_cast %swap3A_68 : vector<1x16xf32> to vector<16xf32>
      %swap3A_70 = vector.shape_cast %mul3A_66 : vector<16xf32> to vector<1x16xf32>
      tpu.vector_store %arg6[%swap3A, %swap3A_67], %swap3A_70 {strides = array<i32>} : memref<32x1024xf32, #tpu.memory_space<vmem>>, vector<1x16xf32>,
      %get3A_71 = arith.index_cast %scan3A_61 : i32 to index
      %get3A_72 = arith.constant 16 : index
      %get3A_73 = tpu.vector_load %arg6[%get3A_71, %get3A_72] {strides = array<i32>} : memref<32x1024xf32, #tpu.memory_space<vmem>>, vector<1x16xf32>,
      %get3A_74 = vector.shape_cast %get3A_73 : vector<1x16xf32> to vector<16xf32>
      %mul3A_75 = arith.mulf %get3A_74, %broadcast_in_dim3A_3 : vector<16xf32>
      %swap3A_76 = arith.index_cast %scan3A_61 : i32 to index
      %swap3A_77 = arith.constant 16 : index
      %swap3A_78 = tpu.vector_load %arg6[%swap3A_76, %swap3A_77] {strides = array<i32>} : memref<32x1024xf32, #tpu.memory_space<vmem>>, vector<1x16xf32>,
      %swap3A_79 = vector.shape_cast %swap3A_78 : vector<1x16xf32> to vector<16xf32>
      %swap3A_80 = vector.shape_cast %mul3A_75 : vector<16xf32> to vector<1x16xf32>
      tpu.vector_store %arg6[%swap3A_76, %swap3A_77], %swap3A_80 {strides = array<i32>} : memref<32x1024xf32, #tpu.memory_space<vmem>>, vector<1x16xf32>,
      %get3A_81 = arith.index_cast %scan3A_61 : i32 to index
      %get3A_82 = arith.constant 32 : index
      %get3A_83 = tpu.vector_load %arg6[%get3A_81, %get3A_82] {strides = array<i32>} : memref<32x1024xf32, #tpu.memory_space<vmem>>, vector<1x16xf32>,
      %get3A_84 = vector.shape_cast %get3A_83 : vector<1x16xf32> to vector<16xf32>
      %mul3A_85 = arith.mulf %get3A_84, %broadcast_in_dim3A_3 : vector<16xf32>
      %swap3A_86 = arith.index_cast %scan3A_61 : i32 to index
      %swap3A_87 = arith.constant 32 : index
      %swap3A_88 = tpu.vector_load %arg6[%swap3A_86, %swap3A_87] {strides = array<i32>} : memref<32x1024xf32, #tpu.memory_space<vmem>>, vector<1x16xf32>,
      %swap3A_89 = vector.shape_cast %swap3A_88 : vector<1x16xf32> to vector<16xf32>
      %swap3A_90 = vector.shape_cast %mul3A_85 : vector<16xf32> to vector<1x16xf32>
      tpu.vector_store %arg6[%swap3A_86, %swap3A_87], %swap3A_90 {strides = array<i32>} : memref<32x1024xf32, #tpu.memory_space<vmem>>, vector<1x16xf32>,
      %get3A_91 = arith.index_cast %scan3A_61 : i32 to index
      %get3A_92 = arith.constant 48 : index
      %get3A_93 = tpu.vector_load %arg6[%get3A_91, %get3A_92] {strides = array<i32>} : memref<32x1024xf32, #tpu.memory_space<vmem>>, vector<1x16xf32>,
      %get3A_94 = vector.shape_cast %get3A_93 : vector<1x16xf32> to vector<16xf32>
      %mul3A_95 = arith.mulf %get3A_94, %broadcast_in_dim3A_3 : vector<16xf32>
      %swap3A_96 = arith.index_cast %scan3A_61 : i32 to index
      %swap3A_97 = arith.constant 48 : index
      %swap3A_98 = tpu.vector_load %arg6[%swap3A_96, %swap3A_97] {strides = array<i32>} : memref<32x1024xf32, #tpu.memory_space<vmem>>, vector<1x16xf32>,
      %swap3A_99 = vector.shape_cast %swap3A_98 : vector<1x16xf32> to vector<16xf32>
      %swap3A_100 = vector.shape_cast %mul3A_95 : vector<16xf32> to vector<1x16xf32>
      tpu.vector_store %arg6[%swap3A_96, %swap3A_97], %swap3A_100 {strides = array<i32>} : memref<32x1024xf32, #tpu.memory_space<vmem>>, vector<1x16xf32>,
      %get3A_101 = arith.index_cast %scan3A_61 : i32 to index
      %get3A_102 = arith.constant 64 : index
      %get3A_103 = tpu.vector_load %arg6[%get3A_101, %get3A_102] {strides = array<i32>} : memref<32x1024xf32, #tpu.memory_space<vmem>>, vector<1x16xf32>,
      %get3A_104 = vector.shape_cast %get3A_103 : vector<1x16xf32> to vector<16xf32>
      %mul3A_105 = arith.mulf %get3A_104, %broadcast_in_dim3A_3 : vector<16xf32>
      %swap3A_106 = arith.index_cast %scan3A_61 : i32 to index
      %swap3A_107 = arith.constant 64 : index
      %swap3A_108 = tpu.vector_load %arg6[%swap3A_106, %swap3A_107] {strides = array<i32>} : memref<32x1024xf32, #tpu.memory_space<vmem>>, vector<1x16xf32>,
      %swap3A_109 = vector.shape_cast %swap3A_108 : vector<1x16xf32> to vector<16xf32>
      %swap3A_110 = vector.shape_cast %mul3A_105 : vector<16xf32> to vector<1x16xf32>
      tpu.vector_store %arg6[%swap3A_106, %swap3A_107], %swap3A_110 {strides = array<i32>} : memref<32x1024xf32, #tpu.memory_space<vmem>>, vector<1x16xf32>,
      %get3A_111 = arith.index_cast %scan3A_61 : i32 to index
      %get3A_112 = arith.constant 80 : index
      %get3A_113 = tpu.vector_load %arg6[%get3A_111, %get3A_112] {strides = array<i32>} : memref<32x1024xf32, #tpu.memory_space<vmem>>, vector<1x16xf32>,
      %get3A_114 = vector.shape_cast %get3A_113 : vector<1x16xf32> to vector<16xf32>
      %mul3A_115 = arith.mulf %get3A_114, %broadcast_in_dim3A_3 : vector<16xf32>
      %swap3A_116 = arith.index_cast %scan3A_61 : i32 to index
      %swap3A_117 = arith.constant 80 : index
      %swap3A_118 = tpu.vector_load %arg6[%swap3A_116, %swap3A_117] {strides = array<i32>} : memref<32x1024xf32, #tpu.memory_space<vmem>>, vector<1x16xf32>,
      %swap3A_119 = vector.shape_cast %swap3A_118 : vector<1x16xf32> to vector<16xf32>
      %swap3A_120 = vector.shape_cast %mul3A_115 : vector<16xf32> to vector<1x16xf32>
      tpu.vector_store %arg6[%swap3A_116, %swap3A_117], %swap3A_120 {strides = array<i32>} : memref<32x1024xf32, #tpu.memory_space<vmem>>, vector<1x16xf32>,
      %get3A_121 = arith.index_cast %scan3A_61 : i32 to index
      %get3A_122 = arith.constant 96 : index
      %get3A_123 = tpu.vector_load %arg6[%get3A_121, %get3A_122] {strides = array<i32>} : memref<32x1024xf32, #tpu.memory_space<vmem>>, vector<1x16xf32>,
      %get3A_124 = vector.shape_cast %get3A_123 : vector<1x16xf32> to vector<16xf32>
      %mul3A_125 = arith.mulf %get3A_124, %broadcast_in_dim3A_3 : vector<16xf32>
      %swap3A_126 = arith.index_cast %scan3A_61 : i32 to index
      %swap3A_127 = arith.constant 96 : index
      %swap3A_128 = tpu.vector_load %arg6[%swap3A_126, %swap3A_127] {strides = array<i32>} : memref<32x1024xf32, #tpu.memory_space<vmem>>, vector<1x16xf32>,
      %swap3A_129 = vector.shape_cast %swap3A_128 : vector<1x16xf32> to vector<16xf32>
      %swap3A_130 = vector.shape_cast %mul3A_125 : vector<16xf32> to vector<1x16xf32>
      tpu.vector_store %arg6[%swap3A_126, %swap3A_127], %swap3A_130 {strides = array<i32>} : memref<32x1024xf32, #tpu.memory_space<vmem>>, vector<1x16xf32>,
      %get3A_131 = arith.index_cast %scan3A_61 : i32 to index
      %get3A_132 = arith.constant 112 : index
      %get3A_133 = tpu.vector_load %arg6[%get3A_131, %get3A_132] {strides = array<i32>} : memref<32x1024xf32, #tpu.memory_space<vmem>>, vector<1x16xf32>,
      %get3A_134 = vector.shape_cast %get3A_133 : vector<1x16xf32> to vector<16xf32>
      %mul3A_135 = arith.mulf %get3A_134, %broadcast_in_dim3A_3 : vector<16xf32>
      %swap3A_136 = arith.index_cast %scan3A_61 : i32 to index
      %swap3A_137 = arith.constant 112 : index
      %swap3A_138 = tpu.vector_load %arg6[%swap3A_136, %swap3A_137] {strides = array<i32>} : memref<32x1024xf32, #tpu.memory_space<vmem>>, vector<1x16xf32>,
      %swap3A_139 = vector.shape_cast %swap3A_138 : vector<1x16xf32> to vector<16xf32>
      %swap3A_140 = vector.shape_cast %mul3A_135 : vector<16xf32> to vector<1x16xf32>
      tpu.vector_store %arg6[%swap3A_136, %swap3A_137], %swap3A_140 {strides = array<i32>} : memref<32x1024xf32, #tpu.memory_space<vmem>>, vector<1x16xf32>,
      %get3A_141 = arith.index_cast %scan3A_61 : i32 to index
      %get3A_142 = arith.constant 128 : index
      %get3A_143 = tpu.vector_load %arg6[%get3A_141, %get3A_142] {strides = array<i32>} : memref<32x1024xf32, #tpu.memory_space<vmem>>, vector<1x16xf32>,
      %get3A_144 = vector.shape_cast %get3A_143 : vector<1x16xf32> to vector<16xf32>
      %mul3A_145 = arith.mulf %get3A_144, %broadcast_in_dim3A_3 : vector<16xf32>
      %swap3A_146 = arith.index_cast %scan3A_61 : i32 to index
      %swap3A_147 = arith.constant 128 : index
      %swap3A_148 = tpu.vector_load %arg6[%swap3A_146, %swap3A_147] {strides = array<i32>} : memref<32x1024xf32, #tpu.memory_space<vmem>>, vector<1x16xf32>,
      %swap3A_149 = vector.shape_cast %swap3A_148 : vector<1x16xf32> to vector<16xf32>
      %swap3A_150 = vector.shape_cast %mul3A_145 : vector<16xf32> to vector<1x16xf32>
      tpu.vector_store %arg6[%swap3A_146, %swap3A_147], %swap3A_150 {strides = array<i32>} : memref<32x1024xf32, #tpu.memory_space<vmem>>, vector<1x16xf32>,
      %get3A_151 = arith.index_cast %scan3A_61 : i32 to index
      %get3A_152 = arith.constant 144 : index
      %get3A_153 = tpu.vector_load %arg6[%get3A_151, %get3A_152] {strides = array<i32>} : memref<32x1024xf32, #tpu.memory_space<vmem>>, vector<1x16xf32>,
      %get3A_154 = vector.shape_cast %get3A_153 : vector<1x16xf32> to vector<16xf32>
      %mul3A_155 = arith.mulf %get3A_154, %broadcast_in_dim3A_3 : vector<16xf32>
      %swap3A_156 = arith.index_cast %scan3A_61 : i32 to index
      %swap3A_157 = arith.constant 144 : index
      %swap3A_158 = tpu.vector_load %arg6[%swap3A_156, %swap3A_157] {strides = array<i32>} : memref<32x1024xf32, #tpu.memory_space<vmem>>, vector<1x16xf32>,
      %swap3A_159 = vector.shape_cast %swap3A_158 : vector<1x16xf32> to vector<16xf32>
      %swap3A_160 = vector.shape_cast %mul3A_155 : vector<16xf32> to vector<1x16xf32>
      tpu.vector_store %arg6[%swap3A_156, %swap3A_157], %swap3A_160 {strides = array<i32>} : memref<32x1024xf32, #tpu.memory_space<vmem>>, vector<1x16xf32>,
      %get3A_161 = arith.index_cast %scan3A_61 : i32 to index
      %get3A_162 = arith.constant 160 : index
      %get3A_163 = tpu.vector_load %arg6[%get3A_161, %get3A_162] {strides = array<i32>} : memref<32x1024xf32, #tpu.memory_space<vmem>>, vector<1x16xf32>,
      %get3A_164 = vector.shape_cast %get3A_163 : vector<1x16xf32> to vector<16xf32>
      %mul3A_165 = arith.mulf %get3A_164, %broadcast_in_dim3A_3 : vector<16xf32>
      %swap3A_166 = arith.index_cast %scan3A_61 : i32 to index
      %swap3A_167 = arith.constant 160 : index
      %swap3A_168 = tpu.vector_load %arg6[%swap3A_166, %swap3A_167] {strides = array<i32>} : memref<32x1024xf32, #tpu.memory_space<vmem>>, vector<1x16xf32>,
      %swap3A_169 = vector.shape_cast %swap3A_168 : vector<1x16xf32> to vector<16xf32>
      %swap3A_170 = vector.shape_cast %mul3A_165 : vector<16xf32> to vector<1x16xf32>
      tpu.vector_store %arg6[%swap3A_166, %swap3A_167], %swap3A_170 {strides = array<i32>} : memref<32x1024xf32, #tpu.memory_space<vmem>>, vector<1x16xf32>,
      %get3A_171 = arith.index_cast %scan3A_61 : i32 to index
      %get3A_172 = arith.constant 176 : index
      %get3A_173 = tpu.vector_load %arg6[%get3A_171, %get3A_172] {strides = array<i32>} : memref<32x1024xf32, #tpu.memory_space<vmem>>, vector<1x16xf32>,
      %get3A_174 = vector.shape_cast %get3A_173 : vector<1x16xf32> to vector<16xf32>
      %mul3A_175 = arith.mulf %get3A_174, %broadcast_in_dim3A_3 : vector<16xf32>
      %swap3A_176 = arith.index_cast %scan3A_61 : i32 to index
      %swap3A_177 = arith.constant 176 : index
      %swap3A_178 = tpu.vector_load %arg6[%swap3A_176, %swap3A_177] {strides = array<i32>} : memref<32x1024xf32, #tpu.memory_space<vmem>>, vector<1x16xf32>,
      %swap3A_179 = vector.shape_cast %swap3A_178 : vector<1x16xf32> to vector<16xf32>
      %swap3A_180 = vector.shape_cast %mul3A_175 : vector<16xf32> to vector<1x16xf32>
      tpu.vector_store %arg6[%swap3A_176, %swap3A_177], %swap3A_180 {strides = array<i32>} : memref<32x1024xf32, #tpu.memory_space<vmem>>, vector<1x16xf32>,
      %get3A_181 = arith.index_cast %scan3A_61 : i32 to index
      %get3A_182 = arith.constant 192 : index
      %get3A_183 = tpu.vector_load %arg6[%get3A_181, %get3A_182] {strides = array<i32>} : memref<32x1024xf32, #tpu.memory_space<vmem>>, vector<1x16xf32>,
      %get3A_184 = vector.shape_cast %get3A_183 : vector<1x16xf32> to vector<16xf32>
      %mul3A_185 = arith.mulf %get3A_184, %broadcast_in_dim3A_3 : vector<16xf32>
      %swap3A_186 = arith.index_cast %scan3A_61 : i32 to index
      %swap3A_187 = arith.constant 192 : index
      %swap3A_188 = tpu.vector_load %arg6[%swap3A_186, %swap3A_187] {strides = array<i32>} : memref<32x1024xf32, #tpu.memory_space<vmem>>, vector<1x16xf32>,
      %swap3A_189 = vector.shape_cast %swap3A_188 : vector<1x16xf32> to vector<16xf32>
      %swap3A_190 = vector.shape_cast %mul3A_185 : vector<16xf32> to vector<1x16xf32>
      tpu.vector_store %arg6[%swap3A_186, %swap3A_187], %swap3A_190 {strides = array<i32>} : memref<32x1024xf32, #tpu.memory_space<vmem>>, vector<1x16xf32>,
      %get3A_191 = arith.index_cast %scan3A_61 : i32 to index
      %get3A_192 = arith.constant 208 : index
      %get3A_193 = tpu.vector_load %arg6[%get3A_191, %get3A_192] {strides = array<i32>} : memref<32x1024xf32, #tpu.memory_space<vmem>>, vector<1x16xf32>,
      %get3A_194 = vector.shape_cast %get3A_193 : vector<1x16xf32> to vector<16xf32>
      %mul3A_195 = arith.mulf %get3A_194, %broadcast_in_dim3A_3 : vector<16xf32>
      %swap3A_196 = arith.index_cast %scan3A_61 : i32 to index
      %swap3A_197 = arith.constant 208 : index
      %swap3A_198 = tpu.vector_load %arg6[%swap3A_196, %swap3A_197] {strides = array<i32>} : memref<32x1024xf32, #tpu.memory_space<vmem>>, vector<1x16xf32>,
      %swap3A_199 = vector.shape_cast %swap3A_198 : vector<1x16xf32> to vector<16xf32>
      %swap3A_200 = vector.shape_cast %mul3A_195 : vector<16xf32> to vector<1x16xf32>
      tpu.vector_store %arg6[%swap3A_196, %swap3A_197], %swap3A_200 {strides = array<i32>} : memref<32x1024xf32, #tpu.memory_space<vmem>>, vector<1x16xf32>,
      %get3A_201 = arith.index_cast %scan3A_61 : i32 to index
      %get3A_202 = arith.constant 224 : index
      %get3A_203 = tpu.vector_load %arg6[%get3A_201, %get3A_202] {strides = array<i32>} : memref<32x1024xf32, #tpu.memory_space<vmem>>, vector<1x16xf32>,
      %get3A_204 = vector.shape_cast %get3A_203 : vector<1x16xf32> to vector<16xf32>
      %mul3A_205 = arith.mulf %get3A_204, %broadcast_in_dim3A_3 : vector<16xf32>
      %swap3A_206 = arith.index_cast %scan3A_61 : i32 to index
      %swap3A_207 = arith.constant 224 : index
      %swap3A_208 = tpu.vector_load %arg6[%swap3A_206, %swap3A_207] {strides = array<i32>} : memref<32x1024xf32, #tpu.memory_space<vmem>>, vector<1x16xf32>,
      %swap3A_209 = vector.shape_cast %swap3A_208 : vector<1x16xf32> to vector<16xf32>
      %swap3A_210 = vector.shape_cast %mul3A_205 : vector<16xf32> to vector<1x16xf32>
      tpu.vector_store %arg6[%swap3A_206, %swap3A_207], %swap3A_210 {strides = array<i32>} : memref<32x1024xf32, #tpu.memory_space<vmem>>, vector<1x16xf32>,
      %get3A_211 = arith.index_cast %scan3A_61 : i32 to index
      %get3A_212 = arith.constant 240 : index
      %get3A_213 = tpu.vector_load %arg6[%get3A_211, %get3A_212] {strides = array<i32>} : memref<32x1024xf32, #tpu.memory_space<vmem>>, vector<1x16xf32>,
      %get3A_214 = vector.shape_cast %get3A_213 : vector<1x16xf32> to vector<16xf32>
      %mul3A_215 = arith.mulf %get3A_214, %broadcast_in_dim3A_3 : vector<16xf32>
      %swap3A_216 = arith.index_cast %scan3A_61 : i32 to index
      %swap3A_217 = arith.constant 240 : index
      %swap3A_218 = tpu.vector_load %arg6[%swap3A_216, %swap3A_217] {strides = array<i32>} : memref<32x1024xf32, #tpu.memory_space<vmem>>, vector<1x16xf32>,
      %swap3A_219 = vector.shape_cast %swap3A_218 : vector<1x16xf32> to vector<16xf32>
      %swap3A_220 = vector.shape_cast %mul3A_215 : vector<16xf32> to vector<1x16xf32>
      tpu.vector_store %arg6[%swap3A_216, %swap3A_217], %swap3A_220 {strides = array<i32>} : memref<32x1024xf32, #tpu.memory_space<vmem>>, vector<1x16xf32>,
      %get3A_221 = arith.index_cast %scan3A_61 : i32 to index
      %get3A_222 = arith.constant 256 : index
      %get3A_223 = tpu.vector_load %arg6[%get3A_221, %get3A_222] {strides = array<i32>} : memref<32x1024xf32, #tpu.memory_space<vmem>>, vector<1x16xf32>,
      %get3A_224 = vector.shape_cast %get3A_223 : vector<1x16xf32> to vector<16xf32>
      %mul3A_225 = arith.mulf %get3A_224, %broadcast_in_dim3A_3 : vector<16xf32>
      %swap3A_226 = arith.index_cast %scan3A_61 : i32 to index
      %swap3A_227 = arith.constant 256 : index
      %swap3A_228 = tpu.vector_load %arg6[%swap3A_226, %swap3A_227] {strides = array<i32>} : memref<32x1024xf32, #tpu.memory_space<vmem>>, vector<1x16xf32>,
      %swap3A_229 = vector.shape_cast %swap3A_228 : vector<1x16xf32> to vector<16xf32>
      %swap3A_230 = vector.shape_cast %mul3A_225 : vector<16xf32> to vector<1x16xf32>
      tpu.vector_store %arg6[%swap3A_226, %swap3A_227], %swap3A_230 {strides = array<i32>} : memref<32x1024xf32, #tpu.memory_space<vmem>>, vector<1x16xf32>,
      %get3A_231 = arith.index_cast %scan3A_61 : i32 to index
      %get3A_232 = arith.constant 272 : index
      %get3A_233 = tpu.vector_load %arg6[%get3A_231, %get3A_232] {strides = array<i32>} : memref<32x1024xf32, #tpu.memory_space<vmem>>, vector<1x16xf32>,
      %get3A_234 = vector.shape_cast %get3A_233 : vector<1x16xf32> to vector<16xf32>
      %mul3A_235 = arith.mulf %get3A_234, %broadcast_in_dim3A_3 : vector<16xf32>
      %swap3A_236 = arith.index_cast %scan3A_61 : i32 to index
      %swap3A_237 = arith.constant 272 : index
      %swap3A_238 = tpu.vector_load %arg6[%swap3A_236, %swap3A_237] {strides = array<i32>} : memref<32x1024xf32, #tpu.memory_space<vmem>>, vector<1x16xf32>,
      %swap3A_239 = vector.shape_cast %swap3A_238 : vector<1x16xf32> to vector<16xf32>
      %swap3A_240 = vector.shape_cast %mul3A_235 : vector<16xf32> to vector<1x16xf32>
      tpu.vector_store %arg6[%swap3A_236, %swap3A_237], %swap3A_240 {strides = array<i32>} : memref<32x1024xf32, #tpu.memory_space<vmem>>, vector<1x16xf32>,
      %get3A_241 = arith.index_cast %scan3A_61 : i32 to index
      %get3A_242 = arith.constant 288 : index
      %get3A_243 = tpu.vector_load %arg6[%get3A_241, %get3A_242] {strides = array<i32>} : memref<32x1024xf32, #tpu.memory_space<vmem>>, vector<1x16xf32>,
      %get3A_244 = vector.shape_cast %get3A_243 : vector<1x16xf32> to vector<16xf32>
      %mul3A_245 = arith.mulf %get3A_244, %broadcast_in_dim3A_3 : vector<16xf32>
      %swap3A_246 = arith.index_cast %scan3A_61 : i32 to index
      %swap3A_247 = arith.constant 288 : index
      %swap3A_248 = tpu.vector_load %arg6[%swap3A_246, %swap3A_247] {strides = array<i32>} : memref<32x1024xf32, #tpu.memory_space<vmem>>, vector<1x16xf32>,
      %swap3A_249 = vector.shape_cast %swap3A_248 : vector<1x16xf32> to vector<16xf32>
      %swap3A_250 = vector.shape_cast %mul3A_245 : vector<16xf32> to vector<1x16xf32>
      tpu.vector_store %arg6[%swap3A_246, %swap3A_247], %swap3A_250 {strides = array<i32>} : memref<32x1024xf32, #tpu.memory_space<vmem>>, vector<1x16xf32>,
      %get3A_251 = arith.index_cast %scan3A_61 : i32 to index
      %get3A_252 = arith.constant 304 : index
      %get3A_253 = tpu.vector_load %arg6[%get3A_251, %get3A_252] {strides = array<i32>} : memref<32x1024xf32, #tpu.memory_space<vmem>>, vector<1x16xf32>,
      %get3A_254 = vector.shape_cast %get3A_253 : vector<1x16xf32> to vector<16xf32>
      %mul3A_255 = arith.mulf %get3A_254, %broadcast_in_dim3A_3 : vector<16xf32>
      %swap3A_256 = arith.index_cast %scan3A_61 : i32 to index
      %swap3A_257 = arith.constant 304 : index
      %swap3A_258 = tpu.vector_load %arg6[%swap3A_256, %swap3A_257] {strides = array<i32>} : memref<32x1024xf32, #tpu.memory_space<vmem>>, vector<1x16xf32>,
      %swap3A_259 = vector.shape_cast %swap3A_258 : vector<1x16xf32> to vector<16xf32>
      %swap3A_260 = vector.shape_cast %mul3A_255 : vector<16xf32> to vector<1x16xf32>
      tpu.vector_store %arg6[%swap3A_256, %swap3A_257], %swap3A_260 {strides = array<i32>} : memref<32x1024xf32, #tpu.memory_space<vmem>>, vector<1x16xf32>,
      %get3A_261 = arith.index_cast %scan3A_61 : i32 to index
      %get3A_262 = arith.constant 320 : index
      %get3A_263 = tpu.vector_load %arg6[%get3A_261, %get3A_262] {strides = array<i32>} : memref<32x1024xf32, #tpu.memory_space<vmem>>, vector<1x16xf32>,
      %get3A_264 = vector.shape_cast %get3A_263 : vector<1x16xf32> to vector<16xf32>
      %mul3A_265 = arith.mulf %get3A_264, %broadcast_in_dim3A_3 : vector<16xf32>
      %swap3A_266 = arith.index_cast %scan3A_61 : i32 to index
      %swap3A_267 = arith.constant 320 : index
      %swap3A_268 = tpu.vector_load %arg6[%swap3A_266, %swap3A_267] {strides = array<i32>} : memref<32x1024xf32, #tpu.memory_space<vmem>>, vector<1x16xf32>,
      %swap3A_269 = vector.shape_cast %swap3A_268 : vector<1x16xf32> to vector<16xf32>
      %swap3A_270 = vector.shape_cast %mul3A_265 : vector<16xf32> to vector<1x16xf32>
      tpu.vector_store %arg6[%swap3A_266, %swap3A_267], %swap3A_270 {strides = array<i32>} : memref<32x1024xf32, #tpu.memory_space<vmem>>, vector<1x16xf32>,
      %get3A_271 = arith.index_cast %scan3A_61 : i32 to index
      %get3A_272 = arith.constant 336 : index
      %get3A_273 = tpu.vector_load %arg6[%get3A_271, %get3A_272] {strides = array<i32>} : memref<32x1024xf32, #tpu.memory_space<vmem>>, vector<1x16xf32>,
      %get3A_274 = vector.shape_cast %get3A_273 : vector<1x16xf32> to vector<16xf32>
      %mul3A_275 = arith.mulf %get3A_274, %broadcast_in_dim3A_3 : vector<16xf32>
      %swap3A_276 = arith.index_cast %scan3A_61 : i32 to index
      %swap3A_277 = arith.constant 336 : index
      %swap3A_278 = tpu.vector_load %arg6[%swap3A_276, %swap3A_277] {strides = array<i32>} : memref<32x1024xf32, #tpu.memory_space<vmem>>, vector<1x16xf32>,
      %swap3A_279 = vector.shape_cast %swap3A_278 : vector<1x16xf32> to vector<16xf32>
      %swap3A_280 = vector.shape_cast %mul3A_275 : vector<16xf32> to vector<1x16xf32>
      tpu.vector_store %arg6[%swap3A_276, %swap3A_277], %swap3A_280 {strides = array<i32>} : memref<32x1024xf32, #tpu.memory_space<vmem>>, vector<1x16xf32>,
      %get3A_281 = arith.index_cast %scan3A_61 : i32 to index
      %get3A_282 = arith.constant 352 : index
      %get3A_283 = tpu.vector_load %arg6[%get3A_281, %get3A_282] {strides = array<i32>} : memref<32x1024xf32, #tpu.memory_space<vmem>>, vector<1x16xf32>,
      %get3A_284 = vector.shape_cast %get3A_283 : vector<1x16xf32> to vector<16xf32>
      %mul3A_285 = arith.mulf %get3A_284, %broadcast_in_dim3A_3 : vector<16xf32>
      %swap3A_286 = arith.index_cast %scan3A_61 : i32 to index
      %swap3A_287 = arith.constant 352 : index
      %swap3A_288 = tpu.vector_load %arg6[%swap3A_286, %swap3A_287] {strides = array<i32>} : memref<32x1024xf32, #tpu.memory_space<vmem>>, vector<1x16xf32>,
      %swap3A_289 = vector.shape_cast %swap3A_288 : vector<1x16xf32> to vector<16xf32>
      %swap3A_290 = vector.shape_cast %mul3A_285 : vector<16xf32> to vector<1x16xf32>
      tpu.vector_store %arg6[%swap3A_286, %swap3A_287], %swap3A_290 {strides = array<i32>} : memref<32x1024xf32, #tpu.memory_space<vmem>>, vector<1x16xf32>,
      %get3A_291 = arith.index_cast %scan3A_61 : i32 to index
      %get3A_292 = arith.constant 368 : index
      %get3A_293 = tpu.vector_load %arg6[%get3A_291, %get3A_292] {strides = array<i32>} : memref<32x1024xf32, #tpu.memory_space<vmem>>, vector<1x16xf32>,
      %get3A_294 = vector.shape_cast %get3A_293 : vector<1x16xf32> to vector<16xf32>
      %mul3A_295 = arith.mulf %get3A_294, %broadcast_in_dim3A_3 : vector<16xf32>
      %swap3A_296 = arith.index_cast %scan3A_61 : i32 to index
      %swap3A_297 = arith.constant 368 : index
      %swap3A_298 = tpu.vector_load %arg6[%swap3A_296, %swap3A_297] {strides = array<i32>} : memref<32x1024xf32, #tpu.memory_space<vmem>>, vector<1x16xf32>,
      %swap3A_299 = vector.shape_cast %swap3A_298 : vector<1x16xf32> to vector<16xf32>
      %swap3A_300 = vector.shape_cast %mul3A_295 : vector<16xf32> to vector<1x16xf32>
      tpu.vector_store %arg6[%swap3A_296, %swap3A_297], %swap3A_300 {strides = array<i32>} : memref<32x1024xf32, #tpu.memory_space<vmem>>, vector<1x16xf32>,
      %get3A_301 = arith.index_cast %scan3A_61 : i32 to index
      %get3A_302 = arith.constant 384 : index
      %get3A_303 = tpu.vector_load %arg6[%get3A_301, %get3A_302] {strides = array<i32>} : memref<32x1024xf32, #tpu.memory_space<vmem>>, vector<1x16xf32>,
      %get3A_304 = vector.shape_cast %get3A_303 : vector<1x16xf32> to vector<16xf32>
      %mul3A_305 = arith.mulf %get3A_304, %broadcast_in_dim3A_3 : vector<16xf32>
      %swap3A_306 = arith.index_cast %scan3A_61 : i32 to index
      %swap3A_307 = arith.constant 384 : index
      %swap3A_308 = tpu.vector_load %arg6[%swap3A_306, %swap3A_307] {strides = array<i32>} : memref<32x1024xf32, #tpu.memory_space<vmem>>, vector<1x16xf32>,
      %swap3A_309 = vector.shape_cast %swap3A_308 : vector<1x16xf32> to vector<16xf32>
      %swap3A_310 = vector.shape_cast %mul3A_305 : vector<16xf32> to vector<1x16xf32>
      tpu.vector_store %arg6[%swap3A_306, %swap3A_307], %swap3A_310 {strides = array<i32>} : memref<32x1024xf32, #tpu.memory_space<vmem>>, vector<1x16xf32>,
      %get3A_311 = arith.index_cast %scan3A_61 : i32 to index
      %get3A_312 = arith.constant 400 : index
      %get3A_313 = tpu.vector_load %arg6[%get3A_311, %get3A_312] {strides = array<i32>} : memref<32x1024xf32, #tpu.memory_space<vmem>>, vector<1x16xf32>,
      %get3A_314 = vector.shape_cast %get3A_313 : vector<1x16xf32> to vector<16xf32>
      %mul3A_315 = arith.mulf %get3A_314, %broadcast_in_dim3A_3 : vector<16xf32>
      %swap3A_316 = arith.index_cast %scan3A_61 : i32 to index
      %swap3A_317 = arith.constant 400 : index
      %swap3A_318 = tpu.vector_load %arg6[%swap3A_316, %swap3A_317] {strides = array<i32>} : memref<32x1024xf32, #tpu.memory_space<vmem>>, vector<1x16xf32>,
      %swap3A_319 = vector.shape_cast %swap3A_318 : vector<1x16xf32> to vector<16xf32>
      %swap3A_320 = vector.shape_cast %mul3A_315 : vector<16xf32> to vector<1x16xf32>
      tpu.vector_store %arg6[%swap3A_316, %swap3A_317], %swap3A_320 {strides = array<i32>} : memref<32x1024xf32, #tpu.memory_space<vmem>>, vector<1x16xf32>,
      %get3A_321 = arith.index_cast %scan3A_61 : i32 to index
      %get3A_322 = arith.constant 416 : index
      %get3A_323 = tpu.vector_load %arg6[%get3A_321, %get3A_322] {strides = array<i32>} : memref<32x1024xf32, #tpu.memory_space<vmem>>, vector<1x16xf32>,
      %get3A_324 = vector.shape_cast %get3A_323 : vector<1x16xf32> to vector<16xf32>
      %mul3A_325 = arith.mulf %get3A_324, %broadcast_in_dim3A_3 : vector<16xf32>
      %swap3A_326 = arith.index_cast %scan3A_61 : i32 to index
      %swap3A_327 = arith.constant 416 : index
      %swap3A_328 = tpu.vector_load %arg6[%swap3A_326, %swap3A_327] {strides = array<i32>} : memref<32x1024xf32, #tpu.memory_space<vmem>>, vector<1x16xf32>,
      %swap3A_329 = vector.shape_cast %swap3A_328 : vector<1x16xf32> to vector<16xf32>
      %swap3A_330 = vector.shape_cast %mul3A_325 : vector<16xf32> to vector<1x16xf32>
      tpu.vector_store %arg6[%swap3A_326, %swap3A_327], %swap3A_330 {strides = array<i32>} : memref<32x1024xf32, #tpu.memory_space<vmem>>, vector<1x16xf32>,
      %get3A_331 = arith.index_cast %scan3A_61 : i32 to index
      %get3A_332 = arith.constant 432 : index
      %get3A_333 = tpu.vector_load %arg6[%get3A_331, %get3A_332] {strides = array<i32>} : memref<32x1024xf32, #tpu.memory_space<vmem>>, vector<1x16xf32>,
      %get3A_334 = vector.shape_cast %get3A_333 : vector<1x16xf32> to vector<16xf32>
      %mul3A_335 = arith.mulf %get3A_334, %broadcast_in_dim3A_3 : vector<16xf32>
      %swap3A_336 = arith.index_cast %scan3A_61 : i32 to index
      %swap3A_337 = arith.constant 432 : index
      %swap3A_338 = tpu.vector_load %arg6[%swap3A_336, %swap3A_337] {strides = array<i32>} : memref<32x1024xf32, #tpu.memory_space<vmem>>, vector<1x16xf32>,
      %swap3A_339 = vector.shape_cast %swap3A_338 : vector<1x16xf32> to vector<16xf32>
      %swap3A_340 = vector.shape_cast %mul3A_335 : vector<16xf32> to vector<1x16xf32>
      tpu.vector_store %arg6[%swap3A_336, %swap3A_337], %swap3A_340 {strides = array<i32>} : memref<32x1024xf32, #tpu.memory_space<vmem>>, vector<1x16xf32>,
      %get3A_341 = arith.index_cast %scan3A_61 : i32 to index
      %get3A_342 = arith.constant 448 : index
      %get3A_343 = tpu.vector_load %arg6[%get3A_341, %get3A_342] {strides = array<i32>} : memref<32x1024xf32, #tpu.memory_space<vmem>>, vector<1x16xf32>,
      %get3A_344 = vector.shape_cast %get3A_343 : vector<1x16xf32> to vector<16xf32>
      %mul3A_345 = arith.mulf %get3A_344, %broadcast_in_dim3A_3 : vector<16xf32>
      %swap3A_346 = arith.index_cast %scan3A_61 : i32 to index
      %swap3A_347 = arith.constant 448 : index
      %swap3A_348 = tpu.vector_load %arg6[%swap3A_346, %swap3A_347] {strides = array<i32>} : memref<32x1024xf32, #tpu.memory_space<vmem>>, vector<1x16xf32>,
      %swap3A_349 = vector.shape_cast %swap3A_348 : vector<1x16xf32> to vector<16xf32>
      %swap3A_350 = vector.shape_cast %mul3A_345 : vector<16xf32> to vector<1x16xf32>
      tpu.vector_store %arg6[%swap3A_346, %swap3A_347], %swap3A_350 {strides = array<i32>} : memref<32x1024xf32, #tpu.memory_space<vmem>>, vector<1x16xf32>,
      %get3A_351 = arith.index_cast %scan3A_61 : i32 to index
      %get3A_352 = arith.constant 464 : index
      %get3A_353 = tpu.vector_load %arg6[%get3A_351, %get3A_352] {strides = array<i32>} : memref<32x1024xf32, #tpu.memory_space<vmem>>, vector<1x16xf32>,
      %get3A_354 = vector.shape_cast %get3A_353 : vector<1x16xf32> to vector<16xf32>
      %mul3A_355 = arith.mulf %get3A_354, %broadcast_in_dim3A_3 : vector<16xf32>
      %swap3A_356 = arith.index_cast %scan3A_61 : i32 to index
      %swap3A_357 = arith.constant 464 : index
      %swap3A_358 = tpu.vector_load %arg6[%swap3A_356, %swap3A_357] {strides = array<i32>} : memref<32x1024xf32, #tpu.memory_space<vmem>>, vector<1x16xf32>,
      %swap3A_359 = vector.shape_cast %swap3A_358 : vector<1x16xf32> to vector<16xf32>
      %swap3A_360 = vector.shape_cast %mul3A_355 : vector<16xf32> to vector<1x16xf32>
      tpu.vector_store %arg6[%swap3A_356, %swap3A_357], %swap3A_360 {strides = array<i32>} : memref<32x1024xf32, #tpu.memory_space<vmem>>, vector<1x16xf32>,
      %get3A_361 = arith.index_cast %scan3A_61 : i32 to index
      %get3A_362 = arith.constant 480 : index
      %get3A_363 = tpu.vector_load %arg6[%get3A_361, %get3A_362] {strides = array<i32>} : memref<32x1024xf32, #tpu.memory_space<vmem>>, vector<1x16xf32>,
      %get3A_364 = vector.shape_cast %get3A_363 : vector<1x16xf32> to vector<16xf32>
      %mul3A_365 = arith.mulf %get3A_364, %broadcast_in_dim3A_3 : vector<16xf32>
      %swap3A_366 = arith.index_cast %scan3A_61 : i32 to index
      %swap3A_367 = arith.constant 480 : index
      %swap3A_368 = tpu.vector_load %arg6[%swap3A_366, %swap3A_367] {strides = array<i32>} : memref<32x1024xf32, #tpu.memory_space<vmem>>, vector<1x16xf32>,
      %swap3A_369 = vector.shape_cast %swap3A_368 : vector<1x16xf32> to vector<16xf32>
      %swap3A_370 = vector.shape_cast %mul3A_365 : vector<16xf32> to vector<1x16xf32>
      tpu.vector_store %arg6[%swap3A_366, %swap3A_367], %swap3A_370 {strides = array<i32>} : memref<32x1024xf32, #tpu.memory_space<vmem>>, vector<1x16xf32>,
      %get3A_371 = arith.index_cast %scan3A_61 : i32 to index
      %get3A_372 = arith.constant 496 : index
      %get3A_373 = tpu.vector_load %arg6[%get3A_371, %get3A_372] {strides = array<i32>} : memref<32x1024xf32, #tpu.memory_space<vmem>>, vector<1x16xf32>,
      %get3A_374 = vector.shape_cast %get3A_373 : vector<1x16xf32> to vector<16xf32>
      %mul3A_375 = arith.mulf %get3A_374, %broadcast_in_dim3A_3 : vector<16xf32>
      %swap3A_376 = arith.index_cast %scan3A_61 : i32 to index
      %swap3A_377 = arith.constant 496 : index
      %swap3A_378 = tpu.vector_load %arg6[%swap3A_376, %swap3A_377] {strides = array<i32>} : memref<32x1024xf32, #tpu.memory_space<vmem>>, vector<1x16xf32>,
      %swap3A_379 = vector.shape_cast %swap3A_378 : vector<1x16xf32> to vector<16xf32>
      %swap3A_380 = vector.shape_cast %mul3A_375 : vector<16xf32> to vector<1x16xf32>
      tpu.vector_store %arg6[%swap3A_376, %swap3A_377], %swap3A_380 {strides = array<i32>} : memref<32x1024xf32, #tpu.memory_space<vmem>>, vector<1x16xf32>,
      %get3A_381 = arith.index_cast %scan3A_61 : i32 to index
      %get3A_382 = arith.constant 512 : index
      %get3A_383 = tpu.vector_load %arg6[%get3A_381, %get3A_382] {strides = array<i32>} : memref<32x1024xf32, #tpu.memory_space<vmem>>, vector<1x16xf32>,
      %get3A_384 = vector.shape_cast %get3A_383 : vector<1x16xf32> to vector<16xf32>
      %mul3A_385 = arith.mulf %get3A_384, %broadcast_in_dim3A_3 : vector<16xf32>
      %swap3A_386 = arith.index_cast %scan3A_61 : i32 to index
      %swap3A_387 = arith.constant 512 : index
      %swap3A_388 = tpu.vector_load %arg6[%swap3A_386, %swap3A_387] {strides = array<i32>} : memref<32x1024xf32, #tpu.memory_space<vmem>>, vector<1x16xf32>,
      %swap3A_389 = vector.shape_cast %swap3A_388 : vector<1x16xf32> to vector<16xf32>
      %swap3A_390 = vector.shape_cast %mul3A_385 : vector<16xf32> to vector<1x16xf32>
      tpu.vector_store %arg6[%swap3A_386, %swap3A_387], %swap3A_390 {strides = array<i32>} : memref<32x1024xf32, #tpu.memory_space<vmem>>, vector<1x16xf32>,
      %get3A_391 = arith.index_cast %scan3A_61 : i32 to index
      %get3A_392 = arith.constant 528 : index
      %get3A_393 = tpu.vector_load %arg6[%get3A_391, %get3A_392] {strides = array<i32>} : memref<32x1024xf32, #tpu.memory_space<vmem>>, vector<1x16xf32>,
      %get3A_394 = vector.shape_cast %get3A_393 : vector<1x16xf32> to vector<16xf32>
      %mul3A_395 = arith.mulf %get3A_394, %broadcast_in_dim3A_3 : vector<16xf32>
      %swap3A_396 = arith.index_cast %scan3A_61 : i32 to index
      %swap3A_397 = arith.constant 528 : index
      %swap3A_398 = tpu.vector_load %arg6[%swap3A_396, %swap3A_397] {strides = array<i32>} : memref<32x1024xf32, #tpu.memory_space<vmem>>, vector<1x16xf32>,
      %swap3A_399 = vector.shape_cast %swap3A_398 : vector<1x16xf32> to vector<16xf32>
      %swap3A_400 = vector.shape_cast %mul3A_395 : vector<16xf32> to vector<1x16xf32>
      tpu.vector_store %arg6[%swap3A_396, %swap3A_397], %swap3A_400 {strides = array<i32>} : memref<32x1024xf32, #tpu.memory_space<vmem>>, vector<1x16xf32>,
      %get3A_401 = arith.index_cast %scan3A_61 : i32 to index
      %get3A_402 = arith.constant 544 : index
      %get3A_403 = tpu.vector_load %arg6[%get3A_401, %get3A_402] {strides = array<i32>} : memref<32x1024xf32, #tpu.memory_space<vmem>>, vector<1x16xf32>,
      %get3A_404 = vector.shape_cast %get3A_403 : vector<1x16xf32> to vector<16xf32>
      %mul3A_405 = arith.mulf %get3A_404, %broadcast_in_dim3A_3 : vector<16xf32>
      %swap3A_406 = arith.index_cast %scan3A_61 : i32 to index
      %swap3A_407 = arith.constant 544 : index
      %swap3A_408 = tpu.vector_load %arg6[%swap3A_406, %swap3A_407] {strides = array<i32>} : memref<32x1024xf32, #tpu.memory_space<vmem>>, vector<1x16xf32>,
      %swap3A_409 = vector.shape_cast %swap3A_408 : vector<1x16xf32> to vector<16xf32>
      %swap3A_410 = vector.shape_cast %mul3A_405 : vector<16xf32> to vector<1x16xf32>
      tpu.vector_store %arg6[%swap3A_406, %swap3A_407], %swap3A_410 {strides = array<i32>} : memref<32x1024xf32, #tpu.memory_space<vmem>>, vector<1x16xf32>,
      %get3A_411 = arith.index_cast %scan3A_61 : i32 to index
      %get3A_412 = arith.constant 560 : index
      %get3A_413 = tpu.vector_load %arg6[%get3A_411, %get3A_412] {strides = array<i32>} : memref<32x1024xf32, #tpu.memory_space<vmem>>, vector<1x16xf32>,
      %get3A_414 = vector.shape_cast %get3A_413 : vector<1x16xf32> to vector<16xf32>
      %mul3A_415 = arith.mulf %get3A_414, %broadcast_in_dim3A_3 : vector<16xf32>
      %swap3A_416 = arith.index_cast %scan3A_61 : i32 to index
      %swap3A_417 = arith.constant 560 : index
      %swap3A_418 = tpu.vector_load %arg6[%swap3A_416, %swap3A_417] {strides = array<i32>} : memref<32x1024xf32, #tpu.memory_space<vmem>>, vector<1x16xf32>,
      %swap3A_419 = vector.shape_cast %swap3A_418 : vector<1x16xf32> to vector<16xf32>
      %swap3A_420 = vector.shape_cast %mul3A_415 : vector<16xf32> to vector<1x16xf32>
      tpu.vector_store %arg6[%swap3A_416, %swap3A_417], %swap3A_420 {strides = array<i32>} : memref<32x1024xf32, #tpu.memory_space<vmem>>, vector<1x16xf32>,
      %get3A_421 = arith.index_cast %scan3A_61 : i32 to index
      %get3A_422 = arith.constant 576 : index
      %get3A_423 = tpu.vector_load %arg6[%get3A_421, %get3A_422] {strides = array<i32>} : memref<32x1024xf32, #tpu.memory_space<vmem>>, vector<1x16xf32>,
      %get3A_424 = vector.shape_cast %get3A_423 : vector<1x16xf32> to vector<16xf32>
      %mul3A_425 = arith.mulf %get3A_424, %broadcast_in_dim3A_3 : vector<16xf32>
      %swap3A_426 = arith.index_cast %scan3A_61 : i32 to index
      %swap3A_427 = arith.constant 576 : index
      %swap3A_428 = tpu.vector_load %arg6[%swap3A_426, %swap3A_427] {strides = array<i32>} : memref<32x1024xf32, #tpu.memory_space<vmem>>, vector<1x16xf32>,
      %swap3A_429 = vector.shape_cast %swap3A_428 : vector<1x16xf32> to vector<16xf32>
      %swap3A_430 = vector.shape_cast %mul3A_425 : vector<16xf32> to vector<1x16xf32>
      tpu.vector_store %arg6[%swap3A_426, %swap3A_427], %swap3A_430 {strides = array<i32>} : memref<32x1024xf32, #tpu.memory_space<vmem>>, vector<1x16xf32>,
      %get3A_431 = arith.index_cast %scan3A_61 : i32 to index
      %get3A_432 = arith.constant 592 : index
      %get3A_433 = tpu.vector_load %arg6[%get3A_431, %get3A_432] {strides = array<i32>} : memref<32x1024xf32, #tpu.memory_space<vmem>>, vector<1x16xf32>,
      %get3A_434 = vector.shape_cast %get3A_433 : vector<1x16xf32> to vector<16xf32>
      %mul3A_435 = arith.mulf %get3A_434, %broadcast_in_dim3A_3 : vector<16xf32>
      %swap3A_436 = arith.index_cast %scan3A_61 : i32 to index
      %swap3A_437 = arith.constant 592 : index
      %swap3A_438 = tpu.vector_load %arg6[%swap3A_436, %swap3A_437] {strides = array<i32>} : memref<32x1024xf32, #tpu.memory_space<vmem>>, vector<1x16xf32>,
      %swap3A_439 = vector.shape_cast %swap3A_438 : vector<1x16xf32> to vector<16xf32>
      %swap3A_440 = vector.shape_cast %mul3A_435 : vector<16xf32> to vector<1x16xf32>
      tpu.vector_store %arg6[%swap3A_436, %swap3A_437], %swap3A_440 {strides = array<i32>} : memref<32x1024xf32, #tpu.memory_space<vmem>>, vector<1x16xf32>,
      %get3A_441 = arith.index_cast %scan3A_61 : i32 to index
      %get3A_442 = arith.constant 608 : index
      %get3A_443 = tpu.vector_load %arg6[%get3A_441, %get3A_442] {strides = array<i32>} : memref<32x1024xf32, #tpu.memory_space<vmem>>, vector<1x16xf32>,
      %get3A_444 = vector.shape_cast %get3A_443 : vector<1x16xf32> to vector<16xf32>
      %mul3A_445 = arith.mulf %get3A_444, %broadcast_in_dim3A_3 : vector<16xf32>
      %swap3A_446 = arith.index_cast %scan3A_61 : i32 to index
      %swap3A_447 = arith.constant 608 : index
      %swap3A_448 = tpu.vector_load %arg6[%swap3A_446, %swap3A_447] {strides = array<i32>} : memref<32x1024xf32, #tpu.memory_space<vmem>>, vector<1x16xf32>,
      %swap3A_449 = vector.shape_cast %swap3A_448 : vector<1x16xf32> to vector<16xf32>
      %swap3A_450 = vector.shape_cast %mul3A_445 : vector<16xf32> to vector<1x16xf32>
      tpu.vector_store %arg6[%swap3A_446, %swap3A_447], %swap3A_450 {strides = array<i32>} : memref<32x1024xf32, #tpu.memory_space<vmem>>, vector<1x16xf32>,
      %get3A_451 = arith.index_cast %scan3A_61 : i32 to index
      %get3A_452 = arith.constant 624 : index
      %get3A_453 = tpu.vector_load %arg6[%get3A_451, %get3A_452] {strides = array<i32>} : memref<32x1024xf32, #tpu.memory_space<vmem>>, vector<1x16xf32>,
      %get3A_454 = vector.shape_cast %get3A_453 : vector<1x16xf32> to vector<16xf32>
      %mul3A_455 = arith.mulf %get3A_454, %broadcast_in_dim3A_3 : vector<16xf32>
      %swap3A_456 = arith.index_cast %scan3A_61 : i32 to index
      %swap3A_457 = arith.constant 624 : index
      %swap3A_458 = tpu.vector_load %arg6[%swap3A_456, %swap3A_457] {strides = array<i32>} : memref<32x1024xf32, #tpu.memory_space<vmem>>, vector<1x16xf32>,
      %swap3A_459 = vector.shape_cast %swap3A_458 : vector<1x16xf32> to vector<16xf32>
      %swap3A_460 = vector.shape_cast %mul3A_455 : vector<16xf32> to vector<1x16xf32>
      tpu.vector_store %arg6[%swap3A_456, %swap3A_457], %swap3A_460 {strides = array<i32>} : memref<32x1024xf32, #tpu.memory_space<vmem>>, vector<1x16xf32>,
      %get3A_461 = arith.index_cast %scan3A_61 : i32 to index
      %get3A_462 = arith.constant 640 : index
      %get3A_463 = tpu.vector_load %arg6[%get3A_461, %get3A_462] {strides = array<i32>} : memref<32x1024xf32, #tpu.memory_space<vmem>>, vector<1x16xf32>,
      %get3A_464 = vector.shape_cast %get3A_463 : vector<1x16xf32> to vector<16xf32>
      %mul3A_465 = arith.mulf %get3A_464, %broadcast_in_dim3A_3 : vector<16xf32>
      %swap3A_466 = arith.index_cast %scan3A_61 : i32 to index
      %swap3A_467 = arith.constant 640 : index
      %swap3A_468 = tpu.vector_load %arg6[%swap3A_466, %swap3A_467] {strides = array<i32>} : memref<32x1024xf32, #tpu.memory_space<vmem>>, vector<1x16xf32>,
      %swap3A_469 = vector.shape_cast %swap3A_468 : vector<1x16xf32> to vector<16xf32>
      %swap3A_470 = vector.shape_cast %mul3A_465 : vector<16xf32> to vector<1x16xf32>
      tpu.vector_store %arg6[%swap3A_466, %swap3A_467], %swap3A_470 {strides = array<i32>} : memref<32x1024xf32, #tpu.memory_space<vmem>>, vector<1x16xf32>,
      %get3A_471 = arith.index_cast %scan3A_61 : i32 to index
      %get3A_472 = arith.constant 656 : index
      %get3A_473 = tpu.vector_load %arg6[%get3A_471, %get3A_472] {strides = array<i32>} : memref<32x1024xf32, #tpu.memory_space<vmem>>, vector<1x16xf32>,
      %get3A_474 = vector.shape_cast %get3A_473 : vector<1x16xf32> to vector<16xf32>
      %mul3A_475 = arith.mulf %get3A_474, %broadcast_in_dim3A_3 : vector<16xf32>
      %swap3A_476 = arith.index_cast %scan3A_61 : i32 to index
      %swap3A_477 = arith.constant 656 : index
      %swap3A_478 = tpu.vector_load %arg6[%swap3A_476, %swap3A_477] {strides = array<i32>} : memref<32x1024xf32, #tpu.memory_space<vmem>>, vector<1x16xf32>,
      %swap3A_479 = vector.shape_cast %swap3A_478 : vector<1x16xf32> to vector<16xf32>
      %swap3A_480 = vector.shape_cast %mul3A_475 : vector<16xf32> to vector<1x16xf32>
      tpu.vector_store %arg6[%swap3A_476, %swap3A_477], %swap3A_480 {strides = array<i32>} : memref<32x1024xf32, #tpu.memory_space<vmem>>, vector<1x16xf32>,
      %get3A_481 = arith.index_cast %scan3A_61 : i32 to index
      %get3A_482 = arith.constant 672 : index
      %get3A_483 = tpu.vector_load %arg6[%get3A_481, %get3A_482] {strides = array<i32>} : memref<32x1024xf32, #tpu.memory_space<vmem>>, vector<1x16xf32>,
      %get3A_484 = vector.shape_cast %get3A_483 : vector<1x16xf32> to vector<16xf32>
      %mul3A_485 = arith.mulf %get3A_484, %broadcast_in_dim3A_3 : vector<16xf32>
      %swap3A_486 = arith.index_cast %scan3A_61 : i32 to index
      %swap3A_487 = arith.constant 672 : index
      %swap3A_488 = tpu.vector_load %arg6[%swap3A_486, %swap3A_487] {strides = array<i32>} : memref<32x1024xf32, #tpu.memory_space<vmem>>, vector<1x16xf32>,
      %swap3A_489 = vector.shape_cast %swap3A_488 : vector<1x16xf32> to vector<16xf32>
      %swap3A_490 = vector.shape_cast %mul3A_485 : vector<16xf32> to vector<1x16xf32>
      tpu.vector_store %arg6[%swap3A_486, %swap3A_487], %swap3A_490 {strides = array<i32>} : memref<32x1024xf32, #tpu.memory_space<vmem>>, vector<1x16xf32>,
      %get3A_491 = arith.index_cast %scan3A_61 : i32 to index
      %get3A_492 = arith.constant 688 : index
      %get3A_493 = tpu.vector_load %arg6[%get3A_491, %get3A_492] {strides = array<i32>} : memref<32x1024xf32, #tpu.memory_space<vmem>>, vector<1x16xf32>,
      %get3A_494 = vector.shape_cast %get3A_493 : vector<1x16xf32> to vector<16xf32>
      %mul3A_495 = arith.mulf %get3A_494, %broadcast_in_dim3A_3 : vector<16xf32>
      %swap3A_496 = arith.index_cast %scan3A_61 : i32 to index
      %swap3A_497 = arith.constant 688 : index
      %swap3A_498 = tpu.vector_load %arg6[%swap3A_496, %swap3A_497] {strides = array<i32>} : memref<32x1024xf32, #tpu.memory_space<vmem>>, vector<1x16xf32>,
      %swap3A_499 = vector.shape_cast %swap3A_498 : vector<1x16xf32> to vector<16xf32>
      %swap3A_500 = vector.shape_cast %mul3A_495 : vector<16xf32> to vector<1x16xf32>
      tpu.vector_store %arg6[%swap3A_496, %swap3A_497], %swap3A_500 {strides = array<i32>} : memref<32x1024xf32, #tpu.memory_space<vmem>>, vector<1x16xf32>,
      %get3A_501 = arith.index_cast %scan3A_61 : i32 to index
      %get3A_502 = arith.constant 704 : index
      %get3A_503 = tpu.vector_load %arg6[%get3A_501, %get3A_502] {strides = array<i32>} : memref<32x1024xf32, #tpu.memory_space<vmem>>, vector<1x16xf32>,
      %get3A_504 = vector.shape_cast %get3A_503 : vector<1x16xf32> to vector<16xf32>
      %mul3A_505 = arith.mulf %get3A_504, %broadcast_in_dim3A_3 : vector<16xf32>
      %swap3A_506 = arith.index_cast %scan3A_61 : i32 to index
      %swap3A_507 = arith.constant 704 : index
      %swap3A_508 = tpu.vector_load %arg6[%swap3A_506, %swap3A_507] {strides = array<i32>} : memref<32x1024xf32, #tpu.memory_space<vmem>>, vector<1x16xf32>,
      %swap3A_509 = vector.shape_cast %swap3A_508 : vector<1x16xf32> to vector<16xf32>
      %swap3A_510 = vector.shape_cast %mul3A_505 : vector<16xf32> to vector<1x16xf32>
      tpu.vector_store %arg6[%swap3A_506, %swap3A_507], %swap3A_510 {strides = array<i32>} : memref<32x1024xf32, #tpu.memory_space<vmem>>, vector<1x16xf32>,
      %get3A_511 = arith.index_cast %scan3A_61 : i32 to index
      %get3A_512 = arith.constant 720 : index
      %get3A_513 = tpu.vector_load %arg6[%get3A_511, %get3A_512] {strides = array<i32>} : memref<32x1024xf32, #tpu.memory_space<vmem>>, vector<1x16xf32>,
      %get3A_514 = vector.shape_cast %get3A_513 : vector<1x16xf32> to vector<16xf32>
      %mul3A_515 = arith.mulf %get3A_514, %broadcast_in_dim3A_3 : vector<16xf32>
      %swap3A_516 = arith.index_cast %scan3A_61 : i32 to index
      %swap3A_517 = arith.constant 720 : index
      %swap3A_518 = tpu.vector_load %arg6[%swap3A_516, %swap3A_517] {strides = array<i32>} : memref<32x1024xf32, #tpu.memory_space<vmem>>, vector<1x16xf32>,
      %swap3A_519 = vector.shape_cast %swap3A_518 : vector<1x16xf32> to vector<16xf32>
      %swap3A_520 = vector.shape_cast %mul3A_515 : vector<16xf32> to vector<1x16xf32>
      tpu.vector_store %arg6[%swap3A_516, %swap3A_517], %swap3A_520 {strides = array<i32>} : memref<32x1024xf32, #tpu.memory_space<vmem>>, vector<1x16xf32>,
      %get3A_521 = arith.index_cast %scan3A_61 : i32 to index
      %get3A_522 = arith.constant 736 : index
      %get3A_523 = tpu.vector_load %arg6[%get3A_521, %get3A_522] {strides = array<i32>} : memref<32x1024xf32, #tpu.memory_space<vmem>>, vector<1x16xf32>,
      %get3A_524 = vector.shape_cast %get3A_523 : vector<1x16xf32> to vector<16xf32>
      %mul3A_525 = arith.mulf %get3A_524, %broadcast_in_dim3A_3 : vector<16xf32>
      %swap3A_526 = arith.index_cast %scan3A_61 : i32 to index
      %swap3A_527 = arith.constant 736 : index
      %swap3A_528 = tpu.vector_load %arg6[%swap3A_526, %swap3A_527] {strides = array<i32>} : memref<32x1024xf32, #tpu.memory_space<vmem>>, vector<1x16xf32>,
      %swap3A_529 = vector.shape_cast %swap3A_528 : vector<1x16xf32> to vector<16xf32>
      %swap3A_530 = vector.shape_cast %mul3A_525 : vector<16xf32> to vector<1x16xf32>
      tpu.vector_store %arg6[%swap3A_526, %swap3A_527], %swap3A_530 {strides = array<i32>} : memref<32x1024xf32, #tpu.memory_space<vmem>>, vector<1x16xf32>,
      %get3A_531 = arith.index_cast %scan3A_61 : i32 to index
      %get3A_532 = arith.constant 752 : index
      %get3A_533 = tpu.vector_load %arg6[%get3A_531, %get3A_532] {strides = array<i32>} : memref<32x1024xf32, #tpu.memory_space<vmem>>, vector<1x16xf32>,
      %get3A_534 = vector.shape_cast %get3A_533 : vector<1x16xf32> to vector<16xf32>
      %mul3A_535 = arith.mulf %get3A_534, %broadcast_in_dim3A_3 : vector<16xf32>
      %swap3A_536 = arith.index_cast %scan3A_61 : i32 to index
      %swap3A_537 = arith.constant 752 : index
      %swap3A_538 = tpu.vector_load %arg6[%swap3A_536, %swap3A_537] {strides = array<i32>} : memref<32x1024xf32, #tpu.memory_space<vmem>>, vector<1x16xf32>,
      %swap3A_539 = vector.shape_cast %swap3A_538 : vector<1x16xf32> to vector<16xf32>
      %swap3A_540 = vector.shape_cast %mul3A_535 : vector<16xf32> to vector<1x16xf32>
      tpu.vector_store %arg6[%swap3A_536, %swap3A_537], %swap3A_540 {strides = array<i32>} : memref<32x1024xf32, #tpu.memory_space<vmem>>, vector<1x16xf32>,
      %get3A_541 = arith.index_cast %scan3A_61 : i32 to index
      %get3A_542 = arith.constant 768 : index
      %get3A_543 = tpu.vector_load %arg6[%get3A_541, %get3A_542] {strides = array<i32>} : memref<32x1024xf32, #tpu.memory_space<vmem>>, vector<1x16xf32>,
      %get3A_544 = vector.shape_cast %get3A_543 : vector<1x16xf32> to vector<16xf32>
      %mul3A_545 = arith.mulf %get3A_544, %broadcast_in_dim3A_3 : vector<16xf32>
      %swap3A_546 = arith.index_cast %scan3A_61 : i32 to index
      %swap3A_547 = arith.constant 768 : index
      %swap3A_548 = tpu.vector_load %arg6[%swap3A_546, %swap3A_547] {strides = array<i32>} : memref<32x1024xf32, #tpu.memory_space<vmem>>, vector<1x16xf32>,
      %swap3A_549 = vector.shape_cast %swap3A_548 : vector<1x16xf32> to vector<16xf32>
      %swap3A_550 = vector.shape_cast %mul3A_545 : vector<16xf32> to vector<1x16xf32>
      tpu.vector_store %arg6[%swap3A_546, %swap3A_547], %swap3A_550 {strides = array<i32>} : memref<32x1024xf32, #tpu.memory_space<vmem>>, vector<1x16xf32>,
      %get3A_551 = arith.index_cast %scan3A_61 : i32 to index
      %get3A_552 = arith.constant 784 : index
      %get3A_553 = tpu.vector_load %arg6[%get3A_551, %get3A_552] {strides = array<i32>} : memref<32x1024xf32, #tpu.memory_space<vmem>>, vector<1x16xf32>,
      %get3A_554 = vector.shape_cast %get3A_553 : vector<1x16xf32> to vector<16xf32>
      %mul3A_555 = arith.mulf %get3A_554, %broadcast_in_dim3A_3 : vector<16xf32>
      %swap3A_556 = arith.index_cast %scan3A_61 : i32 to index
      %swap3A_557 = arith.constant 784 : index
      %swap3A_558 = tpu.vector_load %arg6[%swap3A_556, %swap3A_557] {strides = array<i32>} : memref<32x1024xf32, #tpu.memory_space<vmem>>, vector<1x16xf32>,
      %swap3A_559 = vector.shape_cast %swap3A_558 : vector<1x16xf32> to vector<16xf32>
      %swap3A_560 = vector.shape_cast %mul3A_555 : vector<16xf32> to vector<1x16xf32>
      tpu.vector_store %arg6[%swap3A_556, %swap3A_557], %swap3A_560 {strides = array<i32>} : memref<32x1024xf32, #tpu.memory_space<vmem>>, vector<1x16xf32>,
      %get3A_561 = arith.index_cast %scan3A_61 : i32 to index
      %get3A_562 = arith.constant 800 : index
      %get3A_563 = tpu.vector_load %arg6[%get3A_561, %get3A_562] {strides = array<i32>} : memref<32x1024xf32, #tpu.memory_space<vmem>>, vector<1x16xf32>,
      %get3A_564 = vector.shape_cast %get3A_563 : vector<1x16xf32> to vector<16xf32>
      %mul3A_565 = arith.mulf %get3A_564, %broadcast_in_dim3A_3 : vector<16xf32>
      %swap3A_566 = arith.index_cast %scan3A_61 : i32 to index
      %swap3A_567 = arith.constant 800 : index
      %swap3A_568 = tpu.vector_load %arg6[%swap3A_566, %swap3A_567] {strides = array<i32>} : memref<32x1024xf32, #tpu.memory_space<vmem>>, vector<1x16xf32>,
      %swap3A_569 = vector.shape_cast %swap3A_568 : vector<1x16xf32> to vector<16xf32>
      %swap3A_570 = vector.shape_cast %mul3A_565 : vector<16xf32> to vector<1x16xf32>
      tpu.vector_store %arg6[%swap3A_566, %swap3A_567], %swap3A_570 {strides = array<i32>} : memref<32x1024xf32, #tpu.memory_space<vmem>>, vector<1x16xf32>,
      %get3A_571 = arith.index_cast %scan3A_61 : i32 to index
      %get3A_572 = arith.constant 816 : index
      %get3A_573 = tpu.vector_load %arg6[%get3A_571, %get3A_572] {strides = array<i32>} : memref<32x1024xf32, #tpu.memory_space<vmem>>, vector<1x16xf32>,
      %get3A_574 = vector.shape_cast %get3A_573 : vector<1x16xf32> to vector<16xf32>
      %mul3A_575 = arith.mulf %get3A_574, %broadcast_in_dim3A_3 : vector<16xf32>
      %swap3A_576 = arith.index_cast %scan3A_61 : i32 to index
      %swap3A_577 = arith.constant 816 : index
      %swap3A_578 = tpu.vector_load %arg6[%swap3A_576, %swap3A_577] {strides = array<i32>} : memref<32x1024xf32, #tpu.memory_space<vmem>>, vector<1x16xf32>,
      %swap3A_579 = vector.shape_cast %swap3A_578 : vector<1x16xf32> to vector<16xf32>
      %swap3A_580 = vector.shape_cast %mul3A_575 : vector<16xf32> to vector<1x16xf32>
      tpu.vector_store %arg6[%swap3A_576, %swap3A_577], %swap3A_580 {strides = array<i32>} : memref<32x1024xf32, #tpu.memory_space<vmem>>, vector<1x16xf32>,
      %get3A_581 = arith.index_cast %scan3A_61 : i32 to index
      %get3A_582 = arith.constant 832 : index
      %get3A_583 = tpu.vector_load %arg6[%get3A_581, %get3A_582] {strides = array<i32>} : memref<32x1024xf32, #tpu.memory_space<vmem>>, vector<1x16xf32>,
      %get3A_584 = vector.shape_cast %get3A_583 : vector<1x16xf32> to vector<16xf32>
      %mul3A_585 = arith.mulf %get3A_584, %broadcast_in_dim3A_3 : vector<16xf32>
      %swap3A_586 = arith.index_cast %scan3A_61 : i32 to index
      %swap3A_587 = arith.constant 832 : index
      %swap3A_588 = tpu.vector_load %arg6[%swap3A_586, %swap3A_587] {strides = array<i32>} : memref<32x1024xf32, #tpu.memory_space<vmem>>, vector<1x16xf32>,
      %swap3A_589 = vector.shape_cast %swap3A_588 : vector<1x16xf32> to vector<16xf32>
      %swap3A_590 = vector.shape_cast %mul3A_585 : vector<16xf32> to vector<1x16xf32>
      tpu.vector_store %arg6[%swap3A_586, %swap3A_587], %swap3A_590 {strides = array<i32>} : memref<32x1024xf32, #tpu.memory_space<vmem>>, vector<1x16xf32>,
      %get3A_591 = arith.index_cast %scan3A_61 : i32 to index
      %get3A_592 = arith.constant 848 : index
      %get3A_593 = tpu.vector_load %arg6[%get3A_591, %get3A_592] {strides = array<i32>} : memref<32x1024xf32, #tpu.memory_space<vmem>>, vector<1x16xf32>,
      %get3A_594 = vector.shape_cast %get3A_593 : vector<1x16xf32> to vector<16xf32>
      %mul3A_595 = arith.mulf %get3A_594, %broadcast_in_dim3A_3 : vector<16xf32>
      %swap3A_596 = arith.index_cast %scan3A_61 : i32 to index
      %swap3A_597 = arith.constant 848 : index
      %swap3A_598 = tpu.vector_load %arg6[%swap3A_596, %swap3A_597] {strides = array<i32>} : memref<32x1024xf32, #tpu.memory_space<vmem>>, vector<1x16xf32>,
      %swap3A_599 = vector.shape_cast %swap3A_598 : vector<1x16xf32> to vector<16xf32>
      %swap3A_600 = vector.shape_cast %mul3A_595 : vector<16xf32> to vector<1x16xf32>
      tpu.vector_store %arg6[%swap3A_596, %swap3A_597], %swap3A_600 {strides = array<i32>} : memref<32x1024xf32, #tpu.memory_space<vmem>>, vector<1x16xf32>,
      %get3A_601 = arith.index_cast %scan3A_61 : i32 to index
      %get3A_602 = arith.constant 864 : index
      %get3A_603 = tpu.vector_load %arg6[%get3A_601, %get3A_602] {strides = array<i32>} : memref<32x1024xf32, #tpu.memory_space<vmem>>, vector<1x16xf32>,
      %get3A_604 = vector.shape_cast %get3A_603 : vector<1x16xf32> to vector<16xf32>
      %mul3A_605 = arith.mulf %get3A_604, %broadcast_in_dim3A_3 : vector<16xf32>
      %swap3A_606 = arith.index_cast %scan3A_61 : i32 to index
      %swap3A_607 = arith.constant 864 : index
      %swap3A_608 = tpu.vector_load %arg6[%swap3A_606, %swap3A_607] {strides = array<i32>} : memref<32x1024xf32, #tpu.memory_space<vmem>>, vector<1x16xf32>,
      %swap3A_609 = vector.shape_cast %swap3A_608 : vector<1x16xf32> to vector<16xf32>
      %swap3A_610 = vector.shape_cast %mul3A_605 : vector<16xf32> to vector<1x16xf32>
      tpu.vector_store %arg6[%swap3A_606, %swap3A_607], %swap3A_610 {strides = array<i32>} : memref<32x1024xf32, #tpu.memory_space<vmem>>, vector<1x16xf32>,
      %get3A_611 = arith.index_cast %scan3A_61 : i32 to index
      %get3A_612 = arith.constant 880 : index
      %get3A_613 = tpu.vector_load %arg6[%get3A_611, %get3A_612] {strides = array<i32>} : memref<32x1024xf32, #tpu.memory_space<vmem>>, vector<1x16xf32>,
      %get3A_614 = vector.shape_cast %get3A_613 : vector<1x16xf32> to vector<16xf32>
      %mul3A_615 = arith.mulf %get3A_614, %broadcast_in_dim3A_3 : vector<16xf32>
      %swap3A_616 = arith.index_cast %scan3A_61 : i32 to index
      %swap3A_617 = arith.constant 880 : index
      %swap3A_618 = tpu.vector_load %arg6[%swap3A_616, %swap3A_617] {strides = array<i32>} : memref<32x1024xf32, #tpu.memory_space<vmem>>, vector<1x16xf32>,
      %swap3A_619 = vector.shape_cast %swap3A_618 : vector<1x16xf32> to vector<16xf32>
      %swap3A_620 = vector.shape_cast %mul3A_615 : vector<16xf32> to vector<1x16xf32>
      tpu.vector_store %arg6[%swap3A_616, %swap3A_617], %swap3A_620 {strides = array<i32>} : memref<32x1024xf32, #tpu.memory_space<vmem>>, vector<1x16xf32>,
      %get3A_621 = arith.index_cast %scan3A_61 : i32 to index
      %get3A_622 = arith.constant 896 : index
      %get3A_623 = tpu.vector_load %arg6[%get3A_621, %get3A_622] {strides = array<i32>} : memref<32x1024xf32, #tpu.memory_space<vmem>>, vector<1x16xf32>,
      %get3A_624 = vector.shape_cast %get3A_623 : vector<1x16xf32> to vector<16xf32>
      %mul3A_625 = arith.mulf %get3A_624, %broadcast_in_dim3A_3 : vector<16xf32>
      %swap3A_626 = arith.index_cast %scan3A_61 : i32 to index
      %swap3A_627 = arith.constant 896 : index
      %swap3A_628 = tpu.vector_load %arg6[%swap3A_626, %swap3A_627] {strides = array<i32>} : memref<32x1024xf32, #tpu.memory_space<vmem>>, vector<1x16xf32>,
      %swap3A_629 = vector.shape_cast %swap3A_628 : vector<1x16xf32> to vector<16xf32>
      %swap3A_630 = vector.shape_cast %mul3A_625 : vector<16xf32> to vector<1x16xf32>
      tpu.vector_store %arg6[%swap3A_626, %swap3A_627], %swap3A_630 {strides = array<i32>} : memref<32x1024xf32, #tpu.memory_space<vmem>>, vector<1x16xf32>,
      %get3A_631 = arith.index_cast %scan3A_61 : i32 to index
      %get3A_632 = arith.constant 912 : index
      %get3A_633 = tpu.vector_load %arg6[%get3A_631, %get3A_632] {strides = array<i32>} : memref<32x1024xf32, #tpu.memory_space<vmem>>, vector<1x16xf32>,
      %get3A_634 = vector.shape_cast %get3A_633 : vector<1x16xf32> to vector<16xf32>
      %mul3A_635 = arith.mulf %get3A_634, %broadcast_in_dim3A_3 : vector<16xf32>
      %swap3A_636 = arith.index_cast %scan3A_61 : i32 to index
      %swap3A_637 = arith.constant 912 : index
      %swap3A_638 = tpu.vector_load %arg6[%swap3A_636, %swap3A_637] {strides = array<i32>} : memref<32x1024xf32, #tpu.memory_space<vmem>>, vector<1x16xf32>,
      %swap3A_639 = vector.shape_cast %swap3A_638 : vector<1x16xf32> to vector<16xf32>
      %swap3A_640 = vector.shape_cast %mul3A_635 : vector<16xf32> to vector<1x16xf32>
      tpu.vector_store %arg6[%swap3A_636, %swap3A_637], %swap3A_640 {strides = array<i32>} : memref<32x1024xf32, #tpu.memory_space<vmem>>, vector<1x16xf32>,
      %get3A_641 = arith.index_cast %scan3A_61 : i32 to index
      %get3A_642 = arith.constant 928 : index
      %get3A_643 = tpu.vector_load %arg6[%get3A_641, %get3A_642] {strides = array<i32>} : memref<32x1024xf32, #tpu.memory_space<vmem>>, vector<1x16xf32>,
      %get3A_644 = vector.shape_cast %get3A_643 : vector<1x16xf32> to vector<16xf32>
      %mul3A_645 = arith.mulf %get3A_644, %broadcast_in_dim3A_3 : vector<16xf32>
      %swap3A_646 = arith.index_cast %scan3A_61 : i32 to index
      %swap3A_647 = arith.constant 928 : index
      %swap3A_648 = tpu.vector_load %arg6[%swap3A_646, %swap3A_647] {strides = array<i32>} : memref<32x1024xf32, #tpu.memory_space<vmem>>, vector<1x16xf32>,
      %swap3A_649 = vector.shape_cast %swap3A_648 : vector<1x16xf32> to vector<16xf32>
      %swap3A_650 = vector.shape_cast %mul3A_645 : vector<16xf32> to vector<1x16xf32>
      tpu.vector_store %arg6[%swap3A_646, %swap3A_647], %swap3A_650 {strides = array<i32>} : memref<32x1024xf32, #tpu.memory_space<vmem>>, vector<1x16xf32>,
      %get3A_651 = arith.index_cast %scan3A_61 : i32 to index
      %get3A_652 = arith.constant 944 : index
      %get3A_653 = tpu.vector_load %arg6[%get3A_651, %get3A_652] {strides = array<i32>} : memref<32x1024xf32, #tpu.memory_space<vmem>>, vector<1x16xf32>,
      %get3A_654 = vector.shape_cast %get3A_653 : vector<1x16xf32> to vector<16xf32>
      %mul3A_655 = arith.mulf %get3A_654, %broadcast_in_dim3A_3 : vector<16xf32>
      %swap3A_656 = arith.index_cast %scan3A_61 : i32 to index
      %swap3A_657 = arith.constant 944 : index
      %swap3A_658 = tpu.vector_load %arg6[%swap3A_656, %swap3A_657] {strides = array<i32>} : memref<32x1024xf32, #tpu.memory_space<vmem>>, vector<1x16xf32>,
      %swap3A_659 = vector.shape_cast %swap3A_658 : vector<1x16xf32> to vector<16xf32>
      %swap3A_660 = vector.shape_cast %mul3A_655 : vector<16xf32> to vector<1x16xf32>
      tpu.vector_store %arg6[%swap3A_656, %swap3A_657], %swap3A_660 {strides = array<i32>} : memref<32x1024xf32, #tpu.memory_space<vmem>>, vector<1x16xf32>,
      %get3A_661 = arith.index_cast %scan3A_61 : i32 to index
      %get3A_662 = arith.constant 960 : index
      %get3A_663 = tpu.vector_load %arg6[%get3A_661, %get3A_662] {strides = array<i32>} : memref<32x1024xf32, #tpu.memory_space<vmem>>, vector<1x16xf32>,
      %get3A_664 = vector.shape_cast %get3A_663 : vector<1x16xf32> to vector<16xf32>
      %mul3A_665 = arith.mulf %get3A_664, %broadcast_in_dim3A_3 : vector<16xf32>
      %swap3A_666 = arith.index_cast %scan3A_61 : i32 to index
      %swap3A_667 = arith.constant 960 : index
      %swap3A_668 = tpu.vector_load %arg6[%swap3A_666, %swap3A_667] {strides = array<i32>} : memref<32x1024xf32, #tpu.memory_space<vmem>>, vector<1x16xf32>,
      %swap3A_669 = vector.shape_cast %swap3A_668 : vector<1x16xf32> to vector<16xf32>
      %swap3A_670 = vector.shape_cast %mul3A_665 : vector<16xf32> to vector<1x16xf32>
      tpu.vector_store %arg6[%swap3A_666, %swap3A_667], %swap3A_670 {strides = array<i32>} : memref<32x1024xf32, #tpu.memory_space<vmem>>, vector<1x16xf32>,
      %get3A_671 = arith.index_cast %scan3A_61 : i32 to index
      %get3A_672 = arith.constant 976 : index
      %get3A_673 = tpu.vector_load %arg6[%get3A_671, %get3A_672] {strides = array<i32>} : memref<32x1024xf32, #tpu.memory_space<vmem>>, vector<1x16xf32>,
      %get3A_674 = vector.shape_cast %get3A_673 : vector<1x16xf32> to vector<16xf32>
      %mul3A_675 = arith.mulf %get3A_674, %broadcast_in_dim3A_3 : vector<16xf32>
      %swap3A_676 = arith.index_cast %scan3A_61 : i32 to index
      %swap3A_677 = arith.constant 976 : index
      %swap3A_678 = tpu.vector_load %arg6[%swap3A_676, %swap3A_677] {strides = array<i32>} : memref<32x1024xf32, #tpu.memory_space<vmem>>, vector<1x16xf32>,
      %swap3A_679 = vector.shape_cast %swap3A_678 : vector<1x16xf32> to vector<16xf32>
      %swap3A_680 = vector.shape_cast %mul3A_675 : vector<16xf32> to vector<1x16xf32>
      tpu.vector_store %arg6[%swap3A_676, %swap3A_677], %swap3A_680 {strides = array<i32>} : memref<32x1024xf32, #tpu.memory_space<vmem>>, vector<1x16xf32>,
      %get3A_681 = arith.index_cast %scan3A_61 : i32 to index
      %get3A_682 = arith.constant 992 : index
      %get3A_683 = tpu.vector_load %arg6[%get3A_681, %get3A_682] {strides = array<i32>} : memref<32x1024xf32, #tpu.memory_space<vmem>>, vector<1x16xf32>,
      %get3A_684 = vector.shape_cast %get3A_683 : vector<1x16xf32> to vector<16xf32>
      %mul3A_685 = arith.mulf %get3A_684, %broadcast_in_dim3A_3 : vector<16xf32>
      %swap3A_686 = arith.index_cast %scan3A_61 : i32 to index
      %swap3A_687 = arith.constant 992 : index
      %swap3A_688 = tpu.vector_load %arg6[%swap3A_686, %swap3A_687] {strides = array<i32>} : memref<32x1024xf32, #tpu.memory_space<vmem>>, vector<1x16xf32>,
      %swap3A_689 = vector.shape_cast %swap3A_688 : vector<1x16xf32> to vector<16xf32>
      %swap3A_690 = vector.shape_cast %mul3A_685 : vector<16xf32> to vector<1x16xf32>
      tpu.vector_store %arg6[%swap3A_686, %swap3A_687], %swap3A_690 {strides = array<i32>} : memref<32x1024xf32, #tpu.memory_space<vmem>>, vector<1x16xf32>,
      %get3A_691 = arith.index_cast %scan3A_61 : i32 to index
      %get3A_692 = arith.constant 1008 : index
      %get3A_693 = tpu.vector_load %arg6[%get3A_691, %get3A_692] {strides = array<i32>} : memref<32x1024xf32, #tpu.memory_space<vmem>>, vector<1x16xf32>,
      %get3A_694 = vector.shape_cast %get3A_693 : vector<1x16xf32> to vector<16xf32>
      %mul3A_695 = arith.mulf %get3A_694, %broadcast_in_dim3A_3 : vector<16xf32>
      %swap3A_696 = arith.index_cast %scan3A_61 : i32 to index
      %swap3A_697 = arith.constant 1008 : index
      %swap3A_698 = tpu.vector_load %arg6[%swap3A_696, %swap3A_697] {strides = array<i32>} : memref<32x1024xf32, #tpu.memory_space<vmem>>, vector<1x16xf32>,
      %swap3A_699 = vector.shape_cast %swap3A_698 : vector<1x16xf32> to vector<16xf32>
      %swap3A_700 = vector.shape_cast %mul3A_695 : vector<16xf32> to vector<1x16xf32>
      tpu.vector_store %arg6[%swap3A_696, %swap3A_697], %swap3A_700 {strides = array<i32>} : memref<32x1024xf32, #tpu.memory_space<vmem>>, vector<1x16xf32>,
      %scan3A_701 = arith.constant 0 : i32
      scf.yield %scan3A_701 : i32
    }
    %scan3A_28 = arith.constant 32 : i32
    %add3A_29 = arith.constant 0 : i32
    %add3A_30 = arith.addi %mul3A_2, %add3A_29 : i32
    %dma_start3A_31 = arith.constant 0 : i32
    %dma_start3A_32 = tpu.memref_slice %arg4[%add3A_30, %dma_start3A_31] : memref<16384x1024xf32, #tpu.memory_space<hbm>> -> memref<32x1024xf32, #tpu.memory_space<hbm>>
    %dma_start3A_33 = arith.constant 0 : i32
    %dma_start3A_34 = tpu.memref_slice %arg4[%add3A_30, %dma_start3A_33] : memref<16384x1024xf32, #tpu.memory_space<hbm>> -> memref<32x1024xf32, #tpu.memory_space<hbm>>
    tpu.enqueue_dma source(%arg6 : memref<32x1024xf32, #tpu.memory_space<vmem>>) target(%dma_start3A_34 : memref<32x1024xf32, #tpu.memory_space<hbm>>) target_semaphore(%arg12 : memref<!tpu.dma_semaphore, #tpu.memory_space<semaphore_mem>>)
    %dma_start3A_35 = arith.constant 2 : i32
    %dma_start3A_36 = arith.constant 0 : i32
    %dma_start3A_37 = tpu.memref_slice %arg5[%dma_start3A_35, %dma_start3A_36] : memref<16x32xi32, #tpu.memory_space<vmem>> -> memref<1x32xi32, #tpu.memory_space<vmem>>
    %dma_start3A_38 = tpu.memref_squeeze %dma_start3A_37 : memref<1x32xi32, #tpu.memory_space<vmem>> -> memref<32xi32, #tpu.memory_space<vmem>>
    %dma_start3A_39 = arith.constant 0 : i32
    %dma_start3A_40 = arith.constant 0 : i32
    %dma_start3A_41 = tpu.memref_slice %arg3[%dma_start3A_39, %dma_start3A_40] : memref<100000x1024xf32, #tpu.memory_space<hbm>> -> memref<100000x1024xf32, #tpu.memory_space<hbm>>
    tpu.enqueue_indirect_dma source(%dma_start3A_41 : memref<100000x1024xf32, #tpu.memory_space<hbm>>) target(%arg8 : memref<32x1024xf32, #tpu.memory_space<vmem>>) offsets(%dma_start3A_38 : memref<32xi32, #tpu.memory_space<vmem>>) semaphore(%arg11 : memref<!tpu.dma_semaphore, #tpu.memory_space<semaphore_mem>>)
    %scan3A_42 = arith.constant 0 : i32
    %scan3A_43 = arith.constant 0 : i32
    %scan3A_44 = arith.constant 5 : i32
    %scan3A_45 = arith.addi %scan3A_43, %scan3A_44 : i32
    %scan3A_46 = arith.constant 1 : i32
    %scan3A_47 = scf.for %scan3A_61 = %scan3A_43 to %scan3A_45 step %scan3A_46 iter_args(%scan3A_62 = %scan3A_42) -> (i32)  : i32 {
      %mul3A_63 = arith.constant 3 : i32
      %mul3A_64 = arith.muli %scan3A_61, %mul3A_63 : i32
      %add3A_65 = arith.constant 1 : i32
      %add3A_66 = arith.addi %add3A_65, %mul3A_64 : i32
      %add3A_67 = arith.constant 0 : i32
      %add3A_68 = arith.addi %add3A_66, %add3A_67 : i32
      %dma_wait3A_69 = arith.constant 0 : i32
      %dma_wait3A_70 = arith.constant 0 : i32
      %dma_wait3A_71 = tpu.memref_slice %arg5[%dma_wait3A_69, %dma_wait3A_70] : memref<16x32xi32, #tpu.memory_space<vmem>> -> memref<1x32xi32, #tpu.memory_space<vmem>>
      %dma_wait3A_72 = tpu.memref_squeeze %dma_wait3A_71 : memref<1x32xi32, #tpu.memory_space<vmem>> -> memref<32xi32, #tpu.memory_space<vmem>>
      %dma_wait3A_73 = arith.constant 0 : i32
      %dma_wait3A_74 = arith.constant 0 : i32
      %dma_wait3A_75 = tpu.memref_slice %arg3[%dma_wait3A_73, %dma_wait3A_74] : memref<100000x1024xf32, #tpu.memory_space<hbm>> -> memref<100000x1024xf32, #tpu.memory_space<hbm>>
      tpu.wait_indirect_dma semaphore(%arg10 : memref<!tpu.dma_semaphore, #tpu.memory_space<semaphore_mem>>) src(%dma_wait3A_75 : memref<100000x1024xf32, #tpu.memory_space<hbm>>) dst(%arg7 : memref<32x1024xf32, #tpu.memory_space<vmem>>)
      %scan3A_76 = arith.constant 0 : i32
      %scan3A_77 = arith.constant 0 : i32
      %scan3A_78 = arith.constant 32 : i32
      %scan3A_79 = arith.addi %scan3A_77, %scan3A_78 : i32
      %scan3A_80 = arith.constant 1 : i32
      %scan3A_81 = scf.for %scan3A_163 = %scan3A_77 to %scan3A_79 step %scan3A_80 iter_args(%scan3A_164 = %scan3A_76) -> (i32)  : i32 {
        %get3A = arith.index_cast %scan3A_163 : i32 to index
        %get3A_165 = arith.constant 0 : index
        %get3A_166 = tpu.vector_load %arg7[%get3A, %get3A_165] {strides = array<i32>} : memref<32x1024xf32, #tpu.memory_space<vmem>>, vector<1x16xf32>,
        %get3A_167 = vector.shape_cast %get3A_166 : vector<1x16xf32> to vector<16xf32>
        %mul3A_168 = arith.mulf %get3A_167, %broadcast_in_dim3A_3 : vector<16xf32>
        %swap3A = arith.index_cast %scan3A_163 : i32 to index
        %swap3A_169 = arith.constant 0 : index
        %swap3A_170 = tpu.vector_load %arg7[%swap3A, %swap3A_169] {strides = array<i32>} : memref<32x1024xf32, #tpu.memory_space<vmem>>, vector<1x16xf32>,
        %swap3A_171 = vector.shape_cast %swap3A_170 : vector<1x16xf32> to vector<16xf32>
        %swap3A_172 = vector.shape_cast %mul3A_168 : vector<16xf32> to vector<1x16xf32>
        tpu.vector_store %arg7[%swap3A, %swap3A_169], %swap3A_172 {strides = array<i32>} : memref<32x1024xf32, #tpu.memory_space<vmem>>, vector<1x16xf32>,
        %get3A_173 = arith.index_cast %scan3A_163 : i32 to index
        %get3A_174 = arith.constant 16 : index
        %get3A_175 = tpu.vector_load %arg7[%get3A_173, %get3A_174] {strides = array<i32>} : memref<32x1024xf32, #tpu.memory_space<vmem>>, vector<1x16xf32>,
        %get3A_176 = vector.shape_cast %get3A_175 : vector<1x16xf32> to vector<16xf32>
        %mul3A_177 = arith.mulf %get3A_176, %broadcast_in_dim3A_3 : vector<16xf32>
        %swap3A_178 = arith.index_cast %scan3A_163 : i32 to index
        %swap3A_179 = arith.constant 16 : index
        %swap3A_180 = tpu.vector_load %arg7[%swap3A_178, %swap3A_179] {strides = array<i32>} : memref<32x1024xf32, #tpu.memory_space<vmem>>, vector<1x16xf32>,
        %swap3A_181 = vector.shape_cast %swap3A_180 : vector<1x16xf32> to vector<16xf32>
        %swap3A_182 = vector.shape_cast %mul3A_177 : vector<16xf32> to vector<1x16xf32>
        tpu.vector_store %arg7[%swap3A_178, %swap3A_179], %swap3A_182 {strides = array<i32>} : memref<32x1024xf32, #tpu.memory_space<vmem>>, vector<1x16xf32>,
        %get3A_183 = arith.index_cast %scan3A_163 : i32 to index
        %get3A_184 = arith.constant 32 : index
        %get3A_185 = tpu.vector_load %arg7[%get3A_183, %get3A_184] {strides = array<i32>} : memref<32x1024xf32, #tpu.memory_space<vmem>>, vector<1x16xf32>,
        %get3A_186 = vector.shape_cast %get3A_185 : vector<1x16xf32> to vector<16xf32>
        %mul3A_187 = arith.mulf %get3A_186, %broadcast_in_dim3A_3 : vector<16xf32>
        %swap3A_188 = arith.index_cast %scan3A_163 : i32 to index
        %swap3A_189 = arith.constant 32 : index
        %swap3A_190 = tpu.vector_load %arg7[%swap3A_188, %swap3A_189] {strides = array<i32>} : memref<32x1024xf32, #tpu.memory_space<vmem>>, vector<1x16xf32>,
        %swap3A_191 = vector.shape_cast %swap3A_190 : vector<1x16xf32> to vector<16xf32>
        %swap3A_192 = vector.shape_cast %mul3A_187 : vector<16xf32> to vector<1x16xf32>
        tpu.vector_store %arg7[%swap3A_188, %swap3A_189], %swap3A_192 {strides = array<i32>} : memref<32x1024xf32, #tpu.memory_space<vmem>>, vector<1x16xf32>,
        %get3A_193 = arith.index_cast %scan3A_163 : i32 to index
        %get3A_194 = arith.constant 48 : index
        %get3A_195 = tpu.vector_load %arg7[%get3A_193, %get3A_194] {strides = array<i32>} : memref<32x1024xf32, #tpu.memory_space<vmem>>, vector<1x16xf32>,
        %get3A_196 = vector.shape_cast %get3A_195 : vector<1x16xf32> to vector<16xf32>
        %mul3A_197 = arith.mulf %get3A_196, %broadcast_in_dim3A_3 : vector<16xf32>
        %swap3A_198 = arith.index_cast %scan3A_163 : i32 to index
        %swap3A_199 = arith.constant 48 : index
        %swap3A_200 = tpu.vector_load %arg7[%swap3A_198, %swap3A_199] {strides = array<i32>} : memref<32x1024xf32, #tpu.memory_space<vmem>>, vector<1x16xf32>,
        %swap3A_201 = vector.shape_cast %swap3A_200 : vector<1x16xf32> to vector<16xf32>
        %swap3A_202 = vector.shape_cast %mul3A_197 : vector<16xf32> to vector<1x16xf32>
        tpu.vector_store %arg7[%swap3A_198, %swap3A_199], %swap3A_202 {strides = array<i32>} : memref<32x1024xf32, #tpu.memory_space<vmem>>, vector<1x16xf32>,
        %get3A_203 = arith.index_cast %scan3A_163 : i32 to index
        %get3A_204 = arith.constant 64 : index
        %get3A_205 = tpu.vector_load %arg7[%get3A_203, %get3A_204] {strides = array<i32>} : memref<32x1024xf32, #tpu.memory_space<vmem>>, vector<1x16xf32>,
        %get3A_206 = vector.shape_cast %get3A_205 : vector<1x16xf32> to vector<16xf32>
        %mul3A_207 = arith.mulf %get3A_206, %broadcast_in_dim3A_3 : vector<16xf32>
        %swap3A_208 = arith.index_cast %scan3A_163 : i32 to index
        %swap3A_209 = arith.constant 64 : index
        %swap3A_210 = tpu.vector_load %arg7[%swap3A_208, %swap3A_209] {strides = array<i32>} : memref<32x1024xf32, #tpu.memory_space<vmem>>, vector<1x16xf32>,
        %swap3A_211 = vector.shape_cast %swap3A_210 : vector<1x16xf32> to vector<16xf32>
        %swap3A_212 = vector.shape_cast %mul3A_207 : vector<16xf32> to vector<1x16xf32>
        tpu.vector_store %arg7[%swap3A_208, %swap3A_209], %swap3A_212 {strides = array<i32>} : memref<32x1024xf32, #tpu.memory_space<vmem>>, vector<1x16xf32>,
        %get3A_213 = arith.index_cast %scan3A_163 : i32 to index
        %get3A_214 = arith.constant 80 : index
        %get3A_215 = tpu.vector_load %arg7[%get3A_213, %get3A_214] {strides = array<i32>} : memref<32x1024xf32, #tpu.memory_space<vmem>>, vector<1x16xf32>,
        %get3A_216 = vector.shape_cast %get3A_215 : vector<1x16xf32> to vector<16xf32>
        %mul3A_217 = arith.mulf %get3A_216, %broadcast_in_dim3A_3 : vector<16xf32>
        %swap3A_218 = arith.index_cast %scan3A_163 : i32 to index
        %swap3A_219 = arith.constant 80 : index
        %swap3A_220 = tpu.vector_load %arg7[%swap3A_218, %swap3A_219] {strides = array<i32>} : memref<32x1024xf32, #tpu.memory_space<vmem>>, vector<1x16xf32>,
        %swap3A_221 = vector.shape_cast %swap3A_220 : vector<1x16xf32> to vector<16xf32>
        %swap3A_222 = vector.shape_cast %mul3A_217 : vector<16xf32> to vector<1x16xf32>
        tpu.vector_store %arg7[%swap3A_218, %swap3A_219], %swap3A_222 {strides = array<i32>} : memref<32x1024xf32, #tpu.memory_space<vmem>>, vector<1x16xf32>,
        %get3A_223 = arith.index_cast %scan3A_163 : i32 to index
        %get3A_224 = arith.constant 96 : index
        %get3A_225 = tpu.vector_load %arg7[%get3A_223, %get3A_224] {strides = array<i32>} : memref<32x1024xf32, #tpu.memory_space<vmem>>, vector<1x16xf32>,
        %get3A_226 = vector.shape_cast %get3A_225 : vector<1x16xf32> to vector<16xf32>
        %mul3A_227 = arith.mulf %get3A_226, %broadcast_in_dim3A_3 : vector<16xf32>
        %swap3A_228 = arith.index_cast %scan3A_163 : i32 to index
        %swap3A_229 = arith.constant 96 : index
        %swap3A_230 = tpu.vector_load %arg7[%swap3A_228, %swap3A_229] {strides = array<i32>} : memref<32x1024xf32, #tpu.memory_space<vmem>>, vector<1x16xf32>,
        %swap3A_231 = vector.shape_cast %swap3A_230 : vector<1x16xf32> to vector<16xf32>
        %swap3A_232 = vector.shape_cast %mul3A_227 : vector<16xf32> to vector<1x16xf32>
        tpu.vector_store %arg7[%swap3A_228, %swap3A_229], %swap3A_232 {strides = array<i32>} : memref<32x1024xf32, #tpu.memory_space<vmem>>, vector<1x16xf32>,
        %get3A_233 = arith.index_cast %scan3A_163 : i32 to index
        %get3A_234 = arith.constant 112 : index
        %get3A_235 = tpu.vector_load %arg7[%get3A_233, %get3A_234] {strides = array<i32>} : memref<32x1024xf32, #tpu.memory_space<vmem>>, vector<1x16xf32>,
        %get3A_236 = vector.shape_cast %get3A_235 : vector<1x16xf32> to vector<16xf32>
        %mul3A_237 = arith.mulf %get3A_236, %broadcast_in_dim3A_3 : vector<16xf32>
        %swap3A_238 = arith.index_cast %scan3A_163 : i32 to index
        %swap3A_239 = arith.constant 112 : index
        %swap3A_240 = tpu.vector_load %arg7[%swap3A_238, %swap3A_239] {strides = array<i32>} : memref<32x1024xf32, #tpu.memory_space<vmem>>, vector<1x16xf32>,
        %swap3A_241 = vector.shape_cast %swap3A_240 : vector<1x16xf32> to vector<16xf32>
        %swap3A_242 = vector.shape_cast %mul3A_237 : vector<16xf32> to vector<1x16xf32>
        tpu.vector_store %arg7[%swap3A_238, %swap3A_239], %swap3A_242 {strides = array<i32>} : memref<32x1024xf32, #tpu.memory_space<vmem>>, vector<1x16xf32>,
        %get3A_243 = arith.index_cast %scan3A_163 : i32 to index
        %get3A_244 = arith.constant 128 : index
        %get3A_245 = tpu.vector_load %arg7[%get3A_243, %get3A_244] {strides = array<i32>} : memref<32x1024xf32, #tpu.memory_space<vmem>>, vector<1x16xf32>,
        %get3A_246 = vector.shape_cast %get3A_245 : vector<1x16xf32> to vector<16xf32>
        %mul3A_247 = arith.mulf %get3A_246, %broadcast_in_dim3A_3 : vector<16xf32>
        %swap3A_248 = arith.index_cast %scan3A_163 : i32 to index
        %swap3A_249 = arith.constant 128 : index
        %swap3A_250 = tpu.vector_load %arg7[%swap3A_248, %swap3A_249] {strides = array<i32>} : memref<32x1024xf32, #tpu.memory_space<vmem>>, vector<1x16xf32>,
        %swap3A_251 = vector.shape_cast %swap3A_250 : vector<1x16xf32> to vector<16xf32>
        %swap3A_252 = vector.shape_cast %mul3A_247 : vector<16xf32> to vector<1x16xf32>
        tpu.vector_store %arg7[%swap3A_248, %swap3A_249], %swap3A_252 {strides = array<i32>} : memref<32x1024xf32, #tpu.memory_space<vmem>>, vector<1x16xf32>,
        %get3A_253 = arith.index_cast %scan3A_163 : i32 to index
        %get3A_254 = arith.constant 144 : index
        %get3A_255 = tpu.vector_load %arg7[%get3A_253, %get3A_254] {strides = array<i32>} : memref<32x1024xf32, #tpu.memory_space<vmem>>, vector<1x16xf32>,
        %get3A_256 = vector.shape_cast %get3A_255 : vector<1x16xf32> to vector<16xf32>
        %mul3A_257 = arith.mulf %get3A_256, %broadcast_in_dim3A_3 : vector<16xf32>
        %swap3A_258 = arith.index_cast %scan3A_163 : i32 to index
        %swap3A_259 = arith.constant 144 : index
        %swap3A_260 = tpu.vector_load %arg7[%swap3A_258, %swap3A_259] {strides = array<i32>} : memref<32x1024xf32, #tpu.memory_space<vmem>>, vector<1x16xf32>,
        %swap3A_261 = vector.shape_cast %swap3A_260 : vector<1x16xf32> to vector<16xf32>
        %swap3A_262 = vector.shape_cast %mul3A_257 : vector<16xf32> to vector<1x16xf32>
        tpu.vector_store %arg7[%swap3A_258, %swap3A_259], %swap3A_262 {strides = array<i32>} : memref<32x1024xf32, #tpu.memory_space<vmem>>, vector<1x16xf32>,
        %get3A_263 = arith.index_cast %scan3A_163 : i32 to index
        %get3A_264 = arith.constant 160 : index
        %get3A_265 = tpu.vector_load %arg7[%get3A_263, %get3A_264] {strides = array<i32>} : memref<32x1024xf32, #tpu.memory_space<vmem>>, vector<1x16xf32>,
        %get3A_266 = vector.shape_cast %get3A_265 : vector<1x16xf32> to vector<16xf32>
        %mul3A_267 = arith.mulf %get3A_266, %broadcast_in_dim3A_3 : vector<16xf32>
        %swap3A_268 = arith.index_cast %scan3A_163 : i32 to index
        %swap3A_269 = arith.constant 160 : index
        %swap3A_270 = tpu.vector_load %arg7[%swap3A_268, %swap3A_269] {strides = array<i32>} : memref<32x1024xf32, #tpu.memory_space<vmem>>, vector<1x16xf32>,
        %swap3A_271 = vector.shape_cast %swap3A_270 : vector<1x16xf32> to vector<16xf32>
        %swap3A_272 = vector.shape_cast %mul3A_267 : vector<16xf32> to vector<1x16xf32>
        tpu.vector_store %arg7[%swap3A_268, %swap3A_269], %swap3A_272 {strides = array<i32>} : memref<32x1024xf32, #tpu.memory_space<vmem>>, vector<1x16xf32>,
        %get3A_273 = arith.index_cast %scan3A_163 : i32 to index
        %get3A_274 = arith.constant 176 : index
        %get3A_275 = tpu.vector_load %arg7[%get3A_273, %get3A_274] {strides = array<i32>} : memref<32x1024xf32, #tpu.memory_space<vmem>>, vector<1x16xf32>,
        %get3A_276 = vector.shape_cast %get3A_275 : vector<1x16xf32> to vector<16xf32>
        %mul3A_277 = arith.mulf %get3A_276, %broadcast_in_dim3A_3 : vector<16xf32>
        %swap3A_278 = arith.index_cast %scan3A_163 : i32 to index
        %swap3A_279 = arith.constant 176 : index
        %swap3A_280 = tpu.vector_load %arg7[%swap3A_278, %swap3A_279] {strides = array<i32>} : memref<32x1024xf32, #tpu.memory_space<vmem>>, vector<1x16xf32>,
        %swap3A_281 = vector.shape_cast %swap3A_280 : vector<1x16xf32> to vector<16xf32>
        %swap3A_282 = vector.shape_cast %mul3A_277 : vector<16xf32> to vector<1x16xf32>
        tpu.vector_store %arg7[%swap3A_278, %swap3A_279], %swap3A_282 {strides = array<i32>} : memref<32x1024xf32, #tpu.memory_space<vmem>>, vector<1x16xf32>,
        %get3A_283 = arith.index_cast %scan3A_163 : i32 to index
        %get3A_284 = arith.constant 192 : index
        %get3A_285 = tpu.vector_load %arg7[%get3A_283, %get3A_284] {strides = array<i32>} : memref<32x1024xf32, #tpu.memory_space<vmem>>, vector<1x16xf32>,
        %get3A_286 = vector.shape_cast %get3A_285 : vector<1x16xf32> to vector<16xf32>
        %mul3A_287 = arith.mulf %get3A_286, %broadcast_in_dim3A_3 : vector<16xf32>
        %swap3A_288 = arith.index_cast %scan3A_163 : i32 to index
        %swap3A_289 = arith.constant 192 : index
        %swap3A_290 = tpu.vector_load %arg7[%swap3A_288, %swap3A_289] {strides = array<i32>} : memref<32x1024xf32, #tpu.memory_space<vmem>>, vector<1x16xf32>,
        %swap3A_291 = vector.shape_cast %swap3A_290 : vector<1x16xf32> to vector<16xf32>
        %swap3A_292 = vector.shape_cast %mul3A_287 : vector<16xf32> to vector<1x16xf32>
        tpu.vector_store %arg7[%swap3A_288, %swap3A_289], %swap3A_292 {strides = array<i32>} : memref<32x1024xf32, #tpu.memory_space<vmem>>, vector<1x16xf32>,
        %get3A_293 = arith.index_cast %scan3A_163 : i32 to index
        %get3A_294 = arith.constant 208 : index
        %get3A_295 = tpu.vector_load %arg7[%get3A_293, %get3A_294] {strides = array<i32>} : memref<32x1024xf32, #tpu.memory_space<vmem>>, vector<1x16xf32>,
        %get3A_296 = vector.shape_cast %get3A_295 : vector<1x16xf32> to vector<16xf32>
        %mul3A_297 = arith.mulf %get3A_296, %broadcast_in_dim3A_3 : vector<16xf32>
        %swap3A_298 = arith.index_cast %scan3A_163 : i32 to index
        %swap3A_299 = arith.constant 208 : index
        %swap3A_300 = tpu.vector_load %arg7[%swap3A_298, %swap3A_299] {strides = array<i32>} : memref<32x1024xf32, #tpu.memory_space<vmem>>, vector<1x16xf32>,
        %swap3A_301 = vector.shape_cast %swap3A_300 : vector<1x16xf32> to vector<16xf32>
        %swap3A_302 = vector.shape_cast %mul3A_297 : vector<16xf32> to vector<1x16xf32>
        tpu.vector_store %arg7[%swap3A_298, %swap3A_299], %swap3A_302 {strides = array<i32>} : memref<32x1024xf32, #tpu.memory_space<vmem>>, vector<1x16xf32>,
        %get3A_303 = arith.index_cast %scan3A_163 : i32 to index
        %get3A_304 = arith.constant 224 : index
        %get3A_305 = tpu.vector_load %arg7[%get3A_303, %get3A_304] {strides = array<i32>} : memref<32x1024xf32, #tpu.memory_space<vmem>>, vector<1x16xf32>,
        %get3A_306 = vector.shape_cast %get3A_305 : vector<1x16xf32> to vector<16xf32>
        %mul3A_307 = arith.mulf %get3A_306, %broadcast_in_dim3A_3 : vector<16xf32>
        %swap3A_308 = arith.index_cast %scan3A_163 : i32 to index
        %swap3A_309 = arith.constant 224 : index
        %swap3A_310 = tpu.vector_load %arg7[%swap3A_308, %swap3A_309] {strides = array<i32>} : memref<32x1024xf32, #tpu.memory_space<vmem>>, vector<1x16xf32>,
        %swap3A_311 = vector.shape_cast %swap3A_310 : vector<1x16xf32> to vector<16xf32>
        %swap3A_312 = vector.shape_cast %mul3A_307 : vector<16xf32> to vector<1x16xf32>
        tpu.vector_store %arg7[%swap3A_308, %swap3A_309], %swap3A_312 {strides = array<i32>} : memref<32x1024xf32, #tpu.memory_space<vmem>>, vector<1x16xf32>,
        %get3A_313 = arith.index_cast %scan3A_163 : i32 to index
        %get3A_314 = arith.constant 240 : index
        %get3A_315 = tpu.vector_load %arg7[%get3A_313, %get3A_314] {strides = array<i32>} : memref<32x1024xf32, #tpu.memory_space<vmem>>, vector<1x16xf32>,
        %get3A_316 = vector.shape_cast %get3A_315 : vector<1x16xf32> to vector<16xf32>
        %mul3A_317 = arith.mulf %get3A_316, %broadcast_in_dim3A_3 : vector<16xf32>
        %swap3A_318 = arith.index_cast %scan3A_163 : i32 to index
        %swap3A_319 = arith.constant 240 : index
        %swap3A_320 = tpu.vector_load %arg7[%swap3A_318, %swap3A_319] {strides = array<i32>} : memref<32x1024xf32, #tpu.memory_space<vmem>>, vector<1x16xf32>,
        %swap3A_321 = vector.shape_cast %swap3A_320 : vector<1x16xf32> to vector<16xf32>
        %swap3A_322 = vector.shape_cast %mul3A_317 : vector<16xf32> to vector<1x16xf32>
        tpu.vector_store %arg7[%swap3A_318, %swap3A_319], %swap3A_322 {strides = array<i32>} : memref<32x1024xf32, #tpu.memory_space<vmem>>, vector<1x16xf32>,
        %get3A_323 = arith.index_cast %scan3A_163 : i32 to index
        %get3A_324 = arith.constant 256 : index
        %get3A_325 = tpu.vector_load %arg7[%get3A_323, %get3A_324] {strides = array<i32>} : memref<32x1024xf32, #tpu.memory_space<vmem>>, vector<1x16xf32>,
        %get3A_326 = vector.shape_cast %get3A_325 : vector<1x16xf32> to vector<16xf32>
        %mul3A_327 = arith.mulf %get3A_326, %broadcast_in_dim3A_3 : vector<16xf32>
        %swap3A_328 = arith.index_cast %scan3A_163 : i32 to index
        %swap3A_329 = arith.constant 256 : index
        %swap3A_330 = tpu.vector_load %arg7[%swap3A_328, %swap3A_329] {strides = array<i32>} : memref<32x1024xf32, #tpu.memory_space<vmem>>, vector<1x16xf32>,
        %swap3A_331 = vector.shape_cast %swap3A_330 : vector<1x16xf32> to vector<16xf32>
        %swap3A_332 = vector.shape_cast %mul3A_327 : vector<16xf32> to vector<1x16xf32>
        tpu.vector_store %arg7[%swap3A_328, %swap3A_329], %swap3A_332 {strides = array<i32>} : memref<32x1024xf32, #tpu.memory_space<vmem>>, vector<1x16xf32>,
        %get3A_333 = arith.index_cast %scan3A_163 : i32 to index
        %get3A_334 = arith.constant 272 : index
        %get3A_335 = tpu.vector_load %arg7[%get3A_333, %get3A_334] {strides = array<i32>} : memref<32x1024xf32, #tpu.memory_space<vmem>>, vector<1x16xf32>,
        %get3A_336 = vector.shape_cast %get3A_335 : vector<1x16xf32> to vector<16xf32>
        %mul3A_337 = arith.mulf %get3A_336, %broadcast_in_dim3A_3 : vector<16xf32>
        %swap3A_338 = arith.index_cast %scan3A_163 : i32 to index
        %swap3A_339 = arith.constant 272 : index
        %swap3A_340 = tpu.vector_load %arg7[%swap3A_338, %swap3A_339] {strides = array<i32>} : memref<32x1024xf32, #tpu.memory_space<vmem>>, vector<1x16xf32>,
        %swap3A_341 = vector.shape_cast %swap3A_340 : vector<1x16xf32> to vector<16xf32>
        %swap3A_342 = vector.shape_cast %mul3A_337 : vector<16xf32> to vector<1x16xf32>
        tpu.vector_store %arg7[%swap3A_338, %swap3A_339], %swap3A_342 {strides = array<i32>} : memref<32x1024xf32, #tpu.memory_space<vmem>>, vector<1x16xf32>,
        %get3A_343 = arith.index_cast %scan3A_163 : i32 to index
        %get3A_344 = arith.constant 288 : index
        %get3A_345 = tpu.vector_load %arg7[%get3A_343, %get3A_344] {strides = array<i32>} : memref<32x1024xf32, #tpu.memory_space<vmem>>, vector<1x16xf32>,
        %get3A_346 = vector.shape_cast %get3A_345 : vector<1x16xf32> to vector<16xf32>
        %mul3A_347 = arith.mulf %get3A_346, %broadcast_in_dim3A_3 : vector<16xf32>
        %swap3A_348 = arith.index_cast %scan3A_163 : i32 to index
        %swap3A_349 = arith.constant 288 : index
        %swap3A_350 = tpu.vector_load %arg7[%swap3A_348, %swap3A_349] {strides = array<i32>} : memref<32x1024xf32, #tpu.memory_space<vmem>>, vector<1x16xf32>,
        %swap3A_351 = vector.shape_cast %swap3A_350 : vector<1x16xf32> to vector<16xf32>
        %swap3A_352 = vector.shape_cast %mul3A_347 : vector<16xf32> to vector<1x16xf32>
        tpu.vector_store %arg7[%swap3A_348, %swap3A_349], %swap3A_352 {strides = array<i32>} : memref<32x1024xf32, #tpu.memory_space<vmem>>, vector<1x16xf32>,
        %get3A_353 = arith.index_cast %scan3A_163 : i32 to index
        %get3A_354 = arith.constant 304 : index
        %get3A_355 = tpu.vector_load %arg7[%get3A_353, %get3A_354] {strides = array<i32>} : memref<32x1024xf32, #tpu.memory_space<vmem>>, vector<1x16xf32>,
        %get3A_356 = vector.shape_cast %get3A_355 : vector<1x16xf32> to vector<16xf32>
        %mul3A_357 = arith.mulf %get3A_356, %broadcast_in_dim3A_3 : vector<16xf32>
        %swap3A_358 = arith.index_cast %scan3A_163 : i32 to index
        %swap3A_359 = arith.constant 304 : index
        %swap3A_360 = tpu.vector_load %arg7[%swap3A_358, %swap3A_359] {strides = array<i32>} : memref<32x1024xf32, #tpu.memory_space<vmem>>, vector<1x16xf32>,
        %swap3A_361 = vector.shape_cast %swap3A_360 : vector<1x16xf32> to vector<16xf32>
        %swap3A_362 = vector.shape_cast %mul3A_357 : vector<16xf32> to vector<1x16xf32>
        tpu.vector_store %arg7[%swap3A_358, %swap3A_359], %swap3A_362 {strides = array<i32>} : memref<32x1024xf32, #tpu.memory_space<vmem>>, vector<1x16xf32>,
        %get3A_363 = arith.index_cast %scan3A_163 : i32 to index
        %get3A_364 = arith.constant 320 : index
        %get3A_365 = tpu.vector_load %arg7[%get3A_363, %get3A_364] {strides = array<i32>} : memref<32x1024xf32, #tpu.memory_space<vmem>>, vector<1x16xf32>,
        %get3A_366 = vector.shape_cast %get3A_365 : vector<1x16xf32> to vector<16xf32>
        %mul3A_367 = arith.mulf %get3A_366, %broadcast_in_dim3A_3 : vector<16xf32>
        %swap3A_368 = arith.index_cast %scan3A_163 : i32 to index
        %swap3A_369 = arith.constant 320 : index
        %swap3A_370 = tpu.vector_load %arg7[%swap3A_368, %swap3A_369] {strides = array<i32>} : memref<32x1024xf32, #tpu.memory_space<vmem>>, vector<1x16xf32>,
        %swap3A_371 = vector.shape_cast %swap3A_370 : vector<1x16xf32> to vector<16xf32>
        %swap3A_372 = vector.shape_cast %mul3A_367 : vector<16xf32> to vector<1x16xf32>
        tpu.vector_store %arg7[%swap3A_368, %swap3A_369], %swap3A_372 {strides = array<i32>} : memref<32x1024xf32, #tpu.memory_space<vmem>>, vector<1x16xf32>,
        %get3A_373 = arith.index_cast %scan3A_163 : i32 to index
        %get3A_374 = arith.constant 336 : index
        %get3A_375 = tpu.vector_load %arg7[%get3A_373, %get3A_374] {strides = array<i32>} : memref<32x1024xf32, #tpu.memory_space<vmem>>, vector<1x16xf32>,
        %get3A_376 = vector.shape_cast %get3A_375 : vector<1x16xf32> to vector<16xf32>
        %mul3A_377 = arith.mulf %get3A_376, %broadcast_in_dim3A_3 : vector<16xf32>
        %swap3A_378 = arith.index_cast %scan3A_163 : i32 to index
        %swap3A_379 = arith.constant 336 : index
        %swap3A_380 = tpu.vector_load %arg7[%swap3A_378, %swap3A_379] {strides = array<i32>} : memref<32x1024xf32, #tpu.memory_space<vmem>>, vector<1x16xf32>,
        %swap3A_381 = vector.shape_cast %swap3A_380 : vector<1x16xf32> to vector<16xf32>
        %swap3A_382 = vector.shape_cast %mul3A_377 : vector<16xf32> to vector<1x16xf32>
        tpu.vector_store %arg7[%swap3A_378, %swap3A_379], %swap3A_382 {strides = array<i32>} : memref<32x1024xf32, #tpu.memory_space<vmem>>, vector<1x16xf32>,
        %get3A_383 = arith.index_cast %scan3A_163 : i32 to index
        %get3A_384 = arith.constant 352 : index
        %get3A_385 = tpu.vector_load %arg7[%get3A_383, %get3A_384] {strides = array<i32>} : memref<32x1024xf32, #tpu.memory_space<vmem>>, vector<1x16xf32>,
        %get3A_386 = vector.shape_cast %get3A_385 : vector<1x16xf32> to vector<16xf32>
        %mul3A_387 = arith.mulf %get3A_386, %broadcast_in_dim3A_3 : vector<16xf32>
        %swap3A_388 = arith.index_cast %scan3A_163 : i32 to index
        %swap3A_389 = arith.constant 352 : index
        %swap3A_390 = tpu.vector_load %arg7[%swap3A_388, %swap3A_389] {strides = array<i32>} : memref<32x1024xf32, #tpu.memory_space<vmem>>, vector<1x16xf32>,
        %swap3A_391 = vector.shape_cast %swap3A_390 : vector<1x16xf32> to vector<16xf32>
        %swap3A_392 = vector.shape_cast %mul3A_387 : vector<16xf32> to vector<1x16xf32>
        tpu.vector_store %arg7[%swap3A_388, %swap3A_389], %swap3A_392 {strides = array<i32>} : memref<32x1024xf32, #tpu.memory_space<vmem>>, vector<1x16xf32>,
        %get3A_393 = arith.index_cast %scan3A_163 : i32 to index
        %get3A_394 = arith.constant 368 : index
        %get3A_395 = tpu.vector_load %arg7[%get3A_393, %get3A_394] {strides = array<i32>} : memref<32x1024xf32, #tpu.memory_space<vmem>>, vector<1x16xf32>,
        %get3A_396 = vector.shape_cast %get3A_395 : vector<1x16xf32> to vector<16xf32>
        %mul3A_397 = arith.mulf %get3A_396, %broadcast_in_dim3A_3 : vector<16xf32>
        %swap3A_398 = arith.index_cast %scan3A_163 : i32 to index
        %swap3A_399 = arith.constant 368 : index
        %swap3A_400 = tpu.vector_load %arg7[%swap3A_398, %swap3A_399] {strides = array<i32>} : memref<32x1024xf32, #tpu.memory_space<vmem>>, vector<1x16xf32>,
        %swap3A_401 = vector.shape_cast %swap3A_400 : vector<1x16xf32> to vector<16xf32>
        %swap3A_402 = vector.shape_cast %mul3A_397 : vector<16xf32> to vector<1x16xf32>
        tpu.vector_store %arg7[%swap3A_398, %swap3A_399], %swap3A_402 {strides = array<i32>} : memref<32x1024xf32, #tpu.memory_space<vmem>>, vector<1x16xf32>,
        %get3A_403 = arith.index_cast %scan3A_163 : i32 to index
        %get3A_404 = arith.constant 384 : index
        %get3A_405 = tpu.vector_load %arg7[%get3A_403, %get3A_404] {strides = array<i32>} : memref<32x1024xf32, #tpu.memory_space<vmem>>, vector<1x16xf32>,
        %get3A_406 = vector.shape_cast %get3A_405 : vector<1x16xf32> to vector<16xf32>
        %mul3A_407 = arith.mulf %get3A_406, %broadcast_in_dim3A_3 : vector<16xf32>
        %swap3A_408 = arith.index_cast %scan3A_163 : i32 to index
        %swap3A_409 = arith.constant 384 : index
        %swap3A_410 = tpu.vector_load %arg7[%swap3A_408, %swap3A_409] {strides = array<i32>} : memref<32x1024xf32, #tpu.memory_space<vmem>>, vector<1x16xf32>,
        %swap3A_411 = vector.shape_cast %swap3A_410 : vector<1x16xf32> to vector<16xf32>
        %swap3A_412 = vector.shape_cast %mul3A_407 : vector<16xf32> to vector<1x16xf32>
        tpu.vector_store %arg7[%swap3A_408, %swap3A_409], %swap3A_412 {strides = array<i32>} : memref<32x1024xf32, #tpu.memory_space<vmem>>, vector<1x16xf32>,
        %get3A_413 = arith.index_cast %scan3A_163 : i32 to index
        %get3A_414 = arith.constant 400 : index
        %get3A_415 = tpu.vector_load %arg7[%get3A_413, %get3A_414] {strides = array<i32>} : memref<32x1024xf32, #tpu.memory_space<vmem>>, vector<1x16xf32>,
        %get3A_416 = vector.shape_cast %get3A_415 : vector<1x16xf32> to vector<16xf32>
        %mul3A_417 = arith.mulf %get3A_416, %broadcast_in_dim3A_3 : vector<16xf32>
        %swap3A_418 = arith.index_cast %scan3A_163 : i32 to index
        %swap3A_419 = arith.constant 400 : index
        %swap3A_420 = tpu.vector_load %arg7[%swap3A_418, %swap3A_419] {strides = array<i32>} : memref<32x1024xf32, #tpu.memory_space<vmem>>, vector<1x16xf32>,
        %swap3A_421 = vector.shape_cast %swap3A_420 : vector<1x16xf32> to vector<16xf32>
        %swap3A_422 = vector.shape_cast %mul3A_417 : vector<16xf32> to vector<1x16xf32>
        tpu.vector_store %arg7[%swap3A_418, %swap3A_419], %swap3A_422 {strides = array<i32>} : memref<32x1024xf32, #tpu.memory_space<vmem>>, vector<1x16xf32>,
        %get3A_423 = arith.index_cast %scan3A_163 : i32 to index
        %get3A_424 = arith.constant 416 : index
        %get3A_425 = tpu.vector_load %arg7[%get3A_423, %get3A_424] {strides = array<i32>} : memref<32x1024xf32, #tpu.memory_space<vmem>>, vector<1x16xf32>,
        %get3A_426 = vector.shape_cast %get3A_425 : vector<1x16xf32> to vector<16xf32>
        %mul3A_427 = arith.mulf %get3A_426, %broadcast_in_dim3A_3 : vector<16xf32>
        %swap3A_428 = arith.index_cast %scan3A_163 : i32 to index
        %swap3A_429 = arith.constant 416 : index
        %swap3A_430 = tpu.vector_load %arg7[%swap3A_428, %swap3A_429] {strides = array<i32>} : memref<32x1024xf32, #tpu.memory_space<vmem>>, vector<1x16xf32>,
        %swap3A_431 = vector.shape_cast %swap3A_430 : vector<1x16xf32> to vector<16xf32>
        %swap3A_432 = vector.shape_cast %mul3A_427 : vector<16xf32> to vector<1x16xf32>
        tpu.vector_store %arg7[%swap3A_428, %swap3A_429], %swap3A_432 {strides = array<i32>} : memref<32x1024xf32, #tpu.memory_space<vmem>>, vector<1x16xf32>,
        %get3A_433 = arith.index_cast %scan3A_163 : i32 to index
        %get3A_434 = arith.constant 432 : index
        %get3A_435 = tpu.vector_load %arg7[%get3A_433, %get3A_434] {strides = array<i32>} : memref<32x1024xf32, #tpu.memory_space<vmem>>, vector<1x16xf32>,
        %get3A_436 = vector.shape_cast %get3A_435 : vector<1x16xf32> to vector<16xf32>
        %mul3A_437 = arith.mulf %get3A_436, %broadcast_in_dim3A_3 : vector<16xf32>
        %swap3A_438 = arith.index_cast %scan3A_163 : i32 to index
        %swap3A_439 = arith.constant 432 : index
        %swap3A_440 = tpu.vector_load %arg7[%swap3A_438, %swap3A_439] {strides = array<i32>} : memref<32x1024xf32, #tpu.memory_space<vmem>>, vector<1x16xf32>,
        %swap3A_441 = vector.shape_cast %swap3A_440 : vector<1x16xf32> to vector<16xf32>
        %swap3A_442 = vector.shape_cast %mul3A_437 : vector<16xf32> to vector<1x16xf32>
        tpu.vector_store %arg7[%swap3A_438, %swap3A_439], %swap3A_442 {strides = array<i32>} : memref<32x1024xf32, #tpu.memory_space<vmem>>, vector<1x16xf32>,
        %get3A_443 = arith.index_cast %scan3A_163 : i32 to index
        %get3A_444 = arith.constant 448 : index
        %get3A_445 = tpu.vector_load %arg7[%get3A_443, %get3A_444] {strides = array<i32>} : memref<32x1024xf32, #tpu.memory_space<vmem>>, vector<1x16xf32>,
        %get3A_446 = vector.shape_cast %get3A_445 : vector<1x16xf32> to vector<16xf32>
        %mul3A_447 = arith.mulf %get3A_446, %broadcast_in_dim3A_3 : vector<16xf32>
        %swap3A_448 = arith.index_cast %scan3A_163 : i32 to index
        %swap3A_449 = arith.constant 448 : index
        %swap3A_450 = tpu.vector_load %arg7[%swap3A_448, %swap3A_449] {strides = array<i32>} : memref<32x1024xf32, #tpu.memory_space<vmem>>, vector<1x16xf32>,
        %swap3A_451 = vector.shape_cast %swap3A_450 : vector<1x16xf32> to vector<16xf32>
        %swap3A_452 = vector.shape_cast %mul3A_447 : vector<16xf32> to vector<1x16xf32>
        tpu.vector_store %arg7[%swap3A_448, %swap3A_449], %swap3A_452 {strides = array<i32>} : memref<32x1024xf32, #tpu.memory_space<vmem>>, vector<1x16xf32>,
        %get3A_453 = arith.index_cast %scan3A_163 : i32 to index
        %get3A_454 = arith.constant 464 : index
        %get3A_455 = tpu.vector_load %arg7[%get3A_453, %get3A_454] {strides = array<i32>} : memref<32x1024xf32, #tpu.memory_space<vmem>>, vector<1x16xf32>,
        %get3A_456 = vector.shape_cast %get3A_455 : vector<1x16xf32> to vector<16xf32>
        %mul3A_457 = arith.mulf %get3A_456, %broadcast_in_dim3A_3 : vector<16xf32>
        %swap3A_458 = arith.index_cast %scan3A_163 : i32 to index
        %swap3A_459 = arith.constant 464 : index
        %swap3A_460 = tpu.vector_load %arg7[%swap3A_458, %swap3A_459] {strides = array<i32>} : memref<32x1024xf32, #tpu.memory_space<vmem>>, vector<1x16xf32>,
        %swap3A_461 = vector.shape_cast %swap3A_460 : vector<1x16xf32> to vector<16xf32>
        %swap3A_462 = vector.shape_cast %mul3A_457 : vector<16xf32> to vector<1x16xf32>
        tpu.vector_store %arg7[%swap3A_458, %swap3A_459], %swap3A_462 {strides = array<i32>} : memref<32x1024xf32, #tpu.memory_space<vmem>>, vector<1x16xf32>,
        %get3A_463 = arith.index_cast %scan3A_163 : i32 to index
        %get3A_464 = arith.constant 480 : index
        %get3A_465 = tpu.vector_load %arg7[%get3A_463, %get3A_464] {strides = array<i32>} : memref<32x1024xf32, #tpu.memory_space<vmem>>, vector<1x16xf32>,
        %get3A_466 = vector.shape_cast %get3A_465 : vector<1x16xf32> to vector<16xf32>
        %mul3A_467 = arith.mulf %get3A_466, %broadcast_in_dim3A_3 : vector<16xf32>
        %swap3A_468 = arith.index_cast %scan3A_163 : i32 to index
        %swap3A_469 = arith.constant 480 : index
        %swap3A_470 = tpu.vector_load %arg7[%swap3A_468, %swap3A_469] {strides = array<i32>} : memref<32x1024xf32, #tpu.memory_space<vmem>>, vector<1x16xf32>,
        %swap3A_471 = vector.shape_cast %swap3A_470 : vector<1x16xf32> to vector<16xf32>
        %swap3A_472 = vector.shape_cast %mul3A_467 : vector<16xf32> to vector<1x16xf32>
        tpu.vector_store %arg7[%swap3A_468, %swap3A_469], %swap3A_472 {strides = array<i32>} : memref<32x1024xf32, #tpu.memory_space<vmem>>, vector<1x16xf32>,
        %get3A_473 = arith.index_cast %scan3A_163 : i32 to index
        %get3A_474 = arith.constant 496 : index
        %get3A_475 = tpu.vector_load %arg7[%get3A_473, %get3A_474] {strides = array<i32>} : memref<32x1024xf32, #tpu.memory_space<vmem>>, vector<1x16xf32>,
        %get3A_476 = vector.shape_cast %get3A_475 : vector<1x16xf32> to vector<16xf32>
        %mul3A_477 = arith.mulf %get3A_476, %broadcast_in_dim3A_3 : vector<16xf32>
        %swap3A_478 = arith.index_cast %scan3A_163 : i32 to index
        %swap3A_479 = arith.constant 496 : index
        %swap3A_480 = tpu.vector_load %arg7[%swap3A_478, %swap3A_479] {strides = array<i32>} : memref<32x1024xf32, #tpu.memory_space<vmem>>, vector<1x16xf32>,
        %swap3A_481 = vector.shape_cast %swap3A_480 : vector<1x16xf32> to vector<16xf32>
        %swap3A_482 = vector.shape_cast %mul3A_477 : vector<16xf32> to vector<1x16xf32>
        tpu.vector_store %arg7[%swap3A_478, %swap3A_479], %swap3A_482 {strides = array<i32>} : memref<32x1024xf32, #tpu.memory_space<vmem>>, vector<1x16xf32>,
        %get3A_483 = arith.index_cast %scan3A_163 : i32 to index
        %get3A_484 = arith.constant 512 : index
        %get3A_485 = tpu.vector_load %arg7[%get3A_483, %get3A_484] {strides = array<i32>} : memref<32x1024xf32, #tpu.memory_space<vmem>>, vector<1x16xf32>,
        %get3A_486 = vector.shape_cast %get3A_485 : vector<1x16xf32> to vector<16xf32>
        %mul3A_487 = arith.mulf %get3A_486, %broadcast_in_dim3A_3 : vector<16xf32>
        %swap3A_488 = arith.index_cast %scan3A_163 : i32 to index
        %swap3A_489 = arith.constant 512 : index
        %swap3A_490 = tpu.vector_load %arg7[%swap3A_488, %swap3A_489] {strides = array<i32>} : memref<32x1024xf32, #tpu.memory_space<vmem>>, vector<1x16xf32>,
        %swap3A_491 = vector.shape_cast %swap3A_490 : vector<1x16xf32> to vector<16xf32>
        %swap3A_492 = vector.shape_cast %mul3A_487 : vector<16xf32> to vector<1x16xf32>
        tpu.vector_store %arg7[%swap3A_488, %swap3A_489], %swap3A_492 {strides = array<i32>} : memref<32x1024xf32, #tpu.memory_space<vmem>>, vector<1x16xf32>,
        %get3A_493 = arith.index_cast %scan3A_163 : i32 to index
        %get3A_494 = arith.constant 528 : index
        %get3A_495 = tpu.vector_load %arg7[%get3A_493, %get3A_494] {strides = array<i32>} : memref<32x1024xf32, #tpu.memory_space<vmem>>, vector<1x16xf32>,
        %get3A_496 = vector.shape_cast %get3A_495 : vector<1x16xf32> to vector<16xf32>
        %mul3A_497 = arith.mulf %get3A_496, %broadcast_in_dim3A_3 : vector<16xf32>
        %swap3A_498 = arith.index_cast %scan3A_163 : i32 to index
        %swap3A_499 = arith.constant 528 : index
        %swap3A_500 = tpu.vector_load %arg7[%swap3A_498, %swap3A_499] {strides = array<i32>} : memref<32x1024xf32, #tpu.memory_space<vmem>>, vector<1x16xf32>,
        %swap3A_501 = vector.shape_cast %swap3A_500 : vector<1x16xf32> to vector<16xf32>
        %swap3A_502 = vector.shape_cast %mul3A_497 : vector<16xf32> to vector<1x16xf32>
        tpu.vector_store %arg7[%swap3A_498, %swap3A_499], %swap3A_502 {strides = array<i32>} : memref<32x1024xf32, #tpu.memory_space<vmem>>, vector<1x16xf32>,
        %get3A_503 = arith.index_cast %scan3A_163 : i32 to index
        %get3A_504 = arith.constant 544 : index
        %get3A_505 = tpu.vector_load %arg7[%get3A_503, %get3A_504] {strides = array<i32>} : memref<32x1024xf32, #tpu.memory_space<vmem>>, vector<1x16xf32>,
        %get3A_506 = vector.shape_cast %get3A_505 : vector<1x16xf32> to vector<16xf32>
        %mul3A_507 = arith.mulf %get3A_506, %broadcast_in_dim3A_3 : vector<16xf32>
        %swap3A_508 = arith.index_cast %scan3A_163 : i32 to index
        %swap3A_509 = arith.constant 544 : index
        %swap3A_510 = tpu.vector_load %arg7[%swap3A_508, %swap3A_509] {strides = array<i32>} : memref<32x1024xf32, #tpu.memory_space<vmem>>, vector<1x16xf32>,
        %swap3A_511 = vector.shape_cast %swap3A_510 : vector<1x16xf32> to vector<16xf32>
        %swap3A_512 = vector.shape_cast %mul3A_507 : vector<16xf32> to vector<1x16xf32>
        tpu.vector_store %arg7[%swap3A_508, %swap3A_509], %swap3A_512 {strides = array<i32>} : memref<32x1024xf32, #tpu.memory_space<vmem>>, vector<1x16xf32>,
        %get3A_513 = arith.index_cast %scan3A_163 : i32 to index
        %get3A_514 = arith.constant 560 : index
        %get3A_515 = tpu.vector_load %arg7[%get3A_513, %get3A_514] {strides = array<i32>} : memref<32x1024xf32, #tpu.memory_space<vmem>>, vector<1x16xf32>,
        %get3A_516 = vector.shape_cast %get3A_515 : vector<1x16xf32> to vector<16xf32>
        %mul3A_517 = arith.mulf %get3A_516, %broadcast_in_dim3A_3 : vector<16xf32>
        %swap3A_518 = arith.index_cast %scan3A_163 : i32 to index
        %swap3A_519 = arith.constant 560 : index
        %swap3A_520 = tpu.vector_load %arg7[%swap3A_518, %swap3A_519] {strides = array<i32>} : memref<32x1024xf32, #tpu.memory_space<vmem>>, vector<1x16xf32>,
        %swap3A_521 = vector.shape_cast %swap3A_520 : vector<1x16xf32> to vector<16xf32>
        %swap3A_522 = vector.shape_cast %mul3A_517 : vector<16xf32> to vector<1x16xf32>
        tpu.vector_store %arg7[%swap3A_518, %swap3A_519], %swap3A_522 {strides = array<i32>} : memref<32x1024xf32, #tpu.memory_space<vmem>>, vector<1x16xf32>,
        %get3A_523 = arith.index_cast %scan3A_163 : i32 to index
        %get3A_524 = arith.constant 576 : index
        %get3A_525 = tpu.vector_load %arg7[%get3A_523, %get3A_524] {strides = array<i32>} : memref<32x1024xf32, #tpu.memory_space<vmem>>, vector<1x16xf32>,
        %get3A_526 = vector.shape_cast %get3A_525 : vector<1x16xf32> to vector<16xf32>
        %mul3A_527 = arith.mulf %get3A_526, %broadcast_in_dim3A_3 : vector<16xf32>
        %swap3A_528 = arith.index_cast %scan3A_163 : i32 to index
        %swap3A_529 = arith.constant 576 : index
        %swap3A_530 = tpu.vector_load %arg7[%swap3A_528, %swap3A_529] {strides = array<i32>} : memref<32x1024xf32, #tpu.memory_space<vmem>>, vector<1x16xf32>,
        %swap3A_531 = vector.shape_cast %swap3A_530 : vector<1x16xf32> to vector<16xf32>
        %swap3A_532 = vector.shape_cast %mul3A_527 : vector<16xf32> to vector<1x16xf32>
        tpu.vector_store %arg7[%swap3A_528, %swap3A_529], %swap3A_532 {strides = array<i32>} : memref<32x1024xf32, #tpu.memory_space<vmem>>, vector<1x16xf32>,
        %get3A_533 = arith.index_cast %scan3A_163 : i32 to index
        %get3A_534 = arith.constant 592 : index
        %get3A_535 = tpu.vector_load %arg7[%get3A_533, %get3A_534] {strides = array<i32>} : memref<32x1024xf32, #tpu.memory_space<vmem>>, vector<1x16xf32>,
        %get3A_536 = vector.shape_cast %get3A_535 : vector<1x16xf32> to vector<16xf32>
        %mul3A_537 = arith.mulf %get3A_536, %broadcast_in_dim3A_3 : vector<16xf32>
        %swap3A_538 = arith.index_cast %scan3A_163 : i32 to index
        %swap3A_539 = arith.constant 592 : index
        %swap3A_540 = tpu.vector_load %arg7[%swap3A_538, %swap3A_539] {strides = array<i32>} : memref<32x1024xf32, #tpu.memory_space<vmem>>, vector<1x16xf32>,
        %swap3A_541 = vector.shape_cast %swap3A_540 : vector<1x16xf32> to vector<16xf32>
        %swap3A_542 = vector.shape_cast %mul3A_537 : vector<16xf32> to vector<1x16xf32>
        tpu.vector_store %arg7[%swap3A_538, %swap3A_539], %swap3A_542 {strides = array<i32>} : memref<32x1024xf32, #tpu.memory_space<vmem>>, vector<1x16xf32>,
        %get3A_543 = arith.index_cast %scan3A_163 : i32 to index
        %get3A_544 = arith.constant 608 : index
        %get3A_545 = tpu.vector_load %arg7[%get3A_543, %get3A_544] {strides = array<i32>} : memref<32x1024xf32, #tpu.memory_space<vmem>>, vector<1x16xf32>,
        %get3A_546 = vector.shape_cast %get3A_545 : vector<1x16xf32> to vector<16xf32>
        %mul3A_547 = arith.mulf %get3A_546, %broadcast_in_dim3A_3 : vector<16xf32>
        %swap3A_548 = arith.index_cast %scan3A_163 : i32 to index
        %swap3A_549 = arith.constant 608 : index
        %swap3A_550 = tpu.vector_load %arg7[%swap3A_548, %swap3A_549] {strides = array<i32>} : memref<32x1024xf32, #tpu.memory_space<vmem>>, vector<1x16xf32>,
        %swap3A_551 = vector.shape_cast %swap3A_550 : vector<1x16xf32> to vector<16xf32>
        %swap3A_552 = vector.shape_cast %mul3A_547 : vector<16xf32> to vector<1x16xf32>
        tpu.vector_store %arg7[%swap3A_548, %swap3A_549], %swap3A_552 {strides = array<i32>} : memref<32x1024xf32, #tpu.memory_space<vmem>>, vector<1x16xf32>,
        %get3A_553 = arith.index_cast %scan3A_163 : i32 to index
        %get3A_554 = arith.constant 624 : index
        %get3A_555 = tpu.vector_load %arg7[%get3A_553, %get3A_554] {strides = array<i32>} : memref<32x1024xf32, #tpu.memory_space<vmem>>, vector<1x16xf32>,
        %get3A_556 = vector.shape_cast %get3A_555 : vector<1x16xf32> to vector<16xf32>
        %mul3A_557 = arith.mulf %get3A_556, %broadcast_in_dim3A_3 : vector<16xf32>
        %swap3A_558 = arith.index_cast %scan3A_163 : i32 to index
        %swap3A_559 = arith.constant 624 : index
        %swap3A_560 = tpu.vector_load %arg7[%swap3A_558, %swap3A_559] {strides = array<i32>} : memref<32x1024xf32, #tpu.memory_space<vmem>>, vector<1x16xf32>,
        %swap3A_561 = vector.shape_cast %swap3A_560 : vector<1x16xf32> to vector<16xf32>
        %swap3A_562 = vector.shape_cast %mul3A_557 : vector<16xf32> to vector<1x16xf32>
        tpu.vector_store %arg7[%swap3A_558, %swap3A_559], %swap3A_562 {strides = array<i32>} : memref<32x1024xf32, #tpu.memory_space<vmem>>, vector<1x16xf32>,
        %get3A_563 = arith.index_cast %scan3A_163 : i32 to index
        %get3A_564 = arith.constant 640 : index
        %get3A_565 = tpu.vector_load %arg7[%get3A_563, %get3A_564] {strides = array<i32>} : memref<32x1024xf32, #tpu.memory_space<vmem>>, vector<1x16xf32>,
        %get3A_566 = vector.shape_cast %get3A_565 : vector<1x16xf32> to vector<16xf32>
        %mul3A_567 = arith.mulf %get3A_566, %broadcast_in_dim3A_3 : vector<16xf32>
        %swap3A_568 = arith.index_cast %scan3A_163 : i32 to index
        %swap3A_569 = arith.constant 640 : index
        %swap3A_570 = tpu.vector_load %arg7[%swap3A_568, %swap3A_569] {strides = array<i32>} : memref<32x1024xf32, #tpu.memory_space<vmem>>, vector<1x16xf32>,
        %swap3A_571 = vector.shape_cast %swap3A_570 : vector<1x16xf32> to vector<16xf32>
        %swap3A_572 = vector.shape_cast %mul3A_567 : vector<16xf32> to vector<1x16xf32>
        tpu.vector_store %arg7[%swap3A_568, %swap3A_569], %swap3A_572 {strides = array<i32>} : memref<32x1024xf32, #tpu.memory_space<vmem>>, vector<1x16xf32>,
        %get3A_573 = arith.index_cast %scan3A_163 : i32 to index
        %get3A_574 = arith.constant 656 : index
        %get3A_575 = tpu.vector_load %arg7[%get3A_573, %get3A_574] {strides = array<i32>} : memref<32x1024xf32, #tpu.memory_space<vmem>>, vector<1x16xf32>,
        %get3A_576 = vector.shape_cast %get3A_575 : vector<1x16xf32> to vector<16xf32>
        %mul3A_577 = arith.mulf %get3A_576, %broadcast_in_dim3A_3 : vector<16xf32>
        %swap3A_578 = arith.index_cast %scan3A_163 : i32 to index
        %swap3A_579 = arith.constant 656 : index
        %swap3A_580 = tpu.vector_load %arg7[%swap3A_578, %swap3A_579] {strides = array<i32>} : memref<32x1024xf32, #tpu.memory_space<vmem>>, vector<1x16xf32>,
        %swap3A_581 = vector.shape_cast %swap3A_580 : vector<1x16xf32> to vector<16xf32>
        %swap3A_582 = vector.shape_cast %mul3A_577 : vector<16xf32> to vector<1x16xf32>
        tpu.vector_store %arg7[%swap3A_578, %swap3A_579], %swap3A_582 {strides = array<i32>} : memref<32x1024xf32, #tpu.memory_space<vmem>>, vector<1x16xf32>,
        %get3A_583 = arith.index_cast %scan3A_163 : i32 to index
        %get3A_584 = arith.constant 672 : index
        %get3A_585 = tpu.vector_load %arg7[%get3A_583, %get3A_584] {strides = array<i32>} : memref<32x1024xf32, #tpu.memory_space<vmem>>, vector<1x16xf32>,
        %get3A_586 = vector.shape_cast %get3A_585 : vector<1x16xf32> to vector<16xf32>
        %mul3A_587 = arith.mulf %get3A_586, %broadcast_in_dim3A_3 : vector<16xf32>
        %swap3A_588 = arith.index_cast %scan3A_163 : i32 to index
        %swap3A_589 = arith.constant 672 : index
        %swap3A_590 = tpu.vector_load %arg7[%swap3A_588, %swap3A_589] {strides = array<i32>} : memref<32x1024xf32, #tpu.memory_space<vmem>>, vector<1x16xf32>,
        %swap3A_591 = vector.shape_cast %swap3A_590 : vector<1x16xf32> to vector<16xf32>
        %swap3A_592 = vector.shape_cast %mul3A_587 : vector<16xf32> to vector<1x16xf32>
        tpu.vector_store %arg7[%swap3A_588, %swap3A_589], %swap3A_592 {strides = array<i32>} : memref<32x1024xf32, #tpu.memory_space<vmem>>, vector<1x16xf32>,
        %get3A_593 = arith.index_cast %scan3A_163 : i32 to index
        %get3A_594 = arith.constant 688 : index
        %get3A_595 = tpu.vector_load %arg7[%get3A_593, %get3A_594] {strides = array<i32>} : memref<32x1024xf32, #tpu.memory_space<vmem>>, vector<1x16xf32>,
        %get3A_596 = vector.shape_cast %get3A_595 : vector<1x16xf32> to vector<16xf32>
        %mul3A_597 = arith.mulf %get3A_596, %broadcast_in_dim3A_3 : vector<16xf32>
        %swap3A_598 = arith.index_cast %scan3A_163 : i32 to index
        %swap3A_599 = arith.constant 688 : index
        %swap3A_600 = tpu.vector_load %arg7[%swap3A_598, %swap3A_599] {strides = array<i32>} : memref<32x1024xf32, #tpu.memory_space<vmem>>, vector<1x16xf32>,
        %swap3A_601 = vector.shape_cast %swap3A_600 : vector<1x16xf32> to vector<16xf32>
        %swap3A_602 = vector.shape_cast %mul3A_597 : vector<16xf32> to vector<1x16xf32>
        tpu.vector_store %arg7[%swap3A_598, %swap3A_599], %swap3A_602 {strides = array<i32>} : memref<32x1024xf32, #tpu.memory_space<vmem>>, vector<1x16xf32>,
        %get3A_603 = arith.index_cast %scan3A_163 : i32 to index
        %get3A_604 = arith.constant 704 : index
        %get3A_605 = tpu.vector_load %arg7[%get3A_603, %get3A_604] {strides = array<i32>} : memref<32x1024xf32, #tpu.memory_space<vmem>>, vector<1x16xf32>,
        %get3A_606 = vector.shape_cast %get3A_605 : vector<1x16xf32> to vector<16xf32>
        %mul3A_607 = arith.mulf %get3A_606, %broadcast_in_dim3A_3 : vector<16xf32>
        %swap3A_608 = arith.index_cast %scan3A_163 : i32 to index
        %swap3A_609 = arith.constant 704 : index
        %swap3A_610 = tpu.vector_load %arg7[%swap3A_608, %swap3A_609] {strides = array<i32>} : memref<32x1024xf32, #tpu.memory_space<vmem>>, vector<1x16xf32>,
        %swap3A_611 = vector.shape_cast %swap3A_610 : vector<1x16xf32> to vector<16xf32>
        %swap3A_612 = vector.shape_cast %mul3A_607 : vector<16xf32> to vector<1x16xf32>
        tpu.vector_store %arg7[%swap3A_608, %swap3A_609], %swap3A_612 {strides = array<i32>} : memref<32x1024xf32, #tpu.memory_space<vmem>>, vector<1x16xf32>,
        %get3A_613 = arith.index_cast %scan3A_163 : i32 to index
        %get3A_614 = arith.constant 720 : index
        %get3A_615 = tpu.vector_load %arg7[%get3A_613, %get3A_614] {strides = array<i32>} : memref<32x1024xf32, #tpu.memory_space<vmem>>, vector<1x16xf32>,
        %get3A_616 = vector.shape_cast %get3A_615 : vector<1x16xf32> to vector<16xf32>
        %mul3A_617 = arith.mulf %get3A_616, %broadcast_in_dim3A_3 : vector<16xf32>
        %swap3A_618 = arith.index_cast %scan3A_163 : i32 to index
        %swap3A_619 = arith.constant 720 : index
        %swap3A_620 = tpu.vector_load %arg7[%swap3A_618, %swap3A_619] {strides = array<i32>} : memref<32x1024xf32, #tpu.memory_space<vmem>>, vector<1x16xf32>,
        %swap3A_621 = vector.shape_cast %swap3A_620 : vector<1x16xf32> to vector<16xf32>
        %swap3A_622 = vector.shape_cast %mul3A_617 : vector<16xf32> to vector<1x16xf32>
        tpu.vector_store %arg7[%swap3A_618, %swap3A_619], %swap3A_622 {strides = array<i32>} : memref<32x1024xf32, #tpu.memory_space<vmem>>, vector<1x16xf32>,
        %get3A_623 = arith.index_cast %scan3A_163 : i32 to index
        %get3A_624 = arith.constant 736 : index
        %get3A_625 = tpu.vector_load %arg7[%get3A_623, %get3A_624] {strides = array<i32>} : memref<32x1024xf32, #tpu.memory_space<vmem>>, vector<1x16xf32>,
        %get3A_626 = vector.shape_cast %get3A_625 : vector<1x16xf32> to vector<16xf32>
        %mul3A_627 = arith.mulf %get3A_626, %broadcast_in_dim3A_3 : vector<16xf32>
        %swap3A_628 = arith.index_cast %scan3A_163 : i32 to index
        %swap3A_629 = arith.constant 736 : index
        %swap3A_630 = tpu.vector_load %arg7[%swap3A_628, %swap3A_629] {strides = array<i32>} : memref<32x1024xf32, #tpu.memory_space<vmem>>, vector<1x16xf32>,
        %swap3A_631 = vector.shape_cast %swap3A_630 : vector<1x16xf32> to vector<16xf32>
        %swap3A_632 = vector.shape_cast %mul3A_627 : vector<16xf32> to vector<1x16xf32>
        tpu.vector_store %arg7[%swap3A_628, %swap3A_629], %swap3A_632 {strides = array<i32>} : memref<32x1024xf32, #tpu.memory_space<vmem>>, vector<1x16xf32>,
        %get3A_633 = arith.index_cast %scan3A_163 : i32 to index
        %get3A_634 = arith.constant 752 : index
        %get3A_635 = tpu.vector_load %arg7[%get3A_633, %get3A_634] {strides = array<i32>} : memref<32x1024xf32, #tpu.memory_space<vmem>>, vector<1x16xf32>,
        %get3A_636 = vector.shape_cast %get3A_635 : vector<1x16xf32> to vector<16xf32>
        %mul3A_637 = arith.mulf %get3A_636, %broadcast_in_dim3A_3 : vector<16xf32>
        %swap3A_638 = arith.index_cast %scan3A_163 : i32 to index
        %swap3A_639 = arith.constant 752 : index
        %swap3A_640 = tpu.vector_load %arg7[%swap3A_638, %swap3A_639] {strides = array<i32>} : memref<32x1024xf32, #tpu.memory_space<vmem>>, vector<1x16xf32>,
        %swap3A_641 = vector.shape_cast %swap3A_640 : vector<1x16xf32> to vector<16xf32>
        %swap3A_642 = vector.shape_cast %mul3A_637 : vector<16xf32> to vector<1x16xf32>
        tpu.vector_store %arg7[%swap3A_638, %swap3A_639], %swap3A_642 {strides = array<i32>} : memref<32x1024xf32, #tpu.memory_space<vmem>>, vector<1x16xf32>,
        %get3A_643 = arith.index_cast %scan3A_163 : i32 to index
        %get3A_644 = arith.constant 768 : index
        %get3A_645 = tpu.vector_load %arg7[%get3A_643, %get3A_644] {strides = array<i32>} : memref<32x1024xf32, #tpu.memory_space<vmem>>, vector<1x16xf32>,
        %get3A_646 = vector.shape_cast %get3A_645 : vector<1x16xf32> to vector<16xf32>
        %mul3A_647 = arith.mulf %get3A_646, %broadcast_in_dim3A_3 : vector<16xf32>
        %swap3A_648 = arith.index_cast %scan3A_163 : i32 to index
        %swap3A_649 = arith.constant 768 : index
        %swap3A_650 = tpu.vector_load %arg7[%swap3A_648, %swap3A_649] {strides = array<i32>} : memref<32x1024xf32, #tpu.memory_space<vmem>>, vector<1x16xf32>,
        %swap3A_651 = vector.shape_cast %swap3A_650 : vector<1x16xf32> to vector<16xf32>
        %swap3A_652 = vector.shape_cast %mul3A_647 : vector<16xf32> to vector<1x16xf32>
        tpu.vector_store %arg7[%swap3A_648, %swap3A_649], %swap3A_652 {strides = array<i32>} : memref<32x1024xf32, #tpu.memory_space<vmem>>, vector<1x16xf32>,
        %get3A_653 = arith.index_cast %scan3A_163 : i32 to index
        %get3A_654 = arith.constant 784 : index
        %get3A_655 = tpu.vector_load %arg7[%get3A_653, %get3A_654] {strides = array<i32>} : memref<32x1024xf32, #tpu.memory_space<vmem>>, vector<1x16xf32>,
        %get3A_656 = vector.shape_cast %get3A_655 : vector<1x16xf32> to vector<16xf32>
        %mul3A_657 = arith.mulf %get3A_656, %broadcast_in_dim3A_3 : vector<16xf32>
        %swap3A_658 = arith.index_cast %scan3A_163 : i32 to index
        %swap3A_659 = arith.constant 784 : index
        %swap3A_660 = tpu.vector_load %arg7[%swap3A_658, %swap3A_659] {strides = array<i32>} : memref<32x1024xf32, #tpu.memory_space<vmem>>, vector<1x16xf32>,
        %swap3A_661 = vector.shape_cast %swap3A_660 : vector<1x16xf32> to vector<16xf32>
        %swap3A_662 = vector.shape_cast %mul3A_657 : vector<16xf32> to vector<1x16xf32>
        tpu.vector_store %arg7[%swap3A_658, %swap3A_659], %swap3A_662 {strides = array<i32>} : memref<32x1024xf32, #tpu.memory_space<vmem>>, vector<1x16xf32>,
        %get3A_663 = arith.index_cast %scan3A_163 : i32 to index
        %get3A_664 = arith.constant 800 : index
        %get3A_665 = tpu.vector_load %arg7[%get3A_663, %get3A_664] {strides = array<i32>} : memref<32x1024xf32, #tpu.memory_space<vmem>>, vector<1x16xf32>,
        %get3A_666 = vector.shape_cast %get3A_665 : vector<1x16xf32> to vector<16xf32>
        %mul3A_667 = arith.mulf %get3A_666, %broadcast_in_dim3A_3 : vector<16xf32>
        %swap3A_668 = arith.index_cast %scan3A_163 : i32 to index
        %swap3A_669 = arith.constant 800 : index
        %swap3A_670 = tpu.vector_load %arg7[%swap3A_668, %swap3A_669] {strides = array<i32>} : memref<32x1024xf32, #tpu.memory_space<vmem>>, vector<1x16xf32>,
        %swap3A_671 = vector.shape_cast %swap3A_670 : vector<1x16xf32> to vector<16xf32>
        %swap3A_672 = vector.shape_cast %mul3A_667 : vector<16xf32> to vector<1x16xf32>
        tpu.vector_store %arg7[%swap3A_668, %swap3A_669], %swap3A_672 {strides = array<i32>} : memref<32x1024xf32, #tpu.memory_space<vmem>>, vector<1x16xf32>,
        %get3A_673 = arith.index_cast %scan3A_163 : i32 to index
        %get3A_674 = arith.constant 816 : index
        %get3A_675 = tpu.vector_load %arg7[%get3A_673, %get3A_674] {strides = array<i32>} : memref<32x1024xf32, #tpu.memory_space<vmem>>, vector<1x16xf32>,
        %get3A_676 = vector.shape_cast %get3A_675 : vector<1x16xf32> to vector<16xf32>
        %mul3A_677 = arith.mulf %get3A_676, %broadcast_in_dim3A_3 : vector<16xf32>
        %swap3A_678 = arith.index_cast %scan3A_163 : i32 to index
        %swap3A_679 = arith.constant 816 : index
        %swap3A_680 = tpu.vector_load %arg7[%swap3A_678, %swap3A_679] {strides = array<i32>} : memref<32x1024xf32, #tpu.memory_space<vmem>>, vector<1x16xf32>,
        %swap3A_681 = vector.shape_cast %swap3A_680 : vector<1x16xf32> to vector<16xf32>
        %swap3A_682 = vector.shape_cast %mul3A_677 : vector<16xf32> to vector<1x16xf32>
        tpu.vector_store %arg7[%swap3A_678, %swap3A_679], %swap3A_682 {strides = array<i32>} : memref<32x1024xf32, #tpu.memory_space<vmem>>, vector<1x16xf32>,
        %get3A_683 = arith.index_cast %scan3A_163 : i32 to index
        %get3A_684 = arith.constant 832 : index
        %get3A_685 = tpu.vector_load %arg7[%get3A_683, %get3A_684] {strides = array<i32>} : memref<32x1024xf32, #tpu.memory_space<vmem>>, vector<1x16xf32>,
        %get3A_686 = vector.shape_cast %get3A_685 : vector<1x16xf32> to vector<16xf32>
        %mul3A_687 = arith.mulf %get3A_686, %broadcast_in_dim3A_3 : vector<16xf32>
        %swap3A_688 = arith.index_cast %scan3A_163 : i32 to index
        %swap3A_689 = arith.constant 832 : index
        %swap3A_690 = tpu.vector_load %arg7[%swap3A_688, %swap3A_689] {strides = array<i32>} : memref<32x1024xf32, #tpu.memory_space<vmem>>, vector<1x16xf32>,
        %swap3A_691 = vector.shape_cast %swap3A_690 : vector<1x16xf32> to vector<16xf32>
        %swap3A_692 = vector.shape_cast %mul3A_687 : vector<16xf32> to vector<1x16xf32>
        tpu.vector_store %arg7[%swap3A_688, %swap3A_689], %swap3A_692 {strides = array<i32>} : memref<32x1024xf32, #tpu.memory_space<vmem>>, vector<1x16xf32>,
        %get3A_693 = arith.index_cast %scan3A_163 : i32 to index
        %get3A_694 = arith.constant 848 : index
        %get3A_695 = tpu.vector_load %arg7[%get3A_693, %get3A_694] {strides = array<i32>} : memref<32x1024xf32, #tpu.memory_space<vmem>>, vector<1x16xf32>,
        %get3A_696 = vector.shape_cast %get3A_695 : vector<1x16xf32> to vector<16xf32>
        %mul3A_697 = arith.mulf %get3A_696, %broadcast_in_dim3A_3 : vector<16xf32>
        %swap3A_698 = arith.index_cast %scan3A_163 : i32 to index
        %swap3A_699 = arith.constant 848 : index
        %swap3A_700 = tpu.vector_load %arg7[%swap3A_698, %swap3A_699] {strides = array<i32>} : memref<32x1024xf32, #tpu.memory_space<vmem>>, vector<1x16xf32>,
        %swap3A_701 = vector.shape_cast %swap3A_700 : vector<1x16xf32> to vector<16xf32>
        %swap3A_702 = vector.shape_cast %mul3A_697 : vector<16xf32> to vector<1x16xf32>
        tpu.vector_store %arg7[%swap3A_698, %swap3A_699], %swap3A_702 {strides = array<i32>} : memref<32x1024xf32, #tpu.memory_space<vmem>>, vector<1x16xf32>,
        %get3A_703 = arith.index_cast %scan3A_163 : i32 to index
        %get3A_704 = arith.constant 864 : index
        %get3A_705 = tpu.vector_load %arg7[%get3A_703, %get3A_704] {strides = array<i32>} : memref<32x1024xf32, #tpu.memory_space<vmem>>, vector<1x16xf32>,
        %get3A_706 = vector.shape_cast %get3A_705 : vector<1x16xf32> to vector<16xf32>
        %mul3A_707 = arith.mulf %get3A_706, %broadcast_in_dim3A_3 : vector<16xf32>
        %swap3A_708 = arith.index_cast %scan3A_163 : i32 to index
        %swap3A_709 = arith.constant 864 : index
        %swap3A_710 = tpu.vector_load %arg7[%swap3A_708, %swap3A_709] {strides = array<i32>} : memref<32x1024xf32, #tpu.memory_space<vmem>>, vector<1x16xf32>,
        %swap3A_711 = vector.shape_cast %swap3A_710 : vector<1x16xf32> to vector<16xf32>
        %swap3A_712 = vector.shape_cast %mul3A_707 : vector<16xf32> to vector<1x16xf32>
        tpu.vector_store %arg7[%swap3A_708, %swap3A_709], %swap3A_712 {strides = array<i32>} : memref<32x1024xf32, #tpu.memory_space<vmem>>, vector<1x16xf32>,
        %get3A_713 = arith.index_cast %scan3A_163 : i32 to index
        %get3A_714 = arith.constant 880 : index
        %get3A_715 = tpu.vector_load %arg7[%get3A_713, %get3A_714] {strides = array<i32>} : memref<32x1024xf32, #tpu.memory_space<vmem>>, vector<1x16xf32>,
        %get3A_716 = vector.shape_cast %get3A_715 : vector<1x16xf32> to vector<16xf32>
        %mul3A_717 = arith.mulf %get3A_716, %broadcast_in_dim3A_3 : vector<16xf32>
        %swap3A_718 = arith.index_cast %scan3A_163 : i32 to index
        %swap3A_719 = arith.constant 880 : index
        %swap3A_720 = tpu.vector_load %arg7[%swap3A_718, %swap3A_719] {strides = array<i32>} : memref<32x1024xf32, #tpu.memory_space<vmem>>, vector<1x16xf32>,
        %swap3A_721 = vector.shape_cast %swap3A_720 : vector<1x16xf32> to vector<16xf32>
        %swap3A_722 = vector.shape_cast %mul3A_717 : vector<16xf32> to vector<1x16xf32>
        tpu.vector_store %arg7[%swap3A_718, %swap3A_719], %swap3A_722 {strides = array<i32>} : memref<32x1024xf32, #tpu.memory_space<vmem>>, vector<1x16xf32>,
        %get3A_723 = arith.index_cast %scan3A_163 : i32 to index
        %get3A_724 = arith.constant 896 : index
        %get3A_725 = tpu.vector_load %arg7[%get3A_723, %get3A_724] {strides = array<i32>} : memref<32x1024xf32, #tpu.memory_space<vmem>>, vector<1x16xf32>,
        %get3A_726 = vector.shape_cast %get3A_725 : vector<1x16xf32> to vector<16xf32>
        %mul3A_727 = arith.mulf %get3A_726, %broadcast_in_dim3A_3 : vector<16xf32>
        %swap3A_728 = arith.index_cast %scan3A_163 : i32 to index
        %swap3A_729 = arith.constant 896 : index
        %swap3A_730 = tpu.vector_load %arg7[%swap3A_728, %swap3A_729] {strides = array<i32>} : memref<32x1024xf32, #tpu.memory_space<vmem>>, vector<1x16xf32>,
        %swap3A_731 = vector.shape_cast %swap3A_730 : vector<1x16xf32> to vector<16xf32>
        %swap3A_732 = vector.shape_cast %mul3A_727 : vector<16xf32> to vector<1x16xf32>
        tpu.vector_store %arg7[%swap3A_728, %swap3A_729], %swap3A_732 {strides = array<i32>} : memref<32x1024xf32, #tpu.memory_space<vmem>>, vector<1x16xf32>,
        %get3A_733 = arith.index_cast %scan3A_163 : i32 to index
        %get3A_734 = arith.constant 912 : index
        %get3A_735 = tpu.vector_load %arg7[%get3A_733, %get3A_734] {strides = array<i32>} : memref<32x1024xf32, #tpu.memory_space<vmem>>, vector<1x16xf32>,
        %get3A_736 = vector.shape_cast %get3A_735 : vector<1x16xf32> to vector<16xf32>
        %mul3A_737 = arith.mulf %get3A_736, %broadcast_in_dim3A_3 : vector<16xf32>
        %swap3A_738 = arith.index_cast %scan3A_163 : i32 to index
        %swap3A_739 = arith.constant 912 : index
        %swap3A_740 = tpu.vector_load %arg7[%swap3A_738, %swap3A_739] {strides = array<i32>} : memref<32x1024xf32, #tpu.memory_space<vmem>>, vector<1x16xf32>,
        %swap3A_741 = vector.shape_cast %swap3A_740 : vector<1x16xf32> to vector<16xf32>
        %swap3A_742 = vector.shape_cast %mul3A_737 : vector<16xf32> to vector<1x16xf32>
        tpu.vector_store %arg7[%swap3A_738, %swap3A_739], %swap3A_742 {strides = array<i32>} : memref<32x1024xf32, #tpu.memory_space<vmem>>, vector<1x16xf32>,
        %get3A_743 = arith.index_cast %scan3A_163 : i32 to index
        %get3A_744 = arith.constant 928 : index
        %get3A_745 = tpu.vector_load %arg7[%get3A_743, %get3A_744] {strides = array<i32>} : memref<32x1024xf32, #tpu.memory_space<vmem>>, vector<1x16xf32>,
        %get3A_746 = vector.shape_cast %get3A_745 : vector<1x16xf32> to vector<16xf32>
        %mul3A_747 = arith.mulf %get3A_746, %broadcast_in_dim3A_3 : vector<16xf32>
        %swap3A_748 = arith.index_cast %scan3A_163 : i32 to index
        %swap3A_749 = arith.constant 928 : index
        %swap3A_750 = tpu.vector_load %arg7[%swap3A_748, %swap3A_749] {strides = array<i32>} : memref<32x1024xf32, #tpu.memory_space<vmem>>, vector<1x16xf32>,
        %swap3A_751 = vector.shape_cast %swap3A_750 : vector<1x16xf32> to vector<16xf32>
        %swap3A_752 = vector.shape_cast %mul3A_747 : vector<16xf32> to vector<1x16xf32>
        tpu.vector_store %arg7[%swap3A_748, %swap3A_749], %swap3A_752 {strides = array<i32>} : memref<32x1024xf32, #tpu.memory_space<vmem>>, vector<1x16xf32>,
        %get3A_753 = arith.index_cast %scan3A_163 : i32 to index
        %get3A_754 = arith.constant 944 : index
        %get3A_755 = tpu.vector_load %arg7[%get3A_753, %get3A_754] {strides = array<i32>} : memref<32x1024xf32, #tpu.memory_space<vmem>>, vector<1x16xf32>,
        %get3A_756 = vector.shape_cast %get3A_755 : vector<1x16xf32> to vector<16xf32>
        %mul3A_757 = arith.mulf %get3A_756, %broadcast_in_dim3A_3 : vector<16xf32>
        %swap3A_758 = arith.index_cast %scan3A_163 : i32 to index
        %swap3A_759 = arith.constant 944 : index
        %swap3A_760 = tpu.vector_load %arg7[%swap3A_758, %swap3A_759] {strides = array<i32>} : memref<32x1024xf32, #tpu.memory_space<vmem>>, vector<1x16xf32>,
        %swap3A_761 = vector.shape_cast %swap3A_760 : vector<1x16xf32> to vector<16xf32>
        %swap3A_762 = vector.shape_cast %mul3A_757 : vector<16xf32> to vector<1x16xf32>
        tpu.vector_store %arg7[%swap3A_758, %swap3A_759], %swap3A_762 {strides = array<i32>} : memref<32x1024xf32, #tpu.memory_space<vmem>>, vector<1x16xf32>,
        %get3A_763 = arith.index_cast %scan3A_163 : i32 to index
        %get3A_764 = arith.constant 960 : index
        %get3A_765 = tpu.vector_load %arg7[%get3A_763, %get3A_764] {strides = array<i32>} : memref<32x1024xf32, #tpu.memory_space<vmem>>, vector<1x16xf32>,
        %get3A_766 = vector.shape_cast %get3A_765 : vector<1x16xf32> to vector<16xf32>
        %mul3A_767 = arith.mulf %get3A_766, %broadcast_in_dim3A_3 : vector<16xf32>
        %swap3A_768 = arith.index_cast %scan3A_163 : i32 to index
        %swap3A_769 = arith.constant 960 : index
        %swap3A_770 = tpu.vector_load %arg7[%swap3A_768, %swap3A_769] {strides = array<i32>} : memref<32x1024xf32, #tpu.memory_space<vmem>>, vector<1x16xf32>,
        %swap3A_771 = vector.shape_cast %swap3A_770 : vector<1x16xf32> to vector<16xf32>
        %swap3A_772 = vector.shape_cast %mul3A_767 : vector<16xf32> to vector<1x16xf32>
        tpu.vector_store %arg7[%swap3A_768, %swap3A_769], %swap3A_772 {strides = array<i32>} : memref<32x1024xf32, #tpu.memory_space<vmem>>, vector<1x16xf32>,
        %get3A_773 = arith.index_cast %scan3A_163 : i32 to index
        %get3A_774 = arith.constant 976 : index
        %get3A_775 = tpu.vector_load %arg7[%get3A_773, %get3A_774] {strides = array<i32>} : memref<32x1024xf32, #tpu.memory_space<vmem>>, vector<1x16xf32>,
        %get3A_776 = vector.shape_cast %get3A_775 : vector<1x16xf32> to vector<16xf32>
        %mul3A_777 = arith.mulf %get3A_776, %broadcast_in_dim3A_3 : vector<16xf32>
        %swap3A_778 = arith.index_cast %scan3A_163 : i32 to index
        %swap3A_779 = arith.constant 976 : index
        %swap3A_780 = tpu.vector_load %arg7[%swap3A_778, %swap3A_779] {strides = array<i32>} : memref<32x1024xf32, #tpu.memory_space<vmem>>, vector<1x16xf32>,
        %swap3A_781 = vector.shape_cast %swap3A_780 : vector<1x16xf32> to vector<16xf32>
        %swap3A_782 = vector.shape_cast %mul3A_777 : vector<16xf32> to vector<1x16xf32>
        tpu.vector_store %arg7[%swap3A_778, %swap3A_779], %swap3A_782 {strides = array<i32>} : memref<32x1024xf32, #tpu.memory_space<vmem>>, vector<1x16xf32>,
        %get3A_783 = arith.index_cast %scan3A_163 : i32 to index
        %get3A_784 = arith.constant 992 : index
        %get3A_785 = tpu.vector_load %arg7[%get3A_783, %get3A_784] {strides = array<i32>} : memref<32x1024xf32, #tpu.memory_space<vmem>>, vector<1x16xf32>,
        %get3A_786 = vector.shape_cast %get3A_785 : vector<1x16xf32> to vector<16xf32>
        %mul3A_787 = arith.mulf %get3A_786, %broadcast_in_dim3A_3 : vector<16xf32>
        %swap3A_788 = arith.index_cast %scan3A_163 : i32 to index
        %swap3A_789 = arith.constant 992 : index
        %swap3A_790 = tpu.vector_load %arg7[%swap3A_788, %swap3A_789] {strides = array<i32>} : memref<32x1024xf32, #tpu.memory_space<vmem>>, vector<1x16xf32>,
        %swap3A_791 = vector.shape_cast %swap3A_790 : vector<1x16xf32> to vector<16xf32>
        %swap3A_792 = vector.shape_cast %mul3A_787 : vector<16xf32> to vector<1x16xf32>
        tpu.vector_store %arg7[%swap3A_788, %swap3A_789], %swap3A_792 {strides = array<i32>} : memref<32x1024xf32, #tpu.memory_space<vmem>>, vector<1x16xf32>,
        %get3A_793 = arith.index_cast %scan3A_163 : i32 to index
        %get3A_794 = arith.constant 1008 : index
        %get3A_795 = tpu.vector_load %arg7[%get3A_793, %get3A_794] {strides = array<i32>} : memref<32x1024xf32, #tpu.memory_space<vmem>>, vector<1x16xf32>,
        %get3A_796 = vector.shape_cast %get3A_795 : vector<1x16xf32> to vector<16xf32>
        %mul3A_797 = arith.mulf %get3A_796, %broadcast_in_dim3A_3 : vector<16xf32>
        %swap3A_798 = arith.index_cast %scan3A_163 : i32 to index
        %swap3A_799 = arith.constant 1008 : index
        %swap3A_800 = tpu.vector_load %arg7[%swap3A_798, %swap3A_799] {strides = array<i32>} : memref<32x1024xf32, #tpu.memory_space<vmem>>, vector<1x16xf32>,
        %swap3A_801 = vector.shape_cast %swap3A_800 : vector<1x16xf32> to vector<16xf32>
        %swap3A_802 = vector.shape_cast %mul3A_797 : vector<16xf32> to vector<1x16xf32>
        tpu.vector_store %arg7[%swap3A_798, %swap3A_799], %swap3A_802 {strides = array<i32>} : memref<32x1024xf32, #tpu.memory_space<vmem>>, vector<1x16xf32>,
        %scan3A_803 = arith.constant 0 : i32
        scf.yield %scan3A_803 : i32
      }
      %scan3A_82 = arith.constant 32 : i32
      %mul3A_83 = arith.constant 32 : i32
      %mul3A_84 = arith.muli %add3A_68, %mul3A_83 : i32
      %add3A_85 = arith.addi %mul3A_2, %mul3A_84 : i32
      %dma_start3A_86 = arith.constant 0 : i32
      %dma_start3A_87 = tpu.memref_slice %arg4[%add3A_85, %dma_start3A_86] : memref<16384x1024xf32, #tpu.memory_space<hbm>> -> memref<32x1024xf32, #tpu.memory_space<hbm>>
      %dma_start3A_88 = arith.constant 0 : i32
      %dma_start3A_89 = tpu.memref_slice %arg4[%add3A_85, %dma_start3A_88] : memref<16384x1024xf32, #tpu.memory_space<hbm>> -> memref<32x1024xf32, #tpu.memory_space<hbm>>
      tpu.enqueue_dma source(%arg7 : memref<32x1024xf32, #tpu.memory_space<vmem>>) target(%dma_start3A_89 : memref<32x1024xf32, #tpu.memory_space<hbm>>) target_semaphore(%arg13 : memref<!tpu.dma_semaphore, #tpu.memory_space<semaphore_mem>>)
      %add3A_90 = arith.constant 2 : i32
      %add3A_91 = arith.addi %add3A_68, %add3A_90 : i32
      %lt3A = arith.constant 16 : i32
      %lt3A_92 = arith.cmpi slt, %add3A_91, %lt3A : i32
      %convert_element_type3A = arith.extui %lt3A_92 : i1 to i32
      %cond3A = arith.constant 0 : i32
      %cond3A_93 = arith.cmpi ne, %convert_element_type3A, %cond3A : i32
      scf.if %cond3A_93 {
        %dma_wait3A_163 = arith.constant 0 : i32
        %dma_wait3A_164 = tpu.memref_slice %arg4[%mul3A_2, %dma_wait3A_163] : memref<16384x1024xf32, #tpu.memory_space<hbm>> -> memref<32x1024xf32, #tpu.memory_space<hbm>>
        %dma_wait3A_165 = arith.constant 0 : i32
        %dma_wait3A_166 = tpu.memref_slice %arg4[%mul3A_2, %dma_wait3A_165] : memref<16384x1024xf32, #tpu.memory_space<hbm>> -> memref<32x1024xf32, #tpu.memory_space<hbm>>
        tpu.wait_dma2 semaphore(%arg12 : memref<!tpu.dma_semaphore, #tpu.memory_space<semaphore_mem>>) src(%arg6 : memref<32x1024xf32, #tpu.memory_space<vmem>>) dst(%dma_wait3A_166 : memref<32x1024xf32, #tpu.memory_space<hbm>>)
        %add3A_167 = arith.constant 2 : i32
        %add3A_168 = arith.addi %add3A_68, %add3A_167 : i32
        %dma_start3A_169 = arith.constant 0 : i32
        %dma_start3A_170 = tpu.memref_slice %arg5[%add3A_168, %dma_start3A_169] : memref<16x32xi32, #tpu.memory_space<vmem>> -> memref<1x32xi32, #tpu.memory_space<vmem>>
        %dma_start3A_171 = tpu.memref_squeeze %dma_start3A_170 : memref<1x32xi32, #tpu.memory_space<vmem>> -> memref<32xi32, #tpu.memory_space<vmem>>
        %dma_start3A_172 = arith.constant 0 : i32
        %dma_start3A_173 = arith.constant 0 : i32
        %dma_start3A_174 = tpu.memref_slice %arg3[%dma_start3A_172, %dma_start3A_173] : memref<100000x1024xf32, #tpu.memory_space<hbm>> -> memref<100000x1024xf32, #tpu.memory_space<hbm>>
        tpu.enqueue_indirect_dma source(%dma_start3A_174 : memref<100000x1024xf32, #tpu.memory_space<hbm>>) target(%arg6 : memref<32x1024xf32, #tpu.memory_space<vmem>>) offsets(%dma_start3A_171 : memref<32xi32, #tpu.memory_space<vmem>>) semaphore(%arg9 : memref<!tpu.dma_semaphore, #tpu.memory_space<semaphore_mem>>)
      } else {
      }
      %mul3A_94 = arith.constant 3 : i32
      %mul3A_95 = arith.muli %scan3A_61, %mul3A_94 : i32
      %add3A_96 = arith.constant 1 : i32
      %add3A_97 = arith.addi %add3A_96, %mul3A_95 : i32
      %add3A_98 = arith.constant 1 : i32
      %add3A_99 = arith.addi %add3A_97, %add3A_98 : i32
      %dma_wait3A_100 = arith.constant 0 : i32
      %dma_wait3A_101 = arith.constant 0 : i32
      %dma_wait3A_102 = tpu.memref_slice %arg5[%dma_wait3A_100, %dma_wait3A_101] : memref<16x32xi32, #tpu.memory_space<vmem>> -> memref<1x32xi32, #tpu.memory_space<vmem>>
      %dma_wait3A_103 = tpu.memref_squeeze %dma_wait3A_102 : memref<1x32xi32, #tpu.memory_space<vmem>> -> memref<32xi32, #tpu.memory_space<vmem>>
      %dma_wait3A_104 = arith.constant 0 : i32
      %dma_wait3A_105 = arith.constant 0 : i32
      %dma_wait3A_106 = tpu.memref_slice %arg3[%dma_wait3A_104, %dma_wait3A_105] : memref<100000x1024xf32, #tpu.memory_space<hbm>> -> memref<100000x1024xf32, #tpu.memory_space<hbm>>
      tpu.wait_indirect_dma semaphore(%arg11 : memref<!tpu.dma_semaphore, #tpu.memory_space<semaphore_mem>>) src(%dma_wait3A_106 : memref<100000x1024xf32, #tpu.memory_space<hbm>>) dst(%arg8 : memref<32x1024xf32, #tpu.memory_space<vmem>>)
      %scan3A_107 = arith.constant 0 : i32
      %scan3A_108 = arith.constant 0 : i32
      %scan3A_109 = arith.constant 32 : i32
      %scan3A_110 = arith.addi %scan3A_108, %scan3A_109 : i32
      %scan3A_111 = arith.constant 1 : i32
      %scan3A_112 = scf.for %scan3A_163 = %scan3A_108 to %scan3A_110 step %scan3A_111 iter_args(%scan3A_164 = %scan3A_107) -> (i32)  : i32 {
        %get3A = arith.index_cast %scan3A_163 : i32 to index
        %get3A_165 = arith.constant 0 : index
        %get3A_166 = tpu.vector_load %arg8[%get3A, %get3A_165] {strides = array<i32>} : memref<32x1024xf32, #tpu.memory_space<vmem>>, vector<1x16xf32>,
        %get3A_167 = vector.shape_cast %get3A_166 : vector<1x16xf32> to vector<16xf32>
        %mul3A_168 = arith.mulf %get3A_167, %broadcast_in_dim3A_3 : vector<16xf32>
        %swap3A = arith.index_cast %scan3A_163 : i32 to index
        %swap3A_169 = arith.constant 0 : index
        %swap3A_170 = tpu.vector_load %arg8[%swap3A, %swap3A_169] {strides = array<i32>} : memref<32x1024xf32, #tpu.memory_space<vmem>>, vector<1x16xf32>,
        %swap3A_171 = vector.shape_cast %swap3A_170 : vector<1x16xf32> to vector<16xf32>
        %swap3A_172 = vector.shape_cast %mul3A_168 : vector<16xf32> to vector<1x16xf32>
        tpu.vector_store %arg8[%swap3A, %swap3A_169], %swap3A_172 {strides = array<i32>} : memref<32x1024xf32, #tpu.memory_space<vmem>>, vector<1x16xf32>,
        %get3A_173 = arith.index_cast %scan3A_163 : i32 to index
        %get3A_174 = arith.constant 16 : index
        %get3A_175 = tpu.vector_load %arg8[%get3A_173, %get3A_174] {strides = array<i32>} : memref<32x1024xf32, #tpu.memory_space<vmem>>, vector<1x16xf32>,
        %get3A_176 = vector.shape_cast %get3A_175 : vector<1x16xf32> to vector<16xf32>
        %mul3A_177 = arith.mulf %get3A_176, %broadcast_in_dim3A_3 : vector<16xf32>
        %swap3A_178 = arith.index_cast %scan3A_163 : i32 to index
        %swap3A_179 = arith.constant 16 : index
        %swap3A_180 = tpu.vector_load %arg8[%swap3A_178, %swap3A_179] {strides = array<i32>} : memref<32x1024xf32, #tpu.memory_space<vmem>>, vector<1x16xf32>,
        %swap3A_181 = vector.shape_cast %swap3A_180 : vector<1x16xf32> to vector<16xf32>
        %swap3A_182 = vector.shape_cast %mul3A_177 : vector<16xf32> to vector<1x16xf32>
        tpu.vector_store %arg8[%swap3A_178, %swap3A_179], %swap3A_182 {strides = array<i32>} : memref<32x1024xf32, #tpu.memory_space<vmem>>, vector<1x16xf32>,
        %get3A_183 = arith.index_cast %scan3A_163 : i32 to index
        %get3A_184 = arith.constant 32 : index
        %get3A_185 = tpu.vector_load %arg8[%get3A_183, %get3A_184] {strides = array<i32>} : memref<32x1024xf32, #tpu.memory_space<vmem>>, vector<1x16xf32>,
        %get3A_186 = vector.shape_cast %get3A_185 : vector<1x16xf32> to vector<16xf32>
        %mul3A_187 = arith.mulf %get3A_186, %broadcast_in_dim3A_3 : vector<16xf32>
        %swap3A_188 = arith.index_cast %scan3A_163 : i32 to index
        %swap3A_189 = arith.constant 32 : index
        %swap3A_190 = tpu.vector_load %arg8[%swap3A_188, %swap3A_189] {strides = array<i32>} : memref<32x1024xf32, #tpu.memory_space<vmem>>, vector<1x16xf32>,
        %swap3A_191 = vector.shape_cast %swap3A_190 : vector<1x16xf32> to vector<16xf32>
        %swap3A_192 = vector.shape_cast %mul3A_187 : vector<16xf32> to vector<1x16xf32>
        tpu.vector_store %arg8[%swap3A_188, %swap3A_189], %swap3A_192 {strides = array<i32>} : memref<32x1024xf32, #tpu.memory_space<vmem>>, vector<1x16xf32>,
        %get3A_193 = arith.index_cast %scan3A_163 : i32 to index
        %get3A_194 = arith.constant 48 : index
        %get3A_195 = tpu.vector_load %arg8[%get3A_193, %get3A_194] {strides = array<i32>} : memref<32x1024xf32, #tpu.memory_space<vmem>>, vector<1x16xf32>,
        %get3A_196 = vector.shape_cast %get3A_195 : vector<1x16xf32> to vector<16xf32>
        %mul3A_197 = arith.mulf %get3A_196, %broadcast_in_dim3A_3 : vector<16xf32>
        %swap3A_198 = arith.index_cast %scan3A_163 : i32 to index
        %swap3A_199 = arith.constant 48 : index
        %swap3A_200 = tpu.vector_load %arg8[%swap3A_198, %swap3A_199] {strides = array<i32>} : memref<32x1024xf32, #tpu.memory_space<vmem>>, vector<1x16xf32>,
        %swap3A_201 = vector.shape_cast %swap3A_200 : vector<1x16xf32> to vector<16xf32>
        %swap3A_202 = vector.shape_cast %mul3A_197 : vector<16xf32> to vector<1x16xf32>
        tpu.vector_store %arg8[%swap3A_198, %swap3A_199], %swap3A_202 {strides = array<i32>} : memref<32x1024xf32, #tpu.memory_space<vmem>>, vector<1x16xf32>,
        %get3A_203 = arith.index_cast %scan3A_163 : i32 to index
        %get3A_204 = arith.constant 64 : index
        %get3A_205 = tpu.vector_load %arg8[%get3A_203, %get3A_204] {strides = array<i32>} : memref<32x1024xf32, #tpu.memory_space<vmem>>, vector<1x16xf32>,
        %get3A_206 = vector.shape_cast %get3A_205 : vector<1x16xf32> to vector<16xf32>
        %mul3A_207 = arith.mulf %get3A_206, %broadcast_in_dim3A_3 : vector<16xf32>
        %swap3A_208 = arith.index_cast %scan3A_163 : i32 to index
        %swap3A_209 = arith.constant 64 : index
        %swap3A_210 = tpu.vector_load %arg8[%swap3A_208, %swap3A_209] {strides = array<i32>} : memref<32x1024xf32, #tpu.memory_space<vmem>>, vector<1x16xf32>,
        %swap3A_211 = vector.shape_cast %swap3A_210 : vector<1x16xf32> to vector<16xf32>
        %swap3A_212 = vector.shape_cast %mul3A_207 : vector<16xf32> to vector<1x16xf32>
        tpu.vector_store %arg8[%swap3A_208, %swap3A_209], %swap3A_212 {strides = array<i32>} : memref<32x1024xf32, #tpu.memory_space<vmem>>, vector<1x16xf32>,
        %get3A_213 = arith.index_cast %scan3A_163 : i32 to index
        %get3A_214 = arith.constant 80 : index
        %get3A_215 = tpu.vector_load %arg8[%get3A_213, %get3A_214] {strides = array<i32>} : memref<32x1024xf32, #tpu.memory_space<vmem>>, vector<1x16xf32>,
        %get3A_216 = vector.shape_cast %get3A_215 : vector<1x16xf32> to vector<16xf32>
        %mul3A_217 = arith.mulf %get3A_216, %broadcast_in_dim3A_3 : vector<16xf32>
        %swap3A_218 = arith.index_cast %scan3A_163 : i32 to index
        %swap3A_219 = arith.constant 80 : index
        %swap3A_220 = tpu.vector_load %arg8[%swap3A_218, %swap3A_219] {strides = array<i32>} : memref<32x1024xf32, #tpu.memory_space<vmem>>, vector<1x16xf32>,
        %swap3A_221 = vector.shape_cast %swap3A_220 : vector<1x16xf32> to vector<16xf32>
        %swap3A_222 = vector.shape_cast %mul3A_217 : vector<16xf32> to vector<1x16xf32>
        tpu.vector_store %arg8[%swap3A_218, %swap3A_219], %swap3A_222 {strides = array<i32>} : memref<32x1024xf32, #tpu.memory_space<vmem>>, vector<1x16xf32>,
        %get3A_223 = arith.index_cast %scan3A_163 : i32 to index
        %get3A_224 = arith.constant 96 : index
        %get3A_225 = tpu.vector_load %arg8[%get3A_223, %get3A_224] {strides = array<i32>} : memref<32x1024xf32, #tpu.memory_space<vmem>>, vector<1x16xf32>,
        %get3A_226 = vector.shape_cast %get3A_225 : vector<1x16xf32> to vector<16xf32>
        %mul3A_227 = arith.mulf %get3A_226, %broadcast_in_dim3A_3 : vector<16xf32>
        %swap3A_228 = arith.index_cast %scan3A_163 : i32 to index
        %swap3A_229 = arith.constant 96 : index
        %swap3A_230 = tpu.vector_load %arg8[%swap3A_228, %swap3A_229] {strides = array<i32>} : memref<32x1024xf32, #tpu.memory_space<vmem>>, vector<1x16xf32>,
        %swap3A_231 = vector.shape_cast %swap3A_230 : vector<1x16xf32> to vector<16xf32>
        %swap3A_232 = vector.shape_cast %mul3A_227 : vector<16xf32> to vector<1x16xf32>
        tpu.vector_store %arg8[%swap3A_228, %swap3A_229], %swap3A_232 {strides = array<i32>} : memref<32x1024xf32, #tpu.memory_space<vmem>>, vector<1x16xf32>,
        %get3A_233 = arith.index_cast %scan3A_163 : i32 to index
        %get3A_234 = arith.constant 112 : index
        %get3A_235 = tpu.vector_load %arg8[%get3A_233, %get3A_234] {strides = array<i32>} : memref<32x1024xf32, #tpu.memory_space<vmem>>, vector<1x16xf32>,
        %get3A_236 = vector.shape_cast %get3A_235 : vector<1x16xf32> to vector<16xf32>
        %mul3A_237 = arith.mulf %get3A_236, %broadcast_in_dim3A_3 : vector<16xf32>
        %swap3A_238 = arith.index_cast %scan3A_163 : i32 to index
        %swap3A_239 = arith.constant 112 : index
        %swap3A_240 = tpu.vector_load %arg8[%swap3A_238, %swap3A_239] {strides = array<i32>} : memref<32x1024xf32, #tpu.memory_space<vmem>>, vector<1x16xf32>,
        %swap3A_241 = vector.shape_cast %swap3A_240 : vector<1x16xf32> to vector<16xf32>
        %swap3A_242 = vector.shape_cast %mul3A_237 : vector<16xf32> to vector<1x16xf32>
        tpu.vector_store %arg8[%swap3A_238, %swap3A_239], %swap3A_242 {strides = array<i32>} : memref<32x1024xf32, #tpu.memory_space<vmem>>, vector<1x16xf32>,
        %get3A_243 = arith.index_cast %scan3A_163 : i32 to index
        %get3A_244 = arith.constant 128 : index
        %get3A_245 = tpu.vector_load %arg8[%get3A_243, %get3A_244] {strides = array<i32>} : memref<32x1024xf32, #tpu.memory_space<vmem>>, vector<1x16xf32>,
        %get3A_246 = vector.shape_cast %get3A_245 : vector<1x16xf32> to vector<16xf32>
        %mul3A_247 = arith.mulf %get3A_246, %broadcast_in_dim3A_3 : vector<16xf32>
        %swap3A_248 = arith.index_cast %scan3A_163 : i32 to index
        %swap3A_249 = arith.constant 128 : index
        %swap3A_250 = tpu.vector_load %arg8[%swap3A_248, %swap3A_249] {strides = array<i32>} : memref<32x1024xf32, #tpu.memory_space<vmem>>, vector<1x16xf32>,
        %swap3A_251 = vector.shape_cast %swap3A_250 : vector<1x16xf32> to vector<16xf32>
        %swap3A_252 = vector.shape_cast %mul3A_247 : vector<16xf32> to vector<1x16xf32>
        tpu.vector_store %arg8[%swap3A_248, %swap3A_249], %swap3A_252 {strides = array<i32>} : memref<32x1024xf32, #tpu.memory_space<vmem>>, vector<1x16xf32>,
        %get3A_253 = arith.index_cast %scan3A_163 : i32 to index
        %get3A_254 = arith.constant 144 : index
        %get3A_255 = tpu.vector_load %arg8[%get3A_253, %get3A_254] {strides = array<i32>} : memref<32x1024xf32, #tpu.memory_space<vmem>>, vector<1x16xf32>,
        %get3A_256 = vector.shape_cast %get3A_255 : vector<1x16xf32> to vector<16xf32>
        %mul3A_257 = arith.mulf %get3A_256, %broadcast_in_dim3A_3 : vector<16xf32>
        %swap3A_258 = arith.index_cast %scan3A_163 : i32 to index
        %swap3A_259 = arith.constant 144 : index
        %swap3A_260 = tpu.vector_load %arg8[%swap3A_258, %swap3A_259] {strides = array<i32>} : memref<32x1024xf32, #tpu.memory_space<vmem>>, vector<1x16xf32>,
        %swap3A_261 = vector.shape_cast %swap3A_260 : vector<1x16xf32> to vector<16xf32>
        %swap3A_262 = vector.shape_cast %mul3A_257 : vector<16xf32> to vector<1x16xf32>
        tpu.vector_store %arg8[%swap3A_258, %swap3A_259], %swap3A_262 {strides = array<i32>} : memref<32x1024xf32, #tpu.memory_space<vmem>>, vector<1x16xf32>,
        %get3A_263 = arith.index_cast %scan3A_163 : i32 to index
        %get3A_264 = arith.constant 160 : index
        %get3A_265 = tpu.vector_load %arg8[%get3A_263, %get3A_264] {strides = array<i32>} : memref<32x1024xf32, #tpu.memory_space<vmem>>, vector<1x16xf32>,
        %get3A_266 = vector.shape_cast %get3A_265 : vector<1x16xf32> to vector<16xf32>
        %mul3A_267 = arith.mulf %get3A_266, %broadcast_in_dim3A_3 : vector<16xf32>
        %swap3A_268 = arith.index_cast %scan3A_163 : i32 to index
        %swap3A_269 = arith.constant 160 : index
        %swap3A_270 = tpu.vector_load %arg8[%swap3A_268, %swap3A_269] {strides = array<i32>} : memref<32x1024xf32, #tpu.memory_space<vmem>>, vector<1x16xf32>,
        %swap3A_271 = vector.shape_cast %swap3A_270 : vector<1x16xf32> to vector<16xf32>
        %swap3A_272 = vector.shape_cast %mul3A_267 : vector<16xf32> to vector<1x16xf32>
        tpu.vector_store %arg8[%swap3A_268, %swap3A_269], %swap3A_272 {strides = array<i32>} : memref<32x1024xf32, #tpu.memory_space<vmem>>, vector<1x16xf32>,
        %get3A_273 = arith.index_cast %scan3A_163 : i32 to index
        %get3A_274 = arith.constant 176 : index
        %get3A_275 = tpu.vector_load %arg8[%get3A_273, %get3A_274] {strides = array<i32>} : memref<32x1024xf32, #tpu.memory_space<vmem>>, vector<1x16xf32>,
        %get3A_276 = vector.shape_cast %get3A_275 : vector<1x16xf32> to vector<16xf32>
        %mul3A_277 = arith.mulf %get3A_276, %broadcast_in_dim3A_3 : vector<16xf32>
        %swap3A_278 = arith.index_cast %scan3A_163 : i32 to index
        %swap3A_279 = arith.constant 176 : index
        %swap3A_280 = tpu.vector_load %arg8[%swap3A_278, %swap3A_279] {strides = array<i32>} : memref<32x1024xf32, #tpu.memory_space<vmem>>, vector<1x16xf32>,
        %swap3A_281 = vector.shape_cast %swap3A_280 : vector<1x16xf32> to vector<16xf32>
        %swap3A_282 = vector.shape_cast %mul3A_277 : vector<16xf32> to vector<1x16xf32>
        tpu.vector_store %arg8[%swap3A_278, %swap3A_279], %swap3A_282 {strides = array<i32>} : memref<32x1024xf32, #tpu.memory_space<vmem>>, vector<1x16xf32>,
        %get3A_283 = arith.index_cast %scan3A_163 : i32 to index
        %get3A_284 = arith.constant 192 : index
        %get3A_285 = tpu.vector_load %arg8[%get3A_283, %get3A_284] {strides = array<i32>} : memref<32x1024xf32, #tpu.memory_space<vmem>>, vector<1x16xf32>,
        %get3A_286 = vector.shape_cast %get3A_285 : vector<1x16xf32> to vector<16xf32>
        %mul3A_287 = arith.mulf %get3A_286, %broadcast_in_dim3A_3 : vector<16xf32>
        %swap3A_288 = arith.index_cast %scan3A_163 : i32 to index
        %swap3A_289 = arith.constant 192 : index
        %swap3A_290 = tpu.vector_load %arg8[%swap3A_288, %swap3A_289] {strides = array<i32>} : memref<32x1024xf32, #tpu.memory_space<vmem>>, vector<1x16xf32>,
        %swap3A_291 = vector.shape_cast %swap3A_290 : vector<1x16xf32> to vector<16xf32>
        %swap3A_292 = vector.shape_cast %mul3A_287 : vector<16xf32> to vector<1x16xf32>
        tpu.vector_store %arg8[%swap3A_288, %swap3A_289], %swap3A_292 {strides = array<i32>} : memref<32x1024xf32, #tpu.memory_space<vmem>>, vector<1x16xf32>,
        %get3A_293 = arith.index_cast %scan3A_163 : i32 to index
        %get3A_294 = arith.constant 208 : index
        %get3A_295 = tpu.vector_load %arg8[%get3A_293, %get3A_294] {strides = array<i32>} : memref<32x1024xf32, #tpu.memory_space<vmem>>, vector<1x16xf32>,
        %get3A_296 = vector.shape_cast %get3A_295 : vector<1x16xf32> to vector<16xf32>
        %mul3A_297 = arith.mulf %get3A_296, %broadcast_in_dim3A_3 : vector<16xf32>
        %swap3A_298 = arith.index_cast %scan3A_163 : i32 to index
        %swap3A_299 = arith.constant 208 : index
        %swap3A_300 = tpu.vector_load %arg8[%swap3A_298, %swap3A_299] {strides = array<i32>} : memref<32x1024xf32, #tpu.memory_space<vmem>>, vector<1x16xf32>,
        %swap3A_301 = vector.shape_cast %swap3A_300 : vector<1x16xf32> to vector<16xf32>
        %swap3A_302 = vector.shape_cast %mul3A_297 : vector<16xf32> to vector<1x16xf32>
        tpu.vector_store %arg8[%swap3A_298, %swap3A_299], %swap3A_302 {strides = array<i32>} : memref<32x1024xf32, #tpu.memory_space<vmem>>, vector<1x16xf32>,
        %get3A_303 = arith.index_cast %scan3A_163 : i32 to index
        %get3A_304 = arith.constant 224 : index
        %get3A_305 = tpu.vector_load %arg8[%get3A_303, %get3A_304] {strides = array<i32>} : memref<32x1024xf32, #tpu.memory_space<vmem>>, vector<1x16xf32>,
        %get3A_306 = vector.shape_cast %get3A_305 : vector<1x16xf32> to vector<16xf32>
        %mul3A_307 = arith.mulf %get3A_306, %broadcast_in_dim3A_3 : vector<16xf32>
        %swap3A_308 = arith.index_cast %scan3A_163 : i32 to index
        %swap3A_309 = arith.constant 224 : index
        %swap3A_310 = tpu.vector_load %arg8[%swap3A_308, %swap3A_309] {strides = array<i32>} : memref<32x1024xf32, #tpu.memory_space<vmem>>, vector<1x16xf32>,
        %swap3A_311 = vector.shape_cast %swap3A_310 : vector<1x16xf32> to vector<16xf32>
        %swap3A_312 = vector.shape_cast %mul3A_307 : vector<16xf32> to vector<1x16xf32>
        tpu.vector_store %arg8[%swap3A_308, %swap3A_309], %swap3A_312 {strides = array<i32>} : memref<32x1024xf32, #tpu.memory_space<vmem>>, vector<1x16xf32>,
        %get3A_313 = arith.index_cast %scan3A_163 : i32 to index
        %get3A_314 = arith.constant 240 : index
        %get3A_315 = tpu.vector_load %arg8[%get3A_313, %get3A_314] {strides = array<i32>} : memref<32x1024xf32, #tpu.memory_space<vmem>>, vector<1x16xf32>,
        %get3A_316 = vector.shape_cast %get3A_315 : vector<1x16xf32> to vector<16xf32>
        %mul3A_317 = arith.mulf %get3A_316, %broadcast_in_dim3A_3 : vector<16xf32>
        %swap3A_318 = arith.index_cast %scan3A_163 : i32 to index
        %swap3A_319 = arith.constant 240 : index
        %swap3A_320 = tpu.vector_load %arg8[%swap3A_318, %swap3A_319] {strides = array<i32>} : memref<32x1024xf32, #tpu.memory_space<vmem>>, vector<1x16xf32>,
        %swap3A_321 = vector.shape_cast %swap3A_320 : vector<1x16xf32> to vector<16xf32>
        %swap3A_322 = vector.shape_cast %mul3A_317 : vector<16xf32> to vector<1x16xf32>
        tpu.vector_store %arg8[%swap3A_318, %swap3A_319], %swap3A_322 {strides = array<i32>} : memref<32x1024xf32, #tpu.memory_space<vmem>>, vector<1x16xf32>,
        %get3A_323 = arith.index_cast %scan3A_163 : i32 to index
        %get3A_324 = arith.constant 256 : index
        %get3A_325 = tpu.vector_load %arg8[%get3A_323, %get3A_324] {strides = array<i32>} : memref<32x1024xf32, #tpu.memory_space<vmem>>, vector<1x16xf32>,
        %get3A_326 = vector.shape_cast %get3A_325 : vector<1x16xf32> to vector<16xf32>
        %mul3A_327 = arith.mulf %get3A_326, %broadcast_in_dim3A_3 : vector<16xf32>
        %swap3A_328 = arith.index_cast %scan3A_163 : i32 to index
        %swap3A_329 = arith.constant 256 : index
        %swap3A_330 = tpu.vector_load %arg8[%swap3A_328, %swap3A_329] {strides = array<i32>} : memref<32x1024xf32, #tpu.memory_space<vmem>>, vector<1x16xf32>,
        %swap3A_331 = vector.shape_cast %swap3A_330 : vector<1x16xf32> to vector<16xf32>
        %swap3A_332 = vector.shape_cast %mul3A_327 : vector<16xf32> to vector<1x16xf32>
        tpu.vector_store %arg8[%swap3A_328, %swap3A_329], %swap3A_332 {strides = array<i32>} : memref<32x1024xf32, #tpu.memory_space<vmem>>, vector<1x16xf32>,
        %get3A_333 = arith.index_cast %scan3A_163 : i32 to index
        %get3A_334 = arith.constant 272 : index
        %get3A_335 = tpu.vector_load %arg8[%get3A_333, %get3A_334] {strides = array<i32>} : memref<32x1024xf32, #tpu.memory_space<vmem>>, vector<1x16xf32>,
        %get3A_336 = vector.shape_cast %get3A_335 : vector<1x16xf32> to vector<16xf32>
        %mul3A_337 = arith.mulf %get3A_336, %broadcast_in_dim3A_3 : vector<16xf32>
        %swap3A_338 = arith.index_cast %scan3A_163 : i32 to index
        %swap3A_339 = arith.constant 272 : index
        %swap3A_340 = tpu.vector_load %arg8[%swap3A_338, %swap3A_339] {strides = array<i32>} : memref<32x1024xf32, #tpu.memory_space<vmem>>, vector<1x16xf32>,
        %swap3A_341 = vector.shape_cast %swap3A_340 : vector<1x16xf32> to vector<16xf32>
        %swap3A_342 = vector.shape_cast %mul3A_337 : vector<16xf32> to vector<1x16xf32>
        tpu.vector_store %arg8[%swap3A_338, %swap3A_339], %swap3A_342 {strides = array<i32>} : memref<32x1024xf32, #tpu.memory_space<vmem>>, vector<1x16xf32>,
        %get3A_343 = arith.index_cast %scan3A_163 : i32 to index
        %get3A_344 = arith.constant 288 : index
        %get3A_345 = tpu.vector_load %arg8[%get3A_343, %get3A_344] {strides = array<i32>} : memref<32x1024xf32, #tpu.memory_space<vmem>>, vector<1x16xf32>,
        %get3A_346 = vector.shape_cast %get3A_345 : vector<1x16xf32> to vector<16xf32>
        %mul3A_347 = arith.mulf %get3A_346, %broadcast_in_dim3A_3 : vector<16xf32>
        %swap3A_348 = arith.index_cast %scan3A_163 : i32 to index
        %swap3A_349 = arith.constant 288 : index
        %swap3A_350 = tpu.vector_load %arg8[%swap3A_348, %swap3A_349] {strides = array<i32>} : memref<32x1024xf32, #tpu.memory_space<vmem>>, vector<1x16xf32>,
        %swap3A_351 = vector.shape_cast %swap3A_350 : vector<1x16xf32> to vector<16xf32>
        %swap3A_352 = vector.shape_cast %mul3A_347 : vector<16xf32> to vector<1x16xf32>
        tpu.vector_store %arg8[%swap3A_348, %swap3A_349], %swap3A_352 {strides = array<i32>} : memref<32x1024xf32, #tpu.memory_space<vmem>>, vector<1x16xf32>,
        %get3A_353 = arith.index_cast %scan3A_163 : i32 to index
        %get3A_354 = arith.constant 304 : index
        %get3A_355 = tpu.vector_load %arg8[%get3A_353, %get3A_354] {strides = array<i32>} : memref<32x1024xf32, #tpu.memory_space<vmem>>, vector<1x16xf32>,
        %get3A_356 = vector.shape_cast %get3A_355 : vector<1x16xf32> to vector<16xf32>
        %mul3A_357 = arith.mulf %get3A_356, %broadcast_in_dim3A_3 : vector<16xf32>
        %swap3A_358 = arith.index_cast %scan3A_163 : i32 to index
        %swap3A_359 = arith.constant 304 : index
        %swap3A_360 = tpu.vector_load %arg8[%swap3A_358, %swap3A_359] {strides = array<i32>} : memref<32x1024xf32, #tpu.memory_space<vmem>>, vector<1x16xf32>,
        %swap3A_361 = vector.shape_cast %swap3A_360 : vector<1x16xf32> to vector<16xf32>
        %swap3A_362 = vector.shape_cast %mul3A_357 : vector<16xf32> to vector<1x16xf32>
        tpu.vector_store %arg8[%swap3A_358, %swap3A_359], %swap3A_362 {strides = array<i32>} : memref<32x1024xf32, #tpu.memory_space<vmem>>, vector<1x16xf32>,
        %get3A_363 = arith.index_cast %scan3A_163 : i32 to index
        %get3A_364 = arith.constant 320 : index
        %get3A_365 = tpu.vector_load %arg8[%get3A_363, %get3A_364] {strides = array<i32>} : memref<32x1024xf32, #tpu.memory_space<vmem>>, vector<1x16xf32>,
        %get3A_366 = vector.shape_cast %get3A_365 : vector<1x16xf32> to vector<16xf32>
        %mul3A_367 = arith.mulf %get3A_366, %broadcast_in_dim3A_3 : vector<16xf32>
        %swap3A_368 = arith.index_cast %scan3A_163 : i32 to index
        %swap3A_369 = arith.constant 320 : index
        %swap3A_370 = tpu.vector_load %arg8[%swap3A_368, %swap3A_369] {strides = array<i32>} : memref<32x1024xf32, #tpu.memory_space<vmem>>, vector<1x16xf32>,
        %swap3A_371 = vector.shape_cast %swap3A_370 : vector<1x16xf32> to vector<16xf32>
        %swap3A_372 = vector.shape_cast %mul3A_367 : vector<16xf32> to vector<1x16xf32>
        tpu.vector_store %arg8[%swap3A_368, %swap3A_369], %swap3A_372 {strides = array<i32>} : memref<32x1024xf32, #tpu.memory_space<vmem>>, vector<1x16xf32>,
        %get3A_373 = arith.index_cast %scan3A_163 : i32 to index
        %get3A_374 = arith.constant 336 : index
        %get3A_375 = tpu.vector_load %arg8[%get3A_373, %get3A_374] {strides = array<i32>} : memref<32x1024xf32, #tpu.memory_space<vmem>>, vector<1x16xf32>,
        %get3A_376 = vector.shape_cast %get3A_375 : vector<1x16xf32> to vector<16xf32>
        %mul3A_377 = arith.mulf %get3A_376, %broadcast_in_dim3A_3 : vector<16xf32>
        %swap3A_378 = arith.index_cast %scan3A_163 : i32 to index
        %swap3A_379 = arith.constant 336 : index
        %swap3A_380 = tpu.vector_load %arg8[%swap3A_378, %swap3A_379] {strides = array<i32>} : memref<32x1024xf32, #tpu.memory_space<vmem>>, vector<1x16xf32>,
        %swap3A_381 = vector.shape_cast %swap3A_380 : vector<1x16xf32> to vector<16xf32>
        %swap3A_382 = vector.shape_cast %mul3A_377 : vector<16xf32> to vector<1x16xf32>
        tpu.vector_store %arg8[%swap3A_378, %swap3A_379], %swap3A_382 {strides = array<i32>} : memref<32x1024xf32, #tpu.memory_space<vmem>>, vector<1x16xf32>,
        %get3A_383 = arith.index_cast %scan3A_163 : i32 to index
        %get3A_384 = arith.constant 352 : index
        %get3A_385 = tpu.vector_load %arg8[%get3A_383, %get3A_384] {strides = array<i32>} : memref<32x1024xf32, #tpu.memory_space<vmem>>, vector<1x16xf32>,
        %get3A_386 = vector.shape_cast %get3A_385 : vector<1x16xf32> to vector<16xf32>
        %mul3A_387 = arith.mulf %get3A_386, %broadcast_in_dim3A_3 : vector<16xf32>
        %swap3A_388 = arith.index_cast %scan3A_163 : i32 to index
        %swap3A_389 = arith.constant 352 : index
        %swap3A_390 = tpu.vector_load %arg8[%swap3A_388, %swap3A_389] {strides = array<i32>} : memref<32x1024xf32, #tpu.memory_space<vmem>>, vector<1x16xf32>,
        %swap3A_391 = vector.shape_cast %swap3A_390 : vector<1x16xf32> to vector<16xf32>
        %swap3A_392 = vector.shape_cast %mul3A_387 : vector<16xf32> to vector<1x16xf32>
        tpu.vector_store %arg8[%swap3A_388, %swap3A_389], %swap3A_392 {strides = array<i32>} : memref<32x1024xf32, #tpu.memory_space<vmem>>, vector<1x16xf32>,
        %get3A_393 = arith.index_cast %scan3A_163 : i32 to index
        %get3A_394 = arith.constant 368 : index
        %get3A_395 = tpu.vector_load %arg8[%get3A_393, %get3A_394] {strides = array<i32>} : memref<32x1024xf32, #tpu.memory_space<vmem>>, vector<1x16xf32>,
        %get3A_396 = vector.shape_cast %get3A_395 : vector<1x16xf32> to vector<16xf32>
        %mul3A_397 = arith.mulf %get3A_396, %broadcast_in_dim3A_3 : vector<16xf32>
        %swap3A_398 = arith.index_cast %scan3A_163 : i32 to index
        %swap3A_399 = arith.constant 368 : index
        %swap3A_400 = tpu.vector_load %arg8[%swap3A_398, %swap3A_399] {strides = array<i32>} : memref<32x1024xf32, #tpu.memory_space<vmem>>, vector<1x16xf32>,
        %swap3A_401 = vector.shape_cast %swap3A_400 : vector<1x16xf32> to vector<16xf32>
        %swap3A_402 = vector.shape_cast %mul3A_397 : vector<16xf32> to vector<1x16xf32>
        tpu.vector_store %arg8[%swap3A_398, %swap3A_399], %swap3A_402 {strides = array<i32>} : memref<32x1024xf32, #tpu.memory_space<vmem>>, vector<1x16xf32>,
        %get3A_403 = arith.index_cast %scan3A_163 : i32 to index
        %get3A_404 = arith.constant 384 : index
        %get3A_405 = tpu.vector_load %arg8[%get3A_403, %get3A_404] {strides = array<i32>} : memref<32x1024xf32, #tpu.memory_space<vmem>>, vector<1x16xf32>,
        %get3A_406 = vector.shape_cast %get3A_405 : vector<1x16xf32> to vector<16xf32>
        %mul3A_407 = arith.mulf %get3A_406, %broadcast_in_dim3A_3 : vector<16xf32>
        %swap3A_408 = arith.index_cast %scan3A_163 : i32 to index
        %swap3A_409 = arith.constant 384 : index
        %swap3A_410 = tpu.vector_load %arg8[%swap3A_408, %swap3A_409] {strides = array<i32>} : memref<32x1024xf32, #tpu.memory_space<vmem>>, vector<1x16xf32>,
        %swap3A_411 = vector.shape_cast %swap3A_410 : vector<1x16xf32> to vector<16xf32>
        %swap3A_412 = vector.shape_cast %mul3A_407 : vector<16xf32> to vector<1x16xf32>
        tpu.vector_store %arg8[%swap3A_408, %swap3A_409], %swap3A_412 {strides = array<i32>} : memref<32x1024xf32, #tpu.memory_space<vmem>>, vector<1x16xf32>,
        %get3A_413 = arith.index_cast %scan3A_163 : i32 to index
        %get3A_414 = arith.constant 400 : index
        %get3A_415 = tpu.vector_load %arg8[%get3A_413, %get3A_414] {strides = array<i32>} : memref<32x1024xf32, #tpu.memory_space<vmem>>, vector<1x16xf32>,
        %get3A_416 = vector.shape_cast %get3A_415 : vector<1x16xf32> to vector<16xf32>
        %mul3A_417 = arith.mulf %get3A_416, %broadcast_in_dim3A_3 : vector<16xf32>
        %swap3A_418 = arith.index_cast %scan3A_163 : i32 to index
        %swap3A_419 = arith.constant 400 : index
        %swap3A_420 = tpu.vector_load %arg8[%swap3A_418, %swap3A_419] {strides = array<i32>} : memref<32x1024xf32, #tpu.memory_space<vmem>>, vector<1x16xf32>,
        %swap3A_421 = vector.shape_cast %swap3A_420 : vector<1x16xf32> to vector<16xf32>
        %swap3A_422 = vector.shape_cast %mul3A_417 : vector<16xf32> to vector<1x16xf32>
        tpu.vector_store %arg8[%swap3A_418, %swap3A_419], %swap3A_422 {strides = array<i32>} : memref<32x1024xf32, #tpu.memory_space<vmem>>, vector<1x16xf32>,
        %get3A_423 = arith.index_cast %scan3A_163 : i32 to index
        %get3A_424 = arith.constant 416 : index
        %get3A_425 = tpu.vector_load %arg8[%get3A_423, %get3A_424] {strides = array<i32>} : memref<32x1024xf32, #tpu.memory_space<vmem>>, vector<1x16xf32>,
        %get3A_426 = vector.shape_cast %get3A_425 : vector<1x16xf32> to vector<16xf32>
        %mul3A_427 = arith.mulf %get3A_426, %broadcast_in_dim3A_3 : vector<16xf32>
        %swap3A_428 = arith.index_cast %scan3A_163 : i32 to index
        %swap3A_429 = arith.constant 416 : index
        %swap3A_430 = tpu.vector_load %arg8[%swap3A_428, %swap3A_429] {strides = array<i32>} : memref<32x1024xf32, #tpu.memory_space<vmem>>, vector<1x16xf32>,
        %swap3A_431 = vector.shape_cast %swap3A_430 : vector<1x16xf32> to vector<16xf32>
        %swap3A_432 = vector.shape_cast %mul3A_427 : vector<16xf32> to vector<1x16xf32>
        tpu.vector_store %arg8[%swap3A_428, %swap3A_429], %swap3A_432 {strides = array<i32>} : memref<32x1024xf32, #tpu.memory_space<vmem>>, vector<1x16xf32>,
        %get3A_433 = arith.index_cast %scan3A_163 : i32 to index
        %get3A_434 = arith.constant 432 : index
        %get3A_435 = tpu.vector_load %arg8[%get3A_433, %get3A_434] {strides = array<i32>} : memref<32x1024xf32, #tpu.memory_space<vmem>>, vector<1x16xf32>,
        %get3A_436 = vector.shape_cast %get3A_435 : vector<1x16xf32> to vector<16xf32>
        %mul3A_437 = arith.mulf %get3A_436, %broadcast_in_dim3A_3 : vector<16xf32>
        %swap3A_438 = arith.index_cast %scan3A_163 : i32 to index
        %swap3A_439 = arith.constant 432 : index
        %swap3A_440 = tpu.vector_load %arg8[%swap3A_438, %swap3A_439] {strides = array<i32>} : memref<32x1024xf32, #tpu.memory_space<vmem>>, vector<1x16xf32>,
        %swap3A_441 = vector.shape_cast %swap3A_440 : vector<1x16xf32> to vector<16xf32>
        %swap3A_442 = vector.shape_cast %mul3A_437 : vector<16xf32> to vector<1x16xf32>
        tpu.vector_store %arg8[%swap3A_438, %swap3A_439], %swap3A_442 {strides = array<i32>} : memref<32x1024xf32, #tpu.memory_space<vmem>>, vector<1x16xf32>,
        %get3A_443 = arith.index_cast %scan3A_163 : i32 to index
        %get3A_444 = arith.constant 448 : index
        %get3A_445 = tpu.vector_load %arg8[%get3A_443, %get3A_444] {strides = array<i32>} : memref<32x1024xf32, #tpu.memory_space<vmem>>, vector<1x16xf32>,
        %get3A_446 = vector.shape_cast %get3A_445 : vector<1x16xf32> to vector<16xf32>
        %mul3A_447 = arith.mulf %get3A_446, %broadcast_in_dim3A_3 : vector<16xf32>
        %swap3A_448 = arith.index_cast %scan3A_163 : i32 to index
        %swap3A_449 = arith.constant 448 : index
        %swap3A_450 = tpu.vector_load %arg8[%swap3A_448, %swap3A_449] {strides = array<i32>} : memref<32x1024xf32, #tpu.memory_space<vmem>>, vector<1x16xf32>,
        %swap3A_451 = vector.shape_cast %swap3A_450 : vector<1x16xf32> to vector<16xf32>
        %swap3A_452 = vector.shape_cast %mul3A_447 : vector<16xf32> to vector<1x16xf32>
        tpu.vector_store %arg8[%swap3A_448, %swap3A_449], %swap3A_452 {strides = array<i32>} : memref<32x1024xf32, #tpu.memory_space<vmem>>, vector<1x16xf32>,
        %get3A_453 = arith.index_cast %scan3A_163 : i32 to index
        %get3A_454 = arith.constant 464 : index
        %get3A_455 = tpu.vector_load %arg8[%get3A_453, %get3A_454] {strides = array<i32>} : memref<32x1024xf32, #tpu.memory_space<vmem>>, vector<1x16xf32>,
        %get3A_456 = vector.shape_cast %get3A_455 : vector<1x16xf32> to vector<16xf32>
        %mul3A_457 = arith.mulf %get3A_456, %broadcast_in_dim3A_3 : vector<16xf32>
        %swap3A_458 = arith.index_cast %scan3A_163 : i32 to index
        %swap3A_459 = arith.constant 464 : index
        %swap3A_460 = tpu.vector_load %arg8[%swap3A_458, %swap3A_459] {strides = array<i32>} : memref<32x1024xf32, #tpu.memory_space<vmem>>, vector<1x16xf32>,
        %swap3A_461 = vector.shape_cast %swap3A_460 : vector<1x16xf32> to vector<16xf32>
        %swap3A_462 = vector.shape_cast %mul3A_457 : vector<16xf32> to vector<1x16xf32>
        tpu.vector_store %arg8[%swap3A_458, %swap3A_459], %swap3A_462 {strides = array<i32>} : memref<32x1024xf32, #tpu.memory_space<vmem>>, vector<1x16xf32>,
        %get3A_463 = arith.index_cast %scan3A_163 : i32 to index
        %get3A_464 = arith.constant 480 : index
        %get3A_465 = tpu.vector_load %arg8[%get3A_463, %get3A_464] {strides = array<i32>} : memref<32x1024xf32, #tpu.memory_space<vmem>>, vector<1x16xf32>,
        %get3A_466 = vector.shape_cast %get3A_465 : vector<1x16xf32> to vector<16xf32>
        %mul3A_467 = arith.mulf %get3A_466, %broadcast_in_dim3A_3 : vector<16xf32>
        %swap3A_468 = arith.index_cast %scan3A_163 : i32 to index
        %swap3A_469 = arith.constant 480 : index
        %swap3A_470 = tpu.vector_load %arg8[%swap3A_468, %swap3A_469] {strides = array<i32>} : memref<32x1024xf32, #tpu.memory_space<vmem>>, vector<1x16xf32>,
        %swap3A_471 = vector.shape_cast %swap3A_470 : vector<1x16xf32> to vector<16xf32>
        %swap3A_472 = vector.shape_cast %mul3A_467 : vector<16xf32> to vector<1x16xf32>
        tpu.vector_store %arg8[%swap3A_468, %swap3A_469], %swap3A_472 {strides = array<i32>} : memref<32x1024xf32, #tpu.memory_space<vmem>>, vector<1x16xf32>,
        %get3A_473 = arith.index_cast %scan3A_163 : i32 to index
        %get3A_474 = arith.constant 496 : index
        %get3A_475 = tpu.vector_load %arg8[%get3A_473, %get3A_474] {strides = array<i32>} : memref<32x1024xf32, #tpu.memory_space<vmem>>, vector<1x16xf32>,
        %get3A_476 = vector.shape_cast %get3A_475 : vector<1x16xf32> to vector<16xf32>
        %mul3A_477 = arith.mulf %get3A_476, %broadcast_in_dim3A_3 : vector<16xf32>
        %swap3A_478 = arith.index_cast %scan3A_163 : i32 to index
        %swap3A_479 = arith.constant 496 : index
        %swap3A_480 = tpu.vector_load %arg8[%swap3A_478, %swap3A_479] {strides = array<i32>} : memref<32x1024xf32, #tpu.memory_space<vmem>>, vector<1x16xf32>,
        %swap3A_481 = vector.shape_cast %swap3A_480 : vector<1x16xf32> to vector<16xf32>
        %swap3A_482 = vector.shape_cast %mul3A_477 : vector<16xf32> to vector<1x16xf32>
        tpu.vector_store %arg8[%swap3A_478, %swap3A_479], %swap3A_482 {strides = array<i32>} : memref<32x1024xf32, #tpu.memory_space<vmem>>, vector<1x16xf32>,
        %get3A_483 = arith.index_cast %scan3A_163 : i32 to index
        %get3A_484 = arith.constant 512 : index
        %get3A_485 = tpu.vector_load %arg8[%get3A_483, %get3A_484] {strides = array<i32>} : memref<32x1024xf32, #tpu.memory_space<vmem>>, vector<1x16xf32>,
        %get3A_486 = vector.shape_cast %get3A_485 : vector<1x16xf32> to vector<16xf32>
        %mul3A_487 = arith.mulf %get3A_486, %broadcast_in_dim3A_3 : vector<16xf32>
        %swap3A_488 = arith.index_cast %scan3A_163 : i32 to index
        %swap3A_489 = arith.constant 512 : index
        %swap3A_490 = tpu.vector_load %arg8[%swap3A_488, %swap3A_489] {strides = array<i32>} : memref<32x1024xf32, #tpu.memory_space<vmem>>, vector<1x16xf32>,
        %swap3A_491 = vector.shape_cast %swap3A_490 : vector<1x16xf32> to vector<16xf32>
        %swap3A_492 = vector.shape_cast %mul3A_487 : vector<16xf32> to vector<1x16xf32>
        tpu.vector_store %arg8[%swap3A_488, %swap3A_489], %swap3A_492 {strides = array<i32>} : memref<32x1024xf32, #tpu.memory_space<vmem>>, vector<1x16xf32>,
        %get3A_493 = arith.index_cast %scan3A_163 : i32 to index
        %get3A_494 = arith.constant 528 : index
        %get3A_495 = tpu.vector_load %arg8[%get3A_493, %get3A_494] {strides = array<i32>} : memref<32x1024xf32, #tpu.memory_space<vmem>>, vector<1x16xf32>,
        %get3A_496 = vector.shape_cast %get3A_495 : vector<1x16xf32> to vector<16xf32>
        %mul3A_497 = arith.mulf %get3A_496, %broadcast_in_dim3A_3 : vector<16xf32>
        %swap3A_498 = arith.index_cast %scan3A_163 : i32 to index
        %swap3A_499 = arith.constant 528 : index
        %swap3A_500 = tpu.vector_load %arg8[%swap3A_498, %swap3A_499] {strides = array<i32>} : memref<32x1024xf32, #tpu.memory_space<vmem>>, vector<1x16xf32>,
        %swap3A_501 = vector.shape_cast %swap3A_500 : vector<1x16xf32> to vector<16xf32>
        %swap3A_502 = vector.shape_cast %mul3A_497 : vector<16xf32> to vector<1x16xf32>
        tpu.vector_store %arg8[%swap3A_498, %swap3A_499], %swap3A_502 {strides = array<i32>} : memref<32x1024xf32, #tpu.memory_space<vmem>>, vector<1x16xf32>,
        %get3A_503 = arith.index_cast %scan3A_163 : i32 to index
        %get3A_504 = arith.constant 544 : index
        %get3A_505 = tpu.vector_load %arg8[%get3A_503, %get3A_504] {strides = array<i32>} : memref<32x1024xf32, #tpu.memory_space<vmem>>, vector<1x16xf32>,
        %get3A_506 = vector.shape_cast %get3A_505 : vector<1x16xf32> to vector<16xf32>
        %mul3A_507 = arith.mulf %get3A_506, %broadcast_in_dim3A_3 : vector<16xf32>
        %swap3A_508 = arith.index_cast %scan3A_163 : i32 to index
        %swap3A_509 = arith.constant 544 : index
        %swap3A_510 = tpu.vector_load %arg8[%swap3A_508, %swap3A_509] {strides = array<i32>} : memref<32x1024xf32, #tpu.memory_space<vmem>>, vector<1x16xf32>,
        %swap3A_511 = vector.shape_cast %swap3A_510 : vector<1x16xf32> to vector<16xf32>
        %swap3A_512 = vector.shape_cast %mul3A_507 : vector<16xf32> to vector<1x16xf32>
        tpu.vector_store %arg8[%swap3A_508, %swap3A_509], %swap3A_512 {strides = array<i32>} : memref<32x1024xf32, #tpu.memory_space<vmem>>, vector<1x16xf32>,
        %get3A_513 = arith.index_cast %scan3A_163 : i32 to index
        %get3A_514 = arith.constant 560 : index
        %get3A_515 = tpu.vector_load %arg8[%get3A_513, %get3A_514] {strides = array<i32>} : memref<32x1024xf32, #tpu.memory_space<vmem>>, vector<1x16xf32>,
        %get3A_516 = vector.shape_cast %get3A_515 : vector<1x16xf32> to vector<16xf32>
        %mul3A_517 = arith.mulf %get3A_516, %broadcast_in_dim3A_3 : vector<16xf32>
        %swap3A_518 = arith.index_cast %scan3A_163 : i32 to index
        %swap3A_519 = arith.constant 560 : index
        %swap3A_520 = tpu.vector_load %arg8[%swap3A_518, %swap3A_519] {strides = array<i32>} : memref<32x1024xf32, #tpu.memory_space<vmem>>, vector<1x16xf32>,
        %swap3A_521 = vector.shape_cast %swap3A_520 : vector<1x16xf32> to vector<16xf32>
        %swap3A_522 = vector.shape_cast %mul3A_517 : vector<16xf32> to vector<1x16xf32>
        tpu.vector_store %arg8[%swap3A_518, %swap3A_519], %swap3A_522 {strides = array<i32>} : memref<32x1024xf32, #tpu.memory_space<vmem>>, vector<1x16xf32>,
        %get3A_523 = arith.index_cast %scan3A_163 : i32 to index
        %get3A_524 = arith.constant 576 : index
        %get3A_525 = tpu.vector_load %arg8[%get3A_523, %get3A_524] {strides = array<i32>} : memref<32x1024xf32, #tpu.memory_space<vmem>>, vector<1x16xf32>,
        %get3A_526 = vector.shape_cast %get3A_525 : vector<1x16xf32> to vector<16xf32>
        %mul3A_527 = arith.mulf %get3A_526, %broadcast_in_dim3A_3 : vector<16xf32>
        %swap3A_528 = arith.index_cast %scan3A_163 : i32 to index
        %swap3A_529 = arith.constant 576 : index
        %swap3A_530 = tpu.vector_load %arg8[%swap3A_528, %swap3A_529] {strides = array<i32>} : memref<32x1024xf32, #tpu.memory_space<vmem>>, vector<1x16xf32>,
        %swap3A_531 = vector.shape_cast %swap3A_530 : vector<1x16xf32> to vector<16xf32>
        %swap3A_532 = vector.shape_cast %mul3A_527 : vector<16xf32> to vector<1x16xf32>
        tpu.vector_store %arg8[%swap3A_528, %swap3A_529], %swap3A_532 {strides = array<i32>} : memref<32x1024xf32, #tpu.memory_space<vmem>>, vector<1x16xf32>,
        %get3A_533 = arith.index_cast %scan3A_163 : i32 to index
        %get3A_534 = arith.constant 592 : index
        %get3A_535 = tpu.vector_load %arg8[%get3A_533, %get3A_534] {strides = array<i32>} : memref<32x1024xf32, #tpu.memory_space<vmem>>, vector<1x16xf32>,
        %get3A_536 = vector.shape_cast %get3A_535 : vector<1x16xf32> to vector<16xf32>
        %mul3A_537 = arith.mulf %get3A_536, %broadcast_in_dim3A_3 : vector<16xf32>
        %swap3A_538 = arith.index_cast %scan3A_163 : i32 to index
        %swap3A_539 = arith.constant 592 : index
        %swap3A_540 = tpu.vector_load %arg8[%swap3A_538, %swap3A_539] {strides = array<i32>} : memref<32x1024xf32, #tpu.memory_space<vmem>>, vector<1x16xf32>,
        %swap3A_541 = vector.shape_cast %swap3A_540 : vector<1x16xf32> to vector<16xf32>
        %swap3A_542 = vector.shape_cast %mul3A_537 : vector<16xf32> to vector<1x16xf32>
        tpu.vector_store %arg8[%swap3A_538, %swap3A_539], %swap3A_542 {strides = array<i32>} : memref<32x1024xf32, #tpu.memory_space<vmem>>, vector<1x16xf32>,
        %get3A_543 = arith.index_cast %scan3A_163 : i32 to index
        %get3A_544 = arith.constant 608 : index
        %get3A_545 = tpu.vector_load %arg8[%get3A_543, %get3A_544] {strides = array<i32>} : memref<32x1024xf32, #tpu.memory_space<vmem>>, vector<1x16xf32>,
        %get3A_546 = vector.shape_cast %get3A_545 : vector<1x16xf32> to vector<16xf32>
        %mul3A_547 = arith.mulf %get3A_546, %broadcast_in_dim3A_3 : vector<16xf32>
        %swap3A_548 = arith.index_cast %scan3A_163 : i32 to index
        %swap3A_549 = arith.constant 608 : index
        %swap3A_550 = tpu.vector_load %arg8[%swap3A_548, %swap3A_549] {strides = array<i32>} : memref<32x1024xf32, #tpu.memory_space<vmem>>, vector<1x16xf32>,
        %swap3A_551 = vector.shape_cast %swap3A_550 : vector<1x16xf32> to vector<16xf32>
        %swap3A_552 = vector.shape_cast %mul3A_547 : vector<16xf32> to vector<1x16xf32>
        tpu.vector_store %arg8[%swap3A_548, %swap3A_549], %swap3A_552 {strides = array<i32>} : memref<32x1024xf32, #tpu.memory_space<vmem>>, vector<1x16xf32>,
        %get3A_553 = arith.index_cast %scan3A_163 : i32 to index
        %get3A_554 = arith.constant 624 : index
        %get3A_555 = tpu.vector_load %arg8[%get3A_553, %get3A_554] {strides = array<i32>} : memref<32x1024xf32, #tpu.memory_space<vmem>>, vector<1x16xf32>,
        %get3A_556 = vector.shape_cast %get3A_555 : vector<1x16xf32> to vector<16xf32>
        %mul3A_557 = arith.mulf %get3A_556, %broadcast_in_dim3A_3 : vector<16xf32>
        %swap3A_558 = arith.index_cast %scan3A_163 : i32 to index
        %swap3A_559 = arith.constant 624 : index
        %swap3A_560 = tpu.vector_load %arg8[%swap3A_558, %swap3A_559] {strides = array<i32>} : memref<32x1024xf32, #tpu.memory_space<vmem>>, vector<1x16xf32>,
        %swap3A_561 = vector.shape_cast %swap3A_560 : vector<1x16xf32> to vector<16xf32>
        %swap3A_562 = vector.shape_cast %mul3A_557 : vector<16xf32> to vector<1x16xf32>
        tpu.vector_store %arg8[%swap3A_558, %swap3A_559], %swap3A_562 {strides = array<i32>} : memref<32x1024xf32, #tpu.memory_space<vmem>>, vector<1x16xf32>,
        %get3A_563 = arith.index_cast %scan3A_163 : i32 to index
        %get3A_564 = arith.constant 640 : index
        %get3A_565 = tpu.vector_load %arg8[%get3A_563, %get3A_564] {strides = array<i32>} : memref<32x1024xf32, #tpu.memory_space<vmem>>, vector<1x16xf32>,
        %get3A_566 = vector.shape_cast %get3A_565 : vector<1x16xf32> to vector<16xf32>
        %mul3A_567 = arith.mulf %get3A_566, %broadcast_in_dim3A_3 : vector<16xf32>
        %swap3A_568 = arith.index_cast %scan3A_163 : i32 to index
        %swap3A_569 = arith.constant 640 : index
        %swap3A_570 = tpu.vector_load %arg8[%swap3A_568, %swap3A_569] {strides = array<i32>} : memref<32x1024xf32, #tpu.memory_space<vmem>>, vector<1x16xf32>,
        %swap3A_571 = vector.shape_cast %swap3A_570 : vector<1x16xf32> to vector<16xf32>
        %swap3A_572 = vector.shape_cast %mul3A_567 : vector<16xf32> to vector<1x16xf32>
        tpu.vector_store %arg8[%swap3A_568, %swap3A_569], %swap3A_572 {strides = array<i32>} : memref<32x1024xf32, #tpu.memory_space<vmem>>, vector<1x16xf32>,
        %get3A_573 = arith.index_cast %scan3A_163 : i32 to index
        %get3A_574 = arith.constant 656 : index
        %get3A_575 = tpu.vector_load %arg8[%get3A_573, %get3A_574] {strides = array<i32>} : memref<32x1024xf32, #tpu.memory_space<vmem>>, vector<1x16xf32>,
        %get3A_576 = vector.shape_cast %get3A_575 : vector<1x16xf32> to vector<16xf32>
        %mul3A_577 = arith.mulf %get3A_576, %broadcast_in_dim3A_3 : vector<16xf32>
        %swap3A_578 = arith.index_cast %scan3A_163 : i32 to index
        %swap3A_579 = arith.constant 656 : index
        %swap3A_580 = tpu.vector_load %arg8[%swap3A_578, %swap3A_579] {strides = array<i32>} : memref<32x1024xf32, #tpu.memory_space<vmem>>, vector<1x16xf32>,
        %swap3A_581 = vector.shape_cast %swap3A_580 : vector<1x16xf32> to vector<16xf32>
        %swap3A_582 = vector.shape_cast %mul3A_577 : vector<16xf32> to vector<1x16xf32>
        tpu.vector_store %arg8[%swap3A_578, %swap3A_579], %swap3A_582 {strides = array<i32>} : memref<32x1024xf32, #tpu.memory_space<vmem>>, vector<1x16xf32>,
        %get3A_583 = arith.index_cast %scan3A_163 : i32 to index
        %get3A_584 = arith.constant 672 : index
        %get3A_585 = tpu.vector_load %arg8[%get3A_583, %get3A_584] {strides = array<i32>} : memref<32x1024xf32, #tpu.memory_space<vmem>>, vector<1x16xf32>,
        %get3A_586 = vector.shape_cast %get3A_585 : vector<1x16xf32> to vector<16xf32>
        %mul3A_587 = arith.mulf %get3A_586, %broadcast_in_dim3A_3 : vector<16xf32>
        %swap3A_588 = arith.index_cast %scan3A_163 : i32 to index
        %swap3A_589 = arith.constant 672 : index
        %swap3A_590 = tpu.vector_load %arg8[%swap3A_588, %swap3A_589] {strides = array<i32>} : memref<32x1024xf32, #tpu.memory_space<vmem>>, vector<1x16xf32>,
        %swap3A_591 = vector.shape_cast %swap3A_590 : vector<1x16xf32> to vector<16xf32>
        %swap3A_592 = vector.shape_cast %mul3A_587 : vector<16xf32> to vector<1x16xf32>
        tpu.vector_store %arg8[%swap3A_588, %swap3A_589], %swap3A_592 {strides = array<i32>} : memref<32x1024xf32, #tpu.memory_space<vmem>>, vector<1x16xf32>,
        %get3A_593 = arith.index_cast %scan3A_163 : i32 to index
        %get3A_594 = arith.constant 688 : index
        %get3A_595 = tpu.vector_load %arg8[%get3A_593, %get3A_594] {strides = array<i32>} : memref<32x1024xf32, #tpu.memory_space<vmem>>, vector<1x16xf32>,
        %get3A_596 = vector.shape_cast %get3A_595 : vector<1x16xf32> to vector<16xf32>
        %mul3A_597 = arith.mulf %get3A_596, %broadcast_in_dim3A_3 : vector<16xf32>
        %swap3A_598 = arith.index_cast %scan3A_163 : i32 to index
        %swap3A_599 = arith.constant 688 : index
        %swap3A_600 = tpu.vector_load %arg8[%swap3A_598, %swap3A_599] {strides = array<i32>} : memref<32x1024xf32, #tpu.memory_space<vmem>>, vector<1x16xf32>,
        %swap3A_601 = vector.shape_cast %swap3A_600 : vector<1x16xf32> to vector<16xf32>
        %swap3A_602 = vector.shape_cast %mul3A_597 : vector<16xf32> to vector<1x16xf32>
        tpu.vector_store %arg8[%swap3A_598, %swap3A_599], %swap3A_602 {strides = array<i32>} : memref<32x1024xf32, #tpu.memory_space<vmem>>, vector<1x16xf32>,
        %get3A_603 = arith.index_cast %scan3A_163 : i32 to index
        %get3A_604 = arith.constant 704 : index
        %get3A_605 = tpu.vector_load %arg8[%get3A_603, %get3A_604] {strides = array<i32>} : memref<32x1024xf32, #tpu.memory_space<vmem>>, vector<1x16xf32>,
        %get3A_606 = vector.shape_cast %get3A_605 : vector<1x16xf32> to vector<16xf32>
        %mul3A_607 = arith.mulf %get3A_606, %broadcast_in_dim3A_3 : vector<16xf32>
        %swap3A_608 = arith.index_cast %scan3A_163 : i32 to index
        %swap3A_609 = arith.constant 704 : index
        %swap3A_610 = tpu.vector_load %arg8[%swap3A_608, %swap3A_609] {strides = array<i32>} : memref<32x1024xf32, #tpu.memory_space<vmem>>, vector<1x16xf32>,
        %swap3A_611 = vector.shape_cast %swap3A_610 : vector<1x16xf32> to vector<16xf32>
        %swap3A_612 = vector.shape_cast %mul3A_607 : vector<16xf32> to vector<1x16xf32>
        tpu.vector_store %arg8[%swap3A_608, %swap3A_609], %swap3A_612 {strides = array<i32>} : memref<32x1024xf32, #tpu.memory_space<vmem>>, vector<1x16xf32>,
        %get3A_613 = arith.index_cast %scan3A_163 : i32 to index
        %get3A_614 = arith.constant 720 : index
        %get3A_615 = tpu.vector_load %arg8[%get3A_613, %get3A_614] {strides = array<i32>} : memref<32x1024xf32, #tpu.memory_space<vmem>>, vector<1x16xf32>,
        %get3A_616 = vector.shape_cast %get3A_615 : vector<1x16xf32> to vector<16xf32>
        %mul3A_617 = arith.mulf %get3A_616, %broadcast_in_dim3A_3 : vector<16xf32>
        %swap3A_618 = arith.index_cast %scan3A_163 : i32 to index
        %swap3A_619 = arith.constant 720 : index
        %swap3A_620 = tpu.vector_load %arg8[%swap3A_618, %swap3A_619] {strides = array<i32>} : memref<32x1024xf32, #tpu.memory_space<vmem>>, vector<1x16xf32>,
        %swap3A_621 = vector.shape_cast %swap3A_620 : vector<1x16xf32> to vector<16xf32>
        %swap3A_622 = vector.shape_cast %mul3A_617 : vector<16xf32> to vector<1x16xf32>
        tpu.vector_store %arg8[%swap3A_618, %swap3A_619], %swap3A_622 {strides = array<i32>} : memref<32x1024xf32, #tpu.memory_space<vmem>>, vector<1x16xf32>,
        %get3A_623 = arith.index_cast %scan3A_163 : i32 to index
        %get3A_624 = arith.constant 736 : index
        %get3A_625 = tpu.vector_load %arg8[%get3A_623, %get3A_624] {strides = array<i32>} : memref<32x1024xf32, #tpu.memory_space<vmem>>, vector<1x16xf32>,
        %get3A_626 = vector.shape_cast %get3A_625 : vector<1x16xf32> to vector<16xf32>
        %mul3A_627 = arith.mulf %get3A_626, %broadcast_in_dim3A_3 : vector<16xf32>
        %swap3A_628 = arith.index_cast %scan3A_163 : i32 to index
        %swap3A_629 = arith.constant 736 : index
        %swap3A_630 = tpu.vector_load %arg8[%swap3A_628, %swap3A_629] {strides = array<i32>} : memref<32x1024xf32, #tpu.memory_space<vmem>>, vector<1x16xf32>,
        %swap3A_631 = vector.shape_cast %swap3A_630 : vector<1x16xf32> to vector<16xf32>
        %swap3A_632 = vector.shape_cast %mul3A_627 : vector<16xf32> to vector<1x16xf32>
        tpu.vector_store %arg8[%swap3A_628, %swap3A_629], %swap3A_632 {strides = array<i32>} : memref<32x1024xf32, #tpu.memory_space<vmem>>, vector<1x16xf32>,
        %get3A_633 = arith.index_cast %scan3A_163 : i32 to index
        %get3A_634 = arith.constant 752 : index
        %get3A_635 = tpu.vector_load %arg8[%get3A_633, %get3A_634] {strides = array<i32>} : memref<32x1024xf32, #tpu.memory_space<vmem>>, vector<1x16xf32>,
        %get3A_636 = vector.shape_cast %get3A_635 : vector<1x16xf32> to vector<16xf32>
        %mul3A_637 = arith.mulf %get3A_636, %broadcast_in_dim3A_3 : vector<16xf32>
        %swap3A_638 = arith.index_cast %scan3A_163 : i32 to index
        %swap3A_639 = arith.constant 752 : index
        %swap3A_640 = tpu.vector_load %arg8[%swap3A_638, %swap3A_639] {strides = array<i32>} : memref<32x1024xf32, #tpu.memory_space<vmem>>, vector<1x16xf32>,
        %swap3A_641 = vector.shape_cast %swap3A_640 : vector<1x16xf32> to vector<16xf32>
        %swap3A_642 = vector.shape_cast %mul3A_637 : vector<16xf32> to vector<1x16xf32>
        tpu.vector_store %arg8[%swap3A_638, %swap3A_639], %swap3A_642 {strides = array<i32>} : memref<32x1024xf32, #tpu.memory_space<vmem>>, vector<1x16xf32>,
        %get3A_643 = arith.index_cast %scan3A_163 : i32 to index
        %get3A_644 = arith.constant 768 : index
        %get3A_645 = tpu.vector_load %arg8[%get3A_643, %get3A_644] {strides = array<i32>} : memref<32x1024xf32, #tpu.memory_space<vmem>>, vector<1x16xf32>,
        %get3A_646 = vector.shape_cast %get3A_645 : vector<1x16xf32> to vector<16xf32>
        %mul3A_647 = arith.mulf %get3A_646, %broadcast_in_dim3A_3 : vector<16xf32>
        %swap3A_648 = arith.index_cast %scan3A_163 : i32 to index
        %swap3A_649 = arith.constant 768 : index
        %swap3A_650 = tpu.vector_load %arg8[%swap3A_648, %swap3A_649] {strides = array<i32>} : memref<32x1024xf32, #tpu.memory_space<vmem>>, vector<1x16xf32>,
        %swap3A_651 = vector.shape_cast %swap3A_650 : vector<1x16xf32> to vector<16xf32>
        %swap3A_652 = vector.shape_cast %mul3A_647 : vector<16xf32> to vector<1x16xf32>
        tpu.vector_store %arg8[%swap3A_648, %swap3A_649], %swap3A_652 {strides = array<i32>} : memref<32x1024xf32, #tpu.memory_space<vmem>>, vector<1x16xf32>,
        %get3A_653 = arith.index_cast %scan3A_163 : i32 to index
        %get3A_654 = arith.constant 784 : index
        %get3A_655 = tpu.vector_load %arg8[%get3A_653, %get3A_654] {strides = array<i32>} : memref<32x1024xf32, #tpu.memory_space<vmem>>, vector<1x16xf32>,
        %get3A_656 = vector.shape_cast %get3A_655 : vector<1x16xf32> to vector<16xf32>
        %mul3A_657 = arith.mulf %get3A_656, %broadcast_in_dim3A_3 : vector<16xf32>
        %swap3A_658 = arith.index_cast %scan3A_163 : i32 to index
        %swap3A_659 = arith.constant 784 : index
        %swap3A_660 = tpu.vector_load %arg8[%swap3A_658, %swap3A_659] {strides = array<i32>} : memref<32x1024xf32, #tpu.memory_space<vmem>>, vector<1x16xf32>,
        %swap3A_661 = vector.shape_cast %swap3A_660 : vector<1x16xf32> to vector<16xf32>
        %swap3A_662 = vector.shape_cast %mul3A_657 : vector<16xf32> to vector<1x16xf32>
        tpu.vector_store %arg8[%swap3A_658, %swap3A_659], %swap3A_662 {strides = array<i32>} : memref<32x1024xf32, #tpu.memory_space<vmem>>, vector<1x16xf32>,
        %get3A_663 = arith.index_cast %scan3A_163 : i32 to index
        %get3A_664 = arith.constant 800 : index
        %get3A_665 = tpu.vector_load %arg8[%get3A_663, %get3A_664] {strides = array<i32>} : memref<32x1024xf32, #tpu.memory_space<vmem>>, vector<1x16xf32>,
        %get3A_666 = vector.shape_cast %get3A_665 : vector<1x16xf32> to vector<16xf32>
        %mul3A_667 = arith.mulf %get3A_666, %broadcast_in_dim3A_3 : vector<16xf32>
        %swap3A_668 = arith.index_cast %scan3A_163 : i32 to index
        %swap3A_669 = arith.constant 800 : index
        %swap3A_670 = tpu.vector_load %arg8[%swap3A_668, %swap3A_669] {strides = array<i32>} : memref<32x1024xf32, #tpu.memory_space<vmem>>, vector<1x16xf32>,
        %swap3A_671 = vector.shape_cast %swap3A_670 : vector<1x16xf32> to vector<16xf32>
        %swap3A_672 = vector.shape_cast %mul3A_667 : vector<16xf32> to vector<1x16xf32>
        tpu.vector_store %arg8[%swap3A_668, %swap3A_669], %swap3A_672 {strides = array<i32>} : memref<32x1024xf32, #tpu.memory_space<vmem>>, vector<1x16xf32>,
        %get3A_673 = arith.index_cast %scan3A_163 : i32 to index
        %get3A_674 = arith.constant 816 : index
        %get3A_675 = tpu.vector_load %arg8[%get3A_673, %get3A_674] {strides = array<i32>} : memref<32x1024xf32, #tpu.memory_space<vmem>>, vector<1x16xf32>,
        %get3A_676 = vector.shape_cast %get3A_675 : vector<1x16xf32> to vector<16xf32>
        %mul3A_677 = arith.mulf %get3A_676, %broadcast_in_dim3A_3 : vector<16xf32>
        %swap3A_678 = arith.index_cast %scan3A_163 : i32 to index
        %swap3A_679 = arith.constant 816 : index
        %swap3A_680 = tpu.vector_load %arg8[%swap3A_678, %swap3A_679] {strides = array<i32>} : memref<32x1024xf32, #tpu.memory_space<vmem>>, vector<1x16xf32>,
        %swap3A_681 = vector.shape_cast %swap3A_680 : vector<1x16xf32> to vector<16xf32>
        %swap3A_682 = vector.shape_cast %mul3A_677 : vector<16xf32> to vector<1x16xf32>
        tpu.vector_store %arg8[%swap3A_678, %swap3A_679], %swap3A_682 {strides = array<i32>} : memref<32x1024xf32, #tpu.memory_space<vmem>>, vector<1x16xf32>,
        %get3A_683 = arith.index_cast %scan3A_163 : i32 to index
        %get3A_684 = arith.constant 832 : index
        %get3A_685 = tpu.vector_load %arg8[%get3A_683, %get3A_684] {strides = array<i32>} : memref<32x1024xf32, #tpu.memory_space<vmem>>, vector<1x16xf32>,
        %get3A_686 = vector.shape_cast %get3A_685 : vector<1x16xf32> to vector<16xf32>
        %mul3A_687 = arith.mulf %get3A_686, %broadcast_in_dim3A_3 : vector<16xf32>
        %swap3A_688 = arith.index_cast %scan3A_163 : i32 to index
        %swap3A_689 = arith.constant 832 : index
        %swap3A_690 = tpu.vector_load %arg8[%swap3A_688, %swap3A_689] {strides = array<i32>} : memref<32x1024xf32, #tpu.memory_space<vmem>>, vector<1x16xf32>,
        %swap3A_691 = vector.shape_cast %swap3A_690 : vector<1x16xf32> to vector<16xf32>
        %swap3A_692 = vector.shape_cast %mul3A_687 : vector<16xf32> to vector<1x16xf32>
        tpu.vector_store %arg8[%swap3A_688, %swap3A_689], %swap3A_692 {strides = array<i32>} : memref<32x1024xf32, #tpu.memory_space<vmem>>, vector<1x16xf32>,
        %get3A_693 = arith.index_cast %scan3A_163 : i32 to index
        %get3A_694 = arith.constant 848 : index
        %get3A_695 = tpu.vector_load %arg8[%get3A_693, %get3A_694] {strides = array<i32>} : memref<32x1024xf32, #tpu.memory_space<vmem>>, vector<1x16xf32>,
        %get3A_696 = vector.shape_cast %get3A_695 : vector<1x16xf32> to vector<16xf32>
        %mul3A_697 = arith.mulf %get3A_696, %broadcast_in_dim3A_3 : vector<16xf32>
        %swap3A_698 = arith.index_cast %scan3A_163 : i32 to index
        %swap3A_699 = arith.constant 848 : index
        %swap3A_700 = tpu.vector_load %arg8[%swap3A_698, %swap3A_699] {strides = array<i32>} : memref<32x1024xf32, #tpu.memory_space<vmem>>, vector<1x16xf32>,
        %swap3A_701 = vector.shape_cast %swap3A_700 : vector<1x16xf32> to vector<16xf32>
        %swap3A_702 = vector.shape_cast %mul3A_697 : vector<16xf32> to vector<1x16xf32>
        tpu.vector_store %arg8[%swap3A_698, %swap3A_699], %swap3A_702 {strides = array<i32>} : memref<32x1024xf32, #tpu.memory_space<vmem>>, vector<1x16xf32>,
        %get3A_703 = arith.index_cast %scan3A_163 : i32 to index
        %get3A_704 = arith.constant 864 : index
        %get3A_705 = tpu.vector_load %arg8[%get3A_703, %get3A_704] {strides = array<i32>} : memref<32x1024xf32, #tpu.memory_space<vmem>>, vector<1x16xf32>,
        %get3A_706 = vector.shape_cast %get3A_705 : vector<1x16xf32> to vector<16xf32>
        %mul3A_707 = arith.mulf %get3A_706, %broadcast_in_dim3A_3 : vector<16xf32>
        %swap3A_708 = arith.index_cast %scan3A_163 : i32 to index
        %swap3A_709 = arith.constant 864 : index
        %swap3A_710 = tpu.vector_load %arg8[%swap3A_708, %swap3A_709] {strides = array<i32>} : memref<32x1024xf32, #tpu.memory_space<vmem>>, vector<1x16xf32>,
        %swap3A_711 = vector.shape_cast %swap3A_710 : vector<1x16xf32> to vector<16xf32>
        %swap3A_712 = vector.shape_cast %mul3A_707 : vector<16xf32> to vector<1x16xf32>
        tpu.vector_store %arg8[%swap3A_708, %swap3A_709], %swap3A_712 {strides = array<i32>} : memref<32x1024xf32, #tpu.memory_space<vmem>>, vector<1x16xf32>,
        %get3A_713 = arith.index_cast %scan3A_163 : i32 to index
        %get3A_714 = arith.constant 880 : index
        %get3A_715 = tpu.vector_load %arg8[%get3A_713, %get3A_714] {strides = array<i32>} : memref<32x1024xf32, #tpu.memory_space<vmem>>, vector<1x16xf32>,
        %get3A_716 = vector.shape_cast %get3A_715 : vector<1x16xf32> to vector<16xf32>
        %mul3A_717 = arith.mulf %get3A_716, %broadcast_in_dim3A_3 : vector<16xf32>
        %swap3A_718 = arith.index_cast %scan3A_163 : i32 to index
        %swap3A_719 = arith.constant 880 : index
        %swap3A_720 = tpu.vector_load %arg8[%swap3A_718, %swap3A_719] {strides = array<i32>} : memref<32x1024xf32, #tpu.memory_space<vmem>>, vector<1x16xf32>,
        %swap3A_721 = vector.shape_cast %swap3A_720 : vector<1x16xf32> to vector<16xf32>
        %swap3A_722 = vector.shape_cast %mul3A_717 : vector<16xf32> to vector<1x16xf32>
        tpu.vector_store %arg8[%swap3A_718, %swap3A_719], %swap3A_722 {strides = array<i32>} : memref<32x1024xf32, #tpu.memory_space<vmem>>, vector<1x16xf32>,
        %get3A_723 = arith.index_cast %scan3A_163 : i32 to index
        %get3A_724 = arith.constant 896 : index
        %get3A_725 = tpu.vector_load %arg8[%get3A_723, %get3A_724] {strides = array<i32>} : memref<32x1024xf32, #tpu.memory_space<vmem>>, vector<1x16xf32>,
        %get3A_726 = vector.shape_cast %get3A_725 : vector<1x16xf32> to vector<16xf32>
        %mul3A_727 = arith.mulf %get3A_726, %broadcast_in_dim3A_3 : vector<16xf32>
        %swap3A_728 = arith.index_cast %scan3A_163 : i32 to index
        %swap3A_729 = arith.constant 896 : index
        %swap3A_730 = tpu.vector_load %arg8[%swap3A_728, %swap3A_729] {strides = array<i32>} : memref<32x1024xf32, #tpu.memory_space<vmem>>, vector<1x16xf32>,
        %swap3A_731 = vector.shape_cast %swap3A_730 : vector<1x16xf32> to vector<16xf32>
        %swap3A_732 = vector.shape_cast %mul3A_727 : vector<16xf32> to vector<1x16xf32>
        tpu.vector_store %arg8[%swap3A_728, %swap3A_729], %swap3A_732 {strides = array<i32>} : memref<32x1024xf32, #tpu.memory_space<vmem>>, vector<1x16xf32>,
        %get3A_733 = arith.index_cast %scan3A_163 : i32 to index
        %get3A_734 = arith.constant 912 : index
        %get3A_735 = tpu.vector_load %arg8[%get3A_733, %get3A_734] {strides = array<i32>} : memref<32x1024xf32, #tpu.memory_space<vmem>>, vector<1x16xf32>,
        %get3A_736 = vector.shape_cast %get3A_735 : vector<1x16xf32> to vector<16xf32>
        %mul3A_737 = arith.mulf %get3A_736, %broadcast_in_dim3A_3 : vector<16xf32>
        %swap3A_738 = arith.index_cast %scan3A_163 : i32 to index
        %swap3A_739 = arith.constant 912 : index
        %swap3A_740 = tpu.vector_load %arg8[%swap3A_738, %swap3A_739] {strides = array<i32>} : memref<32x1024xf32, #tpu.memory_space<vmem>>, vector<1x16xf32>,
        %swap3A_741 = vector.shape_cast %swap3A_740 : vector<1x16xf32> to vector<16xf32>
        %swap3A_742 = vector.shape_cast %mul3A_737 : vector<16xf32> to vector<1x16xf32>
        tpu.vector_store %arg8[%swap3A_738, %swap3A_739], %swap3A_742 {strides = array<i32>} : memref<32x1024xf32, #tpu.memory_space<vmem>>, vector<1x16xf32>,
        %get3A_743 = arith.index_cast %scan3A_163 : i32 to index
        %get3A_744 = arith.constant 928 : index
        %get3A_745 = tpu.vector_load %arg8[%get3A_743, %get3A_744] {strides = array<i32>} : memref<32x1024xf32, #tpu.memory_space<vmem>>, vector<1x16xf32>,
        %get3A_746 = vector.shape_cast %get3A_745 : vector<1x16xf32> to vector<16xf32>
        %mul3A_747 = arith.mulf %get3A_746, %broadcast_in_dim3A_3 : vector<16xf32>
        %swap3A_748 = arith.index_cast %scan3A_163 : i32 to index
        %swap3A_749 = arith.constant 928 : index
        %swap3A_750 = tpu.vector_load %arg8[%swap3A_748, %swap3A_749] {strides = array<i32>} : memref<32x1024xf32, #tpu.memory_space<vmem>>, vector<1x16xf32>,
        %swap3A_751 = vector.shape_cast %swap3A_750 : vector<1x16xf32> to vector<16xf32>
        %swap3A_752 = vector.shape_cast %mul3A_747 : vector<16xf32> to vector<1x16xf32>
        tpu.vector_store %arg8[%swap3A_748, %swap3A_749], %swap3A_752 {strides = array<i32>} : memref<32x1024xf32, #tpu.memory_space<vmem>>, vector<1x16xf32>,
        %get3A_753 = arith.index_cast %scan3A_163 : i32 to index
        %get3A_754 = arith.constant 944 : index
        %get3A_755 = tpu.vector_load %arg8[%get3A_753, %get3A_754] {strides = array<i32>} : memref<32x1024xf32, #tpu.memory_space<vmem>>, vector<1x16xf32>,
        %get3A_756 = vector.shape_cast %get3A_755 : vector<1x16xf32> to vector<16xf32>
        %mul3A_757 = arith.mulf %get3A_756, %broadcast_in_dim3A_3 : vector<16xf32>
        %swap3A_758 = arith.index_cast %scan3A_163 : i32 to index
        %swap3A_759 = arith.constant 944 : index
        %swap3A_760 = tpu.vector_load %arg8[%swap3A_758, %swap3A_759] {strides = array<i32>} : memref<32x1024xf32, #tpu.memory_space<vmem>>, vector<1x16xf32>,
        %swap3A_761 = vector.shape_cast %swap3A_760 : vector<1x16xf32> to vector<16xf32>
        %swap3A_762 = vector.shape_cast %mul3A_757 : vector<16xf32> to vector<1x16xf32>
        tpu.vector_store %arg8[%swap3A_758, %swap3A_759], %swap3A_762 {strides = array<i32>} : memref<32x1024xf32, #tpu.memory_space<vmem>>, vector<1x16xf32>,
        %get3A_763 = arith.index_cast %scan3A_163 : i32 to index
        %get3A_764 = arith.constant 960 : index
        %get3A_765 = tpu.vector_load %arg8[%get3A_763, %get3A_764] {strides = array<i32>} : memref<32x1024xf32, #tpu.memory_space<vmem>>, vector<1x16xf32>,
        %get3A_766 = vector.shape_cast %get3A_765 : vector<1x16xf32> to vector<16xf32>
        %mul3A_767 = arith.mulf %get3A_766, %broadcast_in_dim3A_3 : vector<16xf32>
        %swap3A_768 = arith.index_cast %scan3A_163 : i32 to index
        %swap3A_769 = arith.constant 960 : index
        %swap3A_770 = tpu.vector_load %arg8[%swap3A_768, %swap3A_769] {strides = array<i32>} : memref<32x1024xf32, #tpu.memory_space<vmem>>, vector<1x16xf32>,
        %swap3A_771 = vector.shape_cast %swap3A_770 : vector<1x16xf32> to vector<16xf32>
        %swap3A_772 = vector.shape_cast %mul3A_767 : vector<16xf32> to vector<1x16xf32>
        tpu.vector_store %arg8[%swap3A_768, %swap3A_769], %swap3A_772 {strides = array<i32>} : memref<32x1024xf32, #tpu.memory_space<vmem>>, vector<1x16xf32>,
        %get3A_773 = arith.index_cast %scan3A_163 : i32 to index
        %get3A_774 = arith.constant 976 : index
        %get3A_775 = tpu.vector_load %arg8[%get3A_773, %get3A_774] {strides = array<i32>} : memref<32x1024xf32, #tpu.memory_space<vmem>>, vector<1x16xf32>,
        %get3A_776 = vector.shape_cast %get3A_775 : vector<1x16xf32> to vector<16xf32>
        %mul3A_777 = arith.mulf %get3A_776, %broadcast_in_dim3A_3 : vector<16xf32>
        %swap3A_778 = arith.index_cast %scan3A_163 : i32 to index
        %swap3A_779 = arith.constant 976 : index
        %swap3A_780 = tpu.vector_load %arg8[%swap3A_778, %swap3A_779] {strides = array<i32>} : memref<32x1024xf32, #tpu.memory_space<vmem>>, vector<1x16xf32>,
        %swap3A_781 = vector.shape_cast %swap3A_780 : vector<1x16xf32> to vector<16xf32>
        %swap3A_782 = vector.shape_cast %mul3A_777 : vector<16xf32> to vector<1x16xf32>
        tpu.vector_store %arg8[%swap3A_778, %swap3A_779], %swap3A_782 {strides = array<i32>} : memref<32x1024xf32, #tpu.memory_space<vmem>>, vector<1x16xf32>,
        %get3A_783 = arith.index_cast %scan3A_163 : i32 to index
        %get3A_784 = arith.constant 992 : index
        %get3A_785 = tpu.vector_load %arg8[%get3A_783, %get3A_784] {strides = array<i32>} : memref<32x1024xf32, #tpu.memory_space<vmem>>, vector<1x16xf32>,
        %get3A_786 = vector.shape_cast %get3A_785 : vector<1x16xf32> to vector<16xf32>
        %mul3A_787 = arith.mulf %get3A_786, %broadcast_in_dim3A_3 : vector<16xf32>
        %swap3A_788 = arith.index_cast %scan3A_163 : i32 to index
        %swap3A_789 = arith.constant 992 : index
        %swap3A_790 = tpu.vector_load %arg8[%swap3A_788, %swap3A_789] {strides = array<i32>} : memref<32x1024xf32, #tpu.memory_space<vmem>>, vector<1x16xf32>,
        %swap3A_791 = vector.shape_cast %swap3A_790 : vector<1x16xf32> to vector<16xf32>
        %swap3A_792 = vector.shape_cast %mul3A_787 : vector<16xf32> to vector<1x16xf32>
        tpu.vector_store %arg8[%swap3A_788, %swap3A_789], %swap3A_792 {strides = array<i32>} : memref<32x1024xf32, #tpu.memory_space<vmem>>, vector<1x16xf32>,
        %get3A_793 = arith.index_cast %scan3A_163 : i32 to index
        %get3A_794 = arith.constant 1008 : index
        %get3A_795 = tpu.vector_load %arg8[%get3A_793, %get3A_794] {strides = array<i32>} : memref<32x1024xf32, #tpu.memory_space<vmem>>, vector<1x16xf32>,
        %get3A_796 = vector.shape_cast %get3A_795 : vector<1x16xf32> to vector<16xf32>
        %mul3A_797 = arith.mulf %get3A_796, %broadcast_in_dim3A_3 : vector<16xf32>
        %swap3A_798 = arith.index_cast %scan3A_163 : i32 to index
        %swap3A_799 = arith.constant 1008 : index
        %swap3A_800 = tpu.vector_load %arg8[%swap3A_798, %swap3A_799] {strides = array<i32>} : memref<32x1024xf32, #tpu.memory_space<vmem>>, vector<1x16xf32>,
        %swap3A_801 = vector.shape_cast %swap3A_800 : vector<1x16xf32> to vector<16xf32>
        %swap3A_802 = vector.shape_cast %mul3A_797 : vector<16xf32> to vector<1x16xf32>
        tpu.vector_store %arg8[%swap3A_798, %swap3A_799], %swap3A_802 {strides = array<i32>} : memref<32x1024xf32, #tpu.memory_space<vmem>>, vector<1x16xf32>,
        %scan3A_803 = arith.constant 0 : i32
        scf.yield %scan3A_803 : i32
      }
      %scan3A_113 = arith.constant 32 : i32
      %mul3A_114 = arith.constant 32 : i32
      %mul3A_115 = arith.muli %add3A_99, %mul3A_114 : i32
      %add3A_116 = arith.addi %mul3A_2, %mul3A_115 : i32
      %dma_start3A_117 = arith.constant 0 : i32
      %dma_start3A_118 = tpu.memref_slice %arg4[%add3A_116, %dma_start3A_117] : memref<16384x1024xf32, #tpu.memory_space<hbm>> -> memref<32x1024xf32, #tpu.memory_space<hbm>>
      %dma_start3A_119 = arith.constant 0 : i32
      %dma_start3A_120 = tpu.memref_slice %arg4[%add3A_116, %dma_start3A_119] : memref<16384x1024xf32, #tpu.memory_space<hbm>> -> memref<32x1024xf32, #tpu.memory_space<hbm>>
      tpu.enqueue_dma source(%arg8 : memref<32x1024xf32, #tpu.memory_space<vmem>>) target(%dma_start3A_120 : memref<32x1024xf32, #tpu.memory_space<hbm>>) target_semaphore(%arg14 : memref<!tpu.dma_semaphore, #tpu.memory_space<semaphore_mem>>)
      %add3A_121 = arith.constant 2 : i32
      %add3A_122 = arith.addi %add3A_99, %add3A_121 : i32
      %lt3A_123 = arith.constant 16 : i32
      %lt3A_124 = arith.cmpi slt, %add3A_122, %lt3A_123 : i32
      %convert_element_type3A_125 = arith.extui %lt3A_124 : i1 to i32
      %cond3A_126 = arith.constant 0 : i32
      %cond3A_127 = arith.cmpi ne, %convert_element_type3A_125, %cond3A_126 : i32
      scf.if %cond3A_127 {
        %dma_wait3A_163 = arith.constant 0 : i32
        %dma_wait3A_164 = tpu.memref_slice %arg4[%mul3A_2, %dma_wait3A_163] : memref<16384x1024xf32, #tpu.memory_space<hbm>> -> memref<32x1024xf32, #tpu.memory_space<hbm>>
        %dma_wait3A_165 = arith.constant 0 : i32
        %dma_wait3A_166 = tpu.memref_slice %arg4[%mul3A_2, %dma_wait3A_165] : memref<16384x1024xf32, #tpu.memory_space<hbm>> -> memref<32x1024xf32, #tpu.memory_space<hbm>>
        tpu.wait_dma2 semaphore(%arg13 : memref<!tpu.dma_semaphore, #tpu.memory_space<semaphore_mem>>) src(%arg7 : memref<32x1024xf32, #tpu.memory_space<vmem>>) dst(%dma_wait3A_166 : memref<32x1024xf32, #tpu.memory_space<hbm>>)
        %add3A_167 = arith.constant 2 : i32
        %add3A_168 = arith.addi %add3A_99, %add3A_167 : i32
        %dma_start3A_169 = arith.constant 0 : i32
        %dma_start3A_170 = tpu.memref_slice %arg5[%add3A_168, %dma_start3A_169] : memref<16x32xi32, #tpu.memory_space<vmem>> -> memref<1x32xi32, #tpu.memory_space<vmem>>
        %dma_start3A_171 = tpu.memref_squeeze %dma_start3A_170 : memref<1x32xi32, #tpu.memory_space<vmem>> -> memref<32xi32, #tpu.memory_space<vmem>>
        %dma_start3A_172 = arith.constant 0 : i32
        %dma_start3A_173 = arith.constant 0 : i32
        %dma_start3A_174 = tpu.memref_slice %arg3[%dma_start3A_172, %dma_start3A_173] : memref<100000x1024xf32, #tpu.memory_space<hbm>> -> memref<100000x1024xf32, #tpu.memory_space<hbm>>
        tpu.enqueue_indirect_dma source(%dma_start3A_174 : memref<100000x1024xf32, #tpu.memory_space<hbm>>) target(%arg7 : memref<32x1024xf32, #tpu.memory_space<vmem>>) offsets(%dma_start3A_171 : memref<32xi32, #tpu.memory_space<vmem>>) semaphore(%arg10 : memref<!tpu.dma_semaphore, #tpu.memory_space<semaphore_mem>>)
      } else {
      }
      %mul3A_128 = arith.constant 3 : i32
      %mul3A_129 = arith.muli %scan3A_61, %mul3A_128 : i32
      %add3A_130 = arith.constant 1 : i32
      %add3A_131 = arith.addi %add3A_130, %mul3A_129 : i32
      %add3A_132 = arith.constant 2 : i32
      %add3A_133 = arith.addi %add3A_131, %add3A_132 : i32
      %dma_wait3A_134 = arith.constant 0 : i32
      %dma_wait3A_135 = arith.constant 0 : i32
      %dma_wait3A_136 = tpu.memref_slice %arg5[%dma_wait3A_134, %dma_wait3A_135] : memref<16x32xi32, #tpu.memory_space<vmem>> -> memref<1x32xi32, #tpu.memory_space<vmem>>
      %dma_wait3A_137 = tpu.memref_squeeze %dma_wait3A_136 : memref<1x32xi32, #tpu.memory_space<vmem>> -> memref<32xi32, #tpu.memory_space<vmem>>
      %dma_wait3A_138 = arith.constant 0 : i32
      %dma_wait3A_139 = arith.constant 0 : i32
      %dma_wait3A_140 = tpu.memref_slice %arg3[%dma_wait3A_138, %dma_wait3A_139] : memref<100000x1024xf32, #tpu.memory_space<hbm>> -> memref<100000x1024xf32, #tpu.memory_space<hbm>>
      tpu.wait_indirect_dma semaphore(%arg9 : memref<!tpu.dma_semaphore, #tpu.memory_space<semaphore_mem>>) src(%dma_wait3A_140 : memref<100000x1024xf32, #tpu.memory_space<hbm>>) dst(%arg6 : memref<32x1024xf32, #tpu.memory_space<vmem>>)
      %scan3A_141 = arith.constant 0 : i32
      %scan3A_142 = arith.constant 0 : i32
      %scan3A_143 = arith.constant 32 : i32
      %scan3A_144 = arith.addi %scan3A_142, %scan3A_143 : i32
      %scan3A_145 = arith.constant 1 : i32
      %scan3A_146 = scf.for %scan3A_163 = %scan3A_142 to %scan3A_144 step %scan3A_145 iter_args(%scan3A_164 = %scan3A_141) -> (i32)  : i32 {
        %get3A = arith.index_cast %scan3A_163 : i32 to index
        %get3A_165 = arith.constant 0 : index
        %get3A_166 = tpu.vector_load %arg6[%get3A, %get3A_165] {strides = array<i32>} : memref<32x1024xf32, #tpu.memory_space<vmem>>, vector<1x16xf32>,
        %get3A_167 = vector.shape_cast %get3A_166 : vector<1x16xf32> to vector<16xf32>
        %mul3A_168 = arith.mulf %get3A_167, %broadcast_in_dim3A_3 : vector<16xf32>
        %swap3A = arith.index_cast %scan3A_163 : i32 to index
        %swap3A_169 = arith.constant 0 : index
        %swap3A_170 = tpu.vector_load %arg6[%swap3A, %swap3A_169] {strides = array<i32>} : memref<32x1024xf32, #tpu.memory_space<vmem>>, vector<1x16xf32>,
        %swap3A_171 = vector.shape_cast %swap3A_170 : vector<1x16xf32> to vector<16xf32>
        %swap3A_172 = vector.shape_cast %mul3A_168 : vector<16xf32> to vector<1x16xf32>
        tpu.vector_store %arg6[%swap3A, %swap3A_169], %swap3A_172 {strides = array<i32>} : memref<32x1024xf32, #tpu.memory_space<vmem>>, vector<1x16xf32>,
        %get3A_173 = arith.index_cast %scan3A_163 : i32 to index
        %get3A_174 = arith.constant 16 : index
        %get3A_175 = tpu.vector_load %arg6[%get3A_173, %get3A_174] {strides = array<i32>} : memref<32x1024xf32, #tpu.memory_space<vmem>>, vector<1x16xf32>,
        %get3A_176 = vector.shape_cast %get3A_175 : vector<1x16xf32> to vector<16xf32>
        %mul3A_177 = arith.mulf %get3A_176, %broadcast_in_dim3A_3 : vector<16xf32>
        %swap3A_178 = arith.index_cast %scan3A_163 : i32 to index
        %swap3A_179 = arith.constant 16 : index
        %swap3A_180 = tpu.vector_load %arg6[%swap3A_178, %swap3A_179] {strides = array<i32>} : memref<32x1024xf32, #tpu.memory_space<vmem>>, vector<1x16xf32>,
        %swap3A_181 = vector.shape_cast %swap3A_180 : vector<1x16xf32> to vector<16xf32>
        %swap3A_182 = vector.shape_cast %mul3A_177 : vector<16xf32> to vector<1x16xf32>
        tpu.vector_store %arg6[%swap3A_178, %swap3A_179], %swap3A_182 {strides = array<i32>} : memref<32x1024xf32, #tpu.memory_space<vmem>>, vector<1x16xf32>,
        %get3A_183 = arith.index_cast %scan3A_163 : i32 to index
        %get3A_184 = arith.constant 32 : index
        %get3A_185 = tpu.vector_load %arg6[%get3A_183, %get3A_184] {strides = array<i32>} : memref<32x1024xf32, #tpu.memory_space<vmem>>, vector<1x16xf32>,
        %get3A_186 = vector.shape_cast %get3A_185 : vector<1x16xf32> to vector<16xf32>
        %mul3A_187 = arith.mulf %get3A_186, %broadcast_in_dim3A_3 : vector<16xf32>
        %swap3A_188 = arith.index_cast %scan3A_163 : i32 to index
        %swap3A_189 = arith.constant 32 : index
        %swap3A_190 = tpu.vector_load %arg6[%swap3A_188, %swap3A_189] {strides = array<i32>} : memref<32x1024xf32, #tpu.memory_space<vmem>>, vector<1x16xf32>,
        %swap3A_191 = vector.shape_cast %swap3A_190 : vector<1x16xf32> to vector<16xf32>
        %swap3A_192 = vector.shape_cast %mul3A_187 : vector<16xf32> to vector<1x16xf32>
        tpu.vector_store %arg6[%swap3A_188, %swap3A_189], %swap3A_192 {strides = array<i32>} : memref<32x1024xf32, #tpu.memory_space<vmem>>, vector<1x16xf32>,
        %get3A_193 = arith.index_cast %scan3A_163 : i32 to index
        %get3A_194 = arith.constant 48 : index
        %get3A_195 = tpu.vector_load %arg6[%get3A_193, %get3A_194] {strides = array<i32>} : memref<32x1024xf32, #tpu.memory_space<vmem>>, vector<1x16xf32>,
        %get3A_196 = vector.shape_cast %get3A_195 : vector<1x16xf32> to vector<16xf32>
        %mul3A_197 = arith.mulf %get3A_196, %broadcast_in_dim3A_3 : vector<16xf32>
        %swap3A_198 = arith.index_cast %scan3A_163 : i32 to index
        %swap3A_199 = arith.constant 48 : index
        %swap3A_200 = tpu.vector_load %arg6[%swap3A_198, %swap3A_199] {strides = array<i32>} : memref<32x1024xf32, #tpu.memory_space<vmem>>, vector<1x16xf32>,
        %swap3A_201 = vector.shape_cast %swap3A_200 : vector<1x16xf32> to vector<16xf32>
        %swap3A_202 = vector.shape_cast %mul3A_197 : vector<16xf32> to vector<1x16xf32>
        tpu.vector_store %arg6[%swap3A_198, %swap3A_199], %swap3A_202 {strides = array<i32>} : memref<32x1024xf32, #tpu.memory_space<vmem>>, vector<1x16xf32>,
        %get3A_203 = arith.index_cast %scan3A_163 : i32 to index
        %get3A_204 = arith.constant 64 : index
        %get3A_205 = tpu.vector_load %arg6[%get3A_203, %get3A_204] {strides = array<i32>} : memref<32x1024xf32, #tpu.memory_space<vmem>>, vector<1x16xf32>,
        %get3A_206 = vector.shape_cast %get3A_205 : vector<1x16xf32> to vector<16xf32>
        %mul3A_207 = arith.mulf %get3A_206, %broadcast_in_dim3A_3 : vector<16xf32>
        %swap3A_208 = arith.index_cast %scan3A_163 : i32 to index
        %swap3A_209 = arith.constant 64 : index
        %swap3A_210 = tpu.vector_load %arg6[%swap3A_208, %swap3A_209] {strides = array<i32>} : memref<32x1024xf32, #tpu.memory_space<vmem>>, vector<1x16xf32>,
        %swap3A_211 = vector.shape_cast %swap3A_210 : vector<1x16xf32> to vector<16xf32>
        %swap3A_212 = vector.shape_cast %mul3A_207 : vector<16xf32> to vector<1x16xf32>
        tpu.vector_store %arg6[%swap3A_208, %swap3A_209], %swap3A_212 {strides = array<i32>} : memref<32x1024xf32, #tpu.memory_space<vmem>>, vector<1x16xf32>,
        %get3A_213 = arith.index_cast %scan3A_163 : i32 to index
        %get3A_214 = arith.constant 80 : index
        %get3A_215 = tpu.vector_load %arg6[%get3A_213, %get3A_214] {strides = array<i32>} : memref<32x1024xf32, #tpu.memory_space<vmem>>, vector<1x16xf32>,
        %get3A_216 = vector.shape_cast %get3A_215 : vector<1x16xf32> to vector<16xf32>
        %mul3A_217 = arith.mulf %get3A_216, %broadcast_in_dim3A_3 : vector<16xf32>
        %swap3A_218 = arith.index_cast %scan3A_163 : i32 to index
        %swap3A_219 = arith.constant 80 : index
        %swap3A_220 = tpu.vector_load %arg6[%swap3A_218, %swap3A_219] {strides = array<i32>} : memref<32x1024xf32, #tpu.memory_space<vmem>>, vector<1x16xf32>,
        %swap3A_221 = vector.shape_cast %swap3A_220 : vector<1x16xf32> to vector<16xf32>
        %swap3A_222 = vector.shape_cast %mul3A_217 : vector<16xf32> to vector<1x16xf32>
        tpu.vector_store %arg6[%swap3A_218, %swap3A_219], %swap3A_222 {strides = array<i32>} : memref<32x1024xf32, #tpu.memory_space<vmem>>, vector<1x16xf32>,
        %get3A_223 = arith.index_cast %scan3A_163 : i32 to index
        %get3A_224 = arith.constant 96 : index
        %get3A_225 = tpu.vector_load %arg6[%get3A_223, %get3A_224] {strides = array<i32>} : memref<32x1024xf32, #tpu.memory_space<vmem>>, vector<1x16xf32>,
        %get3A_226 = vector.shape_cast %get3A_225 : vector<1x16xf32> to vector<16xf32>
        %mul3A_227 = arith.mulf %get3A_226, %broadcast_in_dim3A_3 : vector<16xf32>
        %swap3A_228 = arith.index_cast %scan3A_163 : i32 to index
        %swap3A_229 = arith.constant 96 : index
        %swap3A_230 = tpu.vector_load %arg6[%swap3A_228, %swap3A_229] {strides = array<i32>} : memref<32x1024xf32, #tpu.memory_space<vmem>>, vector<1x16xf32>,
        %swap3A_231 = vector.shape_cast %swap3A_230 : vector<1x16xf32> to vector<16xf32>
        %swap3A_232 = vector.shape_cast %mul3A_227 : vector<16xf32> to vector<1x16xf32>
        tpu.vector_store %arg6[%swap3A_228, %swap3A_229], %swap3A_232 {strides = array<i32>} : memref<32x1024xf32, #tpu.memory_space<vmem>>, vector<1x16xf32>,
        %get3A_233 = arith.index_cast %scan3A_163 : i32 to index
        %get3A_234 = arith.constant 112 : index
        %get3A_235 = tpu.vector_load %arg6[%get3A_233, %get3A_234] {strides = array<i32>} : memref<32x1024xf32, #tpu.memory_space<vmem>>, vector<1x16xf32>,
        %get3A_236 = vector.shape_cast %get3A_235 : vector<1x16xf32> to vector<16xf32>
        %mul3A_237 = arith.mulf %get3A_236, %broadcast_in_dim3A_3 : vector<16xf32>
        %swap3A_238 = arith.index_cast %scan3A_163 : i32 to index
        %swap3A_239 = arith.constant 112 : index
        %swap3A_240 = tpu.vector_load %arg6[%swap3A_238, %swap3A_239] {strides = array<i32>} : memref<32x1024xf32, #tpu.memory_space<vmem>>, vector<1x16xf32>,
        %swap3A_241 = vector.shape_cast %swap3A_240 : vector<1x16xf32> to vector<16xf32>
        %swap3A_242 = vector.shape_cast %mul3A_237 : vector<16xf32> to vector<1x16xf32>
        tpu.vector_store %arg6[%swap3A_238, %swap3A_239], %swap3A_242 {strides = array<i32>} : memref<32x1024xf32, #tpu.memory_space<vmem>>, vector<1x16xf32>,
        %get3A_243 = arith.index_cast %scan3A_163 : i32 to index
        %get3A_244 = arith.constant 128 : index
        %get3A_245 = tpu.vector_load %arg6[%get3A_243, %get3A_244] {strides = array<i32>} : memref<32x1024xf32, #tpu.memory_space<vmem>>, vector<1x16xf32>,
        %get3A_246 = vector.shape_cast %get3A_245 : vector<1x16xf32> to vector<16xf32>
        %mul3A_247 = arith.mulf %get3A_246, %broadcast_in_dim3A_3 : vector<16xf32>
        %swap3A_248 = arith.index_cast %scan3A_163 : i32 to index
        %swap3A_249 = arith.constant 128 : index
        %swap3A_250 = tpu.vector_load %arg6[%swap3A_248, %swap3A_249] {strides = array<i32>} : memref<32x1024xf32, #tpu.memory_space<vmem>>, vector<1x16xf32>,
        %swap3A_251 = vector.shape_cast %swap3A_250 : vector<1x16xf32> to vector<16xf32>
        %swap3A_252 = vector.shape_cast %mul3A_247 : vector<16xf32> to vector<1x16xf32>
        tpu.vector_store %arg6[%swap3A_248, %swap3A_249], %swap3A_252 {strides = array<i32>} : memref<32x1024xf32, #tpu.memory_space<vmem>>, vector<1x16xf32>,
        %get3A_253 = arith.index_cast %scan3A_163 : i32 to index
        %get3A_254 = arith.constant 144 : index
        %get3A_255 = tpu.vector_load %arg6[%get3A_253, %get3A_254] {strides = array<i32>} : memref<32x1024xf32, #tpu.memory_space<vmem>>, vector<1x16xf32>,
        %get3A_256 = vector.shape_cast %get3A_255 : vector<1x16xf32> to vector<16xf32>
        %mul3A_257 = arith.mulf %get3A_256, %broadcast_in_dim3A_3 : vector<16xf32>
        %swap3A_258 = arith.index_cast %scan3A_163 : i32 to index
        %swap3A_259 = arith.constant 144 : index
        %swap3A_260 = tpu.vector_load %arg6[%swap3A_258, %swap3A_259] {strides = array<i32>} : memref<32x1024xf32, #tpu.memory_space<vmem>>, vector<1x16xf32>,
        %swap3A_261 = vector.shape_cast %swap3A_260 : vector<1x16xf32> to vector<16xf32>
        %swap3A_262 = vector.shape_cast %mul3A_257 : vector<16xf32> to vector<1x16xf32>
        tpu.vector_store %arg6[%swap3A_258, %swap3A_259], %swap3A_262 {strides = array<i32>} : memref<32x1024xf32, #tpu.memory_space<vmem>>, vector<1x16xf32>,
        %get3A_263 = arith.index_cast %scan3A_163 : i32 to index
        %get3A_264 = arith.constant 160 : index
        %get3A_265 = tpu.vector_load %arg6[%get3A_263, %get3A_264] {strides = array<i32>} : memref<32x1024xf32, #tpu.memory_space<vmem>>, vector<1x16xf32>,
        %get3A_266 = vector.shape_cast %get3A_265 : vector<1x16xf32> to vector<16xf32>
        %mul3A_267 = arith.mulf %get3A_266, %broadcast_in_dim3A_3 : vector<16xf32>
        %swap3A_268 = arith.index_cast %scan3A_163 : i32 to index
        %swap3A_269 = arith.constant 160 : index
        %swap3A_270 = tpu.vector_load %arg6[%swap3A_268, %swap3A_269] {strides = array<i32>} : memref<32x1024xf32, #tpu.memory_space<vmem>>, vector<1x16xf32>,
        %swap3A_271 = vector.shape_cast %swap3A_270 : vector<1x16xf32> to vector<16xf32>
        %swap3A_272 = vector.shape_cast %mul3A_267 : vector<16xf32> to vector<1x16xf32>
        tpu.vector_store %arg6[%swap3A_268, %swap3A_269], %swap3A_272 {strides = array<i32>} : memref<32x1024xf32, #tpu.memory_space<vmem>>, vector<1x16xf32>,
        %get3A_273 = arith.index_cast %scan3A_163 : i32 to index
        %get3A_274 = arith.constant 176 : index
        %get3A_275 = tpu.vector_load %arg6[%get3A_273, %get3A_274] {strides = array<i32>} : memref<32x1024xf32, #tpu.memory_space<vmem>>, vector<1x16xf32>,
        %get3A_276 = vector.shape_cast %get3A_275 : vector<1x16xf32> to vector<16xf32>
        %mul3A_277 = arith.mulf %get3A_276, %broadcast_in_dim3A_3 : vector<16xf32>
        %swap3A_278 = arith.index_cast %scan3A_163 : i32 to index
        %swap3A_279 = arith.constant 176 : index
        %swap3A_280 = tpu.vector_load %arg6[%swap3A_278, %swap3A_279] {strides = array<i32>} : memref<32x1024xf32, #tpu.memory_space<vmem>>, vector<1x16xf32>,
        %swap3A_281 = vector.shape_cast %swap3A_280 : vector<1x16xf32> to vector<16xf32>
        %swap3A_282 = vector.shape_cast %mul3A_277 : vector<16xf32> to vector<1x16xf32>
        tpu.vector_store %arg6[%swap3A_278, %swap3A_279], %swap3A_282 {strides = array<i32>} : memref<32x1024xf32, #tpu.memory_space<vmem>>, vector<1x16xf32>,
        %get3A_283 = arith.index_cast %scan3A_163 : i32 to index
        %get3A_284 = arith.constant 192 : index
        %get3A_285 = tpu.vector_load %arg6[%get3A_283, %get3A_284] {strides = array<i32>} : memref<32x1024xf32, #tpu.memory_space<vmem>>, vector<1x16xf32>,
        %get3A_286 = vector.shape_cast %get3A_285 : vector<1x16xf32> to vector<16xf32>
        %mul3A_287 = arith.mulf %get3A_286, %broadcast_in_dim3A_3 : vector<16xf32>
        %swap3A_288 = arith.index_cast %scan3A_163 : i32 to index
        %swap3A_289 = arith.constant 192 : index
        %swap3A_290 = tpu.vector_load %arg6[%swap3A_288, %swap3A_289] {strides = array<i32>} : memref<32x1024xf32, #tpu.memory_space<vmem>>, vector<1x16xf32>,
        %swap3A_291 = vector.shape_cast %swap3A_290 : vector<1x16xf32> to vector<16xf32>
        %swap3A_292 = vector.shape_cast %mul3A_287 : vector<16xf32> to vector<1x16xf32>
        tpu.vector_store %arg6[%swap3A_288, %swap3A_289], %swap3A_292 {strides = array<i32>} : memref<32x1024xf32, #tpu.memory_space<vmem>>, vector<1x16xf32>,
        %get3A_293 = arith.index_cast %scan3A_163 : i32 to index
        %get3A_294 = arith.constant 208 : index
        %get3A_295 = tpu.vector_load %arg6[%get3A_293, %get3A_294] {strides = array<i32>} : memref<32x1024xf32, #tpu.memory_space<vmem>>, vector<1x16xf32>,
        %get3A_296 = vector.shape_cast %get3A_295 : vector<1x16xf32> to vector<16xf32>
        %mul3A_297 = arith.mulf %get3A_296, %broadcast_in_dim3A_3 : vector<16xf32>
        %swap3A_298 = arith.index_cast %scan3A_163 : i32 to index
        %swap3A_299 = arith.constant 208 : index
        %swap3A_300 = tpu.vector_load %arg6[%swap3A_298, %swap3A_299] {strides = array<i32>} : memref<32x1024xf32, #tpu.memory_space<vmem>>, vector<1x16xf32>,
        %swap3A_301 = vector.shape_cast %swap3A_300 : vector<1x16xf32> to vector<16xf32>
        %swap3A_302 = vector.shape_cast %mul3A_297 : vector<16xf32> to vector<1x16xf32>
        tpu.vector_store %arg6[%swap3A_298, %swap3A_299], %swap3A_302 {strides = array<i32>} : memref<32x1024xf32, #tpu.memory_space<vmem>>, vector<1x16xf32>,
        %get3A_303 = arith.index_cast %scan3A_163 : i32 to index
        %get3A_304 = arith.constant 224 : index
        %get3A_305 = tpu.vector_load %arg6[%get3A_303, %get3A_304] {strides = array<i32>} : memref<32x1024xf32, #tpu.memory_space<vmem>>, vector<1x16xf32>,
        %get3A_306 = vector.shape_cast %get3A_305 : vector<1x16xf32> to vector<16xf32>
        %mul3A_307 = arith.mulf %get3A_306, %broadcast_in_dim3A_3 : vector<16xf32>
        %swap3A_308 = arith.index_cast %scan3A_163 : i32 to index
        %swap3A_309 = arith.constant 224 : index
        %swap3A_310 = tpu.vector_load %arg6[%swap3A_308, %swap3A_309] {strides = array<i32>} : memref<32x1024xf32, #tpu.memory_space<vmem>>, vector<1x16xf32>,
        %swap3A_311 = vector.shape_cast %swap3A_310 : vector<1x16xf32> to vector<16xf32>
        %swap3A_312 = vector.shape_cast %mul3A_307 : vector<16xf32> to vector<1x16xf32>
        tpu.vector_store %arg6[%swap3A_308, %swap3A_309], %swap3A_312 {strides = array<i32>} : memref<32x1024xf32, #tpu.memory_space<vmem>>, vector<1x16xf32>,
        %get3A_313 = arith.index_cast %scan3A_163 : i32 to index
        %get3A_314 = arith.constant 240 : index
        %get3A_315 = tpu.vector_load %arg6[%get3A_313, %get3A_314] {strides = array<i32>} : memref<32x1024xf32, #tpu.memory_space<vmem>>, vector<1x16xf32>,
        %get3A_316 = vector.shape_cast %get3A_315 : vector<1x16xf32> to vector<16xf32>
        %mul3A_317 = arith.mulf %get3A_316, %broadcast_in_dim3A_3 : vector<16xf32>
        %swap3A_318 = arith.index_cast %scan3A_163 : i32 to index
        %swap3A_319 = arith.constant 240 : index
        %swap3A_320 = tpu.vector_load %arg6[%swap3A_318, %swap3A_319] {strides = array<i32>} : memref<32x1024xf32, #tpu.memory_space<vmem>>, vector<1x16xf32>,
        %swap3A_321 = vector.shape_cast %swap3A_320 : vector<1x16xf32> to vector<16xf32>
        %swap3A_322 = vector.shape_cast %mul3A_317 : vector<16xf32> to vector<1x16xf32>
        tpu.vector_store %arg6[%swap3A_318, %swap3A_319], %swap3A_322 {strides = array<i32>} : memref<32x1024xf32, #tpu.memory_space<vmem>>, vector<1x16xf32>,
        %get3A_323 = arith.index_cast %scan3A_163 : i32 to index
        %get3A_324 = arith.constant 256 : index
        %get3A_325 = tpu.vector_load %arg6[%get3A_323, %get3A_324] {strides = array<i32>} : memref<32x1024xf32, #tpu.memory_space<vmem>>, vector<1x16xf32>,
        %get3A_326 = vector.shape_cast %get3A_325 : vector<1x16xf32> to vector<16xf32>
        %mul3A_327 = arith.mulf %get3A_326, %broadcast_in_dim3A_3 : vector<16xf32>
        %swap3A_328 = arith.index_cast %scan3A_163 : i32 to index
        %swap3A_329 = arith.constant 256 : index
        %swap3A_330 = tpu.vector_load %arg6[%swap3A_328, %swap3A_329] {strides = array<i32>} : memref<32x1024xf32, #tpu.memory_space<vmem>>, vector<1x16xf32>,
        %swap3A_331 = vector.shape_cast %swap3A_330 : vector<1x16xf32> to vector<16xf32>
        %swap3A_332 = vector.shape_cast %mul3A_327 : vector<16xf32> to vector<1x16xf32>
        tpu.vector_store %arg6[%swap3A_328, %swap3A_329], %swap3A_332 {strides = array<i32>} : memref<32x1024xf32, #tpu.memory_space<vmem>>, vector<1x16xf32>,
        %get3A_333 = arith.index_cast %scan3A_163 : i32 to index
        %get3A_334 = arith.constant 272 : index
        %get3A_335 = tpu.vector_load %arg6[%get3A_333, %get3A_334] {strides = array<i32>} : memref<32x1024xf32, #tpu.memory_space<vmem>>, vector<1x16xf32>,
        %get3A_336 = vector.shape_cast %get3A_335 : vector<1x16xf32> to vector<16xf32>
        %mul3A_337 = arith.mulf %get3A_336, %broadcast_in_dim3A_3 : vector<16xf32>
        %swap3A_338 = arith.index_cast %scan3A_163 : i32 to index
        %swap3A_339 = arith.constant 272 : index
        %swap3A_340 = tpu.vector_load %arg6[%swap3A_338, %swap3A_339] {strides = array<i32>} : memref<32x1024xf32, #tpu.memory_space<vmem>>, vector<1x16xf32>,
        %swap3A_341 = vector.shape_cast %swap3A_340 : vector<1x16xf32> to vector<16xf32>
        %swap3A_342 = vector.shape_cast %mul3A_337 : vector<16xf32> to vector<1x16xf32>
        tpu.vector_store %arg6[%swap3A_338, %swap3A_339], %swap3A_342 {strides = array<i32>} : memref<32x1024xf32, #tpu.memory_space<vmem>>, vector<1x16xf32>,
        %get3A_343 = arith.index_cast %scan3A_163 : i32 to index
        %get3A_344 = arith.constant 288 : index
        %get3A_345 = tpu.vector_load %arg6[%get3A_343, %get3A_344] {strides = array<i32>} : memref<32x1024xf32, #tpu.memory_space<vmem>>, vector<1x16xf32>,
        %get3A_346 = vector.shape_cast %get3A_345 : vector<1x16xf32> to vector<16xf32>
        %mul3A_347 = arith.mulf %get3A_346, %broadcast_in_dim3A_3 : vector<16xf32>
        %swap3A_348 = arith.index_cast %scan3A_163 : i32 to index
        %swap3A_349 = arith.constant 288 : index
        %swap3A_350 = tpu.vector_load %arg6[%swap3A_348, %swap3A_349] {strides = array<i32>} : memref<32x1024xf32, #tpu.memory_space<vmem>>, vector<1x16xf32>,
        %swap3A_351 = vector.shape_cast %swap3A_350 : vector<1x16xf32> to vector<16xf32>
        %swap3A_352 = vector.shape_cast %mul3A_347 : vector<16xf32> to vector<1x16xf32>
        tpu.vector_store %arg6[%swap3A_348, %swap3A_349], %swap3A_352 {strides = array<i32>} : memref<32x1024xf32, #tpu.memory_space<vmem>>, vector<1x16xf32>,
        %get3A_353 = arith.index_cast %scan3A_163 : i32 to index
        %get3A_354 = arith.constant 304 : index
        %get3A_355 = tpu.vector_load %arg6[%get3A_353, %get3A_354] {strides = array<i32>} : memref<32x1024xf32, #tpu.memory_space<vmem>>, vector<1x16xf32>,
        %get3A_356 = vector.shape_cast %get3A_355 : vector<1x16xf32> to vector<16xf32>
        %mul3A_357 = arith.mulf %get3A_356, %broadcast_in_dim3A_3 : vector<16xf32>
        %swap3A_358 = arith.index_cast %scan3A_163 : i32 to index
        %swap3A_359 = arith.constant 304 : index
        %swap3A_360 = tpu.vector_load %arg6[%swap3A_358, %swap3A_359] {strides = array<i32>} : memref<32x1024xf32, #tpu.memory_space<vmem>>, vector<1x16xf32>,
        %swap3A_361 = vector.shape_cast %swap3A_360 : vector<1x16xf32> to vector<16xf32>
        %swap3A_362 = vector.shape_cast %mul3A_357 : vector<16xf32> to vector<1x16xf32>
        tpu.vector_store %arg6[%swap3A_358, %swap3A_359], %swap3A_362 {strides = array<i32>} : memref<32x1024xf32, #tpu.memory_space<vmem>>, vector<1x16xf32>,
        %get3A_363 = arith.index_cast %scan3A_163 : i32 to index
        %get3A_364 = arith.constant 320 : index
        %get3A_365 = tpu.vector_load %arg6[%get3A_363, %get3A_364] {strides = array<i32>} : memref<32x1024xf32, #tpu.memory_space<vmem>>, vector<1x16xf32>,
        %get3A_366 = vector.shape_cast %get3A_365 : vector<1x16xf32> to vector<16xf32>
        %mul3A_367 = arith.mulf %get3A_366, %broadcast_in_dim3A_3 : vector<16xf32>
        %swap3A_368 = arith.index_cast %scan3A_163 : i32 to index
        %swap3A_369 = arith.constant 320 : index
        %swap3A_370 = tpu.vector_load %arg6[%swap3A_368, %swap3A_369] {strides = array<i32>} : memref<32x1024xf32, #tpu.memory_space<vmem>>, vector<1x16xf32>,
        %swap3A_371 = vector.shape_cast %swap3A_370 : vector<1x16xf32> to vector<16xf32>
        %swap3A_372 = vector.shape_cast %mul3A_367 : vector<16xf32> to vector<1x16xf32>
        tpu.vector_store %arg6[%swap3A_368, %swap3A_369], %swap3A_372 {strides = array<i32>} : memref<32x1024xf32, #tpu.memory_space<vmem>>, vector<1x16xf32>,
        %get3A_373 = arith.index_cast %scan3A_163 : i32 to index
        %get3A_374 = arith.constant 336 : index
        %get3A_375 = tpu.vector_load %arg6[%get3A_373, %get3A_374] {strides = array<i32>} : memref<32x1024xf32, #tpu.memory_space<vmem>>, vector<1x16xf32>,
        %get3A_376 = vector.shape_cast %get3A_375 : vector<1x16xf32> to vector<16xf32>
        %mul3A_377 = arith.mulf %get3A_376, %broadcast_in_dim3A_3 : vector<16xf32>
        %swap3A_378 = arith.index_cast %scan3A_163 : i32 to index
        %swap3A_379 = arith.constant 336 : index
        %swap3A_380 = tpu.vector_load %arg6[%swap3A_378, %swap3A_379] {strides = array<i32>} : memref<32x1024xf32, #tpu.memory_space<vmem>>, vector<1x16xf32>,
        %swap3A_381 = vector.shape_cast %swap3A_380 : vector<1x16xf32> to vector<16xf32>
        %swap3A_382 = vector.shape_cast %mul3A_377 : vector<16xf32> to vector<1x16xf32>
        tpu.vector_store %arg6[%swap3A_378, %swap3A_379], %swap3A_382 {strides = array<i32>} : memref<32x1024xf32, #tpu.memory_space<vmem>>, vector<1x16xf32>,
        %get3A_383 = arith.index_cast %scan3A_163 : i32 to index
        %get3A_384 = arith.constant 352 : index
        %get3A_385 = tpu.vector_load %arg6[%get3A_383, %get3A_384] {strides = array<i32>} : memref<32x1024xf32, #tpu.memory_space<vmem>>, vector<1x16xf32>,
        %get3A_386 = vector.shape_cast %get3A_385 : vector<1x16xf32> to vector<16xf32>
        %mul3A_387 = arith.mulf %get3A_386, %broadcast_in_dim3A_3 : vector<16xf32>
        %swap3A_388 = arith.index_cast %scan3A_163 : i32 to index
        %swap3A_389 = arith.constant 352 : index
        %swap3A_390 = tpu.vector_load %arg6[%swap3A_388, %swap3A_389] {strides = array<i32>} : memref<32x1024xf32, #tpu.memory_space<vmem>>, vector<1x16xf32>,
        %swap3A_391 = vector.shape_cast %swap3A_390 : vector<1x16xf32> to vector<16xf32>
        %swap3A_392 = vector.shape_cast %mul3A_387 : vector<16xf32> to vector<1x16xf32>
        tpu.vector_store %arg6[%swap3A_388, %swap3A_389], %swap3A_392 {strides = array<i32>} : memref<32x1024xf32, #tpu.memory_space<vmem>>, vector<1x16xf32>,
        %get3A_393 = arith.index_cast %scan3A_163 : i32 to index
        %get3A_394 = arith.constant 368 : index
        %get3A_395 = tpu.vector_load %arg6[%get3A_393, %get3A_394] {strides = array<i32>} : memref<32x1024xf32, #tpu.memory_space<vmem>>, vector<1x16xf32>,
        %get3A_396 = vector.shape_cast %get3A_395 : vector<1x16xf32> to vector<16xf32>
        %mul3A_397 = arith.mulf %get3A_396, %broadcast_in_dim3A_3 : vector<16xf32>
        %swap3A_398 = arith.index_cast %scan3A_163 : i32 to index
        %swap3A_399 = arith.constant 368 : index
        %swap3A_400 = tpu.vector_load %arg6[%swap3A_398, %swap3A_399] {strides = array<i32>} : memref<32x1024xf32, #tpu.memory_space<vmem>>, vector<1x16xf32>,
        %swap3A_401 = vector.shape_cast %swap3A_400 : vector<1x16xf32> to vector<16xf32>
        %swap3A_402 = vector.shape_cast %mul3A_397 : vector<16xf32> to vector<1x16xf32>
        tpu.vector_store %arg6[%swap3A_398, %swap3A_399], %swap3A_402 {strides = array<i32>} : memref<32x1024xf32, #tpu.memory_space<vmem>>, vector<1x16xf32>,
        %get3A_403 = arith.index_cast %scan3A_163 : i32 to index
        %get3A_404 = arith.constant 384 : index
        %get3A_405 = tpu.vector_load %arg6[%get3A_403, %get3A_404] {strides = array<i32>} : memref<32x1024xf32, #tpu.memory_space<vmem>>, vector<1x16xf32>,
        %get3A_406 = vector.shape_cast %get3A_405 : vector<1x16xf32> to vector<16xf32>
        %mul3A_407 = arith.mulf %get3A_406, %broadcast_in_dim3A_3 : vector<16xf32>
        %swap3A_408 = arith.index_cast %scan3A_163 : i32 to index
        %swap3A_409 = arith.constant 384 : index
        %swap3A_410 = tpu.vector_load %arg6[%swap3A_408, %swap3A_409] {strides = array<i32>} : memref<32x1024xf32, #tpu.memory_space<vmem>>, vector<1x16xf32>,
        %swap3A_411 = vector.shape_cast %swap3A_410 : vector<1x16xf32> to vector<16xf32>
        %swap3A_412 = vector.shape_cast %mul3A_407 : vector<16xf32> to vector<1x16xf32>
        tpu.vector_store %arg6[%swap3A_408, %swap3A_409], %swap3A_412 {strides = array<i32>} : memref<32x1024xf32, #tpu.memory_space<vmem>>, vector<1x16xf32>,
        %get3A_413 = arith.index_cast %scan3A_163 : i32 to index
        %get3A_414 = arith.constant 400 : index
        %get3A_415 = tpu.vector_load %arg6[%get3A_413, %get3A_414] {strides = array<i32>} : memref<32x1024xf32, #tpu.memory_space<vmem>>, vector<1x16xf32>,
        %get3A_416 = vector.shape_cast %get3A_415 : vector<1x16xf32> to vector<16xf32>
        %mul3A_417 = arith.mulf %get3A_416, %broadcast_in_dim3A_3 : vector<16xf32>
        %swap3A_418 = arith.index_cast %scan3A_163 : i32 to index
        %swap3A_419 = arith.constant 400 : index
        %swap3A_420 = tpu.vector_load %arg6[%swap3A_418, %swap3A_419] {strides = array<i32>} : memref<32x1024xf32, #tpu.memory_space<vmem>>, vector<1x16xf32>,
        %swap3A_421 = vector.shape_cast %swap3A_420 : vector<1x16xf32> to vector<16xf32>
        %swap3A_422 = vector.shape_cast %mul3A_417 : vector<16xf32> to vector<1x16xf32>
        tpu.vector_store %arg6[%swap3A_418, %swap3A_419], %swap3A_422 {strides = array<i32>} : memref<32x1024xf32, #tpu.memory_space<vmem>>, vector<1x16xf32>,
        %get3A_423 = arith.index_cast %scan3A_163 : i32 to index
        %get3A_424 = arith.constant 416 : index
        %get3A_425 = tpu.vector_load %arg6[%get3A_423, %get3A_424] {strides = array<i32>} : memref<32x1024xf32, #tpu.memory_space<vmem>>, vector<1x16xf32>,
        %get3A_426 = vector.shape_cast %get3A_425 : vector<1x16xf32> to vector<16xf32>
        %mul3A_427 = arith.mulf %get3A_426, %broadcast_in_dim3A_3 : vector<16xf32>
        %swap3A_428 = arith.index_cast %scan3A_163 : i32 to index
        %swap3A_429 = arith.constant 416 : index
        %swap3A_430 = tpu.vector_load %arg6[%swap3A_428, %swap3A_429] {strides = array<i32>} : memref<32x1024xf32, #tpu.memory_space<vmem>>, vector<1x16xf32>,
        %swap3A_431 = vector.shape_cast %swap3A_430 : vector<1x16xf32> to vector<16xf32>
        %swap3A_432 = vector.shape_cast %mul3A_427 : vector<16xf32> to vector<1x16xf32>
        tpu.vector_store %arg6[%swap3A_428, %swap3A_429], %swap3A_432 {strides = array<i32>} : memref<32x1024xf32, #tpu.memory_space<vmem>>, vector<1x16xf32>,
        %get3A_433 = arith.index_cast %scan3A_163 : i32 to index
        %get3A_434 = arith.constant 432 : index
        %get3A_435 = tpu.vector_load %arg6[%get3A_433, %get3A_434] {strides = array<i32>} : memref<32x1024xf32, #tpu.memory_space<vmem>>, vector<1x16xf32>,
        %get3A_436 = vector.shape_cast %get3A_435 : vector<1x16xf32> to vector<16xf32>
        %mul3A_437 = arith.mulf %get3A_436, %broadcast_in_dim3A_3 : vector<16xf32>
        %swap3A_438 = arith.index_cast %scan3A_163 : i32 to index
        %swap3A_439 = arith.constant 432 : index
        %swap3A_440 = tpu.vector_load %arg6[%swap3A_438, %swap3A_439] {strides = array<i32>} : memref<32x1024xf32, #tpu.memory_space<vmem>>, vector<1x16xf32>,
        %swap3A_441 = vector.shape_cast %swap3A_440 : vector<1x16xf32> to vector<16xf32>
        %swap3A_442 = vector.shape_cast %mul3A_437 : vector<16xf32> to vector<1x16xf32>
        tpu.vector_store %arg6[%swap3A_438, %swap3A_439], %swap3A_442 {strides = array<i32>} : memref<32x1024xf32, #tpu.memory_space<vmem>>, vector<1x16xf32>,
        %get3A_443 = arith.index_cast %scan3A_163 : i32 to index
        %get3A_444 = arith.constant 448 : index
        %get3A_445 = tpu.vector_load %arg6[%get3A_443, %get3A_444] {strides = array<i32>} : memref<32x1024xf32, #tpu.memory_space<vmem>>, vector<1x16xf32>,
        %get3A_446 = vector.shape_cast %get3A_445 : vector<1x16xf32> to vector<16xf32>
        %mul3A_447 = arith.mulf %get3A_446, %broadcast_in_dim3A_3 : vector<16xf32>
        %swap3A_448 = arith.index_cast %scan3A_163 : i32 to index
        %swap3A_449 = arith.constant 448 : index
        %swap3A_450 = tpu.vector_load %arg6[%swap3A_448, %swap3A_449] {strides = array<i32>} : memref<32x1024xf32, #tpu.memory_space<vmem>>, vector<1x16xf32>,
        %swap3A_451 = vector.shape_cast %swap3A_450 : vector<1x16xf32> to vector<16xf32>
        %swap3A_452 = vector.shape_cast %mul3A_447 : vector<16xf32> to vector<1x16xf32>
        tpu.vector_store %arg6[%swap3A_448, %swap3A_449], %swap3A_452 {strides = array<i32>} : memref<32x1024xf32, #tpu.memory_space<vmem>>, vector<1x16xf32>,
        %get3A_453 = arith.index_cast %scan3A_163 : i32 to index
        %get3A_454 = arith.constant 464 : index
        %get3A_455 = tpu.vector_load %arg6[%get3A_453, %get3A_454] {strides = array<i32>} : memref<32x1024xf32, #tpu.memory_space<vmem>>, vector<1x16xf32>,
        %get3A_456 = vector.shape_cast %get3A_455 : vector<1x16xf32> to vector<16xf32>
        %mul3A_457 = arith.mulf %get3A_456, %broadcast_in_dim3A_3 : vector<16xf32>
        %swap3A_458 = arith.index_cast %scan3A_163 : i32 to index
        %swap3A_459 = arith.constant 464 : index
        %swap3A_460 = tpu.vector_load %arg6[%swap3A_458, %swap3A_459] {strides = array<i32>} : memref<32x1024xf32, #tpu.memory_space<vmem>>, vector<1x16xf32>,
        %swap3A_461 = vector.shape_cast %swap3A_460 : vector<1x16xf32> to vector<16xf32>
        %swap3A_462 = vector.shape_cast %mul3A_457 : vector<16xf32> to vector<1x16xf32>
        tpu.vector_store %arg6[%swap3A_458, %swap3A_459], %swap3A_462 {strides = array<i32>} : memref<32x1024xf32, #tpu.memory_space<vmem>>, vector<1x16xf32>,
        %get3A_463 = arith.index_cast %scan3A_163 : i32 to index
        %get3A_464 = arith.constant 480 : index
        %get3A_465 = tpu.vector_load %arg6[%get3A_463, %get3A_464] {strides = array<i32>} : memref<32x1024xf32, #tpu.memory_space<vmem>>, vector<1x16xf32>,
        %get3A_466 = vector.shape_cast %get3A_465 : vector<1x16xf32> to vector<16xf32>
        %mul3A_467 = arith.mulf %get3A_466, %broadcast_in_dim3A_3 : vector<16xf32>
        %swap3A_468 = arith.index_cast %scan3A_163 : i32 to index
        %swap3A_469 = arith.constant 480 : index
        %swap3A_470 = tpu.vector_load %arg6[%swap3A_468, %swap3A_469] {strides = array<i32>} : memref<32x1024xf32, #tpu.memory_space<vmem>>, vector<1x16xf32>,
        %swap3A_471 = vector.shape_cast %swap3A_470 : vector<1x16xf32> to vector<16xf32>
        %swap3A_472 = vector.shape_cast %mul3A_467 : vector<16xf32> to vector<1x16xf32>
        tpu.vector_store %arg6[%swap3A_468, %swap3A_469], %swap3A_472 {strides = array<i32>} : memref<32x1024xf32, #tpu.memory_space<vmem>>, vector<1x16xf32>,
        %get3A_473 = arith.index_cast %scan3A_163 : i32 to index
        %get3A_474 = arith.constant 496 : index
        %get3A_475 = tpu.vector_load %arg6[%get3A_473, %get3A_474] {strides = array<i32>} : memref<32x1024xf32, #tpu.memory_space<vmem>>, vector<1x16xf32>,
        %get3A_476 = vector.shape_cast %get3A_475 : vector<1x16xf32> to vector<16xf32>
        %mul3A_477 = arith.mulf %get3A_476, %broadcast_in_dim3A_3 : vector<16xf32>
        %swap3A_478 = arith.index_cast %scan3A_163 : i32 to index
        %swap3A_479 = arith.constant 496 : index
        %swap3A_480 = tpu.vector_load %arg6[%swap3A_478, %swap3A_479] {strides = array<i32>} : memref<32x1024xf32, #tpu.memory_space<vmem>>, vector<1x16xf32>,
        %swap3A_481 = vector.shape_cast %swap3A_480 : vector<1x16xf32> to vector<16xf32>
        %swap3A_482 = vector.shape_cast %mul3A_477 : vector<16xf32> to vector<1x16xf32>
        tpu.vector_store %arg6[%swap3A_478, %swap3A_479], %swap3A_482 {strides = array<i32>} : memref<32x1024xf32, #tpu.memory_space<vmem>>, vector<1x16xf32>,
        %get3A_483 = arith.index_cast %scan3A_163 : i32 to index
        %get3A_484 = arith.constant 512 : index
        %get3A_485 = tpu.vector_load %arg6[%get3A_483, %get3A_484] {strides = array<i32>} : memref<32x1024xf32, #tpu.memory_space<vmem>>, vector<1x16xf32>,
        %get3A_486 = vector.shape_cast %get3A_485 : vector<1x16xf32> to vector<16xf32>
        %mul3A_487 = arith.mulf %get3A_486, %broadcast_in_dim3A_3 : vector<16xf32>
        %swap3A_488 = arith.index_cast %scan3A_163 : i32 to index
        %swap3A_489 = arith.constant 512 : index
        %swap3A_490 = tpu.vector_load %arg6[%swap3A_488, %swap3A_489] {strides = array<i32>} : memref<32x1024xf32, #tpu.memory_space<vmem>>, vector<1x16xf32>,
        %swap3A_491 = vector.shape_cast %swap3A_490 : vector<1x16xf32> to vector<16xf32>
        %swap3A_492 = vector.shape_cast %mul3A_487 : vector<16xf32> to vector<1x16xf32>
        tpu.vector_store %arg6[%swap3A_488, %swap3A_489], %swap3A_492 {strides = array<i32>} : memref<32x1024xf32, #tpu.memory_space<vmem>>, vector<1x16xf32>,
        %get3A_493 = arith.index_cast %scan3A_163 : i32 to index
        %get3A_494 = arith.constant 528 : index
        %get3A_495 = tpu.vector_load %arg6[%get3A_493, %get3A_494] {strides = array<i32>} : memref<32x1024xf32, #tpu.memory_space<vmem>>, vector<1x16xf32>,
        %get3A_496 = vector.shape_cast %get3A_495 : vector<1x16xf32> to vector<16xf32>
        %mul3A_497 = arith.mulf %get3A_496, %broadcast_in_dim3A_3 : vector<16xf32>
        %swap3A_498 = arith.index_cast %scan3A_163 : i32 to index
        %swap3A_499 = arith.constant 528 : index
        %swap3A_500 = tpu.vector_load %arg6[%swap3A_498, %swap3A_499] {strides = array<i32>} : memref<32x1024xf32, #tpu.memory_space<vmem>>, vector<1x16xf32>,
        %swap3A_501 = vector.shape_cast %swap3A_500 : vector<1x16xf32> to vector<16xf32>
        %swap3A_502 = vector.shape_cast %mul3A_497 : vector<16xf32> to vector<1x16xf32>
        tpu.vector_store %arg6[%swap3A_498, %swap3A_499], %swap3A_502 {strides = array<i32>} : memref<32x1024xf32, #tpu.memory_space<vmem>>, vector<1x16xf32>,
        %get3A_503 = arith.index_cast %scan3A_163 : i32 to index
        %get3A_504 = arith.constant 544 : index
        %get3A_505 = tpu.vector_load %arg6[%get3A_503, %get3A_504] {strides = array<i32>} : memref<32x1024xf32, #tpu.memory_space<vmem>>, vector<1x16xf32>,
        %get3A_506 = vector.shape_cast %get3A_505 : vector<1x16xf32> to vector<16xf32>
        %mul3A_507 = arith.mulf %get3A_506, %broadcast_in_dim3A_3 : vector<16xf32>
        %swap3A_508 = arith.index_cast %scan3A_163 : i32 to index
        %swap3A_509 = arith.constant 544 : index
        %swap3A_510 = tpu.vector_load %arg6[%swap3A_508, %swap3A_509] {strides = array<i32>} : memref<32x1024xf32, #tpu.memory_space<vmem>>, vector<1x16xf32>,
        %swap3A_511 = vector.shape_cast %swap3A_510 : vector<1x16xf32> to vector<16xf32>
        %swap3A_512 = vector.shape_cast %mul3A_507 : vector<16xf32> to vector<1x16xf32>
        tpu.vector_store %arg6[%swap3A_508, %swap3A_509], %swap3A_512 {strides = array<i32>} : memref<32x1024xf32, #tpu.memory_space<vmem>>, vector<1x16xf32>,
        %get3A_513 = arith.index_cast %scan3A_163 : i32 to index
        %get3A_514 = arith.constant 560 : index
        %get3A_515 = tpu.vector_load %arg6[%get3A_513, %get3A_514] {strides = array<i32>} : memref<32x1024xf32, #tpu.memory_space<vmem>>, vector<1x16xf32>,
        %get3A_516 = vector.shape_cast %get3A_515 : vector<1x16xf32> to vector<16xf32>
        %mul3A_517 = arith.mulf %get3A_516, %broadcast_in_dim3A_3 : vector<16xf32>
        %swap3A_518 = arith.index_cast %scan3A_163 : i32 to index
        %swap3A_519 = arith.constant 560 : index
        %swap3A_520 = tpu.vector_load %arg6[%swap3A_518, %swap3A_519] {strides = array<i32>} : memref<32x1024xf32, #tpu.memory_space<vmem>>, vector<1x16xf32>,
        %swap3A_521 = vector.shape_cast %swap3A_520 : vector<1x16xf32> to vector<16xf32>
        %swap3A_522 = vector.shape_cast %mul3A_517 : vector<16xf32> to vector<1x16xf32>
        tpu.vector_store %arg6[%swap3A_518, %swap3A_519], %swap3A_522 {strides = array<i32>} : memref<32x1024xf32, #tpu.memory_space<vmem>>, vector<1x16xf32>,
        %get3A_523 = arith.index_cast %scan3A_163 : i32 to index
        %get3A_524 = arith.constant 576 : index
        %get3A_525 = tpu.vector_load %arg6[%get3A_523, %get3A_524] {strides = array<i32>} : memref<32x1024xf32, #tpu.memory_space<vmem>>, vector<1x16xf32>,
        %get3A_526 = vector.shape_cast %get3A_525 : vector<1x16xf32> to vector<16xf32>
        %mul3A_527 = arith.mulf %get3A_526, %broadcast_in_dim3A_3 : vector<16xf32>
        %swap3A_528 = arith.index_cast %scan3A_163 : i32 to index
        %swap3A_529 = arith.constant 576 : index
        %swap3A_530 = tpu.vector_load %arg6[%swap3A_528, %swap3A_529] {strides = array<i32>} : memref<32x1024xf32, #tpu.memory_space<vmem>>, vector<1x16xf32>,
        %swap3A_531 = vector.shape_cast %swap3A_530 : vector<1x16xf32> to vector<16xf32>
        %swap3A_532 = vector.shape_cast %mul3A_527 : vector<16xf32> to vector<1x16xf32>
        tpu.vector_store %arg6[%swap3A_528, %swap3A_529], %swap3A_532 {strides = array<i32>} : memref<32x1024xf32, #tpu.memory_space<vmem>>, vector<1x16xf32>,
        %get3A_533 = arith.index_cast %scan3A_163 : i32 to index
        %get3A_534 = arith.constant 592 : index
        %get3A_535 = tpu.vector_load %arg6[%get3A_533, %get3A_534] {strides = array<i32>} : memref<32x1024xf32, #tpu.memory_space<vmem>>, vector<1x16xf32>,
        %get3A_536 = vector.shape_cast %get3A_535 : vector<1x16xf32> to vector<16xf32>
        %mul3A_537 = arith.mulf %get3A_536, %broadcast_in_dim3A_3 : vector<16xf32>
        %swap3A_538 = arith.index_cast %scan3A_163 : i32 to index
        %swap3A_539 = arith.constant 592 : index
        %swap3A_540 = tpu.vector_load %arg6[%swap3A_538, %swap3A_539] {strides = array<i32>} : memref<32x1024xf32, #tpu.memory_space<vmem>>, vector<1x16xf32>,
        %swap3A_541 = vector.shape_cast %swap3A_540 : vector<1x16xf32> to vector<16xf32>
        %swap3A_542 = vector.shape_cast %mul3A_537 : vector<16xf32> to vector<1x16xf32>
        tpu.vector_store %arg6[%swap3A_538, %swap3A_539], %swap3A_542 {strides = array<i32>} : memref<32x1024xf32, #tpu.memory_space<vmem>>, vector<1x16xf32>,
        %get3A_543 = arith.index_cast %scan3A_163 : i32 to index
        %get3A_544 = arith.constant 608 : index
        %get3A_545 = tpu.vector_load %arg6[%get3A_543, %get3A_544] {strides = array<i32>} : memref<32x1024xf32, #tpu.memory_space<vmem>>, vector<1x16xf32>,
        %get3A_546 = vector.shape_cast %get3A_545 : vector<1x16xf32> to vector<16xf32>
        %mul3A_547 = arith.mulf %get3A_546, %broadcast_in_dim3A_3 : vector<16xf32>
        %swap3A_548 = arith.index_cast %scan3A_163 : i32 to index
        %swap3A_549 = arith.constant 608 : index
        %swap3A_550 = tpu.vector_load %arg6[%swap3A_548, %swap3A_549] {strides = array<i32>} : memref<32x1024xf32, #tpu.memory_space<vmem>>, vector<1x16xf32>,
        %swap3A_551 = vector.shape_cast %swap3A_550 : vector<1x16xf32> to vector<16xf32>
        %swap3A_552 = vector.shape_cast %mul3A_547 : vector<16xf32> to vector<1x16xf32>
        tpu.vector_store %arg6[%swap3A_548, %swap3A_549], %swap3A_552 {strides = array<i32>} : memref<32x1024xf32, #tpu.memory_space<vmem>>, vector<1x16xf32>,
        %get3A_553 = arith.index_cast %scan3A_163 : i32 to index
        %get3A_554 = arith.constant 624 : index
        %get3A_555 = tpu.vector_load %arg6[%get3A_553, %get3A_554] {strides = array<i32>} : memref<32x1024xf32, #tpu.memory_space<vmem>>, vector<1x16xf32>,
        %get3A_556 = vector.shape_cast %get3A_555 : vector<1x16xf32> to vector<16xf32>
        %mul3A_557 = arith.mulf %get3A_556, %broadcast_in_dim3A_3 : vector<16xf32>
        %swap3A_558 = arith.index_cast %scan3A_163 : i32 to index
        %swap3A_559 = arith.constant 624 : index
        %swap3A_560 = tpu.vector_load %arg6[%swap3A_558, %swap3A_559] {strides = array<i32>} : memref<32x1024xf32, #tpu.memory_space<vmem>>, vector<1x16xf32>,
        %swap3A_561 = vector.shape_cast %swap3A_560 : vector<1x16xf32> to vector<16xf32>
        %swap3A_562 = vector.shape_cast %mul3A_557 : vector<16xf32> to vector<1x16xf32>
        tpu.vector_store %arg6[%swap3A_558, %swap3A_559], %swap3A_562 {strides = array<i32>} : memref<32x1024xf32, #tpu.memory_space<vmem>>, vector<1x16xf32>,
        %get3A_563 = arith.index_cast %scan3A_163 : i32 to index
        %get3A_564 = arith.constant 640 : index
        %get3A_565 = tpu.vector_load %arg6[%get3A_563, %get3A_564] {strides = array<i32>} : memref<32x1024xf32, #tpu.memory_space<vmem>>, vector<1x16xf32>,
        %get3A_566 = vector.shape_cast %get3A_565 : vector<1x16xf32> to vector<16xf32>
        %mul3A_567 = arith.mulf %get3A_566, %broadcast_in_dim3A_3 : vector<16xf32>
        %swap3A_568 = arith.index_cast %scan3A_163 : i32 to index
        %swap3A_569 = arith.constant 640 : index
        %swap3A_570 = tpu.vector_load %arg6[%swap3A_568, %swap3A_569] {strides = array<i32>} : memref<32x1024xf32, #tpu.memory_space<vmem>>, vector<1x16xf32>,
        %swap3A_571 = vector.shape_cast %swap3A_570 : vector<1x16xf32> to vector<16xf32>
        %swap3A_572 = vector.shape_cast %mul3A_567 : vector<16xf32> to vector<1x16xf32>
        tpu.vector_store %arg6[%swap3A_568, %swap3A_569], %swap3A_572 {strides = array<i32>} : memref<32x1024xf32, #tpu.memory_space<vmem>>, vector<1x16xf32>,
        %get3A_573 = arith.index_cast %scan3A_163 : i32 to index
        %get3A_574 = arith.constant 656 : index
        %get3A_575 = tpu.vector_load %arg6[%get3A_573, %get3A_574] {strides = array<i32>} : memref<32x1024xf32, #tpu.memory_space<vmem>>, vector<1x16xf32>,
        %get3A_576 = vector.shape_cast %get3A_575 : vector<1x16xf32> to vector<16xf32>
        %mul3A_577 = arith.mulf %get3A_576, %broadcast_in_dim3A_3 : vector<16xf32>
        %swap3A_578 = arith.index_cast %scan3A_163 : i32 to index
        %swap3A_579 = arith.constant 656 : index
        %swap3A_580 = tpu.vector_load %arg6[%swap3A_578, %swap3A_579] {strides = array<i32>} : memref<32x1024xf32, #tpu.memory_space<vmem>>, vector<1x16xf32>,
        %swap3A_581 = vector.shape_cast %swap3A_580 : vector<1x16xf32> to vector<16xf32>
        %swap3A_582 = vector.shape_cast %mul3A_577 : vector<16xf32> to vector<1x16xf32>
        tpu.vector_store %arg6[%swap3A_578, %swap3A_579], %swap3A_582 {strides = array<i32>} : memref<32x1024xf32, #tpu.memory_space<vmem>>, vector<1x16xf32>,
        %get3A_583 = arith.index_cast %scan3A_163 : i32 to index
        %get3A_584 = arith.constant 672 : index
        %get3A_585 = tpu.vector_load %arg6[%get3A_583, %get3A_584] {strides = array<i32>} : memref<32x1024xf32, #tpu.memory_space<vmem>>, vector<1x16xf32>,
        %get3A_586 = vector.shape_cast %get3A_585 : vector<1x16xf32> to vector<16xf32>
        %mul3A_587 = arith.mulf %get3A_586, %broadcast_in_dim3A_3 : vector<16xf32>
        %swap3A_588 = arith.index_cast %scan3A_163 : i32 to index
        %swap3A_589 = arith.constant 672 : index
        %swap3A_590 = tpu.vector_load %arg6[%swap3A_588, %swap3A_589] {strides = array<i32>} : memref<32x1024xf32, #tpu.memory_space<vmem>>, vector<1x16xf32>,
        %swap3A_591 = vector.shape_cast %swap3A_590 : vector<1x16xf32> to vector<16xf32>
        %swap3A_592 = vector.shape_cast %mul3A_587 : vector<16xf32> to vector<1x16xf32>
        tpu.vector_store %arg6[%swap3A_588, %swap3A_589], %swap3A_592 {strides = array<i32>} : memref<32x1024xf32, #tpu.memory_space<vmem>>, vector<1x16xf32>,
        %get3A_593 = arith.index_cast %scan3A_163 : i32 to index
        %get3A_594 = arith.constant 688 : index
        %get3A_595 = tpu.vector_load %arg6[%get3A_593, %get3A_594] {strides = array<i32>} : memref<32x1024xf32, #tpu.memory_space<vmem>>, vector<1x16xf32>,
        %get3A_596 = vector.shape_cast %get3A_595 : vector<1x16xf32> to vector<16xf32>
        %mul3A_597 = arith.mulf %get3A_596, %broadcast_in_dim3A_3 : vector<16xf32>
        %swap3A_598 = arith.index_cast %scan3A_163 : i32 to index
        %swap3A_599 = arith.constant 688 : index
        %swap3A_600 = tpu.vector_load %arg6[%swap3A_598, %swap3A_599] {strides = array<i32>} : memref<32x1024xf32, #tpu.memory_space<vmem>>, vector<1x16xf32>,
        %swap3A_601 = vector.shape_cast %swap3A_600 : vector<1x16xf32> to vector<16xf32>
        %swap3A_602 = vector.shape_cast %mul3A_597 : vector<16xf32> to vector<1x16xf32>
        tpu.vector_store %arg6[%swap3A_598, %swap3A_599], %swap3A_602 {strides = array<i32>} : memref<32x1024xf32, #tpu.memory_space<vmem>>, vector<1x16xf32>,
        %get3A_603 = arith.index_cast %scan3A_163 : i32 to index
        %get3A_604 = arith.constant 704 : index
        %get3A_605 = tpu.vector_load %arg6[%get3A_603, %get3A_604] {strides = array<i32>} : memref<32x1024xf32, #tpu.memory_space<vmem>>, vector<1x16xf32>,
        %get3A_606 = vector.shape_cast %get3A_605 : vector<1x16xf32> to vector<16xf32>
        %mul3A_607 = arith.mulf %get3A_606, %broadcast_in_dim3A_3 : vector<16xf32>
        %swap3A_608 = arith.index_cast %scan3A_163 : i32 to index
        %swap3A_609 = arith.constant 704 : index
        %swap3A_610 = tpu.vector_load %arg6[%swap3A_608, %swap3A_609] {strides = array<i32>} : memref<32x1024xf32, #tpu.memory_space<vmem>>, vector<1x16xf32>,
        %swap3A_611 = vector.shape_cast %swap3A_610 : vector<1x16xf32> to vector<16xf32>
        %swap3A_612 = vector.shape_cast %mul3A_607 : vector<16xf32> to vector<1x16xf32>
        tpu.vector_store %arg6[%swap3A_608, %swap3A_609], %swap3A_612 {strides = array<i32>} : memref<32x1024xf32, #tpu.memory_space<vmem>>, vector<1x16xf32>,
        %get3A_613 = arith.index_cast %scan3A_163 : i32 to index
        %get3A_614 = arith.constant 720 : index
        %get3A_615 = tpu.vector_load %arg6[%get3A_613, %get3A_614] {strides = array<i32>} : memref<32x1024xf32, #tpu.memory_space<vmem>>, vector<1x16xf32>,
        %get3A_616 = vector.shape_cast %get3A_615 : vector<1x16xf32> to vector<16xf32>
        %mul3A_617 = arith.mulf %get3A_616, %broadcast_in_dim3A_3 : vector<16xf32>
        %swap3A_618 = arith.index_cast %scan3A_163 : i32 to index
        %swap3A_619 = arith.constant 720 : index
        %swap3A_620 = tpu.vector_load %arg6[%swap3A_618, %swap3A_619] {strides = array<i32>} : memref<32x1024xf32, #tpu.memory_space<vmem>>, vector<1x16xf32>,
        %swap3A_621 = vector.shape_cast %swap3A_620 : vector<1x16xf32> to vector<16xf32>
        %swap3A_622 = vector.shape_cast %mul3A_617 : vector<16xf32> to vector<1x16xf32>
        tpu.vector_store %arg6[%swap3A_618, %swap3A_619], %swap3A_622 {strides = array<i32>} : memref<32x1024xf32, #tpu.memory_space<vmem>>, vector<1x16xf32>,
        %get3A_623 = arith.index_cast %scan3A_163 : i32 to index
        %get3A_624 = arith.constant 736 : index
        %get3A_625 = tpu.vector_load %arg6[%get3A_623, %get3A_624] {strides = array<i32>} : memref<32x1024xf32, #tpu.memory_space<vmem>>, vector<1x16xf32>,
        %get3A_626 = vector.shape_cast %get3A_625 : vector<1x16xf32> to vector<16xf32>
        %mul3A_627 = arith.mulf %get3A_626, %broadcast_in_dim3A_3 : vector<16xf32>
        %swap3A_628 = arith.index_cast %scan3A_163 : i32 to index
        %swap3A_629 = arith.constant 736 : index
        %swap3A_630 = tpu.vector_load %arg6[%swap3A_628, %swap3A_629] {strides = array<i32>} : memref<32x1024xf32, #tpu.memory_space<vmem>>, vector<1x16xf32>,
        %swap3A_631 = vector.shape_cast %swap3A_630 : vector<1x16xf32> to vector<16xf32>
        %swap3A_632 = vector.shape_cast %mul3A_627 : vector<16xf32> to vector<1x16xf32>
        tpu.vector_store %arg6[%swap3A_628, %swap3A_629], %swap3A_632 {strides = array<i32>} : memref<32x1024xf32, #tpu.memory_space<vmem>>, vector<1x16xf32>,
        %get3A_633 = arith.index_cast %scan3A_163 : i32 to index
        %get3A_634 = arith.constant 752 : index
        %get3A_635 = tpu.vector_load %arg6[%get3A_633, %get3A_634] {strides = array<i32>} : memref<32x1024xf32, #tpu.memory_space<vmem>>, vector<1x16xf32>,
        %get3A_636 = vector.shape_cast %get3A_635 : vector<1x16xf32> to vector<16xf32>
        %mul3A_637 = arith.mulf %get3A_636, %broadcast_in_dim3A_3 : vector<16xf32>
        %swap3A_638 = arith.index_cast %scan3A_163 : i32 to index
        %swap3A_639 = arith.constant 752 : index
        %swap3A_640 = tpu.vector_load %arg6[%swap3A_638, %swap3A_639] {strides = array<i32>} : memref<32x1024xf32, #tpu.memory_space<vmem>>, vector<1x16xf32>,
        %swap3A_641 = vector.shape_cast %swap3A_640 : vector<1x16xf32> to vector<16xf32>
        %swap3A_642 = vector.shape_cast %mul3A_637 : vector<16xf32> to vector<1x16xf32>
        tpu.vector_store %arg6[%swap3A_638, %swap3A_639], %swap3A_642 {strides = array<i32>} : memref<32x1024xf32, #tpu.memory_space<vmem>>, vector<1x16xf32>,
        %get3A_643 = arith.index_cast %scan3A_163 : i32 to index
        %get3A_644 = arith.constant 768 : index
        %get3A_645 = tpu.vector_load %arg6[%get3A_643, %get3A_644] {strides = array<i32>} : memref<32x1024xf32, #tpu.memory_space<vmem>>, vector<1x16xf32>,
        %get3A_646 = vector.shape_cast %get3A_645 : vector<1x16xf32> to vector<16xf32>
        %mul3A_647 = arith.mulf %get3A_646, %broadcast_in_dim3A_3 : vector<16xf32>
        %swap3A_648 = arith.index_cast %scan3A_163 : i32 to index
        %swap3A_649 = arith.constant 768 : index
        %swap3A_650 = tpu.vector_load %arg6[%swap3A_648, %swap3A_649] {strides = array<i32>} : memref<32x1024xf32, #tpu.memory_space<vmem>>, vector<1x16xf32>,
        %swap3A_651 = vector.shape_cast %swap3A_650 : vector<1x16xf32> to vector<16xf32>
        %swap3A_652 = vector.shape_cast %mul3A_647 : vector<16xf32> to vector<1x16xf32>
        tpu.vector_store %arg6[%swap3A_648, %swap3A_649], %swap3A_652 {strides = array<i32>} : memref<32x1024xf32, #tpu.memory_space<vmem>>, vector<1x16xf32>,
        %get3A_653 = arith.index_cast %scan3A_163 : i32 to index
        %get3A_654 = arith.constant 784 : index
        %get3A_655 = tpu.vector_load %arg6[%get3A_653, %get3A_654] {strides = array<i32>} : memref<32x1024xf32, #tpu.memory_space<vmem>>, vector<1x16xf32>,
        %get3A_656 = vector.shape_cast %get3A_655 : vector<1x16xf32> to vector<16xf32>
        %mul3A_657 = arith.mulf %get3A_656, %broadcast_in_dim3A_3 : vector<16xf32>
        %swap3A_658 = arith.index_cast %scan3A_163 : i32 to index
        %swap3A_659 = arith.constant 784 : index
        %swap3A_660 = tpu.vector_load %arg6[%swap3A_658, %swap3A_659] {strides = array<i32>} : memref<32x1024xf32, #tpu.memory_space<vmem>>, vector<1x16xf32>,
        %swap3A_661 = vector.shape_cast %swap3A_660 : vector<1x16xf32> to vector<16xf32>
        %swap3A_662 = vector.shape_cast %mul3A_657 : vector<16xf32> to vector<1x16xf32>
        tpu.vector_store %arg6[%swap3A_658, %swap3A_659], %swap3A_662 {strides = array<i32>} : memref<32x1024xf32, #tpu.memory_space<vmem>>, vector<1x16xf32>,
        %get3A_663 = arith.index_cast %scan3A_163 : i32 to index
        %get3A_664 = arith.constant 800 : index
        %get3A_665 = tpu.vector_load %arg6[%get3A_663, %get3A_664] {strides = array<i32>} : memref<32x1024xf32, #tpu.memory_space<vmem>>, vector<1x16xf32>,
        %get3A_666 = vector.shape_cast %get3A_665 : vector<1x16xf32> to vector<16xf32>
        %mul3A_667 = arith.mulf %get3A_666, %broadcast_in_dim3A_3 : vector<16xf32>
        %swap3A_668 = arith.index_cast %scan3A_163 : i32 to index
        %swap3A_669 = arith.constant 800 : index
        %swap3A_670 = tpu.vector_load %arg6[%swap3A_668, %swap3A_669] {strides = array<i32>} : memref<32x1024xf32, #tpu.memory_space<vmem>>, vector<1x16xf32>,
        %swap3A_671 = vector.shape_cast %swap3A_670 : vector<1x16xf32> to vector<16xf32>
        %swap3A_672 = vector.shape_cast %mul3A_667 : vector<16xf32> to vector<1x16xf32>
        tpu.vector_store %arg6[%swap3A_668, %swap3A_669], %swap3A_672 {strides = array<i32>} : memref<32x1024xf32, #tpu.memory_space<vmem>>, vector<1x16xf32>,
        %get3A_673 = arith.index_cast %scan3A_163 : i32 to index
        %get3A_674 = arith.constant 816 : index
        %get3A_675 = tpu.vector_load %arg6[%get3A_673, %get3A_674] {strides = array<i32>} : memref<32x1024xf32, #tpu.memory_space<vmem>>, vector<1x16xf32>,
        %get3A_676 = vector.shape_cast %get3A_675 : vector<1x16xf32> to vector<16xf32>
        %mul3A_677 = arith.mulf %get3A_676, %broadcast_in_dim3A_3 : vector<16xf32>
        %swap3A_678 = arith.index_cast %scan3A_163 : i32 to index
        %swap3A_679 = arith.constant 816 : index
        %swap3A_680 = tpu.vector_load %arg6[%swap3A_678, %swap3A_679] {strides = array<i32>} : memref<32x1024xf32, #tpu.memory_space<vmem>>, vector<1x16xf32>,
        %swap3A_681 = vector.shape_cast %swap3A_680 : vector<1x16xf32> to vector<16xf32>
        %swap3A_682 = vector.shape_cast %mul3A_677 : vector<16xf32> to vector<1x16xf32>
        tpu.vector_store %arg6[%swap3A_678, %swap3A_679], %swap3A_682 {strides = array<i32>} : memref<32x1024xf32, #tpu.memory_space<vmem>>, vector<1x16xf32>,
        %get3A_683 = arith.index_cast %scan3A_163 : i32 to index
        %get3A_684 = arith.constant 832 : index
        %get3A_685 = tpu.vector_load %arg6[%get3A_683, %get3A_684] {strides = array<i32>} : memref<32x1024xf32, #tpu.memory_space<vmem>>, vector<1x16xf32>,
        %get3A_686 = vector.shape_cast %get3A_685 : vector<1x16xf32> to vector<16xf32>
        %mul3A_687 = arith.mulf %get3A_686, %broadcast_in_dim3A_3 : vector<16xf32>
        %swap3A_688 = arith.index_cast %scan3A_163 : i32 to index
        %swap3A_689 = arith.constant 832 : index
        %swap3A_690 = tpu.vector_load %arg6[%swap3A_688, %swap3A_689] {strides = array<i32>} : memref<32x1024xf32, #tpu.memory_space<vmem>>, vector<1x16xf32>,
        %swap3A_691 = vector.shape_cast %swap3A_690 : vector<1x16xf32> to vector<16xf32>
        %swap3A_692 = vector.shape_cast %mul3A_687 : vector<16xf32> to vector<1x16xf32>
        tpu.vector_store %arg6[%swap3A_688, %swap3A_689], %swap3A_692 {strides = array<i32>} : memref<32x1024xf32, #tpu.memory_space<vmem>>, vector<1x16xf32>,
        %get3A_693 = arith.index_cast %scan3A_163 : i32 to index
        %get3A_694 = arith.constant 848 : index
        %get3A_695 = tpu.vector_load %arg6[%get3A_693, %get3A_694] {strides = array<i32>} : memref<32x1024xf32, #tpu.memory_space<vmem>>, vector<1x16xf32>,
        %get3A_696 = vector.shape_cast %get3A_695 : vector<1x16xf32> to vector<16xf32>
        %mul3A_697 = arith.mulf %get3A_696, %broadcast_in_dim3A_3 : vector<16xf32>
        %swap3A_698 = arith.index_cast %scan3A_163 : i32 to index
        %swap3A_699 = arith.constant 848 : index
        %swap3A_700 = tpu.vector_load %arg6[%swap3A_698, %swap3A_699] {strides = array<i32>} : memref<32x1024xf32, #tpu.memory_space<vmem>>, vector<1x16xf32>,
        %swap3A_701 = vector.shape_cast %swap3A_700 : vector<1x16xf32> to vector<16xf32>
        %swap3A_702 = vector.shape_cast %mul3A_697 : vector<16xf32> to vector<1x16xf32>
        tpu.vector_store %arg6[%swap3A_698, %swap3A_699], %swap3A_702 {strides = array<i32>} : memref<32x1024xf32, #tpu.memory_space<vmem>>, vector<1x16xf32>,
        %get3A_703 = arith.index_cast %scan3A_163 : i32 to index
        %get3A_704 = arith.constant 864 : index
        %get3A_705 = tpu.vector_load %arg6[%get3A_703, %get3A_704] {strides = array<i32>} : memref<32x1024xf32, #tpu.memory_space<vmem>>, vector<1x16xf32>,
        %get3A_706 = vector.shape_cast %get3A_705 : vector<1x16xf32> to vector<16xf32>
        %mul3A_707 = arith.mulf %get3A_706, %broadcast_in_dim3A_3 : vector<16xf32>
        %swap3A_708 = arith.index_cast %scan3A_163 : i32 to index
        %swap3A_709 = arith.constant 864 : index
        %swap3A_710 = tpu.vector_load %arg6[%swap3A_708, %swap3A_709] {strides = array<i32>} : memref<32x1024xf32, #tpu.memory_space<vmem>>, vector<1x16xf32>,
        %swap3A_711 = vector.shape_cast %swap3A_710 : vector<1x16xf32> to vector<16xf32>
        %swap3A_712 = vector.shape_cast %mul3A_707 : vector<16xf32> to vector<1x16xf32>
        tpu.vector_store %arg6[%swap3A_708, %swap3A_709], %swap3A_712 {strides = array<i32>} : memref<32x1024xf32, #tpu.memory_space<vmem>>, vector<1x16xf32>,
        %get3A_713 = arith.index_cast %scan3A_163 : i32 to index
        %get3A_714 = arith.constant 880 : index
        %get3A_715 = tpu.vector_load %arg6[%get3A_713, %get3A_714] {strides = array<i32>} : memref<32x1024xf32, #tpu.memory_space<vmem>>, vector<1x16xf32>,
        %get3A_716 = vector.shape_cast %get3A_715 : vector<1x16xf32> to vector<16xf32>
        %mul3A_717 = arith.mulf %get3A_716, %broadcast_in_dim3A_3 : vector<16xf32>
        %swap3A_718 = arith.index_cast %scan3A_163 : i32 to index
        %swap3A_719 = arith.constant 880 : index
        %swap3A_720 = tpu.vector_load %arg6[%swap3A_718, %swap3A_719] {strides = array<i32>} : memref<32x1024xf32, #tpu.memory_space<vmem>>, vector<1x16xf32>,
        %swap3A_721 = vector.shape_cast %swap3A_720 : vector<1x16xf32> to vector<16xf32>
        %swap3A_722 = vector.shape_cast %mul3A_717 : vector<16xf32> to vector<1x16xf32>
        tpu.vector_store %arg6[%swap3A_718, %swap3A_719], %swap3A_722 {strides = array<i32>} : memref<32x1024xf32, #tpu.memory_space<vmem>>, vector<1x16xf32>,
        %get3A_723 = arith.index_cast %scan3A_163 : i32 to index
        %get3A_724 = arith.constant 896 : index
        %get3A_725 = tpu.vector_load %arg6[%get3A_723, %get3A_724] {strides = array<i32>} : memref<32x1024xf32, #tpu.memory_space<vmem>>, vector<1x16xf32>,
        %get3A_726 = vector.shape_cast %get3A_725 : vector<1x16xf32> to vector<16xf32>
        %mul3A_727 = arith.mulf %get3A_726, %broadcast_in_dim3A_3 : vector<16xf32>
        %swap3A_728 = arith.index_cast %scan3A_163 : i32 to index
        %swap3A_729 = arith.constant 896 : index
        %swap3A_730 = tpu.vector_load %arg6[%swap3A_728, %swap3A_729] {strides = array<i32>} : memref<32x1024xf32, #tpu.memory_space<vmem>>, vector<1x16xf32>,
        %swap3A_731 = vector.shape_cast %swap3A_730 : vector<1x16xf32> to vector<16xf32>
        %swap3A_732 = vector.shape_cast %mul3A_727 : vector<16xf32> to vector<1x16xf32>
        tpu.vector_store %arg6[%swap3A_728, %swap3A_729], %swap3A_732 {strides = array<i32>} : memref<32x1024xf32, #tpu.memory_space<vmem>>, vector<1x16xf32>,
        %get3A_733 = arith.index_cast %scan3A_163 : i32 to index
        %get3A_734 = arith.constant 912 : index
        %get3A_735 = tpu.vector_load %arg6[%get3A_733, %get3A_734] {strides = array<i32>} : memref<32x1024xf32, #tpu.memory_space<vmem>>, vector<1x16xf32>,
        %get3A_736 = vector.shape_cast %get3A_735 : vector<1x16xf32> to vector<16xf32>
        %mul3A_737 = arith.mulf %get3A_736, %broadcast_in_dim3A_3 : vector<16xf32>
        %swap3A_738 = arith.index_cast %scan3A_163 : i32 to index
        %swap3A_739 = arith.constant 912 : index
        %swap3A_740 = tpu.vector_load %arg6[%swap3A_738, %swap3A_739] {strides = array<i32>} : memref<32x1024xf32, #tpu.memory_space<vmem>>, vector<1x16xf32>,
        %swap3A_741 = vector.shape_cast %swap3A_740 : vector<1x16xf32> to vector<16xf32>
        %swap3A_742 = vector.shape_cast %mul3A_737 : vector<16xf32> to vector<1x16xf32>
        tpu.vector_store %arg6[%swap3A_738, %swap3A_739], %swap3A_742 {strides = array<i32>} : memref<32x1024xf32, #tpu.memory_space<vmem>>, vector<1x16xf32>,
        %get3A_743 = arith.index_cast %scan3A_163 : i32 to index
        %get3A_744 = arith.constant 928 : index
        %get3A_745 = tpu.vector_load %arg6[%get3A_743, %get3A_744] {strides = array<i32>} : memref<32x1024xf32, #tpu.memory_space<vmem>>, vector<1x16xf32>,
        %get3A_746 = vector.shape_cast %get3A_745 : vector<1x16xf32> to vector<16xf32>
        %mul3A_747 = arith.mulf %get3A_746, %broadcast_in_dim3A_3 : vector<16xf32>
        %swap3A_748 = arith.index_cast %scan3A_163 : i32 to index
        %swap3A_749 = arith.constant 928 : index
        %swap3A_750 = tpu.vector_load %arg6[%swap3A_748, %swap3A_749] {strides = array<i32>} : memref<32x1024xf32, #tpu.memory_space<vmem>>, vector<1x16xf32>,
        %swap3A_751 = vector.shape_cast %swap3A_750 : vector<1x16xf32> to vector<16xf32>
        %swap3A_752 = vector.shape_cast %mul3A_747 : vector<16xf32> to vector<1x16xf32>
        tpu.vector_store %arg6[%swap3A_748, %swap3A_749], %swap3A_752 {strides = array<i32>} : memref<32x1024xf32, #tpu.memory_space<vmem>>, vector<1x16xf32>,
        %get3A_753 = arith.index_cast %scan3A_163 : i32 to index
        %get3A_754 = arith.constant 944 : index
        %get3A_755 = tpu.vector_load %arg6[%get3A_753, %get3A_754] {strides = array<i32>} : memref<32x1024xf32, #tpu.memory_space<vmem>>, vector<1x16xf32>,
        %get3A_756 = vector.shape_cast %get3A_755 : vector<1x16xf32> to vector<16xf32>
        %mul3A_757 = arith.mulf %get3A_756, %broadcast_in_dim3A_3 : vector<16xf32>
        %swap3A_758 = arith.index_cast %scan3A_163 : i32 to index
        %swap3A_759 = arith.constant 944 : index
        %swap3A_760 = tpu.vector_load %arg6[%swap3A_758, %swap3A_759] {strides = array<i32>} : memref<32x1024xf32, #tpu.memory_space<vmem>>, vector<1x16xf32>,
        %swap3A_761 = vector.shape_cast %swap3A_760 : vector<1x16xf32> to vector<16xf32>
        %swap3A_762 = vector.shape_cast %mul3A_757 : vector<16xf32> to vector<1x16xf32>
        tpu.vector_store %arg6[%swap3A_758, %swap3A_759], %swap3A_762 {strides = array<i32>} : memref<32x1024xf32, #tpu.memory_space<vmem>>, vector<1x16xf32>,
        %get3A_763 = arith.index_cast %scan3A_163 : i32 to index
        %get3A_764 = arith.constant 960 : index
        %get3A_765 = tpu.vector_load %arg6[%get3A_763, %get3A_764] {strides = array<i32>} : memref<32x1024xf32, #tpu.memory_space<vmem>>, vector<1x16xf32>,
        %get3A_766 = vector.shape_cast %get3A_765 : vector<1x16xf32> to vector<16xf32>
        %mul3A_767 = arith.mulf %get3A_766, %broadcast_in_dim3A_3 : vector<16xf32>
        %swap3A_768 = arith.index_cast %scan3A_163 : i32 to index
        %swap3A_769 = arith.constant 960 : index
        %swap3A_770 = tpu.vector_load %arg6[%swap3A_768, %swap3A_769] {strides = array<i32>} : memref<32x1024xf32, #tpu.memory_space<vmem>>, vector<1x16xf32>,
        %swap3A_771 = vector.shape_cast %swap3A_770 : vector<1x16xf32> to vector<16xf32>
        %swap3A_772 = vector.shape_cast %mul3A_767 : vector<16xf32> to vector<1x16xf32>
        tpu.vector_store %arg6[%swap3A_768, %swap3A_769], %swap3A_772 {strides = array<i32>} : memref<32x1024xf32, #tpu.memory_space<vmem>>, vector<1x16xf32>,
        %get3A_773 = arith.index_cast %scan3A_163 : i32 to index
        %get3A_774 = arith.constant 976 : index
        %get3A_775 = tpu.vector_load %arg6[%get3A_773, %get3A_774] {strides = array<i32>} : memref<32x1024xf32, #tpu.memory_space<vmem>>, vector<1x16xf32>,
        %get3A_776 = vector.shape_cast %get3A_775 : vector<1x16xf32> to vector<16xf32>
        %mul3A_777 = arith.mulf %get3A_776, %broadcast_in_dim3A_3 : vector<16xf32>
        %swap3A_778 = arith.index_cast %scan3A_163 : i32 to index
        %swap3A_779 = arith.constant 976 : index
        %swap3A_780 = tpu.vector_load %arg6[%swap3A_778, %swap3A_779] {strides = array<i32>} : memref<32x1024xf32, #tpu.memory_space<vmem>>, vector<1x16xf32>,
        %swap3A_781 = vector.shape_cast %swap3A_780 : vector<1x16xf32> to vector<16xf32>
        %swap3A_782 = vector.shape_cast %mul3A_777 : vector<16xf32> to vector<1x16xf32>
        tpu.vector_store %arg6[%swap3A_778, %swap3A_779], %swap3A_782 {strides = array<i32>} : memref<32x1024xf32, #tpu.memory_space<vmem>>, vector<1x16xf32>,
        %get3A_783 = arith.index_cast %scan3A_163 : i32 to index
        %get3A_784 = arith.constant 992 : index
        %get3A_785 = tpu.vector_load %arg6[%get3A_783, %get3A_784] {strides = array<i32>} : memref<32x1024xf32, #tpu.memory_space<vmem>>, vector<1x16xf32>,
        %get3A_786 = vector.shape_cast %get3A_785 : vector<1x16xf32> to vector<16xf32>
        %mul3A_787 = arith.mulf %get3A_786, %broadcast_in_dim3A_3 : vector<16xf32>
        %swap3A_788 = arith.index_cast %scan3A_163 : i32 to index
        %swap3A_789 = arith.constant 992 : index
        %swap3A_790 = tpu.vector_load %arg6[%swap3A_788, %swap3A_789] {strides = array<i32>} : memref<32x1024xf32, #tpu.memory_space<vmem>>, vector<1x16xf32>,
        %swap3A_791 = vector.shape_cast %swap3A_790 : vector<1x16xf32> to vector<16xf32>
        %swap3A_792 = vector.shape_cast %mul3A_787 : vector<16xf32> to vector<1x16xf32>
        tpu.vector_store %arg6[%swap3A_788, %swap3A_789], %swap3A_792 {strides = array<i32>} : memref<32x1024xf32, #tpu.memory_space<vmem>>, vector<1x16xf32>,
        %get3A_793 = arith.index_cast %scan3A_163 : i32 to index
        %get3A_794 = arith.constant 1008 : index
        %get3A_795 = tpu.vector_load %arg6[%get3A_793, %get3A_794] {strides = array<i32>} : memref<32x1024xf32, #tpu.memory_space<vmem>>, vector<1x16xf32>,
        %get3A_796 = vector.shape_cast %get3A_795 : vector<1x16xf32> to vector<16xf32>
        %mul3A_797 = arith.mulf %get3A_796, %broadcast_in_dim3A_3 : vector<16xf32>
        %swap3A_798 = arith.index_cast %scan3A_163 : i32 to index
        %swap3A_799 = arith.constant 1008 : index
        %swap3A_800 = tpu.vector_load %arg6[%swap3A_798, %swap3A_799] {strides = array<i32>} : memref<32x1024xf32, #tpu.memory_space<vmem>>, vector<1x16xf32>,
        %swap3A_801 = vector.shape_cast %swap3A_800 : vector<1x16xf32> to vector<16xf32>
        %swap3A_802 = vector.shape_cast %mul3A_797 : vector<16xf32> to vector<1x16xf32>
        tpu.vector_store %arg6[%swap3A_798, %swap3A_799], %swap3A_802 {strides = array<i32>} : memref<32x1024xf32, #tpu.memory_space<vmem>>, vector<1x16xf32>,
        %scan3A_803 = arith.constant 0 : i32
        scf.yield %scan3A_803 : i32
      }
      %scan3A_147 = arith.constant 32 : i32
      %mul3A_148 = arith.constant 32 : i32
      %mul3A_149 = arith.muli %add3A_133, %mul3A_148 : i32
      %add3A_150 = arith.addi %mul3A_2, %mul3A_149 : i32
      %dma_start3A_151 = arith.constant 0 : i32
      %dma_start3A_152 = tpu.memref_slice %arg4[%add3A_150, %dma_start3A_151] : memref<16384x1024xf32, #tpu.memory_space<hbm>> -> memref<32x1024xf32, #tpu.memory_space<hbm>>
      %dma_start3A_153 = arith.constant 0 : i32
      %dma_start3A_154 = tpu.memref_slice %arg4[%add3A_150, %dma_start3A_153] : memref<16384x1024xf32, #tpu.memory_space<hbm>> -> memref<32x1024xf32, #tpu.memory_space<hbm>>
      tpu.enqueue_dma source(%arg6 : memref<32x1024xf32, #tpu.memory_space<vmem>>) target(%dma_start3A_154 : memref<32x1024xf32, #tpu.memory_space<hbm>>) target_semaphore(%arg12 : memref<!tpu.dma_semaphore, #tpu.memory_space<semaphore_mem>>)
      %add3A_155 = arith.constant 2 : i32
      %add3A_156 = arith.addi %add3A_133, %add3A_155 : i32
      %lt3A_157 = arith.constant 16 : i32
      %lt3A_158 = arith.cmpi slt, %add3A_156, %lt3A_157 : i32
      %convert_element_type3A_159 = arith.extui %lt3A_158 : i1 to i32
      %cond3A_160 = arith.constant 0 : i32
      %cond3A_161 = arith.cmpi ne, %convert_element_type3A_159, %cond3A_160 : i32
      scf.if %cond3A_161 {
        %dma_wait3A_163 = arith.constant 0 : i32
        %dma_wait3A_164 = tpu.memref_slice %arg4[%mul3A_2, %dma_wait3A_163] : memref<16384x1024xf32, #tpu.memory_space<hbm>> -> memref<32x1024xf32, #tpu.memory_space<hbm>>
        %dma_wait3A_165 = arith.constant 0 : i32
        %dma_wait3A_166 = tpu.memref_slice %arg4[%mul3A_2, %dma_wait3A_165] : memref<16384x1024xf32, #tpu.memory_space<hbm>> -> memref<32x1024xf32, #tpu.memory_space<hbm>>
        tpu.wait_dma2 semaphore(%arg14 : memref<!tpu.dma_semaphore, #tpu.memory_space<semaphore_mem>>) src(%arg8 : memref<32x1024xf32, #tpu.memory_space<vmem>>) dst(%dma_wait3A_166 : memref<32x1024xf32, #tpu.memory_space<hbm>>)
        %add3A_167 = arith.constant 2 : i32
        %add3A_168 = arith.addi %add3A_133, %add3A_167 : i32
        %dma_start3A_169 = arith.constant 0 : i32
        %dma_start3A_170 = tpu.memref_slice %arg5[%add3A_168, %dma_start3A_169] : memref<16x32xi32, #tpu.memory_space<vmem>> -> memref<1x32xi32, #tpu.memory_space<vmem>>
        %dma_start3A_171 = tpu.memref_squeeze %dma_start3A_170 : memref<1x32xi32, #tpu.memory_space<vmem>> -> memref<32xi32, #tpu.memory_space<vmem>>
        %dma_start3A_172 = arith.constant 0 : i32
        %dma_start3A_173 = arith.constant 0 : i32
        %dma_start3A_174 = tpu.memref_slice %arg3[%dma_start3A_172, %dma_start3A_173] : memref<100000x1024xf32, #tpu.memory_space<hbm>> -> memref<100000x1024xf32, #tpu.memory_space<hbm>>
        tpu.enqueue_indirect_dma source(%dma_start3A_174 : memref<100000x1024xf32, #tpu.memory_space<hbm>>) target(%arg8 : memref<32x1024xf32, #tpu.memory_space<vmem>>) offsets(%dma_start3A_171 : memref<32xi32, #tpu.memory_space<vmem>>) semaphore(%arg11 : memref<!tpu.dma_semaphore, #tpu.memory_space<semaphore_mem>>)
      } else {
      }
      %scan3A_162 = arith.constant 0 : i32
      scf.yield %scan3A_162 : i32
    }
    %scan3A_48 = arith.constant 5 : i32
    %dma_wait3A_49 = arith.constant 0 : i32
    %dma_wait3A_50 = tpu.memref_slice %arg4[%mul3A_2, %dma_wait3A_49] : memref<16384x1024xf32, #tpu.memory_space<hbm>> -> memref<32x1024xf32, #tpu.memory_space<hbm>>
    %dma_wait3A_51 = arith.constant 0 : i32
    %dma_wait3A_52 = tpu.memref_slice %arg4[%mul3A_2, %dma_wait3A_51] : memref<16384x1024xf32, #tpu.memory_space<hbm>> -> memref<32x1024xf32, #tpu.memory_space<hbm>>
    tpu.wait_dma2 semaphore(%arg13 : memref<!tpu.dma_semaphore, #tpu.memory_space<semaphore_mem>>) src(%arg7 : memref<32x1024xf32, #tpu.memory_space<vmem>>) dst(%dma_wait3A_52 : memref<32x1024xf32, #tpu.memory_space<hbm>>)
    %dma_wait3A_53 = arith.constant 0 : i32
    %dma_wait3A_54 = tpu.memref_slice %arg4[%mul3A_2, %dma_wait3A_53] : memref<16384x1024xf32, #tpu.memory_space<hbm>> -> memref<32x1024xf32, #tpu.memory_space<hbm>>
    %dma_wait3A_55 = arith.constant 0 : i32
    %dma_wait3A_56 = tpu.memref_slice %arg4[%mul3A_2, %dma_wait3A_55] : memref<16384x1024xf32, #tpu.memory_space<hbm>> -> memref<32x1024xf32, #tpu.memory_space<hbm>>
    tpu.wait_dma2 semaphore(%arg14 : memref<!tpu.dma_semaphore, #tpu.memory_space<semaphore_mem>>) src(%arg8 : memref<32x1024xf32, #tpu.memory_space<vmem>>) dst(%dma_wait3A_56 : memref<32x1024xf32, #tpu.memory_space<hbm>>)
    %dma_wait3A_57 = arith.constant 0 : i32
    %dma_wait3A_58 = tpu.memref_slice %arg4[%mul3A_2, %dma_wait3A_57] : memref<16384x1024xf32, #tpu.memory_space<hbm>> -> memref<32x1024xf32, #tpu.memory_space<hbm>>
    %dma_wait3A_59 = arith.constant 0 : i32
    %dma_wait3A_60 = tpu.memref_slice %arg4[%mul3A_2, %dma_wait3A_59] : memref<16384x1024xf32, #tpu.memory_space<hbm>> -> memref<32x1024xf32, #tpu.memory_space<hbm>>
    tpu.wait_dma2 semaphore(%arg12 : memref<!tpu.dma_semaphore, #tpu.memory_space<semaphore_mem>>) src(%arg6 : memref<32x1024xf32, #tpu.memory_space<vmem>>) dst(%dma_wait3A_60 : memref<32x1024xf32, #tpu.memory_space<hbm>>)
    return
  }
}

</mosaic_0001>

<sc_bundles>
// kernel: kernel.3.cloned.1.call-start
scs
__scs_entry_jumppad:
0x0: {  	(pc) =	sbr.rel $0x88, $3  }
0x1: {  	(tag) =	ssettag $0x0;
	lr =	simm.s32 $0x1  }
0x2: {  	[smem:$0x3F9F] =	sst lr;
	_ =	strace $0xD0000000  }
0x3: {  	_ = 	snop  }
0x4: {  	_ = 	snop  }
0x5: {  	_ = 	snop  }
0x6: {  	_ = 	snop  }
0x7: {  	_ = 	snop  }
__scs_overlays_trampoline_lowered:
0x8: {  	[smem:$0x3FAE] =	sst s0  }
0x9: {  	[smem:$0x3FAF] =	sst s1  }
0xa: {  	[smem:$0x3FB0] =	sst s2  }
0xb: {  	[smem:$0x3FB1] =	sst s3  }
0xc: {  	[smem:$0x3FB2] =	sst s4  }
0xd: {  	[smem:$0x3FB3] =	sst s5  }
0xe: {  	[smem:$0x3FB4] =	sst s6  }
0xf: {  	[smem:$0x3FB5] =	sst s7  }
0x10: {  	[smem:$0x3FB6] =	sst s8  }
0x11: {  	[smem:$0x3FB7] =	sst s9;
	s0 =	simm.s32 @!p0 $0x0  }
0x12: {  	s1 =	sld [smem:$0x3F9D];
	s0 =	simm.s32 @p0 $0x1  }
0x13: {  	[smem:$0x3FB8] =	sst s0;
	s0 =	simm.s32 @!p1 $0x0  }
0x14: {  	s2 =	sld [smem:$0x3F9C];
	s0 =	simm.s32 @p1 $0x1  }
0x15: {  	[smem:$0x3FB9] =	sst s0;
	s0 =	simm.s32 @!p2 $0x0  }
0x16: {  	s3 =	sld [smem:$0x3FDB];
	s0 =	simm.s32 @p2 $0x1  }
0x17: {  	s4 =	simm.s32 $0x1BF5;
	[smem:$0x3FBB] =	sst s0  }
0x18: {  	s0 =	sld [smem:$0x3F9E];
	_ =	swait.ge [sflag:s4], $0x0  }
0x19: {  	s7 =	sld [smem:$0x3F9F]  }
0x1a: {  	s8 =	sadd.s32 $0xFFFFE003, lr  }
0x1b: {  	s9 =	sadd.s32 $0xFFFFFEF7, lr;
	s5 =	simm.s32 $0xFFFFFFFF;
	p2 =	slt.u32 s8, $0xFFFFF086  }
0x1c: {  	p1 =	slt.u32 s9, $0xF7A;
	s5 =	simm.s32 @!p2 $0x0  }
0x1d: {  	s5 =	simm.s32 @p1 $0x1;
	p0 =	seq.s32 s7, s2  }
0x1e: {  	s7 =	smul.u32 @!p0 $0xF7A, s2;
	p2 =	seq.s32 @!p0 s5, $0x0  }
0x1f: {  	s9 =	smul.u32 $0xF7A, s1;
	s8 =	simm.s32 @!p0 $0x1BF5;
	p2 =	por !p2, p0  }
0x20: {  	[sflag:s8] =	ssyncset.s32 @!p0 $0xFFFFF086;
	s6 =	sadd.s32 @!p0 s3, s7;
	s7 =	simm.s32 @!p0 $0x108  }
0x21: {  	s3 =	sadd.s32 s3, s9;
	s6 =	sadd.s32 @!p0 $0x88, s6;
	s7 =	simm.s32 @p2 $0x1082  }
0x22: {  	[simem:s7], [sflag:s8] =	dma.local @!p0 [hbm:s6], $0xF7A  }
0x23: {  	s9 =	sor.u32 $0xD0000000, s2;
	s6 =	simm.s32 $0x108;
	_ =	swait.ge @!p0 [sflag:s8], $0x0  }
0x24: {  	s3 =	sadd.s32 $0x88, s3;
	s6 =	simm.s32 @!p1 $0x1082;
	[sflag:s4] =	ssyncset.s32 $0xFFFFF086  }
0x25: {  	[simem:s6], [sflag:s4] =	dma.local [hbm:s3], $0xF7A  }
0x26: {  	[smem:$0x3F9F] =	sst s1;
	(tag) =	ssettag s2;
	_ =	strace s9  }
0x27: {  	s1 =	sld [smem:$0x3FAF]  }
0x28: {  	s2 =	sld [smem:$0x3FB0]  }
0x29: {  	s4 =	sld [smem:$0x3FB2]  }
0x2a: {  	p0 =	seq.s32 s5, $0x0;
	s5 =	sld [smem:$0x3FB3]  }
0x2b: {  	s6 =	sld [smem:$0x3FB4]  }
0x2c: {  	s7 =	sld [smem:$0x3FB5]  }
0x2d: {  	s3 =	simm.s32 $0x108;
	s8 =	sld [smem:$0x3FB6]  }
0x2e: {  	s3 =	simm.s32 @!p0 $0x1082;
	s9 =	sld [smem:$0x3FB7]  }
0x2f: {  	lr =	sadd.s32 s0, s3;
	s0 =	sld [smem:$0x3FAE]  }
0x30: {  	s3 =	sld [smem:$0x3FB1]  }
0x31: {  	[smem:$0x3FBA] =	sst s10  }
0x32: {  	s10 =	sld [smem:$0x3FB8];
	_ =	sdelay $0x3  }
0x33: {  	p0 =	seq.s32 s10, $0x1;
	s10 =	sld [smem:$0x3FBA];
	_ =	sdelay $0x3  }
0x34: {  	[smem:$0x3FBA] =	sst s10  }
0x35: {  	s10 =	sld [smem:$0x3FB9];
	_ =	sdelay $0x3  }
0x36: {  	p1 =	seq.s32 s10, $0x1;
	s10 =	sld [smem:$0x3FBA];
	_ =	sdelay $0x3  }
0x37: {  	[smem:$0x3FBA] =	sst s10  }
0x38: {  	s10 =	sld [smem:$0x3FBB]  }
0x39: {  	_ = 	snop;
	(pc) =	sbr.ind lr, $3  }
0x3a: {  	_ = 	snop  }
0x3b: {  	_ = 	snop  }
0x3c: {  	p2 =	seq.s32 s10, $0x1;
	s10 =	sld [smem:$0x3FBA]  }
0x3d: {  	_ =	shalt  }
0x3e: {  	_ =	shalt  }
0x3f: {  	_ =	shalt  }
0x40: {  	_ =	shalt  }
0x41: {  	_ =	shalt  }
0x42: {  	_ =	shalt  }
0x43: {  	_ =	shalt  }
0x44: {  	_ =	shalt  }
0x45: {  	_ =	shalt  }
0x46: {  	_ =	shalt  }
0x47: {  	_ =	shalt  }
0x48: {  	_ =	shalt  }
0x49: {  	_ =	shalt  }
0x4a: {  	_ =	shalt  }
0x4b: {  	_ =	shalt  }
0x4c: {  	_ =	shalt  }
0x4d: {  	_ =	shalt  }
0x4e: {  	_ =	shalt  }
0x4f: {  	_ =	shalt  }
0x50: {  	_ =	shalt  }
0x51: {  	_ =	shalt  }
0x52: {  	_ =	shalt  }
0x53: {  	_ =	shalt  }
0x54: {  	_ =	shalt  }
0x55: {  	_ =	shalt  }
0x56: {  	_ =	shalt  }
0x57: {  	_ =	shalt  }
0x58: {  	_ =	shalt  }
0x59: {  	_ =	shalt  }
0x5a: {  	_ =	shalt  }
0x5b: {  	_ =	shalt  }
0x5c: {  	_ =	shalt  }
0x5d: {  	_ =	shalt  }
0x5e: {  	_ =	shalt  }
0x5f: {  	_ =	shalt  }
0x60: {  	_ =	shalt  }
0x61: {  	_ =	shalt  }
0x62: {  	_ =	shalt  }
0x63: {  	_ =	shalt  }
0x64: {  	_ =	shalt  }
0x65: {  	_ =	shalt  }
0x66: {  	_ =	shalt  }
0x67: {  	_ =	shalt  }
0x68: {  	_ =	shalt  }
0x69: {  	_ =	shalt  }
0x6a: {  	_ =	shalt  }
0x6b: {  	_ =	shalt  }
0x6c: {  	_ =	shalt  }
0x6d: {  	_ =	shalt  }
0x6e: {  	_ =	shalt  }
0x6f: {  	_ =	shalt  }
0x70: {  	_ =	shalt  }
0x71: {  	_ =	shalt  }
0x72: {  	_ =	shalt  }
0x73: {  	_ =	shalt  }
0x74: {  	_ =	shalt  }
0x75: {  	_ =	shalt  }
0x76: {  	_ =	shalt  }
0x77: {  	_ =	shalt  }
0x78: {  	_ =	shalt  }
0x79: {  	_ =	shalt  }
0x7a: {  	_ =	shalt  }
0x7b: {  	_ =	shalt  }
0x7c: {  	_ =	shalt  }
0x7d: {  	_ =	shalt  }
0x7e: {  	_ =	shalt  }
0x7f: {  	_ =	shalt  }
0x80: {  	_ =	shalt  }
0x81: {  	_ =	shalt  }
0x82: {  	_ =	shalt  }
0x83: {  	_ =	shalt  }
0x84: {  	_ =	shalt  }
0x85: {  	_ =	shalt  }
0x86: {  	_ =	shalt  }
0x87: {  	_ =	shalt  }
.Lfunc_end0:
.L_simem_size_0:
called_computation_lowered:
.L_overlay_start_0:
0x88: {  	s2 =	sld [smem:$0x3FD9]  }
0x89: {  	s3 =	sld [smem:$0x3FFE];
	_ =	sdelay $0x1  }
0x8a: {  	s1 =	srdreg.scid  }
0x8b: {  	s0 =	sand.u32 $0x1, s1  }
0x8c: {  	s17 =	sshll.u32 s0, $0xA;
	s2 =	sadd.s32 s3, s2  }
0x8d: {  	s2 =	sadd.s32 s2, s17  }
0x8e: {  	[smem:$0x3FC6] =	sst s2  }
0x8f: {  	_ = 	snop  }
0x90: {  	s2 =	sld [smem:$0x3FC8]  }
0x91: {  	s18 =	sld [smem:$0x3FD0];
	(tm) =	ssettm $0x1  }
0x92: {  	s4 =	sld [smem:$0x3FFB];
	_ =	sdelay $0x3  }
0x93: {  	_ =	strace s4  }
0x94: {  	s4 =	sld [smem:$0x3FFC];
	_ =	sdelay $0x3  }
0x95: {  	_ =	strace s4  }
0x96: {  	s4 =	sld [smem:$0x3FFD];
	_ =	sdelay $0x3  }
0x97: {  	_ =	strace s4  }
0x98: {  	_ =	strace $0x8FFFFFFF  }
0x99: {  	s19 =	sld [smem:$0x3FDB];
	_ =	sdelay $0x1  }
0x9a: {  	s5 =	simm.s32 $_scs_section_size  }
0x9b: {  	s6 =	simm.s32 $_size__tile_overlayer_lowered;
	s7 =	simm.s32 $_tile_overlayer_lowered  }
0x9c: {  	s22 =	simm.s32 $0x1BFF;
	s21 =	sshll.u32 s7, $0x1;
	s4 =	sadd.s32 s5, s19  }
0x9d: {  	s8 =	simm.s32 $0x0;
	s20 =	sshll.u32 s6, $0x1;
	s6 =	sadd.s32 s21, s4  }
0x9e: {  	[timem:s8], [sflag:s22] =	dma.local [hbm:s6], s20  }
0x9f: {  	_ =	swait.ge [sflag:s22], s20  }
0xa0: {  	s5 =	ssub.s32 $0x0, s20;
	[sflag:s22] =	ssyncset.done $0x0  }
0xa1: {  	[sflag:s22] =	ssyncadd.s32 s5;
	_ =	sdelay $0x1  }
0xa2: {  	s23 =	simm.s32 $0x1B8B  }
0xa3: {  	_ =	swait.ge [sflag:s23], $0x1  }
0xa4: {  	[sflag:s23] =	ssyncset.done $0x0  }
0xa5: {  	s25 =	simm.s32 $0x1B8E;
	s24 =	sld [smem:$0x3FFE];
	[sflag:s23] =	ssyncadd.s32 $0xFFFFFFFF  }
0xa6: {  	s26 =	simm.s32 $execute0_lowered;
	[smem:$0x3FD2] =	sst s25  }
0xa7: {  	s6 =	sshll.u32 s26, $0x1;
	_ =	strace $0x80000046;
	[dreg:$0x1] =	wrdreg $0xFFFFFFFF  }
0xa8: {  	s28 =	simm.s32 $_size_execute0_lowered;
	s4 =	sadd.s32 s4, s6;
	[dreg:$0x0] =	wrdreg $0x0  }
0xa9: {  	s6 =	sshll.u32 s28, $0x1;
	[dreg:$0x2] =	wrdreg s4  }
0xaa: {  	[dreg:$0x3] =	wrdreg s6  }
0xab: {  	[dreg:$0x4] =	wrdreg $0xC0  }
0xac: {  	_ =	task [dreg:s8], $0x5FFFF  }
0xad: {  	[dreg:$0x1] =	wrdreg $0xFFFFFFFF  }
0xae: {  	[dreg:$0x0] =	wrdreg $0x60  }
0xaf: {  	[dreg:$0x2] =	wrdreg s24  }
0xb0: {  	[dreg:$0x3] =	wrdreg s2  }
0xb1: {  	[dreg:$0x4] =	wrdreg s18  }
0xb2: {  	[dreg:$0x5] =	wrdreg $0x9  }
0xb3: {  	_ =	task.clear_ibuf [dreg:s8], $0x6FFFF;
	_ =	strace $0x90000046  }
0xb4: {  	s29 =	simm.s32 $0x9;
	_ =	strace $0x80000048  }
0xb5: {  	_ =	swait.ge [sflag:s29], $0x1  }
0xb6: {  	[sflag:s29] =	ssyncadd.s32 $0xFFFFFFFF  }
0xb7: {  	_ =	strace $0x90000048  }
0xb8: {  	_ =	sfence  }
0xb9: {  	s30 =	sld [smem:$0x0];
	_ =	sdelay $0x2  }
0xba: {  	s31 =	sshll.u32 s1, $0xD;
	s1 =	sshrl.u32 s1, $0x2  }
0xbb: {  	s3 =	sand.u32 $0x4000, s31;
	s1 =	sadd.s32 s1, s30  }
0xbc: {  	s0 =	sor.u32 s3, s0;
	s1 =	sshll.u32 s1, $0x11  }
0xbd: {  	s0 =	sor.u32 s1, s0  }
0xbe: {  	s0 =	sadd.s32 $0x8F2B, s0  }
0xbf: {  	[sflag:s0] =	ssyncadd.remote.s32 $0x1  }
0xc0: {  	_ =	sfence.sel $0xFFFF  }
0xc1: {  	[dreg:$0x0] =	wrdreg $0xFFFFFFFF;
	(pc) =	sbr.abs _section_cstart, $3  }
0xc2: {  	[dreg:$0x1] =	wrdreg $0xFFFFFFFF  }
0xc3: {  	_ =	task.clear_ibuf [dreg:s8], $0x2FFFF;
	_ =	strace $0x9FFFFFFF  }
0xc4: {  	(tm) =	ssettm $0x7FFFFFFF  }
0xc5: {  	_ =	shalt  }
tec
execute0_lowered:
.L_overlay_start_1:
0x0: {  	(tag) =	ssettag $0x1  }
0x1: {  	s0 =	rddreg [dreg:$0x0]  }
0x2: {  	s2 =	rddreg [dreg:$0x1]  }
0x3: {  	s3 =	rddreg [dreg:$0x2]  }
0x4: {  	s1 =	srdreg.scid;
	s4 =	stileid.u32;
	s14 =	simm.s32 $0x800  }
0x5: {  	s28 =	simm.s32 $0x7000;
	s29 =	simm.s32 $0x7800;
	s30 =	simm.s32 $0x8000  }
0x6: {  	s31 =	simm.s32 $0x8800;
	s18 =	simm.s32 $0x2;
	s15 =	simm.s32 $0x4  }
0x7: {  	s19 =	simm.s32 $0x3;
	s13 =	simm.s32 $0x0;
	s1 =	sand.u32 $0x1, s1  }
0x8: {  	s5 =	sshll.u32 s4, $0x1;
	s4 =	simm.s32 $0x0;
	s8 =	sadd.s32 $0x300, s2  }
0x9: {  	s5 =	sor.u32 s1, s5;
	s1 =	ssub.s32 $0x2, s1;
	[smem:$0x7FF] =	sst s4  }
0xa: {  	s6 =	sshll.u32 s5, $0x8;
	s7 =	sshrl.u32 s1, $0x1;
	_ =	strace $0x80000047  }
0xb: {  	s11 =	sshll.u32 s5, $0x9;
	s25 =	sshll.u32 s5, $0x10;
	s5 =	simm.s32 $0x6  }
.Ltmp0:
0xc: {  	s0 =	sadd.s32 s6, s0;
	s1 =	ssub.s32 s1, s7;
	(pc) =	sbr.rel .LBB2_1-.Ltmp0, $4  }
0xd: {  	s6 =	sadd.s32 $0x100, s2;
	s7 =	sadd.s32 $0x200, s2;
	s9 =	sadd.s32 s3, s25  }
0xe: {  	v2 =	vlaneseq.u32;
	s10 =	sor.u32 $0x20, s11;
	s11 =	sor.u32 $0x40, s11;
	s0 =	sadd.s32 $0x400, s0  }
0xf: {  	vm0 =	vmmov $0xffff;
	v1 =	vshrl.u32 v2, $0x3;
	s26 =	smax.u32 s1, $0x1;
	s1 =	simm.s32 $0x1;
	[dreg:$0x4] =	wrdreg s0  }
0x10: {  	v0 =	vand.u32 $0x7, v2;
	v2 =	vor.u32 $0x8, v2;
	v1 =	vmul.u32 $0x8, v1;
	[dreg:$0x5] =	wrdreg s26;
	s26 =	simm.s32 $0x6800;
	s0 =	simm.s32 $0x10800  }
.LBB2_12:
0x11: {  	s12 =	simm.s32 $0x5  }
0x12: {  	_ =	swait.ge [sflag:s12], $0x8000  }
0x13: {  	[sflag:s12] =	ssyncset.done $0x0  }
0x14: {  	[sflag:s12] =	ssyncadd.s32 $0xFFFF8000  }
0x15: {  	_ =	swait.ge [sflag:s5], $0x8000  }
0x16: {  	[sflag:s5] =	ssyncset.done $0x0  }
0x17: {  	[sflag:s5] =	ssyncadd.s32 $0xFFFF8000  }
0x18: {  	_ =	swait.ge [sflag:s15], $0x8000  }
0x19: {  	s13 =	rddreg [dreg:$0x6]  }
0x1a: {  	s25 =	rddreg [dreg:$0x5];
	s13 =	sadd.s32 $0x1, s13  }
0x1b: {  	p0 =	sne.s32 s13, s25  }
.Ltmp1:
0x1c: {  	_ = 	snop;
	(pc) =	sbr.rel @!p0 .LBB2_13-.Ltmp1, $3  }
0x1d: {  	_ =	sdelay $0x1  }
0x1e: {  	[sflag:s15] =	ssyncset.done $0x0  }
0x1f: {  	[sflag:s15] =	ssyncadd.s32 $0xFFFF8000  }
.LBB2_1:
0x20: {  	[dreg:$0x6] =	wrdreg s13  }
0x21: {  	s12 =	rddreg [dreg:$0x4];
	s13 =	simm.s32 $0x7  }
0x22: {  	[tilespmem:s4], [sflag:$0x7] =	stream.linear.gather [hbm4b:s12+s4], $0x800, $0x38;
	[tilespmem:$0x18800] =	vst v63  }
0x23: {  	_ =	swait.ge [sflag:s13], $0x800  }
0x24: {  	[sflag:s13] =	ssyncset.done $0x0  }
0x25: {  	[sflag:s13] =	ssyncadd.s32 $0xFFFFF800  }
0x26: {  	v3 =	vld [tilespmem:$0x0];
	_ =	sdelay $0x4  }
0x27: {  	v4 =	vshll.u32 v3, $0x3  }
0x28: {  	v3 =	vand.u32 $0x7, v3;
	v4 =	vand.u32 $0xFFFFFFC0, v4  }
0x29: {  	v3 =	vor.u32 v3, v4  }
0x2a: {  	v4 =	vperm.xlane v3, v0;
	_ =	sdelay $0x1  }
0x2b: {  	v4 =	vadd.s32 v1, v4;
	_ =	sdelay $0x4  }
0x2c: {  	[tilespmem:s14], [sflag:$0x1] =	stream.indirect_vreg.gather [hbm4b:s2+s4], $0x80, v4, vm0, $0xb8;
	[tilespmem:$0x18800] =	vst v63  }
0x2d: {  	s16 =	simm.s32 $0x1000;
	v3 =	vperm.xlane v3, v2  }
0x2e: {  	[tilespmem:s16], [sflag:$0x1] =	stream.indirect_vreg.gather [hbm4b:s6+s4], $0x80, v4, vm0, $0xb8;
	[tilespmem:$0x18800] =	vst v63  }
0x2f: {  	s17 =	simm.s32 $0x1800;
	v3 =	vadd.s32 v1, v3  }
0x30: {  	[tilespmem:s17], [sflag:$0x1] =	stream.indirect_vreg.gather [hbm4b:s7+s4], $0x80, v4, vm0, $0xb8;
	[tilespmem:$0x18800] =	vst v63  }
0x31: {  	s20 =	simm.s32 $0x2000  }
0x32: {  	[tilespmem:s20], [sflag:$0x1] =	stream.indirect_vreg.gather [hbm4b:s8+s4], $0x80, v4, vm0, $0xb8;
	[tilespmem:$0x18800] =	vst v63  }
0x33: {  	s21 =	simm.s32 $0x2800  }
0x34: {  	[tilespmem:s21], [sflag:$0x1] =	stream.indirect_vreg.gather [hbm4b:s2+s4], $0x80, v3, vm0, $0xb8;
	[tilespmem:$0x18800] =	vst v63  }
0x35: {  	s22 =	simm.s32 $0x3000  }
0x36: {  	[tilespmem:s22], [sflag:$0x1] =	stream.indirect_vreg.gather [hbm4b:s6+s4], $0x80, v3, vm0, $0xb8;
	[tilespmem:$0x18800] =	vst v63  }
0x37: {  	s23 =	simm.s32 $0x3800  }
0x38: {  	[tilespmem:s23], [sflag:$0x1] =	stream.indirect_vreg.gather [hbm4b:s7+s4], $0x80, v3, vm0, $0xb8;
	[tilespmem:$0x18800] =	vst v63  }
0x39: {  	s24 =	simm.s32 $0x4000  }
0x3a: {  	[tilespmem:s24], [sflag:$0x1] =	stream.indirect_vreg.gather [hbm4b:s8+s4], $0x80, v3, vm0, $0xb8;
	[tilespmem:$0x18800] =	vst v63  }
0x3b: {  	v3 =	vld [tilespmem:$0x10];
	_ =	sdelay $0x4  }
0x3c: {  	v61 =	vshll.u32 v3, $0x3  }
0x3d: {  	v3 =	vand.u32 $0x7, v3;
	v4 =	vand.u32 $0xFFFFFFC0, v61  }
0x3e: {  	v3 =	vor.u32 v3, v4  }
0x3f: {  	v4 =	vperm.xlane v3, v0;
	_ =	sdelay $0x1  }
0x40: {  	v4 =	vadd.s32 v1, v4;
	_ =	sdelay $0x3  }
0x41: {  	s25 =	simm.s32 $0x4800  }
0x42: {  	[tilespmem:s25], [sflag:$0x1] =	stream.indirect_vreg.gather [hbm4b:s2+s4], $0x80, v4, vm0, $0xb8;
	[tilespmem:$0x18800] =	vst v63  }
0x43: {  	s13 =	simm.s32 $0x5000;
	v3 =	vperm.xlane v3, v2  }
0x44: {  	[tilespmem:s13], [sflag:$0x1] =	stream.indirect_vreg.gather [hbm4b:s6+s4], $0x80, v4, vm0, $0xb8;
	[tilespmem:$0x18800] =	vst v63  }
0x45: {  	s16 =	simm.s32 $0x5800;
	v3 =	vadd.s32 v1, v3  }
0x46: {  	[tilespmem:s16], [sflag:$0x1] =	stream.indirect_vreg.gather [hbm4b:s7+s4], $0x80, v4, vm0, $0xb8;
	[tilespmem:$0x18800] =	vst v63  }
0x47: {  	s17 =	simm.s32 $0x6000  }
0x48: {  	[tilespmem:s17], [sflag:$0x1] =	stream.indirect_vreg.gather [hbm4b:s8+s4], $0x80, v4, vm0, $0xb8;
	[tilespmem:$0x18800] =	vst v63  }
0x49: {  	_ = 	snop  }
0x4a: {  	[tilespmem:s26], [sflag:$0x1] =	stream.indirect_vreg.gather [hbm4b:s2+s4], $0x80, v3, vm0, $0xb8;
	[tilespmem:$0x18800] =	vst v63  }
0x4b: {  	_ = 	snop  }
0x4c: {  	[tilespmem:s28], [sflag:$0x1] =	stream.indirect_vreg.gather [hbm4b:s6+s4], $0x80, v3, vm0, $0xb8;
	[tilespmem:$0x18800] =	vst v63  }
0x4d: {  	_ = 	snop  }
0x4e: {  	[tilespmem:s29], [sflag:$0x1] =	stream.indirect_vreg.gather [hbm4b:s7+s4], $0x80, v3, vm0, $0xb8;
	[tilespmem:$0x18800] =	vst v63  }
0x4f: {  	_ = 	snop  }
0x50: {  	[tilespmem:s30], [sflag:$0x1] =	stream.indirect_vreg.gather [hbm4b:s8+s4], $0x80, v3, vm0, $0xb8;
	[tilespmem:$0x18800] =	vst v63  }
0x51: {  	v3 =	vld [tilespmem:$0x80];
	_ =	sdelay $0x4  }
0x52: {  	v62 =	vshll.u32 v3, $0x3  }
0x53: {  	v3 =	vand.u32 $0x7, v3;
	v4 =	vand.u32 $0xFFFFFFC0, v62  }
0x54: {  	v3 =	vor.u32 v3, v4  }
0x55: {  	v4 =	vperm.xlane v3, v0;
	_ =	sdelay $0x1  }
0x56: {  	v4 =	vadd.s32 v1, v4;
	_ =	sdelay $0x4  }
0x57: {  	[tilespmem:s31], [sflag:$0x2] =	stream.indirect_vreg.gather [hbm4b:s2+s4], $0x80, v4, vm0, $0xb8;
	[tilespmem:$0x18800] =	vst v63  }
0x58: {  	s20 =	simm.s32 $0x9000;
	v3 =	vperm.xlane v3, v2  }
0x59: {  	[tilespmem:s20], [sflag:$0x2] =	stream.indirect_vreg.gather [hbm4b:s6+s4], $0x80, v4, vm0, $0xb8;
	[tilespmem:$0x18800] =	vst v63  }
0x5a: {  	s21 =	simm.s32 $0x9800;
	v3 =	vadd.s32 v1, v3  }
0x5b: {  	[tilespmem:s21], [sflag:$0x2] =	stream.indirect_vreg.gather [hbm4b:s7+s4], $0x80, v4, vm0, $0xb8;
	[tilespmem:$0x18800] =	vst v63  }
0x5c: {  	s22 =	simm.s32 $0xA000  }
0x5d: {  	[tilespmem:s22], [sflag:$0x2] =	stream.indirect_vreg.gather [hbm4b:s8+s4], $0x80, v4, vm0, $0xb8;
	[tilespmem:$0x18800] =	vst v63  }
0x5e: {  	s23 =	simm.s32 $0xA800  }
0x5f: {  	[tilespmem:s23], [sflag:$0x2] =	stream.indirect_vreg.gather [hbm4b:s2+s4], $0x80, v3, vm0, $0xb8;
	[tilespmem:$0x18800] =	vst v63  }
0x60: {  	s24 =	simm.s32 $0xB000  }
0x61: {  	[tilespmem:s24], [sflag:$0x2] =	stream.indirect_vreg.gather [hbm4b:s6+s4], $0x80, v3, vm0, $0xb8;
	[tilespmem:$0x18800] =	vst v63  }
0x62: {  	s25 =	simm.s32 $0xB800  }
0x63: {  	[tilespmem:s25], [sflag:$0x2] =	stream.indirect_vreg.gather [hbm4b:s7+s4], $0x80, v3, vm0, $0xb8;
	[tilespmem:$0x18800] =	vst v63  }
0x64: {  	s13 =	simm.s32 $0xC000  }
0x65: {  	[tilespmem:s13], [sflag:$0x2] =	stream.indirect_vreg.gather [hbm4b:s8+s4], $0x80, v3, vm0, $0xb8;
	[tilespmem:$0x18800] =	vst v63  }
0x66: {  	v3 =	vld [tilespmem:$0x90];
	_ =	sdelay $0x4  }
0x67: {  	v63 =	vshll.u32 v3, $0x3  }
0x68: {  	v3 =	vand.u32 $0x7, v3;
	v4 =	vand.u32 $0xFFFFFFC0, v63  }
0x69: {  	v3 =	vor.u32 v3, v4  }
0x6a: {  	v4 =	vperm.xlane v3, v0;
	_ =	sdelay $0x1  }
0x6b: {  	v4 =	vadd.s32 v1, v4;
	_ =	sdelay $0x3  }
0x6c: {  	s16 =	simm.s32 $0xC800  }
0x6d: {  	[tilespmem:s16], [sflag:$0x2] =	stream.indirect_vreg.gather [hbm4b:s2+s4], $0x80, v4, vm0, $0xb8;
	[tilespmem:$0x18800] =	vst v63  }
0x6e: {  	s17 =	simm.s32 $0xD000;
	v3 =	vperm.xlane v3, v2  }
0x6f: {  	[tilespmem:s17], [sflag:$0x2] =	stream.indirect_vreg.gather [hbm4b:s6+s4], $0x80, v4, vm0, $0xb8;
	[tilespmem:$0x18800] =	vst v63  }
0x70: {  	s20 =	simm.s32 $0xD800;
	v3 =	vadd.s32 v1, v3  }
0x71: {  	[tilespmem:s20], [sflag:$0x2] =	stream.indirect_vreg.gather [hbm4b:s7+s4], $0x80, v4, vm0, $0xb8;
	[tilespmem:$0x18800] =	vst v63  }
0x72: {  	s21 =	simm.s32 $0xE000  }
0x73: {  	[tilespmem:s21], [sflag:$0x2] =	stream.indirect_vreg.gather [hbm4b:s8+s4], $0x80, v4, vm0, $0xb8;
	[tilespmem:$0x18800] =	vst v63  }
0x74: {  	s22 =	simm.s32 $0xE800  }
0x75: {  	[tilespmem:s22], [sflag:$0x2] =	stream.indirect_vreg.gather [hbm4b:s2+s4], $0x80, v3, vm0, $0xb8;
	[tilespmem:$0x18800] =	vst v63  }
0x76: {  	s23 =	simm.s32 $0xF000  }
0x77: {  	[tilespmem:s23], [sflag:$0x2] =	stream.indirect_vreg.gather [hbm4b:s6+s4], $0x80, v3, vm0, $0xb8;
	[tilespmem:$0x18800] =	vst v63  }
0x78: {  	s24 =	simm.s32 $0xF800  }
0x79: {  	[tilespmem:s24], [sflag:$0x2] =	stream.indirect_vreg.gather [hbm4b:s7+s4], $0x80, v3, vm0, $0xb8;
	[tilespmem:$0x18800] =	vst v63  }
0x7a: {  	s25 =	simm.s32 $0x10000  }
0x7b: {  	[tilespmem:s25], [sflag:$0x2] =	stream.indirect_vreg.gather [hbm4b:s8+s4], $0x80, v3, vm0, $0xb8;
	[tilespmem:$0x18800] =	vst v63  }
0x7c: {  	_ =	swait.ge [sflag:s1], $0x8000  }
0x7d: {  	s12 =	simm.s32 $0x0;
	s16 =	simm.s32 $0xFFFF8000;
	[sflag:s1] =	ssyncset.done $0x0  }
0x7e: {  	s20 =	simm.s32 $0x0;
	s21 =	simm.s32 $0x0;
	[sflag:s1] =	ssyncadd.s32 $0xFFFF8000  }
.LBB2_2:
0x7f: {  	s17 =	sadd.s32 $0x8000, s16  }
0x80: {  	s22 =	sand.u32 $0x380, s12;
	s17 =	sand.u32 $0x6000, s17  }
0x81: {  	s22 =	sor.u32 s22, s17  }
0x82: {  	v3 =	vld [tilespmem:s22+$0x800]  }
0x83: {  	v4 =	vld [tilespmem:s22+$0x810]  }
0x84: {  	v6 =	vld [tilespmem:s22+$0x830]  }
0x85: {  	v8 =	vld [tilespmem:s22+$0x860]  }
0x86: {  	v5 =	vld [tilespmem:s22+$0x820]  }
0x87: {  	v43 =	vld [tilespmem:s22+$0xC00];
	v3 =	vmul.f32 $3.200000000e+01, v3  }
0x88: {  	v7 =	vld [tilespmem:s22+$0x850];
	v4 =	vmul.f32 $3.200000000e+01, v4  }
0x89: {  	v46 =	vld [tilespmem:s22+$0xC20];
	v44 =	vmul.f32 $3.200000000e+01, v6;
	[tilespmem:s22+$0x800] =	vst v3  }
0x8a: {  	v9 =	vld [tilespmem:s22+$0x870];
	v47 =	vmul.f32 $3.200000000e+01, v8;
	[tilespmem:s22+$0x810] =	vst v4  }
0x8b: {  	v49 =	vld [tilespmem:s22+$0xC50];
	v3 =	vmul.f32 $3.200000000e+01, v5;
	[tilespmem:s22+$0x830] =	vst v44  }
0x8c: {  	v45 =	vld [tilespmem:s22+$0xC10];
	v50 =	vmul.f32 $3.200000000e+01, v43;
	[tilespmem:s22+$0x860] =	vst v47  }
0x8d: {  	v52 =	vld [tilespmem:s22+$0xC70];
	[tilespmem:s22+$0x820] =	vst v3;
	v3 =	vmul.f32 $3.200000000e+01, v7  }
0x8e: {  	v48 =	vld [tilespmem:s22+$0xC30];
	v53 =	vmul.f32 $3.200000000e+01, v46;
	[tilespmem:s22+$0xC00] =	vst v50  }
0x8f: {  	v55 =	vld [tilespmem:s22+$0x1010];
	[tilespmem:s22+$0x850] =	vst v3;
	v3 =	vmul.f32 $3.200000000e+01, v9  }
0x90: {  	v51 =	vld [tilespmem:s22+$0xC60];
	v56 =	vmul.f32 $3.200000000e+01, v49;
	[tilespmem:s22+$0xC20] =	vst v53  }
0x91: {  	v58 =	vld [tilespmem:s22+$0x1030];
	[tilespmem:s22+$0x870] =	vst v3;
	v3 =	vmul.f32 $3.200000000e+01, v45  }
0x92: {  	v54 =	vld [tilespmem:s22+$0x1000];
	v59 =	vmul.f32 $3.200000000e+01, v52;
	[tilespmem:s22+$0xC50] =	vst v56  }
0x93: {  	v61 =	vld [tilespmem:s22+$0x1060];
	[tilespmem:s22+$0xC10] =	vst v3;
	v3 =	vmul.f32 $3.200000000e+01, v48  }
0x94: {  	v57 =	vld [tilespmem:s22+$0x1020];
	v62 =	vmul.f32 $3.200000000e+01, v55;
	[tilespmem:s22+$0xC70] =	vst v59  }
0x95: {  	v12 =	vld [tilespmem:s22+$0x1400];
	[tilespmem:s22+$0xC30] =	vst v3;
	v3 =	vmul.f32 $3.200000000e+01, v51  }
0x96: {  	v60 =	vld [tilespmem:s22+$0x1050];
	v13 =	vmul.f32 $3.200000000e+01, v58;
	[tilespmem:s22+$0x1010] =	vst v62  }
0x97: {  	v15 =	vld [tilespmem:s22+$0x1420];
	[tilespmem:s22+$0xC60] =	vst v3;
	v3 =	vmul.f32 $3.200000000e+01, v54  }
0x98: {  	v63 =	vld [tilespmem:s22+$0x1070];
	v16 =	vmul.f32 $3.200000000e+01, v61;
	[tilespmem:s22+$0x1030] =	vst v13  }
0x99: {  	v18 =	vld [tilespmem:s22+$0x1450];
	[tilespmem:s22+$0x1000] =	vst v3;
	v3 =	vmul.f32 $3.200000000e+01, v57  }
0x9a: {  	v14 =	vld [tilespmem:s22+$0x1410];
	v19 =	vmul.f32 $3.200000000e+01, v12;
	[tilespmem:s22+$0x1060] =	vst v16  }
0x9b: {  	v21 =	vld [tilespmem:s22+$0x1470];
	[tilespmem:s22+$0x1020] =	vst v3;
	v3 =	vmul.f32 $3.200000000e+01, v60  }
0x9c: {  	v17 =	vld [tilespmem:s22+$0x1430];
	v22 =	vmul.f32 $3.200000000e+01, v15;
	[tilespmem:s22+$0x1400] =	vst v19  }
0x9d: {  	v24 =	vld [tilespmem:s22+$0x1810];
	[tilespmem:s22+$0x1050] =	vst v3;
	v3 =	vmul.f32 $3.200000000e+01, v63  }
0x9e: {  	v20 =	vld [tilespmem:s22+$0x1460];
	v25 =	vmul.f32 $3.200000000e+01, v18;
	[tilespmem:s22+$0x1420] =	vst v22  }
0x9f: {  	v27 =	vld [tilespmem:s22+$0x1830];
	[tilespmem:s22+$0x1070] =	vst v3;
	v3 =	vmul.f32 $3.200000000e+01, v14  }
0xa0: {  	v23 =	vld [tilespmem:s22+$0x1800];
	v28 =	vmul.f32 $3.200000000e+01, v21;
	[tilespmem:s22+$0x1450] =	vst v25  }
0xa1: {  	v30 =	vld [tilespmem:s22+$0x1860];
	[tilespmem:s22+$0x1410] =	vst v3;
	v3 =	vmul.f32 $3.200000000e+01, v17  }
0xa2: {  	v26 =	vld [tilespmem:s22+$0x1820];
	v31 =	vmul.f32 $3.200000000e+01, v24;
	[tilespmem:s22+$0x1470] =	vst v28  }
0xa3: {  	v33 =	vld [tilespmem:s22+$0x1C00];
	[tilespmem:s22+$0x1430] =	vst v3;
	v3 =	vmul.f32 $3.200000000e+01, v20  }
0xa4: {  	v29 =	vld [tilespmem:s22+$0x1850];
	v34 =	vmul.f32 $3.200000000e+01, v27;
	[tilespmem:s22+$0x1810] =	vst v31  }
0xa5: {  	v36 =	vld [tilespmem:s22+$0x1C20];
	[tilespmem:s22+$0x1460] =	vst v3;
	v3 =	vmul.f32 $3.200000000e+01, v23  }
0xa6: {  	v32 =	vld [tilespmem:s22+$0x1870];
	v37 =	vmul.f32 $3.200000000e+01, v30;
	[tilespmem:s22+$0x1830] =	vst v34  }
0xa7: {  	v39 =	vld [tilespmem:s22+$0x1C50];
	[tilespmem:s22+$0x1800] =	vst v3;
	v3 =	vmul.f32 $3.200000000e+01, v26  }
0xa8: {  	v35 =	vld [tilespmem:s22+$0x1C10];
	v40 =	vmul.f32 $3.200000000e+01, v33;
	[tilespmem:s22+$0x1860] =	vst v37  }
0xa9: {  	v42 =	vld [tilespmem:s22+$0x1C70];
	[tilespmem:s22+$0x1820] =	vst v3;
	v3 =	vmul.f32 $3.200000000e+01, v29  }
0xaa: {  	v38 =	vld [tilespmem:s22+$0x1C30];
	v43 =	vmul.f32 $3.200000000e+01, v36;
	[tilespmem:s22+$0x1C00] =	vst v40  }
0xab: {  	v47 =	vld [tilespmem:s22+$0x2020];
	[tilespmem:s22+$0x1850] =	vst v3;
	v3 =	vmul.f32 $3.200000000e+01, v32  }
0xac: {  	v41 =	vld [tilespmem:s22+$0x1C60];
	v46 =	vmul.f32 $3.200000000e+01, v39;
	[tilespmem:s22+$0x1C20] =	vst v43  }
0xad: {  	v50 =	vld [tilespmem:s22+$0x2050];
	[tilespmem:s22+$0x1870] =	vst v3;
	v3 =	vmul.f32 $3.200000000e+01, v35  }
0xae: {  	v49 =	vmul.f32 $3.200000000e+01, v42;
	v44 =	vld [tilespmem:s22+$0x2000];
	[tilespmem:s22+$0x1C50] =	vst v46  }
0xaf: {  	v53 =	vld [tilespmem:s22+$0x2070];
	[tilespmem:s22+$0x1C10] =	vst v3;
	v3 =	vmul.f32 $3.200000000e+01, v38  }
0xb0: {  	[tilespmem:s22+$0x1C70] =	vst v49;
	v7 =	vmul.f32 $3.200000000e+01, v47;
	v45 =	vld [tilespmem:s22+$0x2010]  }
0xb1: {  	v48 =	vld [tilespmem:s22+$0x2030];
	[tilespmem:s22+$0x1C30] =	vst v3;
	v3 =	vmul.f32 $3.200000000e+01, v41  }
0xb2: {  	v9 =	vmul.f32 $3.200000000e+01, v50;
	[tilespmem:s22+$0x2020] =	vst v7;
	v51 =	vld [tilespmem:s22+$0x2060]  }
0xb3: {  	[tilespmem:s22+$0x1C60] =	vst v3;
	v3 =	vmul.f32 $3.200000000e+01, v44  }
0xb4: {  	v58 =	vld [tilespmem:s22+$0x1C40];
	v6 =	vmul.f32 $3.200000000e+01, v53;
	[tilespmem:s22+$0x2050] =	vst v9  }
0xb5: {  	v52 =	vmul.f32 $3.200000000e+01, v45;
	[tilespmem:s22+$0x2000] =	vst v3;
	v3 =	vld [tilespmem:s22+$0x840]  }
0xb6: {  	s23 =	sand.u32 $0x7, s20;
	v56 =	vld [tilespmem:s22+$0x1440];
	[tilespmem:s22+$0x2070] =	vst v6;
	v8 =	vmul.f32 $3.200000000e+01, v48  }
0xb7: {  	s17 =	sshll.u32 s23, $0x7;
	v55 =	vld [tilespmem:s22+$0x1040];
	[tilespmem:s22+$0x2010] =	vst v52;
	v5 =	vmul.f32 $3.200000000e+01, v51  }
0xb8: {  	s17 =	sadd.s32 s17, s21;
	v54 =	vld [tilespmem:s22+$0xC40];
	[tilespmem:s22+$0x2030] =	vst v8  }
0xb9: {  	s23 =	sor.u32 $0x1C00, s17;
	v62 =	vmul.f32 $3.200000000e+01, v58;
	v57 =	vld [tilespmem:s22+$0x1840];
	[tilespmem:s22+$0x2060] =	vst v5  }
0xba: {  	v60 =	vld [tilespmem:s23+$0x800];
	v3 =	vmul.f32 $3.200000000e+01, v3  }
0xbb: {  	v59 =	vld [tilespmem:s22+$0x2040];
	v61 =	vmul.f32 $3.200000000e+01, v56;
	[tilespmem:s22+$0x1C40] =	vst v62  }
0xbc: {  	[tilespmem:s22+$0x840] =	vst v3;
	v3 =	vmul.f32 $3.200000000e+01, v55  }
0xbd: {  	[tilespmem:s22+$0x1440] =	vst v61;
	v4 =	vmul.f32 $3.200000000e+01, v54  }
0xbe: {  	[tilespmem:s22+$0x1040] =	vst v3;
	v3 =	vmul.f32 $3.200000000e+01, v57  }
0xbf: {  	[tilespmem:s22+$0xC40] =	vst v4;
	v63 =	vmul.f32 $3.200000000e+01, v60  }
0xc0: {  	[tilespmem:s22+$0x1840] =	vst v3;
	v3 =	vmul.f32 $3.200000000e+01, v59  }
0xc1: {  	[tilespmem:s23+$0x800] =	vst v63  }
0xc2: {  	s24 =	sor.u32 $0x1C10, s17;
	[tilespmem:s22+$0x2040] =	vst v3  }
0xc3: {  	v3 =	vld [tilespmem:s24+$0x800];
	_ =	sdelay $0x4  }
0xc4: {  	v3 =	vmul.f32 $3.200000000e+01, v3;
	_ =	sdelay $0x1  }
0xc5: {  	s25 =	sor.u32 $0x1C20, s17;
	[tilespmem:s24+$0x800] =	vst v3  }
0xc6: {  	v3 =	vld [tilespmem:s25+$0x800];
	_ =	sdelay $0x4  }
0xc7: {  	v3 =	vmul.f32 $3.200000000e+01, v3;
	_ =	sdelay $0x1  }
0xc8: {  	s13 =	sor.u32 $0x1C30, s17;
	[tilespmem:s25+$0x800] =	vst v3  }
0xc9: {  	v3 =	vld [tilespmem:s13+$0x800];
	_ =	sdelay $0x4  }
0xca: {  	v3 =	vmul.f32 $3.200000000e+01, v3;
	_ =	sdelay $0x1  }
0xcb: {  	s23 =	sor.u32 $0x1C40, s17;
	[tilespmem:s13+$0x800] =	vst v3  }
0xcc: {  	v3 =	vld [tilespmem:s23+$0x800];
	_ =	sdelay $0x4  }
0xcd: {  	v3 =	vmul.f32 $3.200000000e+01, v3;
	_ =	sdelay $0x1  }
0xce: {  	s24 =	sor.u32 $0x1C50, s17;
	[tilespmem:s23+$0x800] =	vst v3  }
0xcf: {  	v3 =	vld [tilespmem:s24+$0x800];
	_ =	sdelay $0x4  }
0xd0: {  	v3 =	vmul.f32 $3.200000000e+01, v3;
	_ =	sdelay $0x1  }
0xd1: {  	s25 =	sor.u32 $0x1C60, s17;
	[tilespmem:s24+$0x800] =	vst v3  }
0xd2: {  	v3 =	vld [tilespmem:s25+$0x800];
	_ =	sdelay $0x4  }
0xd3: {  	v3 =	vmul.f32 $3.200000000e+01, v3;
	_ =	sdelay $0x1  }
0xd4: {  	s17 =	sor.u32 $0x1C70, s17;
	[tilespmem:s25+$0x800] =	vst v3  }
0xd5: {  	v3 =	vld [tilespmem:s17+$0x800];
	_ =	sdelay $0x1  }
0xd6: {  	p0 =	sne.s32 s12, $0xF80  }
.Ltmp2:
0xd7: {  	_ = 	snop;
	(pc) =	sbr.rel @p0 .LBB2_2-.Ltmp2, $4  }
0xd8: {  	_ = 	snop  }
0xd9: {  	v3 =	vmul.f32 $3.200000000e+01, v3  }
0xda: {  	s20 =	sadd.s32 $0x1, s20  }
0xdb: {  	s16 =	sadd.s32 $0x400, s16;
	s12 =	sadd.s32 $0x80, s12;
	s21 =	sadd.s32 $0x400, s21;
	[tilespmem:s17+$0x800] =	vst v3  }
0xdc: {  	s20 =	simm.s32 $0x0  }
0xdd: {  	[hbm4b:s9+s20] =	stream.linear.scatter [tilespmem:s14], [sflag:$0x4], $0x8000, $0x38;
	[tilespmem:$0x18800] =	vst v63  }
0xde: {  	v3 =	vld [tilespmem:$0x100];
	_ =	sdelay $0x4  }
0xdf: {  	v4 =	vshll.u32 v3, $0x3  }
0xe0: {  	v3 =	vand.u32 $0x7, v3;
	v4 =	vand.u32 $0xFFFFFFC0, v4  }
0xe1: {  	v3 =	vor.u32 v3, v4  }
0xe2: {  	v4 =	vperm.xlane v3, v0;
	_ =	sdelay $0x1  }
0xe3: {  	v4 =	vadd.s32 v1, v4;
	_ =	sdelay $0x4  }
0xe4: {  	[tilespmem:s0], [sflag:$0x3] =	stream.indirect_vreg.gather [hbm4b:s2+s20], $0x80, v4, vm0, $0xb8;
	[tilespmem:$0x18800] =	vst v63  }
0xe5: {  	s12 =	simm.s32 $0x11000;
	v3 =	vperm.xlane v3, v2  }
0xe6: {  	[tilespmem:s12], [sflag:$0x3] =	stream.indirect_vreg.gather [hbm4b:s6+s20], $0x80, v4, vm0, $0xb8;
	[tilespmem:$0x18800] =	vst v63  }
0xe7: {  	s17 =	simm.s32 $0x11800;
	v3 =	vadd.s32 v1, v3  }
0xe8: {  	[tilespmem:s17], [sflag:$0x3] =	stream.indirect_vreg.gather [hbm4b:s7+s20], $0x80, v4, vm0, $0xb8;
	[tilespmem:$0x18800] =	vst v63  }
0xe9: {  	s21 =	simm.s32 $0x12000  }
0xea: {  	[tilespmem:s21], [sflag:$0x3] =	stream.indirect_vreg.gather [hbm4b:s8+s20], $0x80, v4, vm0, $0xb8;
	[tilespmem:$0x18800] =	vst v63  }
0xeb: {  	s22 =	simm.s32 $0x12800  }
0xec: {  	[tilespmem:s22], [sflag:$0x3] =	stream.indirect_vreg.gather [hbm4b:s2+s20], $0x80, v3, vm0, $0xb8;
	[tilespmem:$0x18800] =	vst v63  }
0xed: {  	s23 =	simm.s32 $0x13000  }
0xee: {  	[tilespmem:s23], [sflag:$0x3] =	stream.indirect_vreg.gather [hbm4b:s6+s20], $0x80, v3, vm0, $0xb8;
	[tilespmem:$0x18800] =	vst v63  }
0xef: {  	s24 =	simm.s32 $0x13800  }
0xf0: {  	[tilespmem:s24], [sflag:$0x3] =	stream.indirect_vreg.gather [hbm4b:s7+s20], $0x80, v3, vm0, $0xb8;
	[tilespmem:$0x18800] =	vst v63  }
0xf1: {  	s25 =	simm.s32 $0x14000  }
0xf2: {  	[tilespmem:s25], [sflag:$0x3] =	stream.indirect_vreg.gather [hbm4b:s8+s20], $0x80, v3, vm0, $0xb8;
	[tilespmem:$0x18800] =	vst v63  }
0xf3: {  	v3 =	vld [tilespmem:$0x110];
	_ =	sdelay $0x4  }
0xf4: {  	v63 =	vshll.u32 v3, $0x3  }
0xf5: {  	v3 =	vand.u32 $0x7, v3;
	v4 =	vand.u32 $0xFFFFFFC0, v63  }
0xf6: {  	v3 =	vor.u32 v3, v4  }
0xf7: {  	v4 =	vperm.xlane v3, v0;
	_ =	sdelay $0x1  }
0xf8: {  	v4 =	vadd.s32 v1, v4;
	_ =	sdelay $0x3  }
0xf9: {  	s13 =	simm.s32 $0x14800  }
0xfa: {  	[tilespmem:s13], [sflag:$0x3] =	stream.indirect_vreg.gather [hbm4b:s2+s20], $0x80, v4, vm0, $0xb8;
	[tilespmem:$0x18800] =	vst v63  }
0xfb: {  	s16 =	simm.s32 $0x15000;
	v3 =	vperm.xlane v3, v2  }
0xfc: {  	[tilespmem:s16], [sflag:$0x3] =	stream.indirect_vreg.gather [hbm4b:s6+s20], $0x80, v4, vm0, $0xb8;
	[tilespmem:$0x18800] =	vst v63  }
0xfd: {  	s17 =	simm.s32 $0x15800;
	v3 =	vadd.s32 v1, v3  }
0xfe: {  	[tilespmem:s17], [sflag:$0x3] =	stream.indirect_vreg.gather [hbm4b:s7+s20], $0x80, v4, vm0, $0xb8;
	[tilespmem:$0x18800] =	vst v63  }
0xff: {  	s21 =	simm.s32 $0x16000  }
0x100: {  	[tilespmem:s21], [sflag:$0x3] =	stream.indirect_vreg.gather [hbm4b:s8+s20], $0x80, v4, vm0, $0xb8;
	[tilespmem:$0x18800] =	vst v63  }
0x101: {  	s22 =	simm.s32 $0x16800  }
0x102: {  	[tilespmem:s22], [sflag:$0x3] =	stream.indirect_vreg.gather [hbm4b:s2+s20], $0x80, v3, vm0, $0xb8;
	[tilespmem:$0x18800] =	vst v63  }
0x103: {  	s23 =	simm.s32 $0x17000  }
0x104: {  	[tilespmem:s23], [sflag:$0x3] =	stream.indirect_vreg.gather [hbm4b:s6+s20], $0x80, v3, vm0, $0xb8;
	[tilespmem:$0x18800] =	vst v63  }
0x105: {  	s24 =	simm.s32 $0x17800  }
0x106: {  	[tilespmem:s24], [sflag:$0x3] =	stream.indirect_vreg.gather [hbm4b:s7+s20], $0x80, v3, vm0, $0xb8;
	[tilespmem:$0x18800] =	vst v63  }
0x107: {  	s25 =	simm.s32 $0x18000  }
0x108: {  	[tilespmem:s25], [sflag:$0x3] =	stream.indirect_vreg.gather [hbm4b:s8+s20], $0x80, v3, vm0, $0xb8;
	[tilespmem:$0x18800] =	vst v63  }
.LBB2_4:
0x109: {  	_ =	swait.ge [sflag:s18], $0x8000  }
0x10a: {  	s16 =	simm.s32 $0xFFFF8000;
	s21 =	simm.s32 $0x0;
	[sflag:s18] =	ssyncset.done $0x0  }
0x10b: {  	s22 =	simm.s32 $0x0;
	s12 =	simm.s32 $0x0;
	[sflag:s18] =	ssyncadd.s32 $0xFFFF8000  }
.LBB2_5:
0x10c: {  	s17 =	sadd.s32 $0x8000, s16  }
0x10d: {  	s23 =	sand.u32 $0x380, s12;
	s17 =	sand.u32 $0x6000, s17  }
0x10e: {  	s23 =	sor.u32 s23, s17  }
0x10f: {  	v3 =	vld [tilespmem:s23+$0x8800]  }
0x110: {  	v4 =	vld [tilespmem:s23+$0x8810]  }
0x111: {  	v6 =	vld [tilespmem:s23+$0x8830]  }
0x112: {  	v8 =	vld [tilespmem:s23+$0x8860]  }
0x113: {  	v5 =	vld [tilespmem:s23+$0x8820]  }
0x114: {  	v43 =	vld [tilespmem:s23+$0x8C00];
	v3 =	vmul.f32 $3.200000000e+01, v3  }
0x115: {  	v7 =	vld [tilespmem:s23+$0x8850];
	v4 =	vmul.f32 $3.200000000e+01, v4  }
0x116: {  	v46 =	vld [tilespmem:s23+$0x8C20];
	v44 =	vmul.f32 $3.200000000e+01, v6;
	[tilespmem:s23+$0x8800] =	vst v3  }
0x117: {  	v9 =	vld [tilespmem:s23+$0x8870];
	v47 =	vmul.f32 $3.200000000e+01, v8;
	[tilespmem:s23+$0x8810] =	vst v4  }
0x118: {  	v49 =	vld [tilespmem:s23+$0x8C50];
	v3 =	vmul.f32 $3.200000000e+01, v5;
	[tilespmem:s23+$0x8830] =	vst v44  }
0x119: {  	v45 =	vld [tilespmem:s23+$0x8C10];
	v50 =	vmul.f32 $3.200000000e+01, v43;
	[tilespmem:s23+$0x8860] =	vst v47  }
0x11a: {  	v52 =	vld [tilespmem:s23+$0x8C70];
	[tilespmem:s23+$0x8820] =	vst v3;
	v3 =	vmul.f32 $3.200000000e+01, v7  }
0x11b: {  	v48 =	vld [tilespmem:s23+$0x8C30];
	v53 =	vmul.f32 $3.200000000e+01, v46;
	[tilespmem:s23+$0x8C00] =	vst v50  }
0x11c: {  	v55 =	vld [tilespmem:s23+$0x9010];
	[tilespmem:s23+$0x8850] =	vst v3;
	v3 =	vmul.f32 $3.200000000e+01, v9  }
0x11d: {  	v51 =	vld [tilespmem:s23+$0x8C60];
	v56 =	vmul.f32 $3.200000000e+01, v49;
	[tilespmem:s23+$0x8C20] =	vst v53  }
0x11e: {  	v58 =	vld [tilespmem:s23+$0x9030];
	[tilespmem:s23+$0x8870] =	vst v3;
	v3 =	vmul.f32 $3.200000000e+01, v45  }
0x11f: {  	v54 =	vld [tilespmem:s23+$0x9000];
	v59 =	vmul.f32 $3.200000000e+01, v52;
	[tilespmem:s23+$0x8C50] =	vst v56  }
0x120: {  	v61 =	vld [tilespmem:s23+$0x9060];
	[tilespmem:s23+$0x8C10] =	vst v3;
	v3 =	vmul.f32 $3.200000000e+01, v48  }
0x121: {  	v57 =	vld [tilespmem:s23+$0x9020];
	v62 =	vmul.f32 $3.200000000e+01, v55;
	[tilespmem:s23+$0x8C70] =	vst v59  }
0x122: {  	v12 =	vld [tilespmem:s23+$0x9400];
	[tilespmem:s23+$0x8C30] =	vst v3;
	v3 =	vmul.f32 $3.200000000e+01, v51  }
0x123: {  	v60 =	vld [tilespmem:s23+$0x9050];
	v13 =	vmul.f32 $3.200000000e+01, v58;
	[tilespmem:s23+$0x9010] =	vst v62  }
0x124: {  	v15 =	vld [tilespmem:s23+$0x9420];
	[tilespmem:s23+$0x8C60] =	vst v3;
	v3 =	vmul.f32 $3.200000000e+01, v54  }
0x125: {  	v63 =	vld [tilespmem:s23+$0x9070];
	v16 =	vmul.f32 $3.200000000e+01, v61;
	[tilespmem:s23+$0x9030] =	vst v13  }
0x126: {  	v18 =	vld [tilespmem:s23+$0x9450];
	[tilespmem:s23+$0x9000] =	vst v3;
	v3 =	vmul.f32 $3.200000000e+01, v57  }
0x127: {  	v14 =	vld [tilespmem:s23+$0x9410];
	v19 =	vmul.f32 $3.200000000e+01, v12;
	[tilespmem:s23+$0x9060] =	vst v16  }
0x128: {  	v21 =	vld [tilespmem:s23+$0x9470];
	[tilespmem:s23+$0x9020] =	vst v3;
	v3 =	vmul.f32 $3.200000000e+01, v60  }
0x129: {  	v17 =	vld [tilespmem:s23+$0x9430];
	v22 =	vmul.f32 $3.200000000e+01, v15;
	[tilespmem:s23+$0x9400] =	vst v19  }
0x12a: {  	v24 =	vld [tilespmem:s23+$0x9810];
	[tilespmem:s23+$0x9050] =	vst v3;
	v3 =	vmul.f32 $3.200000000e+01, v63  }
0x12b: {  	v20 =	vld [tilespmem:s23+$0x9460];
	v25 =	vmul.f32 $3.200000000e+01, v18;
	[tilespmem:s23+$0x9420] =	vst v22  }
0x12c: {  	v27 =	vld [tilespmem:s23+$0x9830];
	[tilespmem:s23+$0x9070] =	vst v3;
	v3 =	vmul.f32 $3.200000000e+01, v14  }
0x12d: {  	v23 =	vld [tilespmem:s23+$0x9800];
	v28 =	vmul.f32 $3.200000000e+01, v21;
	[tilespmem:s23+$0x9450] =	vst v25  }
0x12e: {  	v30 =	vld [tilespmem:s23+$0x9860];
	[tilespmem:s23+$0x9410] =	vst v3;
	v3 =	vmul.f32 $3.200000000e+01, v17  }
0x12f: {  	v26 =	vld [tilespmem:s23+$0x9820];
	v31 =	vmul.f32 $3.200000000e+01, v24;
	[tilespmem:s23+$0x9470] =	vst v28  }
0x130: {  	v33 =	vld [tilespmem:s23+$0x9C00];
	[tilespmem:s23+$0x9430] =	vst v3;
	v3 =	vmul.f32 $3.200000000e+01, v20  }
0x131: {  	v29 =	vld [tilespmem:s23+$0x9850];
	v34 =	vmul.f32 $3.200000000e+01, v27;
	[tilespmem:s23+$0x9810] =	vst v31  }
0x132: {  	v36 =	vld [tilespmem:s23+$0x9C20];
	[tilespmem:s23+$0x9460] =	vst v3;
	v3 =	vmul.f32 $3.200000000e+01, v23  }
0x133: {  	v32 =	vld [tilespmem:s23+$0x9870];
	v37 =	vmul.f32 $3.200000000e+01, v30;
	[tilespmem:s23+$0x9830] =	vst v34  }
0x134: {  	v39 =	vld [tilespmem:s23+$0x9C50];
	[tilespmem:s23+$0x9800] =	vst v3;
	v3 =	vmul.f32 $3.200000000e+01, v26  }
0x135: {  	v35 =	vld [tilespmem:s23+$0x9C10];
	v40 =	vmul.f32 $3.200000000e+01, v33;
	[tilespmem:s23+$0x9860] =	vst v37  }
0x136: {  	v42 =	vld [tilespmem:s23+$0x9C70];
	[tilespmem:s23+$0x9820] =	vst v3;
	v3 =	vmul.f32 $3.200000000e+01, v29  }
0x137: {  	v38 =	vld [tilespmem:s23+$0x9C30];
	v43 =	vmul.f32 $3.200000000e+01, v36;
	[tilespmem:s23+$0x9C00] =	vst v40  }
0x138: {  	v47 =	vld [tilespmem:s23+$0xA020];
	[tilespmem:s23+$0x9850] =	vst v3;
	v3 =	vmul.f32 $3.200000000e+01, v32  }
0x139: {  	v41 =	vld [tilespmem:s23+$0x9C60];
	v46 =	vmul.f32 $3.200000000e+01, v39;
	[tilespmem:s23+$0x9C20] =	vst v43  }
0x13a: {  	v50 =	vld [tilespmem:s23+$0xA050];
	[tilespmem:s23+$0x9870] =	vst v3;
	v3 =	vmul.f32 $3.200000000e+01, v35  }
0x13b: {  	v49 =	vmul.f32 $3.200000000e+01, v42;
	v44 =	vld [tilespmem:s23+$0xA000];
	[tilespmem:s23+$0x9C50] =	vst v46  }
0x13c: {  	v53 =	vld [tilespmem:s23+$0xA070];
	[tilespmem:s23+$0x9C10] =	vst v3;
	v3 =	vmul.f32 $3.200000000e+01, v38  }
0x13d: {  	[tilespmem:s23+$0x9C70] =	vst v49;
	v7 =	vmul.f32 $3.200000000e+01, v47;
	v45 =	vld [tilespmem:s23+$0xA010]  }
0x13e: {  	v48 =	vld [tilespmem:s23+$0xA030];
	[tilespmem:s23+$0x9C30] =	vst v3;
	v3 =	vmul.f32 $3.200000000e+01, v41  }
0x13f: {  	v9 =	vmul.f32 $3.200000000e+01, v50;
	[tilespmem:s23+$0xA020] =	vst v7;
	v51 =	vld [tilespmem:s23+$0xA060]  }
0x140: {  	[tilespmem:s23+$0x9C60] =	vst v3;
	v3 =	vmul.f32 $3.200000000e+01, v44  }
0x141: {  	v58 =	vld [tilespmem:s23+$0x9C40];
	v6 =	vmul.f32 $3.200000000e+01, v53;
	[tilespmem:s23+$0xA050] =	vst v9  }
0x142: {  	v52 =	vmul.f32 $3.200000000e+01, v45;
	[tilespmem:s23+$0xA000] =	vst v3;
	v3 =	vld [tilespmem:s23+$0x8840]  }
0x143: {  	s25 =	sand.u32 $0x7, s21;
	v56 =	vld [tilespmem:s23+$0x9440];
	[tilespmem:s23+$0xA070] =	vst v6;
	v8 =	vmul.f32 $3.200000000e+01, v48  }
0x144: {  	s17 =	sshll.u32 s25, $0x7;
	v55 =	vld [tilespmem:s23+$0x9040];
	[tilespmem:s23+$0xA010] =	vst v52;
	v5 =	vmul.f32 $3.200000000e+01, v51  }
0x145: {  	s17 =	sadd.s32 s17, s22;
	v54 =	vld [tilespmem:s23+$0x8C40];
	[tilespmem:s23+$0xA030] =	vst v8  }
0x146: {  	s24 =	sor.u32 $0x1C00, s17;
	v62 =	vmul.f32 $3.200000000e+01, v58;
	v57 =	vld [tilespmem:s23+$0x9840];
	[tilespmem:s23+$0xA060] =	vst v5  }
0x147: {  	v60 =	vld [tilespmem:s24+$0x8800];
	v3 =	vmul.f32 $3.200000000e+01, v3  }
0x148: {  	v59 =	vld [tilespmem:s23+$0xA040];
	v61 =	vmul.f32 $3.200000000e+01, v56;
	[tilespmem:s23+$0x9C40] =	vst v62  }
0x149: {  	[tilespmem:s23+$0x8840] =	vst v3;
	v3 =	vmul.f32 $3.200000000e+01, v55  }
0x14a: {  	[tilespmem:s23+$0x9440] =	vst v61;
	v4 =	vmul.f32 $3.200000000e+01, v54  }
0x14b: {  	[tilespmem:s23+$0x9040] =	vst v3;
	v3 =	vmul.f32 $3.200000000e+01, v57  }
0x14c: {  	[tilespmem:s23+$0x8C40] =	vst v4;
	v63 =	vmul.f32 $3.200000000e+01, v60  }
0x14d: {  	[tilespmem:s23+$0x9840] =	vst v3;
	v3 =	vmul.f32 $3.200000000e+01, v59  }
0x14e: {  	[tilespmem:s24+$0x8800] =	vst v63  }
0x14f: {  	s13 =	sor.u32 $0x1C10, s17;
	[tilespmem:s23+$0xA040] =	vst v3  }
0x150: {  	v3 =	vld [tilespmem:s13+$0x8800];
	_ =	sdelay $0x4  }
0x151: {  	v3 =	vmul.f32 $3.200000000e+01, v3;
	_ =	sdelay $0x1  }
0x152: {  	s24 =	sor.u32 $0x1C20, s17;
	[tilespmem:s13+$0x8800] =	vst v3  }
0x153: {  	v3 =	vld [tilespmem:s24+$0x8800];
	_ =	sdelay $0x4  }
0x154: {  	v3 =	vmul.f32 $3.200000000e+01, v3;
	_ =	sdelay $0x1  }
0x155: {  	s25 =	sor.u32 $0x1C30, s17;
	[tilespmem:s24+$0x8800] =	vst v3  }
0x156: {  	v3 =	vld [tilespmem:s25+$0x8800];
	_ =	sdelay $0x4  }
0x157: {  	v3 =	vmul.f32 $3.200000000e+01, v3;
	_ =	sdelay $0x1  }
0x158: {  	s13 =	sor.u32 $0x1C40, s17;
	[tilespmem:s25+$0x8800] =	vst v3  }
0x159: {  	v3 =	vld [tilespmem:s13+$0x8800];
	_ =	sdelay $0x4  }
0x15a: {  	v3 =	vmul.f32 $3.200000000e+01, v3;
	_ =	sdelay $0x1  }
0x15b: {  	s24 =	sor.u32 $0x1C50, s17;
	[tilespmem:s13+$0x8800] =	vst v3  }
0x15c: {  	v3 =	vld [tilespmem:s24+$0x8800];
	_ =	sdelay $0x4  }
0x15d: {  	v3 =	vmul.f32 $3.200000000e+01, v3;
	_ =	sdelay $0x1  }
0x15e: {  	s25 =	sor.u32 $0x1C60, s17;
	[tilespmem:s24+$0x8800] =	vst v3  }
0x15f: {  	v3 =	vld [tilespmem:s25+$0x8800];
	_ =	sdelay $0x4  }
0x160: {  	v3 =	vmul.f32 $3.200000000e+01, v3;
	_ =	sdelay $0x1  }
0x161: {  	s17 =	sor.u32 $0x1C70, s17;
	[tilespmem:s25+$0x8800] =	vst v3  }
0x162: {  	v3 =	vld [tilespmem:s17+$0x8800];
	_ =	sdelay $0x1  }
0x163: {  	p0 =	sne.s32 s12, $0xF80  }
.Ltmp3:
0x164: {  	_ = 	snop;
	(pc) =	sbr.rel @p0 .LBB2_5-.Ltmp3, $4  }
0x165: {  	_ = 	snop  }
0x166: {  	v3 =	vmul.f32 $3.200000000e+01, v3  }
0x167: {  	s21 =	sadd.s32 $0x1, s21  }
0x168: {  	s16 =	sadd.s32 $0x400, s16;
	s12 =	sadd.s32 $0x80, s12;
	s22 =	sadd.s32 $0x400, s22;
	[tilespmem:s17+$0x8800] =	vst v3  }
0x169: {  	s21 =	smul.u32 $0x60, s20;
	_ =	sdelay $0x1  }
0x16a: {  	s12 =	sadd.s32 s21, s10  }
0x16b: {  	s12 =	sshll.u32 s12, $0x7  }
0x16c: {  	s16 =	smul.u32 $0x3, s20;
	s22 =	simm.s32 $0x0;
	s12 =	sadd.s32 s3, s12  }
0x16d: {  	[hbm4b:s12+s22] =	stream.linear.scatter [tilespmem:s31], [sflag:$0x5], $0x8000, $0x38;
	[tilespmem:$0x18800] =	vst v63  }
0x16e: {  	s16 =	sadd.s32 $0x3, s16;
	_ =	swait.ge [sflag:s15], $0x8000  }
0x16f: {  	s23 =	sshll.u32 s16, $0x7;
	[sflag:s15] =	ssyncset.done $0x0  }
0x170: {  	s12 =	sand.u32 $0x3FFFFF80, s23;
	[sflag:s15] =	ssyncadd.s32 $0xFFFF8000  }
0x171: {  	v3 =	vld [tilespmem:s12+$0x0];
	_ =	sdelay $0x4  }
0x172: {  	v4 =	vshll.u32 v3, $0x3  }
0x173: {  	v3 =	vand.u32 $0x7, v3;
	v4 =	vand.u32 $0xFFFFFFC0, v4  }
0x174: {  	v3 =	vor.u32 v3, v4  }
0x175: {  	v4 =	vperm.xlane v3, v0;
	_ =	sdelay $0x1  }
0x176: {  	v4 =	vadd.s32 v1, v4;
	_ =	sdelay $0x4  }
0x177: {  	[tilespmem:s14], [sflag:$0x1] =	stream.indirect_vreg.gather [hbm4b:s2+s22], $0x80, v4, vm0, $0xb8;
	[tilespmem:$0x18800] =	vst v63  }
0x178: {  	s13 =	simm.s32 $0x1000;
	v3 =	vperm.xlane v3, v2  }
0x179: {  	[tilespmem:s13], [sflag:$0x1] =	stream.indirect_vreg.gather [hbm4b:s6+s22], $0x80, v4, vm0, $0xb8;
	[tilespmem:$0x18800] =	vst v63  }
0x17a: {  	s24 =	simm.s32 $0x1800;
	v3 =	vadd.s32 v1, v3  }
0x17b: {  	[tilespmem:s24], [sflag:$0x1] =	stream.indirect_vreg.gather [hbm4b:s7+s22], $0x80, v4, vm0, $0xb8;
	[tilespmem:$0x18800] =	vst v63  }
0x17c: {  	s25 =	simm.s32 $0x2000  }
0x17d: {  	[tilespmem:s25], [sflag:$0x1] =	stream.indirect_vreg.gather [hbm4b:s8+s22], $0x80, v4, vm0, $0xb8;
	[tilespmem:$0x18800] =	vst v63  }
0x17e: {  	s17 =	simm.s32 $0x2800  }
0x17f: {  	[tilespmem:s17], [sflag:$0x1] =	stream.indirect_vreg.gather [hbm4b:s2+s22], $0x80, v3, vm0, $0xb8;
	[tilespmem:$0x18800] =	vst v63  }
0x180: {  	s23 =	simm.s32 $0x3000  }
0x181: {  	[tilespmem:s23], [sflag:$0x1] =	stream.indirect_vreg.gather [hbm4b:s6+s22], $0x80, v3, vm0, $0xb8;
	[tilespmem:$0x18800] =	vst v63  }
0x182: {  	s24 =	simm.s32 $0x3800  }
0x183: {  	[tilespmem:s24], [sflag:$0x1] =	stream.indirect_vreg.gather [hbm4b:s7+s22], $0x80, v3, vm0, $0xb8;
	[tilespmem:$0x18800] =	vst v63  }
0x184: {  	s25 =	simm.s32 $0x4000  }
0x185: {  	[tilespmem:s25], [sflag:$0x1] =	stream.indirect_vreg.gather [hbm4b:s8+s22], $0x80, v3, vm0, $0xb8;
	[tilespmem:$0x18800] =	vst v63  }
0x186: {  	v3 =	vld [tilespmem:s12+$0x10];
	_ =	sdelay $0x4  }
0x187: {  	v63 =	vshll.u32 v3, $0x3  }
0x188: {  	v3 =	vand.u32 $0x7, v3;
	v4 =	vand.u32 $0xFFFFFFC0, v63  }
0x189: {  	v3 =	vor.u32 v3, v4  }
0x18a: {  	v4 =	vperm.xlane v3, v0;
	_ =	sdelay $0x1  }
0x18b: {  	v4 =	vadd.s32 v1, v4;
	_ =	sdelay $0x3  }
0x18c: {  	s17 =	simm.s32 $0x4800  }
0x18d: {  	[tilespmem:s17], [sflag:$0x1] =	stream.indirect_vreg.gather [hbm4b:s2+s22], $0x80, v4, vm0, $0xb8;
	[tilespmem:$0x18800] =	vst v63  }
0x18e: {  	s23 =	simm.s32 $0x5000;
	v3 =	vperm.xlane v3, v2  }
0x18f: {  	[tilespmem:s23], [sflag:$0x1] =	stream.indirect_vreg.gather [hbm4b:s6+s22], $0x80, v4, vm0, $0xb8;
	[tilespmem:$0x18800] =	vst v63  }
0x190: {  	s24 =	simm.s32 $0x5800;
	v3 =	vadd.s32 v1, v3  }
0x191: {  	[tilespmem:s24], [sflag:$0x1] =	stream.indirect_vreg.gather [hbm4b:s7+s22], $0x80, v4, vm0, $0xb8;
	[tilespmem:$0x18800] =	vst v63  }
0x192: {  	s25 =	simm.s32 $0x6000  }
0x193: {  	[tilespmem:s25], [sflag:$0x1] =	stream.indirect_vreg.gather [hbm4b:s8+s22], $0x80, v4, vm0, $0xb8;
	[tilespmem:$0x18800] =	vst v63  }
0x194: {  	_ = 	snop  }
0x195: {  	[tilespmem:s26], [sflag:$0x1] =	stream.indirect_vreg.gather [hbm4b:s2+s22], $0x80, v3, vm0, $0xb8;
	[tilespmem:$0x18800] =	vst v63  }
0x196: {  	_ = 	snop  }
0x197: {  	[tilespmem:s28], [sflag:$0x1] =	stream.indirect_vreg.gather [hbm4b:s6+s22], $0x80, v3, vm0, $0xb8;
	[tilespmem:$0x18800] =	vst v63  }
0x198: {  	_ = 	snop  }
0x199: {  	[tilespmem:s29], [sflag:$0x1] =	stream.indirect_vreg.gather [hbm4b:s7+s22], $0x80, v3, vm0, $0xb8;
	[tilespmem:$0x18800] =	vst v63  }
0x19a: {  	_ = 	snop  }
0x19b: {  	[tilespmem:s30], [sflag:$0x1] =	stream.indirect_vreg.gather [hbm4b:s8+s22], $0x80, v3, vm0, $0xb8;
	[tilespmem:$0x18800] =	vst v63  }
0x19c: {  	_ =	swait.ge [sflag:s19], $0x8000  }
0x19d: {  	s12 =	simm.s32 $0x0;
	[sflag:s19] =	ssyncset.done $0x0  }
0x19e: {  	s23 =	simm.s32 $0xFFFF8000;
	s24 =	simm.s32 $0x0;
	[sflag:s19] =	ssyncadd.s32 $0xFFFF8000  }
.LBB2_7:
0x19f: {  	s17 =	sadd.s32 $0x8000, s23  }
0x1a0: {  	s25 =	sand.u32 $0x380, s24;
	s17 =	sand.u32 $0x6000, s17  }
0x1a1: {  	s17 =	sor.u32 s25, s17  }
0x1a2: {  	v3 =	vld [tilespmem:s17+$0x10800]  }
0x1a3: {  	v4 =	vld [tilespmem:s17+$0x10810]  }
0x1a4: {  	v6 =	vld [tilespmem:s17+$0x10830]  }
0x1a5: {  	v8 =	vld [tilespmem:s17+$0x10860]  }
0x1a6: {  	v5 =	vld [tilespmem:s17+$0x10820]  }
0x1a7: {  	v43 =	vld [tilespmem:s17+$0x10C00];
	v3 =	vmul.f32 $3.200000000e+01, v3  }
0x1a8: {  	v7 =	vld [tilespmem:s17+$0x10850];
	v4 =	vmul.f32 $3.200000000e+01, v4  }
0x1a9: {  	v46 =	vld [tilespmem:s17+$0x10C20];
	v44 =	vmul.f32 $3.200000000e+01, v6;
	[tilespmem:s17+$0x10800] =	vst v3  }
0x1aa: {  	v9 =	vld [tilespmem:s17+$0x10870];
	v47 =	vmul.f32 $3.200000000e+01, v8;
	[tilespmem:s17+$0x10810] =	vst v4  }
0x1ab: {  	v49 =	vld [tilespmem:s17+$0x10C50];
	v3 =	vmul.f32 $3.200000000e+01, v5;
	[tilespmem:s17+$0x10830] =	vst v44  }
0x1ac: {  	v45 =	vld [tilespmem:s17+$0x10C10];
	v50 =	vmul.f32 $3.200000000e+01, v43;
	[tilespmem:s17+$0x10860] =	vst v47  }
0x1ad: {  	v52 =	vld [tilespmem:s17+$0x10C70];
	[tilespmem:s17+$0x10820] =	vst v3;
	v3 =	vmul.f32 $3.200000000e+01, v7  }
0x1ae: {  	v48 =	vld [tilespmem:s17+$0x10C30];
	v53 =	vmul.f32 $3.200000000e+01, v46;
	[tilespmem:s17+$0x10C00] =	vst v50  }
0x1af: {  	v55 =	vld [tilespmem:s17+$0x11010];
	[tilespmem:s17+$0x10850] =	vst v3;
	v3 =	vmul.f32 $3.200000000e+01, v9  }
0x1b0: {  	v51 =	vld [tilespmem:s17+$0x10C60];
	v56 =	vmul.f32 $3.200000000e+01, v49;
	[tilespmem:s17+$0x10C20] =	vst v53  }
0x1b1: {  	v58 =	vld [tilespmem:s17+$0x11030];
	[tilespmem:s17+$0x10870] =	vst v3;
	v3 =	vmul.f32 $3.200000000e+01, v45  }
0x1b2: {  	v54 =	vld [tilespmem:s17+$0x11000];
	v59 =	vmul.f32 $3.200000000e+01, v52;
	[tilespmem:s17+$0x10C50] =	vst v56  }
0x1b3: {  	v61 =	vld [tilespmem:s17+$0x11060];
	[tilespmem:s17+$0x10C10] =	vst v3;
	v3 =	vmul.f32 $3.200000000e+01, v48  }
0x1b4: {  	v57 =	vld [tilespmem:s17+$0x11020];
	v62 =	vmul.f32 $3.200000000e+01, v55;
	[tilespmem:s17+$0x10C70] =	vst v59  }
0x1b5: {  	v12 =	vld [tilespmem:s17+$0x11400];
	[tilespmem:s17+$0x10C30] =	vst v3;
	v3 =	vmul.f32 $3.200000000e+01, v51  }
0x1b6: {  	v60 =	vld [tilespmem:s17+$0x11050];
	v13 =	vmul.f32 $3.200000000e+01, v58;
	[tilespmem:s17+$0x11010] =	vst v62  }
0x1b7: {  	v15 =	vld [tilespmem:s17+$0x11420];
	[tilespmem:s17+$0x10C60] =	vst v3;
	v3 =	vmul.f32 $3.200000000e+01, v54  }
0x1b8: {  	v63 =	vld [tilespmem:s17+$0x11070];
	v16 =	vmul.f32 $3.200000000e+01, v61;
	[tilespmem:s17+$0x11030] =	vst v13  }
0x1b9: {  	v18 =	vld [tilespmem:s17+$0x11450];
	[tilespmem:s17+$0x11000] =	vst v3;
	v3 =	vmul.f32 $3.200000000e+01, v57  }
0x1ba: {  	v14 =	vld [tilespmem:s17+$0x11410];
	v19 =	vmul.f32 $3.200000000e+01, v12;
	[tilespmem:s17+$0x11060] =	vst v16  }
0x1bb: {  	v21 =	vld [tilespmem:s17+$0x11470];
	[tilespmem:s17+$0x11020] =	vst v3;
	v3 =	vmul.f32 $3.200000000e+01, v60  }
0x1bc: {  	v17 =	vld [tilespmem:s17+$0x11430];
	v22 =	vmul.f32 $3.200000000e+01, v15;
	[tilespmem:s17+$0x11400] =	vst v19  }
0x1bd: {  	v24 =	vld [tilespmem:s17+$0x11810];
	[tilespmem:s17+$0x11050] =	vst v3;
	v3 =	vmul.f32 $3.200000000e+01, v63  }
0x1be: {  	v20 =	vld [tilespmem:s17+$0x11460];
	v25 =	vmul.f32 $3.200000000e+01, v18;
	[tilespmem:s17+$0x11420] =	vst v22  }
0x1bf: {  	v27 =	vld [tilespmem:s17+$0x11830];
	[tilespmem:s17+$0x11070] =	vst v3;
	v3 =	vmul.f32 $3.200000000e+01, v14  }
0x1c0: {  	v23 =	vld [tilespmem:s17+$0x11800];
	v28 =	vmul.f32 $3.200000000e+01, v21;
	[tilespmem:s17+$0x11450] =	vst v25  }
0x1c1: {  	v30 =	vld [tilespmem:s17+$0x11860];
	[tilespmem:s17+$0x11410] =	vst v3;
	v3 =	vmul.f32 $3.200000000e+01, v17  }
0x1c2: {  	v26 =	vld [tilespmem:s17+$0x11820];
	v31 =	vmul.f32 $3.200000000e+01, v24;
	[tilespmem:s17+$0x11470] =	vst v28  }
0x1c3: {  	v33 =	vld [tilespmem:s17+$0x11C00];
	[tilespmem:s17+$0x11430] =	vst v3;
	v3 =	vmul.f32 $3.200000000e+01, v20  }
0x1c4: {  	v29 =	vld [tilespmem:s17+$0x11850];
	v34 =	vmul.f32 $3.200000000e+01, v27;
	[tilespmem:s17+$0x11810] =	vst v31  }
0x1c5: {  	v36 =	vld [tilespmem:s17+$0x11C20];
	[tilespmem:s17+$0x11460] =	vst v3;
	v3 =	vmul.f32 $3.200000000e+01, v23  }
0x1c6: {  	v32 =	vld [tilespmem:s17+$0x11870];
	v37 =	vmul.f32 $3.200000000e+01, v30;
	[tilespmem:s17+$0x11830] =	vst v34  }
0x1c7: {  	v39 =	vld [tilespmem:s17+$0x11C50];
	[tilespmem:s17+$0x11800] =	vst v3;
	v3 =	vmul.f32 $3.200000000e+01, v26  }
0x1c8: {  	v35 =	vld [tilespmem:s17+$0x11C10];
	v40 =	vmul.f32 $3.200000000e+01, v33;
	[tilespmem:s17+$0x11860] =	vst v37  }
0x1c9: {  	v42 =	vld [tilespmem:s17+$0x11C70];
	[tilespmem:s17+$0x11820] =	vst v3;
	v3 =	vmul.f32 $3.200000000e+01, v29  }
0x1ca: {  	v38 =	vld [tilespmem:s17+$0x11C30];
	v43 =	vmul.f32 $3.200000000e+01, v36;
	[tilespmem:s17+$0x11C00] =	vst v40  }
0x1cb: {  	v47 =	vld [tilespmem:s17+$0x12020];
	[tilespmem:s17+$0x11850] =	vst v3;
	v3 =	vmul.f32 $3.200000000e+01, v32  }
0x1cc: {  	v41 =	vld [tilespmem:s17+$0x11C60];
	v46 =	vmul.f32 $3.200000000e+01, v39;
	[tilespmem:s17+$0x11C20] =	vst v43  }
0x1cd: {  	v50 =	vld [tilespmem:s17+$0x12050];
	[tilespmem:s17+$0x11870] =	vst v3;
	v3 =	vmul.f32 $3.200000000e+01, v35  }
0x1ce: {  	v49 =	vmul.f32 $3.200000000e+01, v42;
	v44 =	vld [tilespmem:s17+$0x12000];
	[tilespmem:s17+$0x11C50] =	vst v46  }
0x1cf: {  	v53 =	vld [tilespmem:s17+$0x12070];
	[tilespmem:s17+$0x11C10] =	vst v3;
	v3 =	vmul.f32 $3.200000000e+01, v38  }
0x1d0: {  	[tilespmem:s17+$0x11C70] =	vst v49;
	v7 =	vmul.f32 $3.200000000e+01, v47;
	v45 =	vld [tilespmem:s17+$0x12010]  }
0x1d1: {  	v48 =	vld [tilespmem:s17+$0x12030];
	[tilespmem:s17+$0x11C30] =	vst v3;
	v3 =	vmul.f32 $3.200000000e+01, v41  }
0x1d2: {  	v9 =	vmul.f32 $3.200000000e+01, v50;
	[tilespmem:s17+$0x12020] =	vst v7;
	v51 =	vld [tilespmem:s17+$0x12060]  }
0x1d3: {  	[tilespmem:s17+$0x11C60] =	vst v3;
	v3 =	vmul.f32 $3.200000000e+01, v44  }
0x1d4: {  	v58 =	vld [tilespmem:s17+$0x11C40];
	v6 =	vmul.f32 $3.200000000e+01, v53;
	[tilespmem:s17+$0x12050] =	vst v9  }
0x1d5: {  	v52 =	vmul.f32 $3.200000000e+01, v45;
	[tilespmem:s17+$0x12000] =	vst v3;
	v3 =	vld [tilespmem:s17+$0x10840]  }
0x1d6: {  	s13 =	sand.u32 $0x7, s22;
	v56 =	vld [tilespmem:s17+$0x11440];
	[tilespmem:s17+$0x12070] =	vst v6;
	v8 =	vmul.f32 $3.200000000e+01, v48  }
0x1d7: {  	s25 =	sshll.u32 s13, $0x7;
	v55 =	vld [tilespmem:s17+$0x11040];
	[tilespmem:s17+$0x12010] =	vst v52;
	v5 =	vmul.f32 $3.200000000e+01, v51  }
0x1d8: {  	s25 =	sadd.s32 s25, s12;
	v54 =	vld [tilespmem:s17+$0x10C40];
	[tilespmem:s17+$0x12030] =	vst v8  }
0x1d9: {  	s13 =	sor.u32 $0x1C00, s25;
	v62 =	vmul.f32 $3.200000000e+01, v58;
	v57 =	vld [tilespmem:s17+$0x11840];
	[tilespmem:s17+$0x12060] =	vst v5  }
0x1da: {  	v60 =	vld [tilespmem:s13+$0x10800];
	v3 =	vmul.f32 $3.200000000e+01, v3  }
0x1db: {  	v59 =	vld [tilespmem:s17+$0x12040];
	v61 =	vmul.f32 $3.200000000e+01, v56;
	[tilespmem:s17+$0x11C40] =	vst v62  }
0x1dc: {  	[tilespmem:s17+$0x10840] =	vst v3;
	v3 =	vmul.f32 $3.200000000e+01, v55  }
0x1dd: {  	[tilespmem:s17+$0x11440] =	vst v61;
	v4 =	vmul.f32 $3.200000000e+01, v54  }
0x1de: {  	[tilespmem:s17+$0x11040] =	vst v3;
	v3 =	vmul.f32 $3.200000000e+01, v57  }
0x1df: {  	[tilespmem:s17+$0x10C40] =	vst v4;
	v63 =	vmul.f32 $3.200000000e+01, v60  }
0x1e0: {  	[tilespmem:s17+$0x11840] =	vst v3;
	v3 =	vmul.f32 $3.200000000e+01, v59  }
0x1e1: {  	[tilespmem:s13+$0x10800] =	vst v63  }
0x1e2: {  	[tilespmem:s17+$0x12040] =	vst v3;
	s17 =	sor.u32 $0x1C10, s25  }
0x1e3: {  	v3 =	vld [tilespmem:s17+$0x10800];
	_ =	sdelay $0x4  }
0x1e4: {  	v3 =	vmul.f32 $3.200000000e+01, v3;
	_ =	sdelay $0x1  }
0x1e5: {  	[tilespmem:s17+$0x10800] =	vst v3;
	s17 =	sor.u32 $0x1C20, s25  }
0x1e6: {  	v3 =	vld [tilespmem:s17+$0x10800];
	_ =	sdelay $0x4  }
0x1e7: {  	v3 =	vmul.f32 $3.200000000e+01, v3;
	_ =	sdelay $0x1  }
0x1e8: {  	[tilespmem:s17+$0x10800] =	vst v3;
	s17 =	sor.u32 $0x1C30, s25  }
0x1e9: {  	v3 =	vld [tilespmem:s17+$0x10800];
	_ =	sdelay $0x4  }
0x1ea: {  	v3 =	vmul.f32 $3.200000000e+01, v3;
	_ =	sdelay $0x1  }
0x1eb: {  	[tilespmem:s17+$0x10800] =	vst v3;
	s17 =	sor.u32 $0x1C40, s25  }
0x1ec: {  	v3 =	vld [tilespmem:s17+$0x10800];
	_ =	sdelay $0x4  }
0x1ed: {  	v3 =	vmul.f32 $3.200000000e+01, v3;
	_ =	sdelay $0x1  }
0x1ee: {  	[tilespmem:s17+$0x10800] =	vst v3;
	s17 =	sor.u32 $0x1C50, s25  }
0x1ef: {  	v3 =	vld [tilespmem:s17+$0x10800];
	_ =	sdelay $0x4  }
0x1f0: {  	v3 =	vmul.f32 $3.200000000e+01, v3;
	_ =	sdelay $0x1  }
0x1f1: {  	[tilespmem:s17+$0x10800] =	vst v3;
	s17 =	sor.u32 $0x1C60, s25  }
0x1f2: {  	v3 =	vld [tilespmem:s17+$0x10800];
	_ =	sdelay $0x4  }
0x1f3: {  	v3 =	vmul.f32 $3.200000000e+01, v3;
	_ =	sdelay $0x1  }
0x1f4: {  	s25 =	sor.u32 $0x1C70, s25;
	[tilespmem:s17+$0x10800] =	vst v3  }
0x1f5: {  	v3 =	vld [tilespmem:s25+$0x10800];
	_ =	sdelay $0x1  }
0x1f6: {  	p0 =	sne.s32 s24, $0xF80  }
.Ltmp4:
0x1f7: {  	_ = 	snop;
	(pc) =	sbr.rel @p0 .LBB2_7-.Ltmp4, $4  }
0x1f8: {  	_ = 	snop  }
0x1f9: {  	v3 =	vmul.f32 $3.200000000e+01, v3  }
0x1fa: {  	s22 =	sadd.s32 $0x1, s22  }
0x1fb: {  	s23 =	sadd.s32 $0x400, s23;
	s24 =	sadd.s32 $0x80, s24;
	s12 =	sadd.s32 $0x400, s12;
	[tilespmem:s25+$0x10800] =	vst v3  }
0x1fc: {  	s12 =	sadd.s32 s21, s11  }
0x1fd: {  	s12 =	sshll.u32 s12, $0x7  }
0x1fe: {  	p0 =	seq.s32 s20, $0x4;
	s12 =	sadd.s32 s3, s12  }
0x1ff: {  	[hbm4b:s12+s4] =	stream.linear.scatter [tilespmem:s0], [sflag:$0x6], $0x8000, $0x38;
	[tilespmem:$0x18800] =	vst v63  }
0x200: {  	s12 =	simm.s32 @!p0 $0x5  }
0x201: {  	s13 =	smul.u32 @!p0 $0x600, s20;
	_ =	swait.ge @!p0 [sflag:s12], $0x8000  }
0x202: {  	[sflag:s12] =	ssyncset.done @!p0 $0x0  }
0x203: {  	[sflag:s12] =	ssyncadd.s32 @!p0 $0xFFFF8000;
	s12 =	sshra.s32 @!p0 s13, $0x2  }
0x204: {  	v3 =	vld @!p0 [tilespmem:s12+$0x200];
	_ =	sdelay $0x4  }
0x205: {  	v4 =	vshll.u32 @!p0 v3, $0x3  }
0x206: {  	v5 =	vlaneseq.u32 @!p0;
	v3 =	vand.u32 @!p0 $0x7, v3;
	v4 =	vand.u32 @!p0 $0xFFFFFFC0, v4  }
0x207: {  	v6 =	vshrl.u32 @!p0 v5, $0x3;
	v3 =	vor.u32 @!p0 v3, v4;
	v4 =	vand.u32 @!p0 $0x7, v5  }
0x208: {  	v6 =	vmul.u32 @!p0 $0x8, v6;
	v7 =	vperm.xlane @!p0 v3, v4;
	_ =	sdelay $0x1  }
0x209: {  	v7 =	vadd.s32 @!p0 v6, v7;
	_ =	sdelay $0x3  }
0x20a: {  	vm1 =	vmmov @!p0 $0xffff;
	s17 =	simm.s32 @!p0 $0x8800;
	s13 =	simm.s32 @!p0 $0x0  }
0x20b: {  	v5 =	vor.u32 @!p0 $0x8, v5;
	[tilespmem:s17], [sflag:$0x2] =	stream.indirect_vreg.gather @!p0 [hbm4b:s2+s13], $0x80, v7, vm1, $0xb8;
	[tilespmem:$0x18800] =	vst v63  }
0x20c: {  	v3 =	vperm.xlane @!p0 v3, v5;
	s17 =	simm.s32 @!p0 $0x9000  }
0x20d: {  	[tilespmem:s17], [sflag:$0x2] =	stream.indirect_vreg.gather @!p0 [hbm4b:s6+s13], $0x80, v7, vm1, $0xb8;
	[tilespmem:$0x18800] =	vst v63  }
0x20e: {  	v3 =	vadd.s32 @!p0 v6, v3;
	s17 =	simm.s32 @!p0 $0x9800  }
0x20f: {  	[tilespmem:s17], [sflag:$0x2] =	stream.indirect_vreg.gather @!p0 [hbm4b:s7+s13], $0x80, v7, vm1, $0xb8;
	[tilespmem:$0x18800] =	vst v63  }
0x210: {  	s17 =	simm.s32 @!p0 $0xA000  }
0x211: {  	[tilespmem:s17], [sflag:$0x2] =	stream.indirect_vreg.gather @!p0 [hbm4b:s8+s13], $0x80, v7, vm1, $0xb8;
	[tilespmem:$0x18800] =	vst v63  }
0x212: {  	s17 =	simm.s32 @!p0 $0xA800  }
0x213: {  	[tilespmem:s17], [sflag:$0x2] =	stream.indirect_vreg.gather @!p0 [hbm4b:s2+s13], $0x80, v3, vm1, $0xb8;
	[tilespmem:$0x18800] =	vst v63  }
0x214: {  	s17 =	simm.s32 @!p0 $0xB000  }
0x215: {  	[tilespmem:s17], [sflag:$0x2] =	stream.indirect_vreg.gather @!p0 [hbm4b:s6+s13], $0x80, v3, vm1, $0xb8;
	[tilespmem:$0x18800] =	vst v63  }
0x216: {  	s17 =	simm.s32 @!p0 $0xB800  }
0x217: {  	[tilespmem:s17], [sflag:$0x2] =	stream.indirect_vreg.gather @!p0 [hbm4b:s7+s13], $0x80, v3, vm1, $0xb8;
	[tilespmem:$0x18800] =	vst v63  }
0x218: {  	s17 =	simm.s32 @!p0 $0xC000  }
0x219: {  	[tilespmem:s17], [sflag:$0x2] =	stream.indirect_vreg.gather @!p0 [hbm4b:s8+s13], $0x80, v3, vm1, $0xb8;
	[tilespmem:$0x18800] =	vst v63  }
0x21a: {  	v3 =	vld @!p0 [tilespmem:s12+$0x210];
	_ =	sdelay $0x4  }
0x21b: {  	v7 =	vshll.u32 @!p0 v3, $0x3  }
0x21c: {  	v3 =	vand.u32 @!p0 $0x7, v3;
	v7 =	vand.u32 @!p0 $0xFFFFFFC0, v7  }
0x21d: {  	v3 =	vor.u32 @!p0 v3, v7  }
0x21e: {  	v4 =	vperm.xlane @!p0 v3, v4;
	_ =	sdelay $0x1  }
0x21f: {  	v4 =	vadd.s32 @!p0 v6, v4;
	_ =	sdelay $0x3  }
0x220: {  	s12 =	simm.s32 @!p0 $0xC800  }
0x221: {  	[tilespmem:s12], [sflag:$0x2] =	stream.indirect_vreg.gather @!p0 [hbm4b:s2+s13], $0x80, v4, vm1, $0xb8;
	[tilespmem:$0x18800] =	vst v63  }
0x222: {  	v3 =	vperm.xlane @!p0 v3, v5;
	s12 =	simm.s32 @!p0 $0xD000  }
0x223: {  	[tilespmem:s12], [sflag:$0x2] =	stream.indirect_vreg.gather @!p0 [hbm4b:s6+s13], $0x80, v4, vm1, $0xb8;
	[tilespmem:$0x18800] =	vst v63  }
0x224: {  	v3 =	vadd.s32 @!p0 v6, v3;
	s12 =	simm.s32 @!p0 $0xD800  }
0x225: {  	[tilespmem:s12], [sflag:$0x2] =	stream.indirect_vreg.gather @!p0 [hbm4b:s7+s13], $0x80, v4, vm1, $0xb8;
	[tilespmem:$0x18800] =	vst v63  }
0x226: {  	s12 =	simm.s32 @!p0 $0xE000  }
0x227: {  	[tilespmem:s12], [sflag:$0x2] =	stream.indirect_vreg.gather @!p0 [hbm4b:s8+s13], $0x80, v4, vm1, $0xb8;
	[tilespmem:$0x18800] =	vst v63  }
0x228: {  	s12 =	simm.s32 @!p0 $0xE800  }
0x229: {  	[tilespmem:s12], [sflag:$0x2] =	stream.indirect_vreg.gather @!p0 [hbm4b:s2+s13], $0x80, v3, vm1, $0xb8;
	[tilespmem:$0x18800] =	vst v63  }
0x22a: {  	s12 =	simm.s32 @!p0 $0xF000  }
0x22b: {  	[tilespmem:s12], [sflag:$0x2] =	stream.indirect_vreg.gather @!p0 [hbm4b:s6+s13], $0x80, v3, vm1, $0xb8;
	[tilespmem:$0x18800] =	vst v63  }
0x22c: {  	s12 =	simm.s32 @!p0 $0xF800  }
0x22d: {  	[tilespmem:s12], [sflag:$0x2] =	stream.indirect_vreg.gather @!p0 [hbm4b:s7+s13], $0x80, v3, vm1, $0xb8;
	[tilespmem:$0x18800] =	vst v63  }
0x22e: {  	s12 =	simm.s32 @!p0 $0x10000  }
0x22f: {  	[tilespmem:s12], [sflag:$0x2] =	stream.indirect_vreg.gather @!p0 [hbm4b:s8+s13], $0x80, v3, vm1, $0xb8;
	[tilespmem:$0x18800] =	vst v63  }
0x230: {  	_ =	swait.ge [sflag:s1], $0x8000  }
0x231: {  	s21 =	simm.s32 $0x0;
	s22 =	simm.s32 $0xFFFF8000;
	[sflag:s1] =	ssyncset.done $0x0  }
0x232: {  	s23 =	simm.s32 $0x0;
	s12 =	simm.s32 $0x0;
	[sflag:s1] =	ssyncadd.s32 $0xFFFF8000  }
.LBB2_9:
0x233: {  	s13 =	sadd.s32 $0x8000, s22  }
0x234: {  	s17 =	sand.u32 $0x380, s23;
	s13 =	sand.u32 $0x6000, s13  }
0x235: {  	s17 =	sor.u32 s17, s13  }
0x236: {  	v3 =	vld [tilespmem:s17+$0x800]  }
0x237: {  	v4 =	vld [tilespmem:s17+$0x810]  }
0x238: {  	v6 =	vld [tilespmem:s17+$0x830]  }
0x239: {  	v8 =	vld [tilespmem:s17+$0x860]  }
0x23a: {  	v5 =	vld [tilespmem:s17+$0x820]  }
0x23b: {  	v43 =	vld [tilespmem:s17+$0xC00];
	v3 =	vmul.f32 $3.200000000e+01, v3  }
0x23c: {  	v7 =	vld [tilespmem:s17+$0x850];
	v4 =	vmul.f32 $3.200000000e+01, v4  }
0x23d: {  	v46 =	vld [tilespmem:s17+$0xC20];
	v44 =	vmul.f32 $3.200000000e+01, v6;
	[tilespmem:s17+$0x800] =	vst v3  }
0x23e: {  	v9 =	vld [tilespmem:s17+$0x870];
	v47 =	vmul.f32 $3.200000000e+01, v8;
	[tilespmem:s17+$0x810] =	vst v4  }
0x23f: {  	v49 =	vld [tilespmem:s17+$0xC50];
	v3 =	vmul.f32 $3.200000000e+01, v5;
	[tilespmem:s17+$0x830] =	vst v44  }
0x240: {  	v45 =	vld [tilespmem:s17+$0xC10];
	v50 =	vmul.f32 $3.200000000e+01, v43;
	[tilespmem:s17+$0x860] =	vst v47  }
0x241: {  	v52 =	vld [tilespmem:s17+$0xC70];
	[tilespmem:s17+$0x820] =	vst v3;
	v3 =	vmul.f32 $3.200000000e+01, v7  }
0x242: {  	v48 =	vld [tilespmem:s17+$0xC30];
	v53 =	vmul.f32 $3.200000000e+01, v46;
	[tilespmem:s17+$0xC00] =	vst v50  }
0x243: {  	v55 =	vld [tilespmem:s17+$0x1010];
	[tilespmem:s17+$0x850] =	vst v3;
	v3 =	vmul.f32 $3.200000000e+01, v9  }
0x244: {  	v51 =	vld [tilespmem:s17+$0xC60];
	v56 =	vmul.f32 $3.200000000e+01, v49;
	[tilespmem:s17+$0xC20] =	vst v53  }
0x245: {  	v58 =	vld [tilespmem:s17+$0x1030];
	[tilespmem:s17+$0x870] =	vst v3;
	v3 =	vmul.f32 $3.200000000e+01, v45  }
0x246: {  	v54 =	vld [tilespmem:s17+$0x1000];
	v59 =	vmul.f32 $3.200000000e+01, v52;
	[tilespmem:s17+$0xC50] =	vst v56  }
0x247: {  	v61 =	vld [tilespmem:s17+$0x1060];
	[tilespmem:s17+$0xC10] =	vst v3;
	v3 =	vmul.f32 $3.200000000e+01, v48  }
0x248: {  	v57 =	vld [tilespmem:s17+$0x1020];
	v62 =	vmul.f32 $3.200000000e+01, v55;
	[tilespmem:s17+$0xC70] =	vst v59  }
0x249: {  	v12 =	vld [tilespmem:s17+$0x1400];
	[tilespmem:s17+$0xC30] =	vst v3;
	v3 =	vmul.f32 $3.200000000e+01, v51  }
0x24a: {  	v60 =	vld [tilespmem:s17+$0x1050];
	v13 =	vmul.f32 $3.200000000e+01, v58;
	[tilespmem:s17+$0x1010] =	vst v62  }
0x24b: {  	v15 =	vld [tilespmem:s17+$0x1420];
	[tilespmem:s17+$0xC60] =	vst v3;
	v3 =	vmul.f32 $3.200000000e+01, v54  }
0x24c: {  	v63 =	vld [tilespmem:s17+$0x1070];
	v16 =	vmul.f32 $3.200000000e+01, v61;
	[tilespmem:s17+$0x1030] =	vst v13  }
0x24d: {  	v18 =	vld [tilespmem:s17+$0x1450];
	[tilespmem:s17+$0x1000] =	vst v3;
	v3 =	vmul.f32 $3.200000000e+01, v57  }
0x24e: {  	v14 =	vld [tilespmem:s17+$0x1410];
	v19 =	vmul.f32 $3.200000000e+01, v12;
	[tilespmem:s17+$0x1060] =	vst v16  }
0x24f: {  	v21 =	vld [tilespmem:s17+$0x1470];
	[tilespmem:s17+$0x1020] =	vst v3;
	v3 =	vmul.f32 $3.200000000e+01, v60  }
0x250: {  	v17 =	vld [tilespmem:s17+$0x1430];
	v22 =	vmul.f32 $3.200000000e+01, v15;
	[tilespmem:s17+$0x1400] =	vst v19  }
0x251: {  	v24 =	vld [tilespmem:s17+$0x1810];
	[tilespmem:s17+$0x1050] =	vst v3;
	v3 =	vmul.f32 $3.200000000e+01, v63  }
0x252: {  	v20 =	vld [tilespmem:s17+$0x1460];
	v25 =	vmul.f32 $3.200000000e+01, v18;
	[tilespmem:s17+$0x1420] =	vst v22  }
0x253: {  	v27 =	vld [tilespmem:s17+$0x1830];
	[tilespmem:s17+$0x1070] =	vst v3;
	v3 =	vmul.f32 $3.200000000e+01, v14  }
0x254: {  	v23 =	vld [tilespmem:s17+$0x1800];
	v28 =	vmul.f32 $3.200000000e+01, v21;
	[tilespmem:s17+$0x1450] =	vst v25  }
0x255: {  	v30 =	vld [tilespmem:s17+$0x1860];
	[tilespmem:s17+$0x1410] =	vst v3;
	v3 =	vmul.f32 $3.200000000e+01, v17  }
0x256: {  	v26 =	vld [tilespmem:s17+$0x1820];
	v31 =	vmul.f32 $3.200000000e+01, v24;
	[tilespmem:s17+$0x1470] =	vst v28  }
0x257: {  	v33 =	vld [tilespmem:s17+$0x1C00];
	[tilespmem:s17+$0x1430] =	vst v3;
	v3 =	vmul.f32 $3.200000000e+01, v20  }
0x258: {  	v29 =	vld [tilespmem:s17+$0x1850];
	v34 =	vmul.f32 $3.200000000e+01, v27;
	[tilespmem:s17+$0x1810] =	vst v31  }
0x259: {  	v36 =	vld [tilespmem:s17+$0x1C20];
	[tilespmem:s17+$0x1460] =	vst v3;
	v3 =	vmul.f32 $3.200000000e+01, v23  }
0x25a: {  	v32 =	vld [tilespmem:s17+$0x1870];
	v37 =	vmul.f32 $3.200000000e+01, v30;
	[tilespmem:s17+$0x1830] =	vst v34  }
0x25b: {  	v39 =	vld [tilespmem:s17+$0x1C50];
	[tilespmem:s17+$0x1800] =	vst v3;
	v3 =	vmul.f32 $3.200000000e+01, v26  }
0x25c: {  	v35 =	vld [tilespmem:s17+$0x1C10];
	v40 =	vmul.f32 $3.200000000e+01, v33;
	[tilespmem:s17+$0x1860] =	vst v37  }
0x25d: {  	v42 =	vld [tilespmem:s17+$0x1C70];
	[tilespmem:s17+$0x1820] =	vst v3;
	v3 =	vmul.f32 $3.200000000e+01, v29  }
0x25e: {  	v38 =	vld [tilespmem:s17+$0x1C30];
	v43 =	vmul.f32 $3.200000000e+01, v36;
	[tilespmem:s17+$0x1C00] =	vst v40  }
0x25f: {  	v47 =	vld [tilespmem:s17+$0x2020];
	[tilespmem:s17+$0x1850] =	vst v3;
	v3 =	vmul.f32 $3.200000000e+01, v32  }
0x260: {  	v41 =	vld [tilespmem:s17+$0x1C60];
	v46 =	vmul.f32 $3.200000000e+01, v39;
	[tilespmem:s17+$0x1C20] =	vst v43  }
0x261: {  	v50 =	vld [tilespmem:s17+$0x2050];
	[tilespmem:s17+$0x1870] =	vst v3;
	v3 =	vmul.f32 $3.200000000e+01, v35  }
0x262: {  	v49 =	vmul.f32 $3.200000000e+01, v42;
	v44 =	vld [tilespmem:s17+$0x2000];
	[tilespmem:s17+$0x1C50] =	vst v46  }
0x263: {  	v53 =	vld [tilespmem:s17+$0x2070];
	[tilespmem:s17+$0x1C10] =	vst v3;
	v3 =	vmul.f32 $3.200000000e+01, v38  }
0x264: {  	[tilespmem:s17+$0x1C70] =	vst v49;
	v7 =	vmul.f32 $3.200000000e+01, v47;
	v45 =	vld [tilespmem:s17+$0x2010]  }
0x265: {  	v48 =	vld [tilespmem:s17+$0x2030];
	[tilespmem:s17+$0x1C30] =	vst v3;
	v3 =	vmul.f32 $3.200000000e+01, v41  }
0x266: {  	v9 =	vmul.f32 $3.200000000e+01, v50;
	[tilespmem:s17+$0x2020] =	vst v7;
	v51 =	vld [tilespmem:s17+$0x2060]  }
0x267: {  	[tilespmem:s17+$0x1C60] =	vst v3;
	v3 =	vmul.f32 $3.200000000e+01, v44  }
0x268: {  	v58 =	vld [tilespmem:s17+$0x1C40];
	v6 =	vmul.f32 $3.200000000e+01, v53;
	[tilespmem:s17+$0x2050] =	vst v9  }
0x269: {  	v52 =	vmul.f32 $3.200000000e+01, v45;
	[tilespmem:s17+$0x2000] =	vst v3;
	v3 =	vld [tilespmem:s17+$0x840]  }
0x26a: {  	s25 =	sand.u32 $0x7, s21;
	v56 =	vld [tilespmem:s17+$0x1440];
	[tilespmem:s17+$0x2070] =	vst v6;
	v8 =	vmul.f32 $3.200000000e+01, v48  }
0x26b: {  	s13 =	sshll.u32 s25, $0x7;
	v55 =	vld [tilespmem:s17+$0x1040];
	[tilespmem:s17+$0x2010] =	vst v52;
	v5 =	vmul.f32 $3.200000000e+01, v51  }
0x26c: {  	s13 =	sadd.s32 s13, s12;
	v54 =	vld [tilespmem:s17+$0xC40];
	[tilespmem:s17+$0x2030] =	vst v8  }
0x26d: {  	s24 =	sor.u32 $0x1C00, s13;
	v62 =	vmul.f32 $3.200000000e+01, v58;
	v57 =	vld [tilespmem:s17+$0x1840];
	[tilespmem:s17+$0x2060] =	vst v5  }
0x26e: {  	v60 =	vld [tilespmem:s24+$0x800];
	v3 =	vmul.f32 $3.200000000e+01, v3  }
0x26f: {  	v59 =	vld [tilespmem:s17+$0x2040];
	v61 =	vmul.f32 $3.200000000e+01, v56;
	[tilespmem:s17+$0x1C40] =	vst v62  }
0x270: {  	[tilespmem:s17+$0x840] =	vst v3;
	v3 =	vmul.f32 $3.200000000e+01, v55  }
0x271: {  	[tilespmem:s17+$0x1440] =	vst v61;
	v4 =	vmul.f32 $3.200000000e+01, v54  }
0x272: {  	[tilespmem:s17+$0x1040] =	vst v3;
	v3 =	vmul.f32 $3.200000000e+01, v57  }
0x273: {  	[tilespmem:s17+$0xC40] =	vst v4;
	v63 =	vmul.f32 $3.200000000e+01, v60  }
0x274: {  	[tilespmem:s17+$0x1840] =	vst v3;
	v3 =	vmul.f32 $3.200000000e+01, v59  }
0x275: {  	[tilespmem:s24+$0x800] =	vst v63  }
0x276: {  	s24 =	sor.u32 $0x1C10, s13;
	[tilespmem:s17+$0x2040] =	vst v3  }
0x277: {  	v3 =	vld [tilespmem:s24+$0x800];
	_ =	sdelay $0x4  }
0x278: {  	v3 =	vmul.f32 $3.200000000e+01, v3;
	_ =	sdelay $0x1  }
0x279: {  	s25 =	sor.u32 $0x1C20, s13;
	[tilespmem:s24+$0x800] =	vst v3  }
0x27a: {  	v3 =	vld [tilespmem:s25+$0x800];
	_ =	sdelay $0x4  }
0x27b: {  	v3 =	vmul.f32 $3.200000000e+01, v3;
	_ =	sdelay $0x1  }
0x27c: {  	s24 =	sor.u32 $0x1C30, s13;
	[tilespmem:s25+$0x800] =	vst v3  }
0x27d: {  	v3 =	vld [tilespmem:s24+$0x800];
	_ =	sdelay $0x4  }
0x27e: {  	v3 =	vmul.f32 $3.200000000e+01, v3;
	_ =	sdelay $0x1  }
0x27f: {  	s25 =	sor.u32 $0x1C40, s13;
	[tilespmem:s24+$0x800] =	vst v3  }
0x280: {  	v3 =	vld [tilespmem:s25+$0x800];
	_ =	sdelay $0x4  }
0x281: {  	v3 =	vmul.f32 $3.200000000e+01, v3;
	_ =	sdelay $0x1  }
0x282: {  	s24 =	sor.u32 $0x1C50, s13;
	[tilespmem:s25+$0x800] =	vst v3  }
0x283: {  	v3 =	vld [tilespmem:s24+$0x800];
	_ =	sdelay $0x4  }
0x284: {  	v3 =	vmul.f32 $3.200000000e+01, v3;
	_ =	sdelay $0x1  }
0x285: {  	s25 =	sor.u32 $0x1C60, s13;
	[tilespmem:s24+$0x800] =	vst v3  }
0x286: {  	v3 =	vld [tilespmem:s25+$0x800];
	_ =	sdelay $0x4  }
0x287: {  	v3 =	vmul.f32 $3.200000000e+01, v3;
	_ =	sdelay $0x1  }
0x288: {  	s13 =	sor.u32 $0x1C70, s13;
	[tilespmem:s25+$0x800] =	vst v3  }
0x289: {  	v3 =	vld [tilespmem:s13+$0x800];
	_ =	sdelay $0x1  }
0x28a: {  	p1 =	sne.s32 s23, $0xF80  }
.Ltmp5:
0x28b: {  	_ = 	snop;
	(pc) =	sbr.rel @p1 .LBB2_9-.Ltmp5, $4  }
0x28c: {  	_ = 	snop  }
0x28d: {  	v3 =	vmul.f32 $3.200000000e+01, v3  }
0x28e: {  	s21 =	sadd.s32 $0x1, s21  }
0x28f: {  	s22 =	sadd.s32 $0x400, s22;
	s23 =	sadd.s32 $0x80, s23;
	s12 =	sadd.s32 $0x400, s12;
	[tilespmem:s13+$0x800] =	vst v3  }
.Ltmp6:
0x290: {  	(pc) =	sbr.rel @p0 .LBB2_12-.Ltmp6, $4  }
0x291: {  	_ = 	snop  }
0x292: {  	s12 =	sshll.u32 s16, $0xC  }
0x293: {  	s12 =	sadd.s32 s12, s9  }
0x294: {  	[hbm4b:s12+s4] =	stream.linear.scatter [tilespmem:s14], [sflag:$0x4], $0x8000, $0x38;
	[tilespmem:$0x18800] =	vst v63  }
0x295: {  	_ =	swait.ge [sflag:s5], $0x8000;
	s12 =	smul.u32 $0x600, s20  }
0x296: {  	[sflag:s5] =	ssyncset.done $0x0  }
0x297: {  	[sflag:s5] =	ssyncadd.s32 $0xFFFF8000;
	s12 =	sshra.s32 s12, $0x2  }
0x298: {  	v3 =	vld [tilespmem:s12+$0x280];
	_ =	sdelay $0x4  }
0x299: {  	v4 =	vshll.u32 v3, $0x3  }
0x29a: {  	v3 =	vand.u32 $0x7, v3;
	v4 =	vand.u32 $0xFFFFFFC0, v4  }
0x29b: {  	v3 =	vor.u32 v3, v4  }
0x29c: {  	v4 =	vperm.xlane v3, v0;
	_ =	sdelay $0x1  }
0x29d: {  	v4 =	vadd.s32 v1, v4;
	_ =	sdelay $0x4  }
0x29e: {  	[tilespmem:s0], [sflag:$0x3] =	stream.indirect_vreg.gather [hbm4b:s2+s4], $0x80, v4, vm0, $0xb8;
	[tilespmem:$0x18800] =	vst v63  }
0x29f: {  	s13 =	simm.s32 $0x11000;
	v3 =	vperm.xlane v3, v2  }
0x2a0: {  	[tilespmem:s13], [sflag:$0x3] =	stream.indirect_vreg.gather [hbm4b:s6+s4], $0x80, v4, vm0, $0xb8;
	[tilespmem:$0x18800] =	vst v63  }
0x2a1: {  	s17 =	simm.s32 $0x11800;
	v3 =	vadd.s32 v1, v3  }
0x2a2: {  	[tilespmem:s17], [sflag:$0x3] =	stream.indirect_vreg.gather [hbm4b:s7+s4], $0x80, v4, vm0, $0xb8;
	[tilespmem:$0x18800] =	vst v63  }
0x2a3: {  	s21 =	simm.s32 $0x12000  }
0x2a4: {  	[tilespmem:s21], [sflag:$0x3] =	stream.indirect_vreg.gather [hbm4b:s8+s4], $0x80, v4, vm0, $0xb8;
	[tilespmem:$0x18800] =	vst v63  }
0x2a5: {  	s22 =	simm.s32 $0x12800  }
0x2a6: {  	[tilespmem:s22], [sflag:$0x3] =	stream.indirect_vreg.gather [hbm4b:s2+s4], $0x80, v3, vm0, $0xb8;
	[tilespmem:$0x18800] =	vst v63  }
0x2a7: {  	s23 =	simm.s32 $0x13000  }
0x2a8: {  	[tilespmem:s23], [sflag:$0x3] =	stream.indirect_vreg.gather [hbm4b:s6+s4], $0x80, v3, vm0, $0xb8;
	[tilespmem:$0x18800] =	vst v63  }
0x2a9: {  	s24 =	simm.s32 $0x13800  }
0x2aa: {  	[tilespmem:s24], [sflag:$0x3] =	stream.indirect_vreg.gather [hbm4b:s7+s4], $0x80, v3, vm0, $0xb8;
	[tilespmem:$0x18800] =	vst v63  }
0x2ab: {  	s25 =	simm.s32 $0x14000  }
0x2ac: {  	[tilespmem:s25], [sflag:$0x3] =	stream.indirect_vreg.gather [hbm4b:s8+s4], $0x80, v3, vm0, $0xb8;
	[tilespmem:$0x18800] =	vst v63  }
0x2ad: {  	v3 =	vld [tilespmem:s12+$0x290];
	_ =	sdelay $0x4  }
0x2ae: {  	v63 =	vshll.u32 v3, $0x3  }
0x2af: {  	v3 =	vand.u32 $0x7, v3;
	v4 =	vand.u32 $0xFFFFFFC0, v63  }
0x2b0: {  	v3 =	vor.u32 v3, v4  }
0x2b1: {  	v4 =	vperm.xlane v3, v0;
	_ =	sdelay $0x1  }
0x2b2: {  	v4 =	vadd.s32 v1, v4;
	_ =	sdelay $0x3  }
0x2b3: {  	s13 =	simm.s32 $0x14800  }
0x2b4: {  	[tilespmem:s13], [sflag:$0x3] =	stream.indirect_vreg.gather [hbm4b:s2+s4], $0x80, v4, vm0, $0xb8;
	[tilespmem:$0x18800] =	vst v63  }
0x2b5: {  	s16 =	simm.s32 $0x15000;
	v3 =	vperm.xlane v3, v2  }
0x2b6: {  	[tilespmem:s16], [sflag:$0x3] =	stream.indirect_vreg.gather [hbm4b:s6+s4], $0x80, v4, vm0, $0xb8;
	[tilespmem:$0x18800] =	vst v63  }
0x2b7: {  	s17 =	simm.s32 $0x15800;
	v3 =	vadd.s32 v1, v3  }
0x2b8: {  	[tilespmem:s17], [sflag:$0x3] =	stream.indirect_vreg.gather [hbm4b:s7+s4], $0x80, v4, vm0, $0xb8;
	[tilespmem:$0x18800] =	vst v63  }
0x2b9: {  	s21 =	simm.s32 $0x16000  }
0x2ba: {  	[tilespmem:s21], [sflag:$0x3] =	stream.indirect_vreg.gather [hbm4b:s8+s4], $0x80, v4, vm0, $0xb8;
	[tilespmem:$0x18800] =	vst v63  }
0x2bb: {  	s22 =	simm.s32 $0x16800  }
0x2bc: {  	[tilespmem:s22], [sflag:$0x3] =	stream.indirect_vreg.gather [hbm4b:s2+s4], $0x80, v3, vm0, $0xb8;
	[tilespmem:$0x18800] =	vst v63  }
0x2bd: {  	s23 =	simm.s32 $0x17000  }
0x2be: {  	[tilespmem:s23], [sflag:$0x3] =	stream.indirect_vreg.gather [hbm4b:s6+s4], $0x80, v3, vm0, $0xb8;
	[tilespmem:$0x18800] =	vst v63  }
.Ltmp7:
0x2bf: {  	_ = 	snop;
	(pc) =	sbr.rel .LBB2_4-.Ltmp7, $4  }
0x2c0: {  	s24 =	simm.s32 $0x17800  }
0x2c1: {  	[tilespmem:s24], [sflag:$0x3] =	stream.indirect_vreg.gather [hbm4b:s7+s4], $0x80, v3, vm0, $0xb8;
	[tilespmem:$0x18800] =	vst v63  }
0x2c2: {  	s20 =	sadd.s32 $0x1, s20;
	s25 =	simm.s32 $0x18000  }
0x2c3: {  	[tilespmem:s25], [sflag:$0x3] =	stream.indirect_vreg.gather [hbm4b:s8+s4], $0x80, v3, vm0, $0xb8;
	[tilespmem:$0x18800] =	vst v63  }
.LBB2_13:
0x2c4: {  	_ =	sfence.sel $0x180000  }
0x2c5: {  	[bflag:$0x0] =	sbarrier.arrive $0xFFFF  }
0x2c6: {  	_ =	strace $0x90000047  }
0x2c7: {  	s0 =	stileid.u32;
	[bflag:$0x2] =	sbarrier.arrive $0xFFFF  }
0x2c8: {  	p0 =	sne.s32 s0, $0x0;
	s0 =	rddreg [dreg:$0x3]  }
0x2c9: {  	s0 =	sadd.s32 @!p0 $0x100000, s0  }
0x2ca: {  	[sflag:s0] =	ssyncadd.tile.s32 @!p0 $0x1;
	_ =	shalt  }
.Lfunc_end2:
_tile_overlayer_lowered:
.L_overlay_start_2:
0x2cb: {  	(tag) =	ssettag $0x2  }
0x2cc: {  	s0 =	rddreg [dreg:$0x0];
	s2 =	stileid.u32  }
0x2cd: {  	s1 =	rddreg [dreg:$0x1];
	p0 =	sne.s32 s2, $0x0  }
0x2ce: {  	s3 =	rddreg [dreg:$0x2];
	[bflag:$0x3] =	sbarrier.arrive $0xFFFF;
	s2 =	simm.s32 @!p0 $0x1C07  }
0x2cf: {  	[timem:s3], [sflag:s2] =	dma.local @!p0 [hbm:s0], s1  }
0x2d0: {  	s0 =	simm.s32 @!p0 $0x7  }
0x2d1: {  	_ =	swait.ge @!p0 [sflag:s0], s1  }
0x2d2: {  	s1 =	ssub.s32 @!p0 $0x0, s1;
	[sflag:s0] =	ssyncset.done @!p0 $0x0  }
0x2d3: {  	[sflag:s0] =	ssyncadd.s32 @!p0 s1  }
0x2d4: {  	[bflag:$0x3] =	sbarrier.arrive $0xFFFF  }
0x2d5: {  	_ =	shalt  }

</sc_bundles>
